<compile_context>
chip_gen: v7x
topology: tpu7x:2x2x1
jax: 0.10.2.dev20260603
libtpu: 0.0.44.dev20260713+nightly
codegen_flags: <defaults>
</compile_context>

<pallas_src>
import functools
import numpy as np
import jax
import jax.numpy as jnp
from jax import lax
from jax.experimental import pallas as pl
from jax.experimental.pallas import tpu as pltpu
from jax.experimental.pallas import tpu_sc as plsc

N = 10000
E = 160000
C = 128
NB = 8
RMAX = 5.0
NL = 2
NELEM = 119
AVG_NEIGH = 16.0

PATH = (0, 1, 1, 1, 2, 2, 2, 2, 2)
SCALE = 1.0 / np.sqrt(C)

BE = 640
BN = 1000


def _silu(x):
    return x * (1.0 / (1.0 + jnp.exp(-x)))


def _pll(h2, W):
    outs = [jnp.dot(h2[:, m * C:(m + 1) * C], W[PATH[m]],
                    preferred_element_type=jnp.float32) for m in range(9)]
    return jnp.concatenate(outs, axis=1) * SCALE



def _edge_body(ef_ref, y_ref, x_ref, wr1, br1, wr2, br2, wr3, br3, cgf, msg_ref):
    ef = ef_ref[...]
    t = _silu(jnp.dot(ef, wr1[...], preferred_element_type=jnp.float32) + br1[...])
    t = _silu(jnp.dot(t, wr2[...], preferred_element_type=jnp.float32) + br2[...])
    w = jnp.dot(t, wr3[...], preferred_element_type=jnp.float32) + br3[...]
    g = jnp.dot(y_ref[...], cgf[...], preferred_element_type=jnp.float32)
    x = x_ref[...]
    inv = 1.0 / AVG_NEIGH
    for k in range(9):
        acc = x[:, 0:C] * g[:, k:k + 1]
        for i in range(1, 9):
            acc = acc + x[:, i * C:(i + 1) * C] * g[:, i * 9 + k:i * 9 + k + 1]
        p = PATH[k]
        msg_ref[:, k * C:(k + 1) * C] = acc * w[:, p * C:(p + 1) * C] * inv


def _edge_stage(ef, y, x2, wr1, br1, wr2, br2, wr3, br3, cgf):
    grid = (E // BE,)
    return pl.pallas_call(
        _edge_body,
        grid=grid,
        in_specs=[
            pl.BlockSpec((BE, NB), lambda i: (i, 0)),
            pl.BlockSpec((BE, 9), lambda i: (i, 0)),
            pl.BlockSpec((BE, 9 * C), lambda i: (i, 0)),
            pl.BlockSpec((NB, C), lambda i: (0, 0)),
            pl.BlockSpec((1, C), lambda i: (0, 0)),
            pl.BlockSpec((C, C), lambda i: (0, 0)),
            pl.BlockSpec((1, C), lambda i: (0, 0)),
            pl.BlockSpec((C, 3 * C), lambda i: (0, 0)),
            pl.BlockSpec((1, 3 * C), lambda i: (0, 0)),
            pl.BlockSpec((9, 81), lambda i: (0, 0)),
        ],
        out_specs=pl.BlockSpec((BE, 9 * C), lambda i: (i, 0)),
        out_shape=jax.ShapeDtypeStruct((E, 9 * C), jnp.float32),
    )(ef, y, x2, wr1, br1, wr2, br2, wr3, br3, cgf)



NW = 32
EPW = E // NW
KG = 40
NBATCH = EPW // KG

@functools.lru_cache(maxsize=None)
def _get_sc_gather():
    mesh = plsc.VectorSubcoreMesh(core_axis_name="c", subcore_axis_name="s")
    return functools.partial(
        pl.kernel,
        mesh=mesh,
        out_type=jax.ShapeDtypeStruct((E, 9 * C), jnp.float32),
        scratch_types=[
            pltpu.VMEM((EPW,), jnp.int32),
            pltpu.VMEM((KG, 9 * C), jnp.float32),
            pltpu.VMEM((KG, 9 * C), jnp.float32),
            pltpu.SemaphoreType.DMA,
            pltpu.SemaphoreType.DMA,
        ],
    )(_sc_gather_body)


def _sc_gather_body(tab_hbm, idx_hbm, out_hbm, idx_v, buf0, buf1, sem0, sem1):
    wid = lax.axis_index("s") * 2 + lax.axis_index("c")
    base = wid * EPW
    pltpu.sync_copy(idx_hbm.at[pl.ds(base, EPW)], idx_v)

    def gath(j, buf, sem):
        pltpu.async_copy(tab_hbm.at[idx_v.at[pl.ds(j * KG, KG)]], buf, sem)

    def wait_g(buf, sem):
        pltpu.make_async_copy(tab_hbm.at[idx_v.at[pl.ds(0, KG)]], buf, sem).wait()

    def wback(j, buf):
        pltpu.sync_copy(buf, out_hbm.at[pl.ds(base + j * KG, KG)])

    gath(0, buf0, sem0)

    def body(j2, _):
        j = j2 * 2
        wait_g(buf0, sem0)
        gath(j + 1, buf1, sem1)
        wback(j, buf0)
        wait_g(buf1, sem1)

        @pl.when(j + 2 < NBATCH)
        def _():
            gath(j + 2, buf0, sem0)
        wback(j + 1, buf1)
        return 0

    lax.fori_loop(0, NBATCH // 2, body, 0)
    if NBATCH % 2 == 1:
        wait_g(buf0, sem0)
        wback(NBATCH - 1, buf0)



WINDOW = 256
NWIN = (N + WINDOW - 1) // WINDOW
NPAD = NWIN * WINDOW
BEW = 256
NBLK = E // BEW
GTOT = NBLK + NWIN


def _scatter_plan(dst_sorted):
    wstart = jnp.searchsorted(
        dst_sorted, jnp.arange(NWIN + 1, dtype=jnp.int32) * WINDOW).astype(jnp.int32)
    b0 = jnp.minimum(wstart[:-1] // BEW, NBLK - 1)
    b1 = jnp.maximum((wstart[1:] + BEW - 1) // BEW, b0 + 1)
    nsteps = b1 - b0
    csteps = jnp.concatenate([jnp.zeros((1,), jnp.int32),
                              jnp.cumsum(nsteps, dtype=jnp.int32)])
    g = jnp.arange(GTOT, dtype=jnp.int32)
    w = jnp.clip(jnp.searchsorted(csteps, g, side='right').astype(jnp.int32) - 1,
                 0, NWIN - 1)
    j = g - csteps[w]
    pad = g >= csteps[NWIN]
    step_block = jnp.where(pad, 0, b0[w] + j)
    step_win = jnp.where(pad, NWIN - 1, w)
    step_first = jnp.where(pad, 0, (j == 0).astype(jnp.int32))
    step_valid = (~pad).astype(jnp.int32)
    return step_block, step_win, step_first, step_valid


def _tcs_body(sb_ref, sw_ref, sf_ref, sv_ref, msg_ref, dsf_ref, out_ref):
    g = pl.program_id(0)

    @pl.when(sf_ref[g] == 1)
    def _():
        out_ref[...] = jnp.zeros_like(out_ref)

    @pl.when(sv_ref[g] == 1)
    def _():
        base = sw_ref[g] * WINDOW
        dl = dsf_ref[0, 0, :].astype(jnp.int32) - base
        col = lax.broadcasted_iota(jnp.int32, (WINDOW, BEW), 0)
        oh = (col == dl[None, :]).astype(jnp.float32)
        out_ref[...] += jnp.dot(oh, msg_ref[...], preferred_element_type=jnp.float32)


def _tc_scatter(msg, dsf, step_block, step_win, step_first, step_valid):
    grid_spec = pltpu.PrefetchScalarGridSpec(
        num_scalar_prefetch=4,
        grid=(GTOT,),
        in_specs=[
            pl.BlockSpec((BEW, 9 * C), lambda g, sb, sw, sf, sv: (sb[g], 0)),
            pl.BlockSpec((1, 1, BEW), lambda g, sb, sw, sf, sv: (sb[g], 0, 0)),
        ],
        out_specs=pl.BlockSpec((WINDOW, 9 * C), lambda g, sb, sw, sf, sv: (sw[g], 0)),
    )
    return pl.pallas_call(
        _tcs_body,
        grid_spec=grid_spec,
        out_shape=jax.ShapeDtypeStruct((NPAD, 9 * C), jnp.float32),
    )(step_block, step_win, step_first, step_valid, msg, dsf)



def _nodeA_body(h_ref, w1_ref, out_ref):
    out_ref[...] = _pll(h_ref[...], w1_ref[...])


def _nodeA(h2, W1l):
    return pl.pallas_call(
        _nodeA_body,
        grid=(N // BN,),
        in_specs=[
            pl.BlockSpec((BN, 9 * C), lambda i: (i, 0)),
            pl.BlockSpec((3, C, C), lambda i: (0, 0, 0)),
        ],
        out_specs=pl.BlockSpec((BN, 9 * C), lambda i: (i, 0)),
        out_shape=jax.ShapeDtypeStruct((N, 9 * C), jnp.float32),
    )(h2, W1l)


def _nodeB_body(agg_ref, sc_ref, w2_ref, ac_ref, wp_ref, out_ref):
    m = _pll(agg_ref[...], w2_ref[...])
    s = m[:, 0:C]
    ac = ac_ref[...]
    fac = ac[0:1, :] + ac[1:2, :] * s + ac[2:3, :] * (s * s)
    body = jnp.concatenate([m[:, j * C:(j + 1) * C] * fac for j in range(9)], axis=1)
    out_ref[...] = _pll(body, wp_ref[...]) + sc_ref[...]


def _nodeB(agg2, sc2, W2l, acl, Wpl):
    return pl.pallas_call(
        _nodeB_body,
        grid=(N // BN,),
        in_specs=[
            pl.BlockSpec((BN, 9 * C), lambda i: (i, 0)),
            pl.BlockSpec((BN, 9 * C), lambda i: (i, 0)),
            pl.BlockSpec((3, C, C), lambda i: (0, 0, 0)),
            pl.BlockSpec((3, C), lambda i: (0, 0)),
            pl.BlockSpec((3, C, C), lambda i: (0, 0, 0)),
        ],
        out_specs=pl.BlockSpec((BN, 9 * C), lambda i: (i, 0)),
        out_shape=jax.ShapeDtypeStruct((N, 9 * C), jnp.float32),
    )(agg2, sc2, W2l, acl, Wpl)



def kernel(Z, bond_dist, bond_diff, edge_index, embed, W1, Wr1, br1, Wr2, br2,
           Wr3, br3, CGw, W2, acoef, Wp):
    dst_u = edge_index[:, 1]
    perm = jnp.argsort(dst_u)
    ds = dst_u[perm]
    src = edge_index[:, 0][perm]
    bond_dist = bond_dist[perm]
    bond_diff = bond_diff[perm]
    step_block, step_win, step_first, step_valid = _scatter_plan(ds)
    dsf = ds.astype(jnp.float32).reshape(NBLK, 1, BEW)

    r = bond_dist
    edge_dir = bond_diff / (r[:, None] + 1e-8)
    x, y, z = edge_dir[:, 0], edge_dir[:, 1], edge_dir[:, 2]
    s3, s15, s5 = np.sqrt(3.0), np.sqrt(15.0), np.sqrt(5.0)
    Y = jnp.stack([jnp.ones_like(x), s3 * x, s3 * y, s3 * z,
                   s15 * x * y, s15 * y * z, (s5 / 2.0) * (3.0 * z * z - 1.0),
                   s15 * x * z, (s15 / 2.0) * (x * x - y * y)], axis=-1)
    nb = jnp.arange(1, NB + 1, dtype=jnp.float32)
    rr = r[:, None] + 1e-8
    bes = np.sqrt(2.0 / RMAX) * jnp.sin(nb * np.pi * rr / RMAX) / rr
    cut = 0.5 * (jnp.cos(np.pi * r / RMAX) + 1.0) * (r < RMAX).astype(jnp.float32)
    ef = bes * cut[:, None]

    node_scalar = embed[Z]
    h2 = jnp.zeros((N, 9 * C), jnp.float32).at[:, 0:C].set(node_scalar)

    br1_2 = br1.reshape(NL, 1, C)
    br2_2 = br2.reshape(NL, 1, C)
    perm = np.arange(3 * C).reshape(3, C)
    perm = (perm % C) * 3 + (perm // C)
    perm = perm.reshape(-1)
    Wr3_p = Wr3[:, :, perm]
    br3_2 = br3[:, perm].reshape(NL, 1, 3 * C)

    for layer in range(NL):
        cgf = jnp.transpose(CGw[layer], (2, 1, 0)).reshape(9, 81)
        h_up = _nodeA(h2, W1[layer])
        x2 = _get_sc_gather()(h_up, src)
        msg = _edge_stage(ef, Y, x2, Wr1[layer], br1_2[layer], Wr2[layer],
                          br2_2[layer], Wr3_p[layer], br3_2[layer], cgf)
        agg = _tc_scatter(msg, dsf, step_block, step_win, step_first, step_valid)[:N]
        h2 = _nodeB(agg, h2, W2[layer], acoef[layer], Wp[layer])

    return h2.reshape(N, 9, C).transpose(0, 2, 1).reshape(N, 9 * C)

# --- scband reference (transcript-rebuilt; emitter-appended) ---
"""Pipeline reference for scband-mace-44203803410588 (READ-ONLY COPY).

The authoritative reference and input builder live on the scoring server;
editing this copy changes nothing except your own understanding.
"""

import jax, jax.numpy as jnp
import numpy as np

N = 10000
E = 160000
C = 128
NB = 8
RMAX = 5.0
NL = 2
NELEM = 119
AVG_NEIGH = 16.0


def _sph(d):
    x, y, z = d[:, 0], d[:, 1], d[:, 2]
    s3 = np.sqrt(3.0)
    s15 = np.sqrt(15.0)
    s5 = np.sqrt(5.0)
    Y = [jnp.ones_like(x),
         s3 * x, s3 * y, s3 * z,
         s15 * x * y, s15 * y * z, (s5 / 2.0) * (3.0 * z * z - 1.0), s15 * x * z, (s15 / 2.0) * (x * x - y * y)]
    return jnp.stack(Y, axis=-1)


def _bessel(r):
    n = jnp.arange(1, NB + 1, dtype=jnp.float32)
    rr = r[:, None] + 1e-8
    return np.sqrt(2.0 / RMAX) * jnp.sin(n * np.pi * rr / RMAX) / rr


def _cutoff(r):
    return 0.5 * (jnp.cos(np.pi * r / RMAX) + 1.0) * (r < RMAX).astype(jnp.float32)


def _per_l_linear(h, W):
    # h: [N, C, 9]; W: [3, C, C] (one channel-mixing matrix per l)
    scale = 1.0 / np.sqrt(C)
    o0 = jnp.einsum('ncm,cd->ndm', h[:, :, 0:1], W[0]) * scale
    o1 = jnp.einsum('ncm,cd->ndm', h[:, :, 1:4], W[1]) * scale
    o2 = jnp.einsum('ncm,cd->ndm', h[:, :, 4:9], W[2]) * scale
    return jnp.concatenate([o0, o1, o2], axis=2)


def setup_inputs(seed: int = 0) -> dict:
    key = jax.random.key(seed)
    ks = jax.random.split(key, 16)
    Z = jax.random.randint(ks[0], (N,), 0, NELEM, dtype=jnp.int32)
    bond_dist = jax.random.uniform(ks[1], (E,), minval=0.5, maxval=RMAX, dtype=jnp.float32)
    bond_diff = jax.random.normal(ks[2], (E, 3), dtype=jnp.float32)
    edge_index = jax.random.randint(ks[3], (E, 2), 0, N, dtype=jnp.int32)
    embed = jax.random.normal(ks[4], (NELEM, C), dtype=jnp.float32) * 0.5
    W1 = jax.random.normal(ks[5], (NL, 3, C, C), dtype=jnp.float32)
    Wr1 = jax.random.normal(ks[6], (NL, NB, C), dtype=jnp.float32) / np.sqrt(NB)
    br1 = jnp.zeros((NL, C), jnp.float32)
    Wr2 = jax.random.normal(ks[7], (NL, C, C), dtype=jnp.float32) / np.sqrt(C)
    br2 = jnp.zeros((NL, C), jnp.float32)
    Wr3 = jax.random.normal(ks[8], (NL, C, 3 * C), dtype=jnp.float32) / np.sqrt(C)
    br3 = jnp.zeros((NL, 3 * C), jnp.float32)
    CGw = jax.random.normal(ks[9], (NL, 9, 9, 9), dtype=jnp.float32) * 0.2
    W2 = jax.random.normal(ks[10], (NL, 3, C, C), dtype=jnp.float32)
    acoef = jax.random.normal(ks[11], (NL, 3, C), dtype=jnp.float32) * 0.3
    Wp = jax.random.normal(ks[12], (NL, 3, C, C), dtype=jnp.float32)
    return dict(Z=Z, bond_dist=bond_dist, bond_diff=bond_diff, edge_index=edge_index,
                embed=embed, W1=W1, Wr1=Wr1, br1=br1, Wr2=Wr2, br2=br2, Wr3=Wr3, br3=br3,
                CGw=CGw, W2=W2, acoef=acoef, Wp=Wp)


def reference(Z, bond_dist, bond_diff, edge_index, embed, W1, Wr1, br1, Wr2, br2, Wr3, br3, CGw, W2, acoef, Wp):
    # --- EmbeddingBlock ---
    node_scalar = embed[Z]                              # [N, C] embedding lookup
    h = jnp.zeros((N, C, 9), jnp.float32).at[:, :, 0].set(node_scalar)
    edge_dir = bond_diff / (bond_dist[:, None] + 1e-8)
    Y = _sph(edge_dir)                                  # [E, 9] spherical harmonics
    edge_feats = _bessel(bond_dist) * _cutoff(bond_dist)[:, None]  # [E, NB]
    src = edge_index[:, 0]
    dst = edge_index[:, 1]
    reps = np.array([1, 3, 5])
    for layer in range(NL):
        # --- InteractionBlock ---
        sc = h
        h_up = _per_l_linear(h, W1[layer])
        t = jax.nn.silu(edge_feats @ Wr1[layer] + br1[layer])
        t = jax.nn.silu(t @ Wr2[layer] + br2[layer])
        w = (t @ Wr3[layer] + br3[layer]).reshape(E, C, 3)   # radial tp weights per (channel, sh-path)
        x_src = h_up[src]                                    # [E, C, 9] gather
        G = jnp.einsum('ej,kij->eik', Y, CGw[layer])         # [E, 9, 9] tensor-product kernel
        raw = jnp.einsum('eci,eik->eck', x_src, G)           # [E, C, 9]
        wexp = jnp.repeat(w, reps, axis=2, total_repeat_length=9)
        msg = raw * wexp / AVG_NEIGH
        agg = jax.ops.segment_sum(msg, dst, num_segments=N)  # [N, C, 9] scatter-add
        m = _per_l_linear(agg, W2[layer])
        # --- ProductBlock (symmetric contraction, correlation=3) ---
        s = m[:, :, 0:1]
        body = (acoef[layer, 0][None, :, None] * m
                + acoef[layer, 1][None, :, None] * m * s
                + acoef[layer, 2][None, :, None] * m * s * s)
        h = _per_l_linear(body, Wp[layer]) + sc
    return h.reshape(N, C * 9)

if __name__ == "__main__":
    import jax
    _d = setup_inputs()
    print(jax.jit(kernel)(*tuple(_d.values())))

</pallas_src>

<mosaic_0001>
#map = affine_map<(d0, d1) -> (0, 0)>
#map1 = affine_map<(d0, d1) -> (0)>
module attributes {stable_mosaic.version = 14 : i64} {
  func.func @_sc_gather_body(%arg0: i32, %arg1: i32, %arg2: memref<10000x1152xf32, #tpu.memory_space<hbm>>, %arg3: memref<160000xi32, #tpu.memory_space<hbm>>, %arg4: memref<160000x1152xf32, #tpu.memory_space<hbm>>, %arg5: memref<5000xi32, #tpu.memory_space<vmem>>, %arg6: memref<40x1152xf32, #tpu.memory_space<vmem>>, %arg7: memref<40x1152xf32, #tpu.memory_space<vmem>>, %arg8: memref<!tpu.dma_semaphore, #tpu.memory_space<semaphore_mem>>, %arg9: memref<!tpu.dma_semaphore, #tpu.memory_space<semaphore_mem>>) attributes {dimension_semantics = [#tpu.dimension_semantics<core_parallel>, #tpu.dimension_semantics<subcore_parallel>], iteration_bounds = array<i64: 2, 16>, scalar_prefetch = 0 : i64, scratch_operands = 5 : i64, tpu.core_type = #tpu.core_type<sc_vector_subcore>, window_params = [{transform_indices = #map}, {transform_indices = #map1}, {transform_indices = #map}]} {
    %mul3A = arith.constant 2 : i32
    %mul3A_0 = arith.muli %arg1, %mul3A : i32
    %add3A = arith.addi %mul3A_0, %arg0 : i32
    %mul3A_1 = arith.constant 5000 : i32
    %mul3A_2 = arith.muli %add3A, %mul3A_1 : i32
    "tpu.region"() ({
      %run_scoped3A = tpu.sem_alloc : memref<!tpu.dma_semaphore, #tpu.memory_space<semaphore_mem>>
      %dma_start3A_19 = tpu.memref_slice %arg3[%mul3A_2] : memref<160000xi32, #tpu.memory_space<hbm>> -> memref<5000xi32, #tpu.memory_space<hbm>>
      %dma_start3A_20 = tpu.memref_slice %arg3[%mul3A_2] : memref<160000xi32, #tpu.memory_space<hbm>> -> memref<5000xi32, #tpu.memory_space<hbm>>
      tpu.enqueue_dma source(%dma_start3A_20 : memref<5000xi32, #tpu.memory_space<hbm>>) target(%arg5 : memref<5000xi32, #tpu.memory_space<vmem>>) target_semaphore(%run_scoped3A : memref<!tpu.dma_semaphore, #tpu.memory_space<semaphore_mem>>)
      %dma_wait3A_21 = tpu.memref_slice %arg3[%mul3A_2] : memref<160000xi32, #tpu.memory_space<hbm>> -> memref<5000xi32, #tpu.memory_space<hbm>>
      %dma_wait3A_22 = tpu.memref_slice %arg3[%mul3A_2] : memref<160000xi32, #tpu.memory_space<hbm>> -> memref<5000xi32, #tpu.memory_space<hbm>>
      tpu.wait_dma2 semaphore(%run_scoped3A : memref<!tpu.dma_semaphore, #tpu.memory_space<semaphore_mem>>) src(%dma_wait3A_22 : memref<5000xi32, #tpu.memory_space<hbm>>) dst(%arg5 : memref<5000xi32, #tpu.memory_space<vmem>>)
      tpu.yield
    }) : () -> ()
    %dma_start3A = arith.constant 0 : i32
    %dma_start3A_3 = tpu.memref_slice %arg5[%dma_start3A] : memref<5000xi32, #tpu.memory_space<vmem>> -> memref<40xi32, #tpu.memory_space<vmem>>
    %dma_start3A_4 = arith.constant 0 : i32
    %dma_start3A_5 = arith.constant 0 : i32
    %dma_start3A_6 = tpu.memref_slice %arg2[%dma_start3A_4, %dma_start3A_5] : memref<10000x1152xf32, #tpu.memory_space<hbm>> -> memref<10000x1152xf32, #tpu.memory_space<hbm>>
    tpu.enqueue_indirect_dma source(%dma_start3A_6 : memref<10000x1152xf32, #tpu.memory_space<hbm>>) target(%arg6 : memref<40x1152xf32, #tpu.memory_space<vmem>>) offsets(%dma_start3A_3 : memref<40xi32, #tpu.memory_space<vmem>>) semaphore(%arg8 : memref<!tpu.dma_semaphore, #tpu.memory_space<semaphore_mem>>)
    %scan3A = arith.constant 0 : i32
    %scan3A_7 = arith.constant 0 : i32
    %scan3A_8 = arith.constant 62 : i32
    %scan3A_9 = arith.addi %scan3A_7, %scan3A_8 : i32
    %scan3A_10 = arith.constant 1 : i32
    %scan3A_11 = scf.for %scan3A_19 = %scan3A_7 to %scan3A_9 step %scan3A_10 iter_args(%scan3A_20 = %scan3A) -> (i32)  : i32 {
      %mul3A_21 = arith.constant 2 : i32
      %mul3A_22 = arith.muli %scan3A_19, %mul3A_21 : i32
      %dma_wait3A_23 = arith.constant 0 : i32
      %dma_wait3A_24 = tpu.memref_slice %arg5[%dma_wait3A_23] : memref<5000xi32, #tpu.memory_space<vmem>> -> memref<40xi32, #tpu.memory_space<vmem>>
      %dma_wait3A_25 = arith.constant 0 : i32
      %dma_wait3A_26 = arith.constant 0 : i32
      %dma_wait3A_27 = tpu.memref_slice %arg2[%dma_wait3A_25, %dma_wait3A_26] : memref<10000x1152xf32, #tpu.memory_space<hbm>> -> memref<10000x1152xf32, #tpu.memory_space<hbm>>
      tpu.wait_indirect_dma semaphore(%arg8 : memref<!tpu.dma_semaphore, #tpu.memory_space<semaphore_mem>>) src(%dma_wait3A_27 : memref<10000x1152xf32, #tpu.memory_space<hbm>>) dst(%arg6 : memref<40x1152xf32, #tpu.memory_space<vmem>>)
      %add3A_28 = arith.constant 1 : i32
      %add3A_29 = arith.addi %mul3A_22, %add3A_28 : i32
      %mul3A_30 = arith.constant 40 : i32
      %mul3A_31 = arith.muli %add3A_29, %mul3A_30 : i32
      %dma_start3A_32 = tpu.memref_slice %arg5[%mul3A_31] : memref<5000xi32, #tpu.memory_space<vmem>> -> memref<40xi32, #tpu.memory_space<vmem>>
      %dma_start3A_33 = arith.constant 0 : i32
      %dma_start3A_34 = arith.constant 0 : i32
      %dma_start3A_35 = tpu.memref_slice %arg2[%dma_start3A_33, %dma_start3A_34] : memref<10000x1152xf32, #tpu.memory_space<hbm>> -> memref<10000x1152xf32, #tpu.memory_space<hbm>>
      tpu.enqueue_indirect_dma source(%dma_start3A_35 : memref<10000x1152xf32, #tpu.memory_space<hbm>>) target(%arg7 : memref<40x1152xf32, #tpu.memory_space<vmem>>) offsets(%dma_start3A_32 : memref<40xi32, #tpu.memory_space<vmem>>) semaphore(%arg9 : memref<!tpu.dma_semaphore, #tpu.memory_space<semaphore_mem>>)
      %mul3A_36 = arith.constant 40 : i32
      %mul3A_37 = arith.muli %mul3A_22, %mul3A_36 : i32
      %add3A_38 = arith.addi %mul3A_2, %mul3A_37 : i32
      "tpu.region"() ({
        %run_scoped3A = tpu.sem_alloc : memref<!tpu.dma_semaphore, #tpu.memory_space<semaphore_mem>>
        %dma_start3A_54 = arith.constant 0 : i32
        %dma_start3A_55 = tpu.memref_slice %arg4[%add3A_38, %dma_start3A_54] : memref<160000x1152xf32, #tpu.memory_space<hbm>> -> memref<40x1152xf32, #tpu.memory_space<hbm>>
        %dma_start3A_56 = arith.constant 0 : i32
        %dma_start3A_57 = tpu.memref_slice %arg4[%add3A_38, %dma_start3A_56] : memref<160000x1152xf32, #tpu.memory_space<hbm>> -> memref<40x1152xf32, #tpu.memory_space<hbm>>
        tpu.enqueue_dma source(%arg6 : memref<40x1152xf32, #tpu.memory_space<vmem>>) target(%dma_start3A_57 : memref<40x1152xf32, #tpu.memory_space<hbm>>) target_semaphore(%run_scoped3A : memref<!tpu.dma_semaphore, #tpu.memory_space<semaphore_mem>>)
        %dma_wait3A_58 = arith.constant 0 : i32
        %dma_wait3A_59 = tpu.memref_slice %arg4[%add3A_38, %dma_wait3A_58] : memref<160000x1152xf32, #tpu.memory_space<hbm>> -> memref<40x1152xf32, #tpu.memory_space<hbm>>
        %dma_wait3A_60 = arith.constant 0 : i32
        %dma_wait3A_61 = tpu.memref_slice %arg4[%add3A_38, %dma_wait3A_60] : memref<160000x1152xf32, #tpu.memory_space<hbm>> -> memref<40x1152xf32, #tpu.memory_space<hbm>>
        tpu.wait_dma2 semaphore(%run_scoped3A : memref<!tpu.dma_semaphore, #tpu.memory_space<semaphore_mem>>) src(%arg6 : memref<40x1152xf32, #tpu.memory_space<vmem>>) dst(%dma_wait3A_61 : memref<40x1152xf32, #tpu.memory_space<hbm>>)
        tpu.yield
      }) : () -> ()
      %dma_wait3A_39 = arith.constant 0 : i32
      %dma_wait3A_40 = tpu.memref_slice %arg5[%dma_wait3A_39] : memref<5000xi32, #tpu.memory_space<vmem>> -> memref<40xi32, #tpu.memory_space<vmem>>
      %dma_wait3A_41 = arith.constant 0 : i32
      %dma_wait3A_42 = arith.constant 0 : i32
      %dma_wait3A_43 = tpu.memref_slice %arg2[%dma_wait3A_41, %dma_wait3A_42] : memref<10000x1152xf32, #tpu.memory_space<hbm>> -> memref<10000x1152xf32, #tpu.memory_space<hbm>>
      tpu.wait_indirect_dma semaphore(%arg9 : memref<!tpu.dma_semaphore, #tpu.memory_space<semaphore_mem>>) src(%dma_wait3A_43 : memref<10000x1152xf32, #tpu.memory_space<hbm>>) dst(%arg7 : memref<40x1152xf32, #tpu.memory_space<vmem>>)
      %add3A_44 = arith.constant 2 : i32
      %add3A_45 = arith.addi %mul3A_22, %add3A_44 : i32
      %lt3A = arith.constant 125 : i32
      %lt3A_46 = arith.cmpi slt, %add3A_45, %lt3A : i32
      %convert_element_type3A = arith.extui %lt3A_46 : i1 to i32
      %cond3A = arith.constant 0 : i32
      %cond3A_47 = arith.cmpi ne, %convert_element_type3A, %cond3A : i32
      scf.if %cond3A_47 {
        %add3A_54 = arith.constant 2 : i32
        %add3A_55 = arith.addi %mul3A_22, %add3A_54 : i32
        %mul3A_56 = arith.constant 40 : i32
        %mul3A_57 = arith.muli %add3A_55, %mul3A_56 : i32
        %dma_start3A_58 = tpu.memref_slice %arg5[%mul3A_57] : memref<5000xi32, #tpu.memory_space<vmem>> -> memref<40xi32, #tpu.memory_space<vmem>>
        %dma_start3A_59 = arith.constant 0 : i32
        %dma_start3A_60 = arith.constant 0 : i32
        %dma_start3A_61 = tpu.memref_slice %arg2[%dma_start3A_59, %dma_start3A_60] : memref<10000x1152xf32, #tpu.memory_space<hbm>> -> memref<10000x1152xf32, #tpu.memory_space<hbm>>
        tpu.enqueue_indirect_dma source(%dma_start3A_61 : memref<10000x1152xf32, #tpu.memory_space<hbm>>) target(%arg6 : memref<40x1152xf32, #tpu.memory_space<vmem>>) offsets(%dma_start3A_58 : memref<40xi32, #tpu.memory_space<vmem>>) semaphore(%arg8 : memref<!tpu.dma_semaphore, #tpu.memory_space<semaphore_mem>>)
      } else {
      }
      %add3A_48 = arith.constant 1 : i32
      %add3A_49 = arith.addi %mul3A_22, %add3A_48 : i32
      %mul3A_50 = arith.constant 40 : i32
      %mul3A_51 = arith.muli %add3A_49, %mul3A_50 : i32
      %add3A_52 = arith.addi %mul3A_2, %mul3A_51 : i32
      "tpu.region"() ({
        %run_scoped3A = tpu.sem_alloc : memref<!tpu.dma_semaphore, #tpu.memory_space<semaphore_mem>>
        %dma_start3A_54 = arith.constant 0 : i32
        %dma_start3A_55 = tpu.memref_slice %arg4[%add3A_52, %dma_start3A_54] : memref<160000x1152xf32, #tpu.memory_space<hbm>> -> memref<40x1152xf32, #tpu.memory_space<hbm>>
        %dma_start3A_56 = arith.constant 0 : i32
        %dma_start3A_57 = tpu.memref_slice %arg4[%add3A_52, %dma_start3A_56] : memref<160000x1152xf32, #tpu.memory_space<hbm>> -> memref<40x1152xf32, #tpu.memory_space<hbm>>
        tpu.enqueue_dma source(%arg7 : memref<40x1152xf32, #tpu.memory_space<vmem>>) target(%dma_start3A_57 : memref<40x1152xf32, #tpu.memory_space<hbm>>) target_semaphore(%run_scoped3A : memref<!tpu.dma_semaphore, #tpu.memory_space<semaphore_mem>>)
        %dma_wait3A_58 = arith.constant 0 : i32
        %dma_wait3A_59 = tpu.memref_slice %arg4[%add3A_52, %dma_wait3A_58] : memref<160000x1152xf32, #tpu.memory_space<hbm>> -> memref<40x1152xf32, #tpu.memory_space<hbm>>
        %dma_wait3A_60 = arith.constant 0 : i32
        %dma_wait3A_61 = tpu.memref_slice %arg4[%add3A_52, %dma_wait3A_60] : memref<160000x1152xf32, #tpu.memory_space<hbm>> -> memref<40x1152xf32, #tpu.memory_space<hbm>>
        tpu.wait_dma2 semaphore(%run_scoped3A : memref<!tpu.dma_semaphore, #tpu.memory_space<semaphore_mem>>) src(%arg7 : memref<40x1152xf32, #tpu.memory_space<vmem>>) dst(%dma_wait3A_61 : memref<40x1152xf32, #tpu.memory_space<hbm>>)
        tpu.yield
      }) : () -> ()
      %scan3A_53 = arith.constant 0 : i32
      scf.yield %scan3A_53 : i32
    }
    %scan3A_12 = arith.constant 62 : i32
    %dma_wait3A = arith.constant 0 : i32
    %dma_wait3A_13 = tpu.memref_slice %arg5[%dma_wait3A] : memref<5000xi32, #tpu.memory_space<vmem>> -> memref<40xi32, #tpu.memory_space<vmem>>
    %dma_wait3A_14 = arith.constant 0 : i32
    %dma_wait3A_15 = arith.constant 0 : i32
    %dma_wait3A_16 = tpu.memref_slice %arg2[%dma_wait3A_14, %dma_wait3A_15] : memref<10000x1152xf32, #tpu.memory_space<hbm>> -> memref<10000x1152xf32, #tpu.memory_space<hbm>>
    tpu.wait_indirect_dma semaphore(%arg8 : memref<!tpu.dma_semaphore, #tpu.memory_space<semaphore_mem>>) src(%dma_wait3A_16 : memref<10000x1152xf32, #tpu.memory_space<hbm>>) dst(%arg6 : memref<40x1152xf32, #tpu.memory_space<vmem>>)
    %add3A_17 = arith.constant 4960 : i32
    %add3A_18 = arith.addi %mul3A_2, %add3A_17 : i32
    "tpu.region"() ({
      %run_scoped3A = tpu.sem_alloc : memref<!tpu.dma_semaphore, #tpu.memory_space<semaphore_mem>>
      %dma_start3A_19 = arith.constant 0 : i32
      %dma_start3A_20 = tpu.memref_slice %arg4[%add3A_18, %dma_start3A_19] : memref<160000x1152xf32, #tpu.memory_space<hbm>> -> memref<40x1152xf32, #tpu.memory_space<hbm>>
      %dma_start3A_21 = arith.constant 0 : i32
      %dma_start3A_22 = tpu.memref_slice %arg4[%add3A_18, %dma_start3A_21] : memref<160000x1152xf32, #tpu.memory_space<hbm>> -> memref<40x1152xf32, #tpu.memory_space<hbm>>
      tpu.enqueue_dma source(%arg6 : memref<40x1152xf32, #tpu.memory_space<vmem>>) target(%dma_start3A_22 : memref<40x1152xf32, #tpu.memory_space<hbm>>) target_semaphore(%run_scoped3A : memref<!tpu.dma_semaphore, #tpu.memory_space<semaphore_mem>>)
      %dma_wait3A_23 = arith.constant 0 : i32
      %dma_wait3A_24 = tpu.memref_slice %arg4[%add3A_18, %dma_wait3A_23] : memref<160000x1152xf32, #tpu.memory_space<hbm>> -> memref<40x1152xf32, #tpu.memory_space<hbm>>
      %dma_wait3A_25 = arith.constant 0 : i32
      %dma_wait3A_26 = tpu.memref_slice %arg4[%add3A_18, %dma_wait3A_25] : memref<160000x1152xf32, #tpu.memory_space<hbm>> -> memref<40x1152xf32, #tpu.memory_space<hbm>>
      tpu.wait_dma2 semaphore(%run_scoped3A : memref<!tpu.dma_semaphore, #tpu.memory_space<semaphore_mem>>) src(%arg6 : memref<40x1152xf32, #tpu.memory_space<vmem>>) dst(%dma_wait3A_26 : memref<40x1152xf32, #tpu.memory_space<hbm>>)
      tpu.yield
    }) : () -> ()
    return
  }
}

#map = affine_map<(d0, d1) -> (0, 0)>
#map1 = affine_map<(d0, d1) -> (0)>
module attributes {stable_mosaic.version = 14 : i64} {
  func.func @_sc_gather_body(%arg0: i32, %arg1: i32, %arg2: memref<10000x1152xf32, #tpu.memory_space<hbm>>, %arg3: memref<160000xi32, #tpu.memory_space<hbm>>, %arg4: memref<160000x1152xf32, #tpu.memory_space<hbm>>, %arg5: memref<5000xi32, #tpu.memory_space<vmem>>, %arg6: memref<40x1152xf32, #tpu.memory_space<vmem>>, %arg7: memref<40x1152xf32, #tpu.memory_space<vmem>>, %arg8: memref<!tpu.dma_semaphore, #tpu.memory_space<semaphore_mem>>, %arg9: memref<!tpu.dma_semaphore, #tpu.memory_space<semaphore_mem>>) attributes {dimension_semantics = [#tpu.dimension_semantics<core_parallel>, #tpu.dimension_semantics<subcore_parallel>], iteration_bounds = array<i64: 2, 16>, scalar_prefetch = 0 : i64, scratch_operands = 5 : i64, tpu.core_type = #tpu.core_type<sc_vector_subcore>, window_params = [{transform_indices = #map}, {transform_indices = #map1}, {transform_indices = #map}]} {
    %mul3A = arith.constant 2 : i32
    %mul3A_0 = arith.muli %arg1, %mul3A : i32
    %add3A = arith.addi %mul3A_0, %arg0 : i32
    %mul3A_1 = arith.constant 5000 : i32
    %mul3A_2 = arith.muli %add3A, %mul3A_1 : i32
    "tpu.region"() ({
      %run_scoped3A = tpu.sem_alloc : memref<!tpu.dma_semaphore, #tpu.memory_space<semaphore_mem>>
      %dma_start3A_19 = tpu.memref_slice %arg3[%mul3A_2] : memref<160000xi32, #tpu.memory_space<hbm>> -> memref<5000xi32, #tpu.memory_space<hbm>>
      %dma_start3A_20 = tpu.memref_slice %arg3[%mul3A_2] : memref<160000xi32, #tpu.memory_space<hbm>> -> memref<5000xi32, #tpu.memory_space<hbm>>
      tpu.enqueue_dma source(%dma_start3A_20 : memref<5000xi32, #tpu.memory_space<hbm>>) target(%arg5 : memref<5000xi32, #tpu.memory_space<vmem>>) target_semaphore(%run_scoped3A : memref<!tpu.dma_semaphore, #tpu.memory_space<semaphore_mem>>)
      %dma_wait3A_21 = tpu.memref_slice %arg3[%mul3A_2] : memref<160000xi32, #tpu.memory_space<hbm>> -> memref<5000xi32, #tpu.memory_space<hbm>>
      %dma_wait3A_22 = tpu.memref_slice %arg3[%mul3A_2] : memref<160000xi32, #tpu.memory_space<hbm>> -> memref<5000xi32, #tpu.memory_space<hbm>>
      tpu.wait_dma2 semaphore(%run_scoped3A : memref<!tpu.dma_semaphore, #tpu.memory_space<semaphore_mem>>) src(%dma_wait3A_22 : memref<5000xi32, #tpu.memory_space<hbm>>) dst(%arg5 : memref<5000xi32, #tpu.memory_space<vmem>>)
      tpu.yield
    }) : () -> ()
    %dma_start3A = arith.constant 0 : i32
    %dma_start3A_3 = tpu.memref_slice %arg5[%dma_start3A] : memref<5000xi32, #tpu.memory_space<vmem>> -> memref<40xi32, #tpu.memory_space<vmem>>
    %dma_start3A_4 = arith.constant 0 : i32
    %dma_start3A_5 = arith.constant 0 : i32
    %dma_start3A_6 = tpu.memref_slice %arg2[%dma_start3A_4, %dma_start3A_5] : memref<10000x1152xf32, #tpu.memory_space<hbm>> -> memref<10000x1152xf32, #tpu.memory_space<hbm>>
    tpu.enqueue_indirect_dma source(%dma_start3A_6 : memref<10000x1152xf32, #tpu.memory_space<hbm>>) target(%arg6 : memref<40x1152xf32, #tpu.memory_space<vmem>>) offsets(%dma_start3A_3 : memref<40xi32, #tpu.memory_space<vmem>>) semaphore(%arg8 : memref<!tpu.dma_semaphore, #tpu.memory_space<semaphore_mem>>)
    %scan3A = arith.constant 0 : i32
    %scan3A_7 = arith.constant 0 : i32
    %scan3A_8 = arith.constant 62 : i32
    %scan3A_9 = arith.addi %scan3A_7, %scan3A_8 : i32
    %scan3A_10 = arith.constant 1 : i32
    %scan3A_11 = scf.for %scan3A_19 = %scan3A_7 to %scan3A_9 step %scan3A_10 iter_args(%scan3A_20 = %scan3A) -> (i32)  : i32 {
      %mul3A_21 = arith.constant 2 : i32
      %mul3A_22 = arith.muli %scan3A_19, %mul3A_21 : i32
      %dma_wait3A_23 = arith.constant 0 : i32
      %dma_wait3A_24 = tpu.memref_slice %arg5[%dma_wait3A_23] : memref<5000xi32, #tpu.memory_space<vmem>> -> memref<40xi32, #tpu.memory_space<vmem>>
      %dma_wait3A_25 = arith.constant 0 : i32
      %dma_wait3A_26 = arith.constant 0 : i32
      %dma_wait3A_27 = tpu.memref_slice %arg2[%dma_wait3A_25, %dma_wait3A_26] : memref<10000x1152xf32, #tpu.memory_space<hbm>> -> memref<10000x1152xf32, #tpu.memory_space<hbm>>
      tpu.wait_indirect_dma semaphore(%arg8 : memref<!tpu.dma_semaphore, #tpu.memory_space<semaphore_mem>>) src(%dma_wait3A_27 : memref<10000x1152xf32, #tpu.memory_space<hbm>>) dst(%arg6 : memref<40x1152xf32, #tpu.memory_space<vmem>>)
      %add3A_28 = arith.constant 1 : i32
      %add3A_29 = arith.addi %mul3A_22, %add3A_28 : i32
      %mul3A_30 = arith.constant 40 : i32
      %mul3A_31 = arith.muli %add3A_29, %mul3A_30 : i32
      %dma_start3A_32 = tpu.memref_slice %arg5[%mul3A_31] : memref<5000xi32, #tpu.memory_space<vmem>> -> memref<40xi32, #tpu.memory_space<vmem>>
      %dma_start3A_33 = arith.constant 0 : i32
      %dma_start3A_34 = arith.constant 0 : i32
      %dma_start3A_35 = tpu.memref_slice %arg2[%dma_start3A_33, %dma_start3A_34] : memref<10000x1152xf32, #tpu.memory_space<hbm>> -> memref<10000x1152xf32, #tpu.memory_space<hbm>>
      tpu.enqueue_indirect_dma source(%dma_start3A_35 : memref<10000x1152xf32, #tpu.memory_space<hbm>>) target(%arg7 : memref<40x1152xf32, #tpu.memory_space<vmem>>) offsets(%dma_start3A_32 : memref<40xi32, #tpu.memory_space<vmem>>) semaphore(%arg9 : memref<!tpu.dma_semaphore, #tpu.memory_space<semaphore_mem>>)
      %mul3A_36 = arith.constant 40 : i32
      %mul3A_37 = arith.muli %mul3A_22, %mul3A_36 : i32
      %add3A_38 = arith.addi %mul3A_2, %mul3A_37 : i32
      "tpu.region"() ({
        %run_scoped3A = tpu.sem_alloc : memref<!tpu.dma_semaphore, #tpu.memory_space<semaphore_mem>>
        %dma_start3A_54 = arith.constant 0 : i32
        %dma_start3A_55 = tpu.memref_slice %arg4[%add3A_38, %dma_start3A_54] : memref<160000x1152xf32, #tpu.memory_space<hbm>> -> memref<40x1152xf32, #tpu.memory_space<hbm>>
        %dma_start3A_56 = arith.constant 0 : i32
        %dma_start3A_57 = tpu.memref_slice %arg4[%add3A_38, %dma_start3A_56] : memref<160000x1152xf32, #tpu.memory_space<hbm>> -> memref<40x1152xf32, #tpu.memory_space<hbm>>
        tpu.enqueue_dma source(%arg6 : memref<40x1152xf32, #tpu.memory_space<vmem>>) target(%dma_start3A_57 : memref<40x1152xf32, #tpu.memory_space<hbm>>) target_semaphore(%run_scoped3A : memref<!tpu.dma_semaphore, #tpu.memory_space<semaphore_mem>>)
        %dma_wait3A_58 = arith.constant 0 : i32
        %dma_wait3A_59 = tpu.memref_slice %arg4[%add3A_38, %dma_wait3A_58] : memref<160000x1152xf32, #tpu.memory_space<hbm>> -> memref<40x1152xf32, #tpu.memory_space<hbm>>
        %dma_wait3A_60 = arith.constant 0 : i32
        %dma_wait3A_61 = tpu.memref_slice %arg4[%add3A_38, %dma_wait3A_60] : memref<160000x1152xf32, #tpu.memory_space<hbm>> -> memref<40x1152xf32, #tpu.memory_space<hbm>>
        tpu.wait_dma2 semaphore(%run_scoped3A : memref<!tpu.dma_semaphore, #tpu.memory_space<semaphore_mem>>) src(%arg6 : memref<40x1152xf32, #tpu.memory_space<vmem>>) dst(%dma_wait3A_61 : memref<40x1152xf32, #tpu.memory_space<hbm>>)
        tpu.yield
      }) : () -> ()
      %dma_wait3A_39 = arith.constant 0 : i32
      %dma_wait3A_40 = tpu.memref_slice %arg5[%dma_wait3A_39] : memref<5000xi32, #tpu.memory_space<vmem>> -> memref<40xi32, #tpu.memory_space<vmem>>
      %dma_wait3A_41 = arith.constant 0 : i32
      %dma_wait3A_42 = arith.constant 0 : i32
      %dma_wait3A_43 = tpu.memref_slice %arg2[%dma_wait3A_41, %dma_wait3A_42] : memref<10000x1152xf32, #tpu.memory_space<hbm>> -> memref<10000x1152xf32, #tpu.memory_space<hbm>>
      tpu.wait_indirect_dma semaphore(%arg9 : memref<!tpu.dma_semaphore, #tpu.memory_space<semaphore_mem>>) src(%dma_wait3A_43 : memref<10000x1152xf32, #tpu.memory_space<hbm>>) dst(%arg7 : memref<40x1152xf32, #tpu.memory_space<vmem>>)
      %add3A_44 = arith.constant 2 : i32
      %add3A_45 = arith.addi %mul3A_22, %add3A_44 : i32
      %lt3A = arith.constant 125 : i32
      %lt3A_46 = arith.cmpi slt, %add3A_45, %lt3A : i32
      %convert_element_type3A = arith.extui %lt3A_46 : i1 to i32
      %cond3A = arith.constant 0 : i32
      %cond3A_47 = arith.cmpi ne, %convert_element_type3A, %cond3A : i32
      scf.if %cond3A_47 {
        %add3A_54 = arith.constant 2 : i32
        %add3A_55 = arith.addi %mul3A_22, %add3A_54 : i32
        %mul3A_56 = arith.constant 40 : i32
        %mul3A_57 = arith.muli %add3A_55, %mul3A_56 : i32
        %dma_start3A_58 = tpu.memref_slice %arg5[%mul3A_57] : memref<5000xi32, #tpu.memory_space<vmem>> -> memref<40xi32, #tpu.memory_space<vmem>>
        %dma_start3A_59 = arith.constant 0 : i32
        %dma_start3A_60 = arith.constant 0 : i32
        %dma_start3A_61 = tpu.memref_slice %arg2[%dma_start3A_59, %dma_start3A_60] : memref<10000x1152xf32, #tpu.memory_space<hbm>> -> memref<10000x1152xf32, #tpu.memory_space<hbm>>
        tpu.enqueue_indirect_dma source(%dma_start3A_61 : memref<10000x1152xf32, #tpu.memory_space<hbm>>) target(%arg6 : memref<40x1152xf32, #tpu.memory_space<vmem>>) offsets(%dma_start3A_58 : memref<40xi32, #tpu.memory_space<vmem>>) semaphore(%arg8 : memref<!tpu.dma_semaphore, #tpu.memory_space<semaphore_mem>>)
      } else {
      }
      %add3A_48 = arith.constant 1 : i32
      %add3A_49 = arith.addi %mul3A_22, %add3A_48 : i32
      %mul3A_50 = arith.constant 40 : i32
      %mul3A_51 = arith.muli %add3A_49, %mul3A_50 : i32
      %add3A_52 = arith.addi %mul3A_2, %mul3A_51 : i32
      "tpu.region"() ({
        %run_scoped3A = tpu.sem_alloc : memref<!tpu.dma_semaphore, #tpu.memory_space<semaphore_mem>>
        %dma_start3A_54 = arith.constant 0 : i32
        %dma_start3A_55 = tpu.memref_slice %arg4[%add3A_52, %dma_start3A_54] : memref<160000x1152xf32, #tpu.memory_space<hbm>> -> memref<40x1152xf32, #tpu.memory_space<hbm>>
        %dma_start3A_56 = arith.constant 0 : i32
        %dma_start3A_57 = tpu.memref_slice %arg4[%add3A_52, %dma_start3A_56] : memref<160000x1152xf32, #tpu.memory_space<hbm>> -> memref<40x1152xf32, #tpu.memory_space<hbm>>
        tpu.enqueue_dma source(%arg7 : memref<40x1152xf32, #tpu.memory_space<vmem>>) target(%dma_start3A_57 : memref<40x1152xf32, #tpu.memory_space<hbm>>) target_semaphore(%run_scoped3A : memref<!tpu.dma_semaphore, #tpu.memory_space<semaphore_mem>>)
        %dma_wait3A_58 = arith.constant 0 : i32
        %dma_wait3A_59 = tpu.memref_slice %arg4[%add3A_52, %dma_wait3A_58] : memref<160000x1152xf32, #tpu.memory_space<hbm>> -> memref<40x1152xf32, #tpu.memory_space<hbm>>
        %dma_wait3A_60 = arith.constant 0 : i32
        %dma_wait3A_61 = tpu.memref_slice %arg4[%add3A_52, %dma_wait3A_60] : memref<160000x1152xf32, #tpu.memory_space<hbm>> -> memref<40x1152xf32, #tpu.memory_space<hbm>>
        tpu.wait_dma2 semaphore(%run_scoped3A : memref<!tpu.dma_semaphore, #tpu.memory_space<semaphore_mem>>) src(%arg7 : memref<40x1152xf32, #tpu.memory_space<vmem>>) dst(%dma_wait3A_61 : memref<40x1152xf32, #tpu.memory_space<hbm>>)
        tpu.yield
      }) : () -> ()
      %scan3A_53 = arith.constant 0 : i32
      scf.yield %scan3A_53 : i32
    }
    %scan3A_12 = arith.constant 62 : i32
    %dma_wait3A = arith.constant 0 : i32
    %dma_wait3A_13 = tpu.memref_slice %arg5[%dma_wait3A] : memref<5000xi32, #tpu.memory_space<vmem>> -> memref<40xi32, #tpu.memory_space<vmem>>
    %dma_wait3A_14 = arith.constant 0 : i32
    %dma_wait3A_15 = arith.constant 0 : i32
    %dma_wait3A_16 = tpu.memref_slice %arg2[%dma_wait3A_14, %dma_wait3A_15] : memref<10000x1152xf32, #tpu.memory_space<hbm>> -> memref<10000x1152xf32, #tpu.memory_space<hbm>>
    tpu.wait_indirect_dma semaphore(%arg8 : memref<!tpu.dma_semaphore, #tpu.memory_space<semaphore_mem>>) src(%dma_wait3A_16 : memref<10000x1152xf32, #tpu.memory_space<hbm>>) dst(%arg6 : memref<40x1152xf32, #tpu.memory_space<vmem>>)
    %add3A_17 = arith.constant 4960 : i32
    %add3A_18 = arith.addi %mul3A_2, %add3A_17 : i32
    "tpu.region"() ({
      %run_scoped3A = tpu.sem_alloc : memref<!tpu.dma_semaphore, #tpu.memory_space<semaphore_mem>>
      %dma_start3A_19 = arith.constant 0 : i32
      %dma_start3A_20 = tpu.memref_slice %arg4[%add3A_18, %dma_start3A_19] : memref<160000x1152xf32, #tpu.memory_space<hbm>> -> memref<40x1152xf32, #tpu.memory_space<hbm>>
      %dma_start3A_21 = arith.constant 0 : i32
      %dma_start3A_22 = tpu.memref_slice %arg4[%add3A_18, %dma_start3A_21] : memref<160000x1152xf32, #tpu.memory_space<hbm>> -> memref<40x1152xf32, #tpu.memory_space<hbm>>
      tpu.enqueue_dma source(%arg6 : memref<40x1152xf32, #tpu.memory_space<vmem>>) target(%dma_start3A_22 : memref<40x1152xf32, #tpu.memory_space<hbm>>) target_semaphore(%run_scoped3A : memref<!tpu.dma_semaphore, #tpu.memory_space<semaphore_mem>>)
      %dma_wait3A_23 = arith.constant 0 : i32
      %dma_wait3A_24 = tpu.memref_slice %arg4[%add3A_18, %dma_wait3A_23] : memref<160000x1152xf32, #tpu.memory_space<hbm>> -> memref<40x1152xf32, #tpu.memory_space<hbm>>
      %dma_wait3A_25 = arith.constant 0 : i32
      %dma_wait3A_26 = tpu.memref_slice %arg4[%add3A_18, %dma_wait3A_25] : memref<160000x1152xf32, #tpu.memory_space<hbm>> -> memref<40x1152xf32, #tpu.memory_space<hbm>>
      tpu.wait_dma2 semaphore(%run_scoped3A : memref<!tpu.dma_semaphore, #tpu.memory_space<semaphore_mem>>) src(%arg6 : memref<40x1152xf32, #tpu.memory_space<vmem>>) dst(%dma_wait3A_26 : memref<40x1152xf32, #tpu.memory_space<hbm>>)
      tpu.yield
    }) : () -> ()
    return
  }
}

module attributes {stable_mosaic.version = 14 : i64} {
  func.func @_nodeA_body(%arg0: i32, %arg1: memref<1000x1152xf32, #tpu.memory_space<vmem>>, %arg2: memref<3x128x128xf32, #tpu.memory_space<vmem>>, %arg3: memref<1000x1152xf32, #tpu.memory_space<vmem>>) attributes {dimension_semantics = [#tpu.dimension_semantics<arbitrary>], iteration_bounds = array<i64: 10>, scalar_prefetch = 0 : i64, scratch_operands = 0 : i64, tpu.core_type = #tpu.core_type<tc>, window_params = [{transform_indices = @transform_0, window_bounds = array<i64: 1000, 1152>}, {pipeline_mode = #tpu.pipeline_mode<synchronous>, transform_indices = @transform_1, window_bounds = array<i64: 3, 128, 128>}, {transform_indices = @transform_2, window_bounds = array<i64: 1000, 1152>}]} {
    %get3A = arith.constant 0 : index
    %get3A_0 = arith.constant 0 : index
    %get3A_1 = vector.load %arg1[%get3A, %get3A_0] : memref<1000x1152xf32, #tpu.memory_space<vmem>>, vector<1000x1152xf32>
    %get3A_2 = arith.constant 0 : index
    %get3A_3 = arith.constant 0 : index
    %get3A_4 = arith.constant 0 : index
    %get3A_5 = vector.load %arg2[%get3A_2, %get3A_3, %get3A_4] : memref<3x128x128xf32, #tpu.memory_space<vmem>>, vector<3x128x128xf32>
    %slice3A = vector.extract_strided_slice %get3A_1 {offsets = [0, 0], sizes = [1000, 128], strides = [1, 1]} : vector<1000x1152xf32> to vector<1000x128xf32>
    %slice3A_6 = vector.extract_strided_slice %get3A_5 {offsets = [0, 0, 0], sizes = [1, 128, 128], strides = [1, 1, 1]} : vector<3x128x128xf32> to vector<1x128x128xf32>
    %squeeze3A = vector.shape_cast %slice3A_6 : vector<1x128x128xf32> to vector<128x128xf32>
    %dot_general3A = arith.constant dense<0.000000e+00> : vector<1000x128xf32>
    %dot_general3A_7 = tpu.matmul %slice3A, %squeeze3A, %dot_general3A {dimension_numbers = #tpu.dot_dimension_numbers<[1], [0], [0], [1], [0, 0, 1, 1], [], []>, transpose_lhs_hint = false} : vector<1000x128xf32>, vector<128x128xf32>, vector<1000x128xf32> -> vector<1000x128xf32>
    %slice3A_8 = vector.extract_strided_slice %get3A_1 {offsets = [0, 128], sizes = [1000, 128], strides = [1, 1]} : vector<1000x1152xf32> to vector<1000x128xf32>
    %slice3A_9 = vector.extract_strided_slice %get3A_5 {offsets = [1, 0, 0], sizes = [1, 128, 128], strides = [1, 1, 1]} : vector<3x128x128xf32> to vector<1x128x128xf32>
    %squeeze3A_10 = vector.shape_cast %slice3A_9 : vector<1x128x128xf32> to vector<128x128xf32>
    %dot_general3A_11 = arith.constant dense<0.000000e+00> : vector<1000x128xf32>
    %dot_general3A_12 = tpu.matmul %slice3A_8, %squeeze3A_10, %dot_general3A_11 {dimension_numbers = #tpu.dot_dimension_numbers<[1], [0], [0], [1], [0, 0, 1, 1], [], []>, transpose_lhs_hint = false} : vector<1000x128xf32>, vector<128x128xf32>, vector<1000x128xf32> -> vector<1000x128xf32>
    %slice3A_13 = vector.extract_strided_slice %get3A_1 {offsets = [0, 256], sizes = [1000, 128], strides = [1, 1]} : vector<1000x1152xf32> to vector<1000x128xf32>
    %slice3A_14 = vector.extract_strided_slice %get3A_5 {offsets = [1, 0, 0], sizes = [1, 128, 128], strides = [1, 1, 1]} : vector<3x128x128xf32> to vector<1x128x128xf32>
    %squeeze3A_15 = vector.shape_cast %slice3A_14 : vector<1x128x128xf32> to vector<128x128xf32>
    %dot_general3A_16 = arith.constant dense<0.000000e+00> : vector<1000x128xf32>
    %dot_general3A_17 = tpu.matmul %slice3A_13, %squeeze3A_15, %dot_general3A_16 {dimension_numbers = #tpu.dot_dimension_numbers<[1], [0], [0], [1], [0, 0, 1, 1], [], []>, transpose_lhs_hint = false} : vector<1000x128xf32>, vector<128x128xf32>, vector<1000x128xf32> -> vector<1000x128xf32>
    %slice3A_18 = vector.extract_strided_slice %get3A_1 {offsets = [0, 384], sizes = [1000, 128], strides = [1, 1]} : vector<1000x1152xf32> to vector<1000x128xf32>
    %slice3A_19 = vector.extract_strided_slice %get3A_5 {offsets = [1, 0, 0], sizes = [1, 128, 128], strides = [1, 1, 1]} : vector<3x128x128xf32> to vector<1x128x128xf32>
    %squeeze3A_20 = vector.shape_cast %slice3A_19 : vector<1x128x128xf32> to vector<128x128xf32>
    %dot_general3A_21 = arith.constant dense<0.000000e+00> : vector<1000x128xf32>
    %dot_general3A_22 = tpu.matmul %slice3A_18, %squeeze3A_20, %dot_general3A_21 {dimension_numbers = #tpu.dot_dimension_numbers<[1], [0], [0], [1], [0, 0, 1, 1], [], []>, transpose_lhs_hint = false} : vector<1000x128xf32>, vector<128x128xf32>, vector<1000x128xf32> -> vector<1000x128xf32>
    %slice3A_23 = vector.extract_strided_slice %get3A_1 {offsets = [0, 512], sizes = [1000, 128], strides = [1, 1]} : vector<1000x1152xf32> to vector<1000x128xf32>
    %slice3A_24 = vector.extract_strided_slice %get3A_5 {offsets = [2, 0, 0], sizes = [1, 128, 128], strides = [1, 1, 1]} : vector<3x128x128xf32> to vector<1x128x128xf32>
    %squeeze3A_25 = vector.shape_cast %slice3A_24 : vector<1x128x128xf32> to vector<128x128xf32>
    %dot_general3A_26 = arith.constant dense<0.000000e+00> : vector<1000x128xf32>
    %dot_general3A_27 = tpu.matmul %slice3A_23, %squeeze3A_25, %dot_general3A_26 {dimension_numbers = #tpu.dot_dimension_numbers<[1], [0], [0], [1], [0, 0, 1, 1], [], []>, transpose_lhs_hint = false} : vector<1000x128xf32>, vector<128x128xf32>, vector<1000x128xf32> -> vector<1000x128xf32>
    %slice3A_28 = vector.extract_strided_slice %get3A_1 {offsets = [0, 640], sizes = [1000, 128], strides = [1, 1]} : vector<1000x1152xf32> to vector<1000x128xf32>
    %slice3A_29 = vector.extract_strided_slice %get3A_5 {offsets = [2, 0, 0], sizes = [1, 128, 128], strides = [1, 1, 1]} : vector<3x128x128xf32> to vector<1x128x128xf32>
    %squeeze3A_30 = vector.shape_cast %slice3A_29 : vector<1x128x128xf32> to vector<128x128xf32>
    %dot_general3A_31 = arith.constant dense<0.000000e+00> : vector<1000x128xf32>
    %dot_general3A_32 = tpu.matmul %slice3A_28, %squeeze3A_30, %dot_general3A_31 {dimension_numbers = #tpu.dot_dimension_numbers<[1], [0], [0], [1], [0, 0, 1, 1], [], []>, transpose_lhs_hint = false} : vector<1000x128xf32>, vector<128x128xf32>, vector<1000x128xf32> -> vector<1000x128xf32>
    %slice3A_33 = vector.extract_strided_slice %get3A_1 {offsets = [0, 768], sizes = [1000, 128], strides = [1, 1]} : vector<1000x1152xf32> to vector<1000x128xf32>
    %slice3A_34 = vector.extract_strided_slice %get3A_5 {offsets = [2, 0, 0], sizes = [1, 128, 128], strides = [1, 1, 1]} : vector<3x128x128xf32> to vector<1x128x128xf32>
    %squeeze3A_35 = vector.shape_cast %slice3A_34 : vector<1x128x128xf32> to vector<128x128xf32>
    %dot_general3A_36 = arith.constant dense<0.000000e+00> : vector<1000x128xf32>
    %dot_general3A_37 = tpu.matmul %slice3A_33, %squeeze3A_35, %dot_general3A_36 {dimension_numbers = #tpu.dot_dimension_numbers<[1], [0], [0], [1], [0, 0, 1, 1], [], []>, transpose_lhs_hint = false} : vector<1000x128xf32>, vector<128x128xf32>, vector<1000x128xf32> -> vector<1000x128xf32>
    %slice3A_38 = vector.extract_strided_slice %get3A_1 {offsets = [0, 896], sizes = [1000, 128], strides = [1, 1]} : vector<1000x1152xf32> to vector<1000x128xf32>
    %slice3A_39 = vector.extract_strided_slice %get3A_5 {offsets = [2, 0, 0], sizes = [1, 128, 128], strides = [1, 1, 1]} : vector<3x128x128xf32> to vector<1x128x128xf32>
    %squeeze3A_40 = vector.shape_cast %slice3A_39 : vector<1x128x128xf32> to vector<128x128xf32>
    %dot_general3A_41 = arith.constant dense<0.000000e+00> : vector<1000x128xf32>
    %dot_general3A_42 = tpu.matmul %slice3A_38, %squeeze3A_40, %dot_general3A_41 {dimension_numbers = #tpu.dot_dimension_numbers<[1], [0], [0], [1], [0, 0, 1, 1], [], []>, transpose_lhs_hint = false} : vector<1000x128xf32>, vector<128x128xf32>, vector<1000x128xf32> -> vector<1000x128xf32>
    %slice3A_43 = vector.extract_strided_slice %get3A_1 {offsets = [0, 1024], sizes = [1000, 128], strides = [1, 1]} : vector<1000x1152xf32> to vector<1000x128xf32>
    %slice3A_44 = vector.extract_strided_slice %get3A_5 {offsets = [2, 0, 0], sizes = [1, 128, 128], strides = [1, 1, 1]} : vector<3x128x128xf32> to vector<1x128x128xf32>
    %squeeze3A_45 = vector.shape_cast %slice3A_44 : vector<1x128x128xf32> to vector<128x128xf32>
    %dot_general3A_46 = arith.constant dense<0.000000e+00> : vector<1000x128xf32>
    %dot_general3A_47 = tpu.matmul %slice3A_43, %squeeze3A_45, %dot_general3A_46 {dimension_numbers = #tpu.dot_dimension_numbers<[1], [0], [0], [1], [0, 0, 1, 1], [], []>, transpose_lhs_hint = false} : vector<1000x128xf32>, vector<128x128xf32>, vector<1000x128xf32> -> vector<1000x128xf32>
    %concatenate3A = tpu.concatenate %dot_general3A_7, %dot_general3A_12, %dot_general3A_17, %dot_general3A_22, %dot_general3A_27, %dot_general3A_32, %dot_general3A_37, %dot_general3A_42, %dot_general3A_47 in 1 : vector<1000x128xf32>, vector<1000x128xf32>, vector<1000x128xf32>, vector<1000x128xf32>, vector<1000x128xf32>, vector<1000x128xf32>, vector<1000x128xf32>, vector<1000x128xf32>, vector<1000x128xf32> -> vector<1000x1152xf32>
    %mul3A = arith.constant 0.0883883461 : f32
    %mul3A_48 = vector.broadcast %mul3A : f32 to vector<1000x1152xf32>
    %mul3A_49 = arith.mulf %concatenate3A, %mul3A_48 : vector<1000x1152xf32>
    %swap3A = arith.constant 0 : index
    %swap3A_50 = arith.constant 0 : index
    %swap3A_51 = vector.load %arg3[%swap3A, %swap3A_50] : memref<1000x1152xf32, #tpu.memory_space<vmem>>, vector<1000x1152xf32>
    tpu.vector_store %arg3[%swap3A, %swap3A_50], %mul3A_49 {strides = array<i32>} : memref<1000x1152xf32, #tpu.memory_space<vmem>>, vector<1000x1152xf32>,
    return
  }
  func.func @transform_0(%arg0: i32) -> (i32, i32) {
    %c0_i32 = arith.constant 0 : i32
    %c0_i32_0 = arith.constant 0 : i32
    return %arg0, %c0_i32 : i32, i32
  }
  func.func @transform_1(%arg0: i32) -> (i32, i32, i32) {
    %c0_i32 = arith.constant 0 : i32
    %c0_i32_0 = arith.constant 0 : i32
    %c0_i32_1 = arith.constant 0 : i32
    %c0_i32_2 = arith.constant 0 : i32
    return %c0_i32, %c0_i32_0, %c0_i32_1 : i32, i32, i32
  }
  func.func @transform_2(%arg0: i32) -> (i32, i32) {
    %c0_i32 = arith.constant 0 : i32
    %c0_i32_0 = arith.constant 0 : i32
    return %arg0, %c0_i32 : i32, i32
  }
}

module attributes {stable_mosaic.version = 14 : i64} {
  func.func @_edge_body(%arg0: i32, %arg1: memref<640x8xf32, #tpu.memory_space<vmem>>, %arg2: memref<640x9xf32, #tpu.memory_space<vmem>>, %arg3: memref<640x1152xf32, #tpu.memory_space<vmem>>, %arg4: memref<8x128xf32, #tpu.memory_space<vmem>>, %arg5: memref<1x128xf32, #tpu.memory_space<vmem>>, %arg6: memref<128x128xf32, #tpu.memory_space<vmem>>, %arg7: memref<1x128xf32, #tpu.memory_space<vmem>>, %arg8: memref<128x384xf32, #tpu.memory_space<vmem>>, %arg9: memref<1x384xf32, #tpu.memory_space<vmem>>, %arg10: memref<9x81xf32, #tpu.memory_space<vmem>>, %arg11: memref<640x1152xf32, #tpu.memory_space<vmem>>) attributes {dimension_semantics = [#tpu.dimension_semantics<arbitrary>], iteration_bounds = array<i64: 250>, scalar_prefetch = 0 : i64, scratch_operands = 0 : i64, tpu.core_type = #tpu.core_type<tc>, window_params = [{transform_indices = @transform_0, window_bounds = array<i64: 640, 8>}, {transform_indices = @transform_1, window_bounds = array<i64: 640, 9>}, {transform_indices = @transform_2, window_bounds = array<i64: 640, 1152>}, {pipeline_mode = #tpu.pipeline_mode<synchronous>, transform_indices = @transform_3, window_bounds = array<i64: 8, 128>}, {pipeline_mode = #tpu.pipeline_mode<synchronous>, transform_indices = @transform_4, window_bounds = array<i64: 1, 128>}, {pipeline_mode = #tpu.pipeline_mode<synchronous>, transform_indices = @transform_5, window_bounds = array<i64: 128, 128>}, {pipeline_mode = #tpu.pipeline_mode<synchronous>, transform_indices = @transform_6, window_bounds = array<i64: 1, 128>}, {pipeline_mode = #tpu.pipeline_mode<synchronous>, transform_indices = @transform_7, window_bounds = array<i64: 128, 384>}, {pipeline_mode = #tpu.pipeline_mode<synchronous>, transform_indices = @transform_8, window_bounds = array<i64: 1, 384>}, {pipeline_mode = #tpu.pipeline_mode<synchronous>, transform_indices = @transform_9, window_bounds = array<i64: 9, 81>}, {transform_indices = @transform_10, window_bounds = array<i64: 640, 1152>}]} {
    %get3A = arith.constant 0 : index
    %get3A_0 = arith.constant 0 : index
    %get3A_1 = vector.load %arg1[%get3A, %get3A_0] : memref<640x8xf32, #tpu.memory_space<vmem>>, vector<640x8xf32>
    %get3A_2 = arith.constant 0 : index
    %get3A_3 = arith.constant 0 : index
    %get3A_4 = vector.load %arg4[%get3A_2, %get3A_3] : memref<8x128xf32, #tpu.memory_space<vmem>>, vector<8x128xf32>
    %dot_general3A = arith.constant dense<0.000000e+00> : vector<640x128xf32>
    %dot_general3A_5 = tpu.matmul %get3A_1, %get3A_4, %dot_general3A {dimension_numbers = #tpu.dot_dimension_numbers<[1], [0], [0], [1], [0, 0, 1, 1], [], []>, transpose_lhs_hint = false} : vector<640x8xf32>, vector<8x128xf32>, vector<640x128xf32> -> vector<640x128xf32>
    %get3A_6 = arith.constant 0 : index
    %get3A_7 = arith.constant 0 : index
    %get3A_8 = vector.load %arg5[%get3A_6, %get3A_7] : memref<1x128xf32, #tpu.memory_space<vmem>>, vector<1x128xf32>
    %add3A = vector.broadcast %get3A_8 : vector<1x128xf32> to vector<640x128xf32>
    %add3A_9 = arith.addf %dot_general3A_5, %add3A : vector<640x128xf32>
    %neg3A = arith.constant 0.000000e+00 : f32
    %neg3A_10 = vector.broadcast %neg3A : f32 to vector<640x128xf32>
    %neg3A_11 = arith.subf %neg3A_10, %add3A_9 : vector<640x128xf32>
    %exp3A = math.exp %neg3A_11 : vector<640x128xf32>
    %add3A_12 = arith.constant 1.000000e+00 : f32
    %add3A_13 = vector.broadcast %add3A_12 : f32 to vector<640x128xf32>
    %add3A_14 = arith.addf %add3A_13, %exp3A : vector<640x128xf32>
    %div3A = arith.constant 1.000000e+00 : f32
    %div3A_15 = vector.broadcast %div3A : f32 to vector<640x128xf32>
    %div3A_16 = arith.divf %div3A_15, %add3A_14 : vector<640x128xf32>
    %mul3A = arith.mulf %add3A_9, %div3A_16 : vector<640x128xf32>
    %get3A_17 = arith.constant 0 : index
    %get3A_18 = arith.constant 0 : index
    %get3A_19 = vector.load %arg6[%get3A_17, %get3A_18] : memref<128x128xf32, #tpu.memory_space<vmem>>, vector<128x128xf32>
    %dot_general3A_20 = arith.constant dense<0.000000e+00> : vector<640x128xf32>
    %dot_general3A_21 = tpu.matmul %mul3A, %get3A_19, %dot_general3A_20 {dimension_numbers = #tpu.dot_dimension_numbers<[1], [0], [0], [1], [0, 0, 1, 1], [], []>, transpose_lhs_hint = false} : vector<640x128xf32>, vector<128x128xf32>, vector<640x128xf32> -> vector<640x128xf32>
    %get3A_22 = arith.constant 0 : index
    %get3A_23 = arith.constant 0 : index
    %get3A_24 = vector.load %arg7[%get3A_22, %get3A_23] : memref<1x128xf32, #tpu.memory_space<vmem>>, vector<1x128xf32>
    %add3A_25 = vector.broadcast %get3A_24 : vector<1x128xf32> to vector<640x128xf32>
    %add3A_26 = arith.addf %dot_general3A_21, %add3A_25 : vector<640x128xf32>
    %neg3A_27 = arith.constant 0.000000e+00 : f32
    %neg3A_28 = vector.broadcast %neg3A_27 : f32 to vector<640x128xf32>
    %neg3A_29 = arith.subf %neg3A_28, %add3A_26 : vector<640x128xf32>
    %exp3A_30 = math.exp %neg3A_29 : vector<640x128xf32>
    %add3A_31 = arith.constant 1.000000e+00 : f32
    %add3A_32 = vector.broadcast %add3A_31 : f32 to vector<640x128xf32>
    %add3A_33 = arith.addf %add3A_32, %exp3A_30 : vector<640x128xf32>
    %div3A_34 = arith.constant 1.000000e+00 : f32
    %div3A_35 = vector.broadcast %div3A_34 : f32 to vector<640x128xf32>
    %div3A_36 = arith.divf %div3A_35, %add3A_33 : vector<640x128xf32>
    %mul3A_37 = arith.mulf %add3A_26, %div3A_36 : vector<640x128xf32>
    %get3A_38 = arith.constant 0 : index
    %get3A_39 = arith.constant 0 : index
    %get3A_40 = vector.load %arg8[%get3A_38, %get3A_39] : memref<128x384xf32, #tpu.memory_space<vmem>>, vector<128x384xf32>
    %dot_general3A_41 = arith.constant dense<0.000000e+00> : vector<640x384xf32>
    %dot_general3A_42 = tpu.matmul %mul3A_37, %get3A_40, %dot_general3A_41 {dimension_numbers = #tpu.dot_dimension_numbers<[1], [0], [0], [1], [0, 0, 1, 1], [], []>, transpose_lhs_hint = false} : vector<640x128xf32>, vector<128x384xf32>, vector<640x384xf32> -> vector<640x384xf32>
    %get3A_43 = arith.constant 0 : index
    %get3A_44 = arith.constant 0 : index
    %get3A_45 = vector.load %arg9[%get3A_43, %get3A_44] : memref<1x384xf32, #tpu.memory_space<vmem>>, vector<1x384xf32>
    %add3A_46 = vector.broadcast %get3A_45 : vector<1x384xf32> to vector<640x384xf32>
    %add3A_47 = arith.addf %dot_general3A_42, %add3A_46 : vector<640x384xf32>
    %get3A_48 = arith.constant 0 : index
    %get3A_49 = arith.constant 0 : index
    %get3A_50 = vector.load %arg2[%get3A_48, %get3A_49] : memref<640x9xf32, #tpu.memory_space<vmem>>, vector<640x9xf32>
    %get3A_51 = arith.constant 0 : index
    %get3A_52 = arith.constant 0 : index
    %get3A_53 = vector.load %arg10[%get3A_51, %get3A_52] : memref<9x81xf32, #tpu.memory_space<vmem>>, vector<9x81xf32>
    %dot_general3A_54 = arith.constant dense<0.000000e+00> : vector<640x81xf32>
    %dot_general3A_55 = tpu.matmul %get3A_50, %get3A_53, %dot_general3A_54 {dimension_numbers = #tpu.dot_dimension_numbers<[1], [0], [0], [1], [0, 0, 1, 1], [], []>, transpose_lhs_hint = false} : vector<640x9xf32>, vector<9x81xf32>, vector<640x81xf32> -> vector<640x81xf32>
    %get3A_56 = arith.constant 0 : index
    %get3A_57 = arith.constant 0 : index
    %get3A_58 = vector.load %arg3[%get3A_56, %get3A_57] : memref<640x1152xf32, #tpu.memory_space<vmem>>, vector<640x1152xf32>
    %slice3A = vector.extract_strided_slice %get3A_58 {offsets = [0, 0], sizes = [640, 128], strides = [1, 1]} : vector<640x1152xf32> to vector<640x128xf32>
    %slice3A_59 = vector.extract_strided_slice %dot_general3A_55 {offsets = [0, 0], sizes = [640, 1], strides = [1, 1]} : vector<640x81xf32> to vector<640x1xf32>
    %mul3A_60 = vector.broadcast %slice3A_59 : vector<640x1xf32> to vector<640x128xf32>
    %mul3A_61 = arith.mulf %slice3A, %mul3A_60 : vector<640x128xf32>
    %slice3A_62 = vector.extract_strided_slice %get3A_58 {offsets = [0, 128], sizes = [640, 128], strides = [1, 1]} : vector<640x1152xf32> to vector<640x128xf32>
    %slice3A_63 = vector.extract_strided_slice %dot_general3A_55 {offsets = [0, 9], sizes = [640, 1], strides = [1, 1]} : vector<640x81xf32> to vector<640x1xf32>
    %mul3A_64 = vector.broadcast %slice3A_63 : vector<640x1xf32> to vector<640x128xf32>
    %mul3A_65 = arith.mulf %slice3A_62, %mul3A_64 : vector<640x128xf32>
    %add3A_66 = arith.addf %mul3A_61, %mul3A_65 : vector<640x128xf32>
    %slice3A_67 = vector.extract_strided_slice %get3A_58 {offsets = [0, 256], sizes = [640, 128], strides = [1, 1]} : vector<640x1152xf32> to vector<640x128xf32>
    %slice3A_68 = vector.extract_strided_slice %dot_general3A_55 {offsets = [0, 18], sizes = [640, 1], strides = [1, 1]} : vector<640x81xf32> to vector<640x1xf32>
    %mul3A_69 = vector.broadcast %slice3A_68 : vector<640x1xf32> to vector<640x128xf32>
    %mul3A_70 = arith.mulf %slice3A_67, %mul3A_69 : vector<640x128xf32>
    %add3A_71 = arith.addf %add3A_66, %mul3A_70 : vector<640x128xf32>
    %slice3A_72 = vector.extract_strided_slice %get3A_58 {offsets = [0, 384], sizes = [640, 128], strides = [1, 1]} : vector<640x1152xf32> to vector<640x128xf32>
    %slice3A_73 = vector.extract_strided_slice %dot_general3A_55 {offsets = [0, 27], sizes = [640, 1], strides = [1, 1]} : vector<640x81xf32> to vector<640x1xf32>
    %mul3A_74 = vector.broadcast %slice3A_73 : vector<640x1xf32> to vector<640x128xf32>
    %mul3A_75 = arith.mulf %slice3A_72, %mul3A_74 : vector<640x128xf32>
    %add3A_76 = arith.addf %add3A_71, %mul3A_75 : vector<640x128xf32>
    %slice3A_77 = vector.extract_strided_slice %get3A_58 {offsets = [0, 512], sizes = [640, 128], strides = [1, 1]} : vector<640x1152xf32> to vector<640x128xf32>
    %slice3A_78 = vector.extract_strided_slice %dot_general3A_55 {offsets = [0, 36], sizes = [640, 1], strides = [1, 1]} : vector<640x81xf32> to vector<640x1xf32>
    %mul3A_79 = vector.broadcast %slice3A_78 : vector<640x1xf32> to vector<640x128xf32>
    %mul3A_80 = arith.mulf %slice3A_77, %mul3A_79 : vector<640x128xf32>
    %add3A_81 = arith.addf %add3A_76, %mul3A_80 : vector<640x128xf32>
    %slice3A_82 = vector.extract_strided_slice %get3A_58 {offsets = [0, 640], sizes = [640, 128], strides = [1, 1]} : vector<640x1152xf32> to vector<640x128xf32>
    %slice3A_83 = vector.extract_strided_slice %dot_general3A_55 {offsets = [0, 45], sizes = [640, 1], strides = [1, 1]} : vector<640x81xf32> to vector<640x1xf32>
    %mul3A_84 = vector.broadcast %slice3A_83 : vector<640x1xf32> to vector<640x128xf32>
    %mul3A_85 = arith.mulf %slice3A_82, %mul3A_84 : vector<640x128xf32>
    %add3A_86 = arith.addf %add3A_81, %mul3A_85 : vector<640x128xf32>
    %slice3A_87 = vector.extract_strided_slice %get3A_58 {offsets = [0, 768], sizes = [640, 128], strides = [1, 1]} : vector<640x1152xf32> to vector<640x128xf32>
    %slice3A_88 = vector.extract_strided_slice %dot_general3A_55 {offsets = [0, 54], sizes = [640, 1], strides = [1, 1]} : vector<640x81xf32> to vector<640x1xf32>
    %mul3A_89 = vector.broadcast %slice3A_88 : vector<640x1xf32> to vector<640x128xf32>
    %mul3A_90 = arith.mulf %slice3A_87, %mul3A_89 : vector<640x128xf32>
    %add3A_91 = arith.addf %add3A_86, %mul3A_90 : vector<640x128xf32>
    %slice3A_92 = vector.extract_strided_slice %get3A_58 {offsets = [0, 896], sizes = [640, 128], strides = [1, 1]} : vector<640x1152xf32> to vector<640x128xf32>
    %slice3A_93 = vector.extract_strided_slice %dot_general3A_55 {offsets = [0, 63], sizes = [640, 1], strides = [1, 1]} : vector<640x81xf32> to vector<640x1xf32>
    %mul3A_94 = vector.broadcast %slice3A_93 : vector<640x1xf32> to vector<640x128xf32>
    %mul3A_95 = arith.mulf %slice3A_92, %mul3A_94 : vector<640x128xf32>
    %add3A_96 = arith.addf %add3A_91, %mul3A_95 : vector<640x128xf32>
    %slice3A_97 = vector.extract_strided_slice %get3A_58 {offsets = [0, 1024], sizes = [640, 128], strides = [1, 1]} : vector<640x1152xf32> to vector<640x128xf32>
    %slice3A_98 = vector.extract_strided_slice %dot_general3A_55 {offsets = [0, 72], sizes = [640, 1], strides = [1, 1]} : vector<640x81xf32> to vector<640x1xf32>
    %mul3A_99 = vector.broadcast %slice3A_98 : vector<640x1xf32> to vector<640x128xf32>
    %mul3A_100 = arith.mulf %slice3A_97, %mul3A_99 : vector<640x128xf32>
    %add3A_101 = arith.addf %add3A_96, %mul3A_100 : vector<640x128xf32>
    %slice3A_102 = vector.extract_strided_slice %add3A_47 {offsets = [0, 0], sizes = [640, 128], strides = [1, 1]} : vector<640x384xf32> to vector<640x128xf32>
    %mul3A_103 = arith.mulf %add3A_101, %slice3A_102 : vector<640x128xf32>
    %mul3A_104 = arith.constant 6.250000e-02 : f32
    %mul3A_105 = vector.broadcast %mul3A_104 : f32 to vector<640x128xf32>
    %mul3A_106 = arith.mulf %mul3A_103, %mul3A_105 : vector<640x128xf32>
    %swap3A = arith.constant 0 : index
    %swap3A_107 = arith.constant 0 : index
    %swap3A_108 = vector.load %arg11[%swap3A, %swap3A_107] : memref<640x1152xf32, #tpu.memory_space<vmem>>, vector<640x128xf32>
    tpu.vector_store %arg11[%swap3A, %swap3A_107], %mul3A_106 {strides = array<i32>} : memref<640x1152xf32, #tpu.memory_space<vmem>>, vector<640x128xf32>,
    %slice3A_109 = vector.extract_strided_slice %get3A_58 {offsets = [0, 0], sizes = [640, 128], strides = [1, 1]} : vector<640x1152xf32> to vector<640x128xf32>
    %slice3A_110 = vector.extract_strided_slice %dot_general3A_55 {offsets = [0, 1], sizes = [640, 1], strides = [1, 1]} : vector<640x81xf32> to vector<640x1xf32>
    %mul3A_111 = vector.broadcast %slice3A_110 : vector<640x1xf32> to vector<640x128xf32>
    %mul3A_112 = arith.mulf %slice3A_109, %mul3A_111 : vector<640x128xf32>
    %slice3A_113 = vector.extract_strided_slice %get3A_58 {offsets = [0, 128], sizes = [640, 128], strides = [1, 1]} : vector<640x1152xf32> to vector<640x128xf32>
    %slice3A_114 = vector.extract_strided_slice %dot_general3A_55 {offsets = [0, 10], sizes = [640, 1], strides = [1, 1]} : vector<640x81xf32> to vector<640x1xf32>
    %mul3A_115 = vector.broadcast %slice3A_114 : vector<640x1xf32> to vector<640x128xf32>
    %mul3A_116 = arith.mulf %slice3A_113, %mul3A_115 : vector<640x128xf32>
    %add3A_117 = arith.addf %mul3A_112, %mul3A_116 : vector<640x128xf32>
    %slice3A_118 = vector.extract_strided_slice %get3A_58 {offsets = [0, 256], sizes = [640, 128], strides = [1, 1]} : vector<640x1152xf32> to vector<640x128xf32>
    %slice3A_119 = vector.extract_strided_slice %dot_general3A_55 {offsets = [0, 19], sizes = [640, 1], strides = [1, 1]} : vector<640x81xf32> to vector<640x1xf32>
    %mul3A_120 = vector.broadcast %slice3A_119 : vector<640x1xf32> to vector<640x128xf32>
    %mul3A_121 = arith.mulf %slice3A_118, %mul3A_120 : vector<640x128xf32>
    %add3A_122 = arith.addf %add3A_117, %mul3A_121 : vector<640x128xf32>
    %slice3A_123 = vector.extract_strided_slice %get3A_58 {offsets = [0, 384], sizes = [640, 128], strides = [1, 1]} : vector<640x1152xf32> to vector<640x128xf32>
    %slice3A_124 = vector.extract_strided_slice %dot_general3A_55 {offsets = [0, 28], sizes = [640, 1], strides = [1, 1]} : vector<640x81xf32> to vector<640x1xf32>
    %mul3A_125 = vector.broadcast %slice3A_124 : vector<640x1xf32> to vector<640x128xf32>
    %mul3A_126 = arith.mulf %slice3A_123, %mul3A_125 : vector<640x128xf32>
    %add3A_127 = arith.addf %add3A_122, %mul3A_126 : vector<640x128xf32>
    %slice3A_128 = vector.extract_strided_slice %get3A_58 {offsets = [0, 512], sizes = [640, 128], strides = [1, 1]} : vector<640x1152xf32> to vector<640x128xf32>
    %slice3A_129 = vector.extract_strided_slice %dot_general3A_55 {offsets = [0, 37], sizes = [640, 1], strides = [1, 1]} : vector<640x81xf32> to vector<640x1xf32>
    %mul3A_130 = vector.broadcast %slice3A_129 : vector<640x1xf32> to vector<640x128xf32>
    %mul3A_131 = arith.mulf %slice3A_128, %mul3A_130 : vector<640x128xf32>
    %add3A_132 = arith.addf %add3A_127, %mul3A_131 : vector<640x128xf32>
    %slice3A_133 = vector.extract_strided_slice %get3A_58 {offsets = [0, 640], sizes = [640, 128], strides = [1, 1]} : vector<640x1152xf32> to vector<640x128xf32>
    %slice3A_134 = vector.extract_strided_slice %dot_general3A_55 {offsets = [0, 46], sizes = [640, 1], strides = [1, 1]} : vector<640x81xf32> to vector<640x1xf32>
    %mul3A_135 = vector.broadcast %slice3A_134 : vector<640x1xf32> to vector<640x128xf32>
    %mul3A_136 = arith.mulf %slice3A_133, %mul3A_135 : vector<640x128xf32>
    %add3A_137 = arith.addf %add3A_132, %mul3A_136 : vector<640x128xf32>
    %slice3A_138 = vector.extract_strided_slice %get3A_58 {offsets = [0, 768], sizes = [640, 128], strides = [1, 1]} : vector<640x1152xf32> to vector<640x128xf32>
    %slice3A_139 = vector.extract_strided_slice %dot_general3A_55 {offsets = [0, 55], sizes = [640, 1], strides = [1, 1]} : vector<640x81xf32> to vector<640x1xf32>
    %mul3A_140 = vector.broadcast %slice3A_139 : vector<640x1xf32> to vector<640x128xf32>
    %mul3A_141 = arith.mulf %slice3A_138, %mul3A_140 : vector<640x128xf32>
    %add3A_142 = arith.addf %add3A_137, %mul3A_141 : vector<640x128xf32>
    %slice3A_143 = vector.extract_strided_slice %get3A_58 {offsets = [0, 896], sizes = [640, 128], strides = [1, 1]} : vector<640x1152xf32> to vector<640x128xf32>
    %slice3A_144 = vector.extract_strided_slice %dot_general3A_55 {offsets = [0, 64], sizes = [640, 1], strides = [1, 1]} : vector<640x81xf32> to vector<640x1xf32>
    %mul3A_145 = vector.broadcast %slice3A_144 : vector<640x1xf32> to vector<640x128xf32>
    %mul3A_146 = arith.mulf %slice3A_143, %mul3A_145 : vector<640x128xf32>
    %add3A_147 = arith.addf %add3A_142, %mul3A_146 : vector<640x128xf32>
    %slice3A_148 = vector.extract_strided_slice %get3A_58 {offsets = [0, 1024], sizes = [640, 128], strides = [1, 1]} : vector<640x1152xf32> to vector<640x128xf32>
    %slice3A_149 = vector.extract_strided_slice %dot_general3A_55 {offsets = [0, 73], sizes = [640, 1], strides = [1, 1]} : vector<640x81xf32> to vector<640x1xf32>
    %mul3A_150 = vector.broadcast %slice3A_149 : vector<640x1xf32> to vector<640x128xf32>
    %mul3A_151 = arith.mulf %slice3A_148, %mul3A_150 : vector<640x128xf32>
    %add3A_152 = arith.addf %add3A_147, %mul3A_151 : vector<640x128xf32>
    %slice3A_153 = vector.extract_strided_slice %add3A_47 {offsets = [0, 128], sizes = [640, 128], strides = [1, 1]} : vector<640x384xf32> to vector<640x128xf32>
    %mul3A_154 = arith.mulf %add3A_152, %slice3A_153 : vector<640x128xf32>
    %mul3A_155 = arith.constant 6.250000e-02 : f32
    %mul3A_156 = vector.broadcast %mul3A_155 : f32 to vector<640x128xf32>
    %mul3A_157 = arith.mulf %mul3A_154, %mul3A_156 : vector<640x128xf32>
    %swap3A_158 = arith.constant 0 : index
    %swap3A_159 = arith.constant 128 : index
    %swap3A_160 = vector.load %arg11[%swap3A_158, %swap3A_159] : memref<640x1152xf32, #tpu.memory_space<vmem>>, vector<640x128xf32>
    tpu.vector_store %arg11[%swap3A_158, %swap3A_159], %mul3A_157 {strides = array<i32>} : memref<640x1152xf32, #tpu.memory_space<vmem>>, vector<640x128xf32>,
    %slice3A_161 = vector.extract_strided_slice %get3A_58 {offsets = [0, 0], sizes = [640, 128], strides = [1, 1]} : vector<640x1152xf32> to vector<640x128xf32>
    %slice3A_162 = vector.extract_strided_slice %dot_general3A_55 {offsets = [0, 2], sizes = [640, 1], strides = [1, 1]} : vector<640x81xf32> to vector<640x1xf32>
    %mul3A_163 = vector.broadcast %slice3A_162 : vector<640x1xf32> to vector<640x128xf32>
    %mul3A_164 = arith.mulf %slice3A_161, %mul3A_163 : vector<640x128xf32>
    %slice3A_165 = vector.extract_strided_slice %get3A_58 {offsets = [0, 128], sizes = [640, 128], strides = [1, 1]} : vector<640x1152xf32> to vector<640x128xf32>
    %slice3A_166 = vector.extract_strided_slice %dot_general3A_55 {offsets = [0, 11], sizes = [640, 1], strides = [1, 1]} : vector<640x81xf32> to vector<640x1xf32>
    %mul3A_167 = vector.broadcast %slice3A_166 : vector<640x1xf32> to vector<640x128xf32>
    %mul3A_168 = arith.mulf %slice3A_165, %mul3A_167 : vector<640x128xf32>
    %add3A_169 = arith.addf %mul3A_164, %mul3A_168 : vector<640x128xf32>
    %slice3A_170 = vector.extract_strided_slice %get3A_58 {offsets = [0, 256], sizes = [640, 128], strides = [1, 1]} : vector<640x1152xf32> to vector<640x128xf32>
    %slice3A_171 = vector.extract_strided_slice %dot_general3A_55 {offsets = [0, 20], sizes = [640, 1], strides = [1, 1]} : vector<640x81xf32> to vector<640x1xf32>
    %mul3A_172 = vector.broadcast %slice3A_171 : vector<640x1xf32> to vector<640x128xf32>
    %mul3A_173 = arith.mulf %slice3A_170, %mul3A_172 : vector<640x128xf32>
    %add3A_174 = arith.addf %add3A_169, %mul3A_173 : vector<640x128xf32>
    %slice3A_175 = vector.extract_strided_slice %get3A_58 {offsets = [0, 384], sizes = [640, 128], strides = [1, 1]} : vector<640x1152xf32> to vector<640x128xf32>
    %slice3A_176 = vector.extract_strided_slice %dot_general3A_55 {offsets = [0, 29], sizes = [640, 1], strides = [1, 1]} : vector<640x81xf32> to vector<640x1xf32>
    %mul3A_177 = vector.broadcast %slice3A_176 : vector<640x1xf32> to vector<640x128xf32>
    %mul3A_178 = arith.mulf %slice3A_175, %mul3A_177 : vector<640x128xf32>
    %add3A_179 = arith.addf %add3A_174, %mul3A_178 : vector<640x128xf32>
    %slice3A_180 = vector.extract_strided_slice %get3A_58 {offsets = [0, 512], sizes = [640, 128], strides = [1, 1]} : vector<640x1152xf32> to vector<640x128xf32>
    %slice3A_181 = vector.extract_strided_slice %dot_general3A_55 {offsets = [0, 38], sizes = [640, 1], strides = [1, 1]} : vector<640x81xf32> to vector<640x1xf32>
    %mul3A_182 = vector.broadcast %slice3A_181 : vector<640x1xf32> to vector<640x128xf32>
    %mul3A_183 = arith.mulf %slice3A_180, %mul3A_182 : vector<640x128xf32>
    %add3A_184 = arith.addf %add3A_179, %mul3A_183 : vector<640x128xf32>
    %slice3A_185 = vector.extract_strided_slice %get3A_58 {offsets = [0, 640], sizes = [640, 128], strides = [1, 1]} : vector<640x1152xf32> to vector<640x128xf32>
    %slice3A_186 = vector.extract_strided_slice %dot_general3A_55 {offsets = [0, 47], sizes = [640, 1], strides = [1, 1]} : vector<640x81xf32> to vector<640x1xf32>
    %mul3A_187 = vector.broadcast %slice3A_186 : vector<640x1xf32> to vector<640x128xf32>
    %mul3A_188 = arith.mulf %slice3A_185, %mul3A_187 : vector<640x128xf32>
    %add3A_189 = arith.addf %add3A_184, %mul3A_188 : vector<640x128xf32>
    %slice3A_190 = vector.extract_strided_slice %get3A_58 {offsets = [0, 768], sizes = [640, 128], strides = [1, 1]} : vector<640x1152xf32> to vector<640x128xf32>
    %slice3A_191 = vector.extract_strided_slice %dot_general3A_55 {offsets = [0, 56], sizes = [640, 1], strides = [1, 1]} : vector<640x81xf32> to vector<640x1xf32>
    %mul3A_192 = vector.broadcast %slice3A_191 : vector<640x1xf32> to vector<640x128xf32>
    %mul3A_193 = arith.mulf %slice3A_190, %mul3A_192 : vector<640x128xf32>
    %add3A_194 = arith.addf %add3A_189, %mul3A_193 : vector<640x128xf32>
    %slice3A_195 = vector.extract_strided_slice %get3A_58 {offsets = [0, 896], sizes = [640, 128], strides = [1, 1]} : vector<640x1152xf32> to vector<640x128xf32>
    %slice3A_196 = vector.extract_strided_slice %dot_general3A_55 {offsets = [0, 65], sizes = [640, 1], strides = [1, 1]} : vector<640x81xf32> to vector<640x1xf32>
    %mul3A_197 = vector.broadcast %slice3A_196 : vector<640x1xf32> to vector<640x128xf32>
    %mul3A_198 = arith.mulf %slice3A_195, %mul3A_197 : vector<640x128xf32>
    %add3A_199 = arith.addf %add3A_194, %mul3A_198 : vector<640x128xf32>
    %slice3A_200 = vector.extract_strided_slice %get3A_58 {offsets = [0, 1024], sizes = [640, 128], strides = [1, 1]} : vector<640x1152xf32> to vector<640x128xf32>
    %slice3A_201 = vector.extract_strided_slice %dot_general3A_55 {offsets = [0, 74], sizes = [640, 1], strides = [1, 1]} : vector<640x81xf32> to vector<640x1xf32>
    %mul3A_202 = vector.broadcast %slice3A_201 : vector<640x1xf32> to vector<640x128xf32>
    %mul3A_203 = arith.mulf %slice3A_200, %mul3A_202 : vector<640x128xf32>
    %add3A_204 = arith.addf %add3A_199, %mul3A_203 : vector<640x128xf32>
    %slice3A_205 = vector.extract_strided_slice %add3A_47 {offsets = [0, 128], sizes = [640, 128], strides = [1, 1]} : vector<640x384xf32> to vector<640x128xf32>
    %mul3A_206 = arith.mulf %add3A_204, %slice3A_205 : vector<640x128xf32>
    %mul3A_207 = arith.constant 6.250000e-02 : f32
    %mul3A_208 = vector.broadcast %mul3A_207 : f32 to vector<640x128xf32>
    %mul3A_209 = arith.mulf %mul3A_206, %mul3A_208 : vector<640x128xf32>
    %swap3A_210 = arith.constant 0 : index
    %swap3A_211 = arith.constant 256 : index
    %swap3A_212 = vector.load %arg11[%swap3A_210, %swap3A_211] : memref<640x1152xf32, #tpu.memory_space<vmem>>, vector<640x128xf32>
    tpu.vector_store %arg11[%swap3A_210, %swap3A_211], %mul3A_209 {strides = array<i32>} : memref<640x1152xf32, #tpu.memory_space<vmem>>, vector<640x128xf32>,
    %slice3A_213 = vector.extract_strided_slice %get3A_58 {offsets = [0, 0], sizes = [640, 128], strides = [1, 1]} : vector<640x1152xf32> to vector<640x128xf32>
    %slice3A_214 = vector.extract_strided_slice %dot_general3A_55 {offsets = [0, 3], sizes = [640, 1], strides = [1, 1]} : vector<640x81xf32> to vector<640x1xf32>
    %mul3A_215 = vector.broadcast %slice3A_214 : vector<640x1xf32> to vector<640x128xf32>
    %mul3A_216 = arith.mulf %slice3A_213, %mul3A_215 : vector<640x128xf32>
    %slice3A_217 = vector.extract_strided_slice %get3A_58 {offsets = [0, 128], sizes = [640, 128], strides = [1, 1]} : vector<640x1152xf32> to vector<640x128xf32>
    %slice3A_218 = vector.extract_strided_slice %dot_general3A_55 {offsets = [0, 12], sizes = [640, 1], strides = [1, 1]} : vector<640x81xf32> to vector<640x1xf32>
    %mul3A_219 = vector.broadcast %slice3A_218 : vector<640x1xf32> to vector<640x128xf32>
    %mul3A_220 = arith.mulf %slice3A_217, %mul3A_219 : vector<640x128xf32>
    %add3A_221 = arith.addf %mul3A_216, %mul3A_220 : vector<640x128xf32>
    %slice3A_222 = vector.extract_strided_slice %get3A_58 {offsets = [0, 256], sizes = [640, 128], strides = [1, 1]} : vector<640x1152xf32> to vector<640x128xf32>
    %slice3A_223 = vector.extract_strided_slice %dot_general3A_55 {offsets = [0, 21], sizes = [640, 1], strides = [1, 1]} : vector<640x81xf32> to vector<640x1xf32>
    %mul3A_224 = vector.broadcast %slice3A_223 : vector<640x1xf32> to vector<640x128xf32>
    %mul3A_225 = arith.mulf %slice3A_222, %mul3A_224 : vector<640x128xf32>
    %add3A_226 = arith.addf %add3A_221, %mul3A_225 : vector<640x128xf32>
    %slice3A_227 = vector.extract_strided_slice %get3A_58 {offsets = [0, 384], sizes = [640, 128], strides = [1, 1]} : vector<640x1152xf32> to vector<640x128xf32>
    %slice3A_228 = vector.extract_strided_slice %dot_general3A_55 {offsets = [0, 30], sizes = [640, 1], strides = [1, 1]} : vector<640x81xf32> to vector<640x1xf32>
    %mul3A_229 = vector.broadcast %slice3A_228 : vector<640x1xf32> to vector<640x128xf32>
    %mul3A_230 = arith.mulf %slice3A_227, %mul3A_229 : vector<640x128xf32>
    %add3A_231 = arith.addf %add3A_226, %mul3A_230 : vector<640x128xf32>
    %slice3A_232 = vector.extract_strided_slice %get3A_58 {offsets = [0, 512], sizes = [640, 128], strides = [1, 1]} : vector<640x1152xf32> to vector<640x128xf32>
    %slice3A_233 = vector.extract_strided_slice %dot_general3A_55 {offsets = [0, 39], sizes = [640, 1], strides = [1, 1]} : vector<640x81xf32> to vector<640x1xf32>
    %mul3A_234 = vector.broadcast %slice3A_233 : vector<640x1xf32> to vector<640x128xf32>
    %mul3A_235 = arith.mulf %slice3A_232, %mul3A_234 : vector<640x128xf32>
    %add3A_236 = arith.addf %add3A_231, %mul3A_235 : vector<640x128xf32>
    %slice3A_237 = vector.extract_strided_slice %get3A_58 {offsets = [0, 640], sizes = [640, 128], strides = [1, 1]} : vector<640x1152xf32> to vector<640x128xf32>
    %slice3A_238 = vector.extract_strided_slice %dot_general3A_55 {offsets = [0, 48], sizes = [640, 1], strides = [1, 1]} : vector<640x81xf32> to vector<640x1xf32>
    %mul3A_239 = vector.broadcast %slice3A_238 : vector<640x1xf32> to vector<640x128xf32>
    %mul3A_240 = arith.mulf %slice3A_237, %mul3A_239 : vector<640x128xf32>
    %add3A_241 = arith.addf %add3A_236, %mul3A_240 : vector<640x128xf32>
    %slice3A_242 = vector.extract_strided_slice %get3A_58 {offsets = [0, 768], sizes = [640, 128], strides = [1, 1]} : vector<640x1152xf32> to vector<640x128xf32>
    %slice3A_243 = vector.extract_strided_slice %dot_general3A_55 {offsets = [0, 57], sizes = [640, 1], strides = [1, 1]} : vector<640x81xf32> to vector<640x1xf32>
    %mul3A_244 = vector.broadcast %slice3A_243 : vector<640x1xf32> to vector<640x128xf32>
    %mul3A_245 = arith.mulf %slice3A_242, %mul3A_244 : vector<640x128xf32>
    %add3A_246 = arith.addf %add3A_241, %mul3A_245 : vector<640x128xf32>
    %slice3A_247 = vector.extract_strided_slice %get3A_58 {offsets = [0, 896], sizes = [640, 128], strides = [1, 1]} : vector<640x1152xf32> to vector<640x128xf32>
    %slice3A_248 = vector.extract_strided_slice %dot_general3A_55 {offsets = [0, 66], sizes = [640, 1], strides = [1, 1]} : vector<640x81xf32> to vector<640x1xf32>
    %mul3A_249 = vector.broadcast %slice3A_248 : vector<640x1xf32> to vector<640x128xf32>
    %mul3A_250 = arith.mulf %slice3A_247, %mul3A_249 : vector<640x128xf32>
    %add3A_251 = arith.addf %add3A_246, %mul3A_250 : vector<640x128xf32>
    %slice3A_252 = vector.extract_strided_slice %get3A_58 {offsets = [0, 1024], sizes = [640, 128], strides = [1, 1]} : vector<640x1152xf32> to vector<640x128xf32>
    %slice3A_253 = vector.extract_strided_slice %dot_general3A_55 {offsets = [0, 75], sizes = [640, 1], strides = [1, 1]} : vector<640x81xf32> to vector<640x1xf32>
    %mul3A_254 = vector.broadcast %slice3A_253 : vector<640x1xf32> to vector<640x128xf32>
    %mul3A_255 = arith.mulf %slice3A_252, %mul3A_254 : vector<640x128xf32>
    %add3A_256 = arith.addf %add3A_251, %mul3A_255 : vector<640x128xf32>
    %slice3A_257 = vector.extract_strided_slice %add3A_47 {offsets = [0, 128], sizes = [640, 128], strides = [1, 1]} : vector<640x384xf32> to vector<640x128xf32>
    %mul3A_258 = arith.mulf %add3A_256, %slice3A_257 : vector<640x128xf32>
    %mul3A_259 = arith.constant 6.250000e-02 : f32
    %mul3A_260 = vector.broadcast %mul3A_259 : f32 to vector<640x128xf32>
    %mul3A_261 = arith.mulf %mul3A_258, %mul3A_260 : vector<640x128xf32>
    %swap3A_262 = arith.constant 0 : index
    %swap3A_263 = arith.constant 384 : index
    %swap3A_264 = vector.load %arg11[%swap3A_262, %swap3A_263] : memref<640x1152xf32, #tpu.memory_space<vmem>>, vector<640x128xf32>
    tpu.vector_store %arg11[%swap3A_262, %swap3A_263], %mul3A_261 {strides = array<i32>} : memref<640x1152xf32, #tpu.memory_space<vmem>>, vector<640x128xf32>,
    %slice3A_265 = vector.extract_strided_slice %get3A_58 {offsets = [0, 0], sizes = [640, 128], strides = [1, 1]} : vector<640x1152xf32> to vector<640x128xf32>
    %slice3A_266 = vector.extract_strided_slice %dot_general3A_55 {offsets = [0, 4], sizes = [640, 1], strides = [1, 1]} : vector<640x81xf32> to vector<640x1xf32>
    %mul3A_267 = vector.broadcast %slice3A_266 : vector<640x1xf32> to vector<640x128xf32>
    %mul3A_268 = arith.mulf %slice3A_265, %mul3A_267 : vector<640x128xf32>
    %slice3A_269 = vector.extract_strided_slice %get3A_58 {offsets = [0, 128], sizes = [640, 128], strides = [1, 1]} : vector<640x1152xf32> to vector<640x128xf32>
    %slice3A_270 = vector.extract_strided_slice %dot_general3A_55 {offsets = [0, 13], sizes = [640, 1], strides = [1, 1]} : vector<640x81xf32> to vector<640x1xf32>
    %mul3A_271 = vector.broadcast %slice3A_270 : vector<640x1xf32> to vector<640x128xf32>
    %mul3A_272 = arith.mulf %slice3A_269, %mul3A_271 : vector<640x128xf32>
    %add3A_273 = arith.addf %mul3A_268, %mul3A_272 : vector<640x128xf32>
    %slice3A_274 = vector.extract_strided_slice %get3A_58 {offsets = [0, 256], sizes = [640, 128], strides = [1, 1]} : vector<640x1152xf32> to vector<640x128xf32>
    %slice3A_275 = vector.extract_strided_slice %dot_general3A_55 {offsets = [0, 22], sizes = [640, 1], strides = [1, 1]} : vector<640x81xf32> to vector<640x1xf32>
    %mul3A_276 = vector.broadcast %slice3A_275 : vector<640x1xf32> to vector<640x128xf32>
    %mul3A_277 = arith.mulf %slice3A_274, %mul3A_276 : vector<640x128xf32>
    %add3A_278 = arith.addf %add3A_273, %mul3A_277 : vector<640x128xf32>
    %slice3A_279 = vector.extract_strided_slice %get3A_58 {offsets = [0, 384], sizes = [640, 128], strides = [1, 1]} : vector<640x1152xf32> to vector<640x128xf32>
    %slice3A_280 = vector.extract_strided_slice %dot_general3A_55 {offsets = [0, 31], sizes = [640, 1], strides = [1, 1]} : vector<640x81xf32> to vector<640x1xf32>
    %mul3A_281 = vector.broadcast %slice3A_280 : vector<640x1xf32> to vector<640x128xf32>
    %mul3A_282 = arith.mulf %slice3A_279, %mul3A_281 : vector<640x128xf32>
    %add3A_283 = arith.addf %add3A_278, %mul3A_282 : vector<640x128xf32>
    %slice3A_284 = vector.extract_strided_slice %get3A_58 {offsets = [0, 512], sizes = [640, 128], strides = [1, 1]} : vector<640x1152xf32> to vector<640x128xf32>
    %slice3A_285 = vector.extract_strided_slice %dot_general3A_55 {offsets = [0, 40], sizes = [640, 1], strides = [1, 1]} : vector<640x81xf32> to vector<640x1xf32>
    %mul3A_286 = vector.broadcast %slice3A_285 : vector<640x1xf32> to vector<640x128xf32>
    %mul3A_287 = arith.mulf %slice3A_284, %mul3A_286 : vector<640x128xf32>
    %add3A_288 = arith.addf %add3A_283, %mul3A_287 : vector<640x128xf32>
    %slice3A_289 = vector.extract_strided_slice %get3A_58 {offsets = [0, 640], sizes = [640, 128], strides = [1, 1]} : vector<640x1152xf32> to vector<640x128xf32>
    %slice3A_290 = vector.extract_strided_slice %dot_general3A_55 {offsets = [0, 49], sizes = [640, 1], strides = [1, 1]} : vector<640x81xf32> to vector<640x1xf32>
    %mul3A_291 = vector.broadcast %slice3A_290 : vector<640x1xf32> to vector<640x128xf32>
    %mul3A_292 = arith.mulf %slice3A_289, %mul3A_291 : vector<640x128xf32>
    %add3A_293 = arith.addf %add3A_288, %mul3A_292 : vector<640x128xf32>
    %slice3A_294 = vector.extract_strided_slice %get3A_58 {offsets = [0, 768], sizes = [640, 128], strides = [1, 1]} : vector<640x1152xf32> to vector<640x128xf32>
    %slice3A_295 = vector.extract_strided_slice %dot_general3A_55 {offsets = [0, 58], sizes = [640, 1], strides = [1, 1]} : vector<640x81xf32> to vector<640x1xf32>
    %mul3A_296 = vector.broadcast %slice3A_295 : vector<640x1xf32> to vector<640x128xf32>
    %mul3A_297 = arith.mulf %slice3A_294, %mul3A_296 : vector<640x128xf32>
    %add3A_298 = arith.addf %add3A_293, %mul3A_297 : vector<640x128xf32>
    %slice3A_299 = vector.extract_strided_slice %get3A_58 {offsets = [0, 896], sizes = [640, 128], strides = [1, 1]} : vector<640x1152xf32> to vector<640x128xf32>
    %slice3A_300 = vector.extract_strided_slice %dot_general3A_55 {offsets = [0, 67], sizes = [640, 1], strides = [1, 1]} : vector<640x81xf32> to vector<640x1xf32>
    %mul3A_301 = vector.broadcast %slice3A_300 : vector<640x1xf32> to vector<640x128xf32>
    %mul3A_302 = arith.mulf %slice3A_299, %mul3A_301 : vector<640x128xf32>
    %add3A_303 = arith.addf %add3A_298, %mul3A_302 : vector<640x128xf32>
    %slice3A_304 = vector.extract_strided_slice %get3A_58 {offsets = [0, 1024], sizes = [640, 128], strides = [1, 1]} : vector<640x1152xf32> to vector<640x128xf32>
    %slice3A_305 = vector.extract_strided_slice %dot_general3A_55 {offsets = [0, 76], sizes = [640, 1], strides = [1, 1]} : vector<640x81xf32> to vector<640x1xf32>
    %mul3A_306 = vector.broadcast %slice3A_305 : vector<640x1xf32> to vector<640x128xf32>
    %mul3A_307 = arith.mulf %slice3A_304, %mul3A_306 : vector<640x128xf32>
    %add3A_308 = arith.addf %add3A_303, %mul3A_307 : vector<640x128xf32>
    %slice3A_309 = vector.extract_strided_slice %add3A_47 {offsets = [0, 256], sizes = [640, 128], strides = [1, 1]} : vector<640x384xf32> to vector<640x128xf32>
    %mul3A_310 = arith.mulf %add3A_308, %slice3A_309 : vector<640x128xf32>
    %mul3A_311 = arith.constant 6.250000e-02 : f32
    %mul3A_312 = vector.broadcast %mul3A_311 : f32 to vector<640x128xf32>
    %mul3A_313 = arith.mulf %mul3A_310, %mul3A_312 : vector<640x128xf32>
    %swap3A_314 = arith.constant 0 : index
    %swap3A_315 = arith.constant 512 : index
    %swap3A_316 = vector.load %arg11[%swap3A_314, %swap3A_315] : memref<640x1152xf32, #tpu.memory_space<vmem>>, vector<640x128xf32>
    tpu.vector_store %arg11[%swap3A_314, %swap3A_315], %mul3A_313 {strides = array<i32>} : memref<640x1152xf32, #tpu.memory_space<vmem>>, vector<640x128xf32>,
    %slice3A_317 = vector.extract_strided_slice %get3A_58 {offsets = [0, 0], sizes = [640, 128], strides = [1, 1]} : vector<640x1152xf32> to vector<640x128xf32>
    %slice3A_318 = vector.extract_strided_slice %dot_general3A_55 {offsets = [0, 5], sizes = [640, 1], strides = [1, 1]} : vector<640x81xf32> to vector<640x1xf32>
    %mul3A_319 = vector.broadcast %slice3A_318 : vector<640x1xf32> to vector<640x128xf32>
    %mul3A_320 = arith.mulf %slice3A_317, %mul3A_319 : vector<640x128xf32>
    %slice3A_321 = vector.extract_strided_slice %get3A_58 {offsets = [0, 128], sizes = [640, 128], strides = [1, 1]} : vector<640x1152xf32> to vector<640x128xf32>
    %slice3A_322 = vector.extract_strided_slice %dot_general3A_55 {offsets = [0, 14], sizes = [640, 1], strides = [1, 1]} : vector<640x81xf32> to vector<640x1xf32>
    %mul3A_323 = vector.broadcast %slice3A_322 : vector<640x1xf32> to vector<640x128xf32>
    %mul3A_324 = arith.mulf %slice3A_321, %mul3A_323 : vector<640x128xf32>
    %add3A_325 = arith.addf %mul3A_320, %mul3A_324 : vector<640x128xf32>
    %slice3A_326 = vector.extract_strided_slice %get3A_58 {offsets = [0, 256], sizes = [640, 128], strides = [1, 1]} : vector<640x1152xf32> to vector<640x128xf32>
    %slice3A_327 = vector.extract_strided_slice %dot_general3A_55 {offsets = [0, 23], sizes = [640, 1], strides = [1, 1]} : vector<640x81xf32> to vector<640x1xf32>
    %mul3A_328 = vector.broadcast %slice3A_327 : vector<640x1xf32> to vector<640x128xf32>
    %mul3A_329 = arith.mulf %slice3A_326, %mul3A_328 : vector<640x128xf32>
    %add3A_330 = arith.addf %add3A_325, %mul3A_329 : vector<640x128xf32>
    %slice3A_331 = vector.extract_strided_slice %get3A_58 {offsets = [0, 384], sizes = [640, 128], strides = [1, 1]} : vector<640x1152xf32> to vector<640x128xf32>
    %slice3A_332 = vector.extract_strided_slice %dot_general3A_55 {offsets = [0, 32], sizes = [640, 1], strides = [1, 1]} : vector<640x81xf32> to vector<640x1xf32>
    %mul3A_333 = vector.broadcast %slice3A_332 : vector<640x1xf32> to vector<640x128xf32>
    %mul3A_334 = arith.mulf %slice3A_331, %mul3A_333 : vector<640x128xf32>
    %add3A_335 = arith.addf %add3A_330, %mul3A_334 : vector<640x128xf32>
    %slice3A_336 = vector.extract_strided_slice %get3A_58 {offsets = [0, 512], sizes = [640, 128], strides = [1, 1]} : vector<640x1152xf32> to vector<640x128xf32>
    %slice3A_337 = vector.extract_strided_slice %dot_general3A_55 {offsets = [0, 41], sizes = [640, 1], strides = [1, 1]} : vector<640x81xf32> to vector<640x1xf32>
    %mul3A_338 = vector.broadcast %slice3A_337 : vector<640x1xf32> to vector<640x128xf32>
    %mul3A_339 = arith.mulf %slice3A_336, %mul3A_338 : vector<640x128xf32>
    %add3A_340 = arith.addf %add3A_335, %mul3A_339 : vector<640x128xf32>
    %slice3A_341 = vector.extract_strided_slice %get3A_58 {offsets = [0, 640], sizes = [640, 128], strides = [1, 1]} : vector<640x1152xf32> to vector<640x128xf32>
    %slice3A_342 = vector.extract_strided_slice %dot_general3A_55 {offsets = [0, 50], sizes = [640, 1], strides = [1, 1]} : vector<640x81xf32> to vector<640x1xf32>
    %mul3A_343 = vector.broadcast %slice3A_342 : vector<640x1xf32> to vector<640x128xf32>
    %mul3A_344 = arith.mulf %slice3A_341, %mul3A_343 : vector<640x128xf32>
    %add3A_345 = arith.addf %add3A_340, %mul3A_344 : vector<640x128xf32>
    %slice3A_346 = vector.extract_strided_slice %get3A_58 {offsets = [0, 768], sizes = [640, 128], strides = [1, 1]} : vector<640x1152xf32> to vector<640x128xf32>
    %slice3A_347 = vector.extract_strided_slice %dot_general3A_55 {offsets = [0, 59], sizes = [640, 1], strides = [1, 1]} : vector<640x81xf32> to vector<640x1xf32>
    %mul3A_348 = vector.broadcast %slice3A_347 : vector<640x1xf32> to vector<640x128xf32>
    %mul3A_349 = arith.mulf %slice3A_346, %mul3A_348 : vector<640x128xf32>
    %add3A_350 = arith.addf %add3A_345, %mul3A_349 : vector<640x128xf32>
    %slice3A_351 = vector.extract_strided_slice %get3A_58 {offsets = [0, 896], sizes = [640, 128], strides = [1, 1]} : vector<640x1152xf32> to vector<640x128xf32>
    %slice3A_352 = vector.extract_strided_slice %dot_general3A_55 {offsets = [0, 68], sizes = [640, 1], strides = [1, 1]} : vector<640x81xf32> to vector<640x1xf32>
    %mul3A_353 = vector.broadcast %slice3A_352 : vector<640x1xf32> to vector<640x128xf32>
    %mul3A_354 = arith.mulf %slice3A_351, %mul3A_353 : vector<640x128xf32>
    %add3A_355 = arith.addf %add3A_350, %mul3A_354 : vector<640x128xf32>
    %slice3A_356 = vector.extract_strided_slice %get3A_58 {offsets = [0, 1024], sizes = [640, 128], strides = [1, 1]} : vector<640x1152xf32> to vector<640x128xf32>
    %slice3A_357 = vector.extract_strided_slice %dot_general3A_55 {offsets = [0, 77], sizes = [640, 1], strides = [1, 1]} : vector<640x81xf32> to vector<640x1xf32>
    %mul3A_358 = vector.broadcast %slice3A_357 : vector<640x1xf32> to vector<640x128xf32>
    %mul3A_359 = arith.mulf %slice3A_356, %mul3A_358 : vector<640x128xf32>
    %add3A_360 = arith.addf %add3A_355, %mul3A_359 : vector<640x128xf32>
    %slice3A_361 = vector.extract_strided_slice %add3A_47 {offsets = [0, 256], sizes = [640, 128], strides = [1, 1]} : vector<640x384xf32> to vector<640x128xf32>
    %mul3A_362 = arith.mulf %add3A_360, %slice3A_361 : vector<640x128xf32>
    %mul3A_363 = arith.constant 6.250000e-02 : f32
    %mul3A_364 = vector.broadcast %mul3A_363 : f32 to vector<640x128xf32>
    %mul3A_365 = arith.mulf %mul3A_362, %mul3A_364 : vector<640x128xf32>
    %swap3A_366 = arith.constant 0 : index
    %swap3A_367 = arith.constant 640 : index
    %swap3A_368 = vector.load %arg11[%swap3A_366, %swap3A_367] : memref<640x1152xf32, #tpu.memory_space<vmem>>, vector<640x128xf32>
    tpu.vector_store %arg11[%swap3A_366, %swap3A_367], %mul3A_365 {strides = array<i32>} : memref<640x1152xf32, #tpu.memory_space<vmem>>, vector<640x128xf32>,
    %slice3A_369 = vector.extract_strided_slice %get3A_58 {offsets = [0, 0], sizes = [640, 128], strides = [1, 1]} : vector<640x1152xf32> to vector<640x128xf32>
    %slice3A_370 = vector.extract_strided_slice %dot_general3A_55 {offsets = [0, 6], sizes = [640, 1], strides = [1, 1]} : vector<640x81xf32> to vector<640x1xf32>
    %mul3A_371 = vector.broadcast %slice3A_370 : vector<640x1xf32> to vector<640x128xf32>
    %mul3A_372 = arith.mulf %slice3A_369, %mul3A_371 : vector<640x128xf32>
    %slice3A_373 = vector.extract_strided_slice %get3A_58 {offsets = [0, 128], sizes = [640, 128], strides = [1, 1]} : vector<640x1152xf32> to vector<640x128xf32>
    %slice3A_374 = vector.extract_strided_slice %dot_general3A_55 {offsets = [0, 15], sizes = [640, 1], strides = [1, 1]} : vector<640x81xf32> to vector<640x1xf32>
    %mul3A_375 = vector.broadcast %slice3A_374 : vector<640x1xf32> to vector<640x128xf32>
    %mul3A_376 = arith.mulf %slice3A_373, %mul3A_375 : vector<640x128xf32>
    %add3A_377 = arith.addf %mul3A_372, %mul3A_376 : vector<640x128xf32>
    %slice3A_378 = vector.extract_strided_slice %get3A_58 {offsets = [0, 256], sizes = [640, 128], strides = [1, 1]} : vector<640x1152xf32> to vector<640x128xf32>
    %slice3A_379 = vector.extract_strided_slice %dot_general3A_55 {offsets = [0, 24], sizes = [640, 1], strides = [1, 1]} : vector<640x81xf32> to vector<640x1xf32>
    %mul3A_380 = vector.broadcast %slice3A_379 : vector<640x1xf32> to vector<640x128xf32>
    %mul3A_381 = arith.mulf %slice3A_378, %mul3A_380 : vector<640x128xf32>
    %add3A_382 = arith.addf %add3A_377, %mul3A_381 : vector<640x128xf32>
    %slice3A_383 = vector.extract_strided_slice %get3A_58 {offsets = [0, 384], sizes = [640, 128], strides = [1, 1]} : vector<640x1152xf32> to vector<640x128xf32>
    %slice3A_384 = vector.extract_strided_slice %dot_general3A_55 {offsets = [0, 33], sizes = [640, 1], strides = [1, 1]} : vector<640x81xf32> to vector<640x1xf32>
    %mul3A_385 = vector.broadcast %slice3A_384 : vector<640x1xf32> to vector<640x128xf32>
    %mul3A_386 = arith.mulf %slice3A_383, %mul3A_385 : vector<640x128xf32>
    %add3A_387 = arith.addf %add3A_382, %mul3A_386 : vector<640x128xf32>
    %slice3A_388 = vector.extract_strided_slice %get3A_58 {offsets = [0, 512], sizes = [640, 128], strides = [1, 1]} : vector<640x1152xf32> to vector<640x128xf32>
    %slice3A_389 = vector.extract_strided_slice %dot_general3A_55 {offsets = [0, 42], sizes = [640, 1], strides = [1, 1]} : vector<640x81xf32> to vector<640x1xf32>
    %mul3A_390 = vector.broadcast %slice3A_389 : vector<640x1xf32> to vector<640x128xf32>
    %mul3A_391 = arith.mulf %slice3A_388, %mul3A_390 : vector<640x128xf32>
    %add3A_392 = arith.addf %add3A_387, %mul3A_391 : vector<640x128xf32>
    %slice3A_393 = vector.extract_strided_slice %get3A_58 {offsets = [0, 640], sizes = [640, 128], strides = [1, 1]} : vector<640x1152xf32> to vector<640x128xf32>
    %slice3A_394 = vector.extract_strided_slice %dot_general3A_55 {offsets = [0, 51], sizes = [640, 1], strides = [1, 1]} : vector<640x81xf32> to vector<640x1xf32>
    %mul3A_395 = vector.broadcast %slice3A_394 : vector<640x1xf32> to vector<640x128xf32>
    %mul3A_396 = arith.mulf %slice3A_393, %mul3A_395 : vector<640x128xf32>
    %add3A_397 = arith.addf %add3A_392, %mul3A_396 : vector<640x128xf32>
    %slice3A_398 = vector.extract_strided_slice %get3A_58 {offsets = [0, 768], sizes = [640, 128], strides = [1, 1]} : vector<640x1152xf32> to vector<640x128xf32>
    %slice3A_399 = vector.extract_strided_slice %dot_general3A_55 {offsets = [0, 60], sizes = [640, 1], strides = [1, 1]} : vector<640x81xf32> to vector<640x1xf32>
    %mul3A_400 = vector.broadcast %slice3A_399 : vector<640x1xf32> to vector<640x128xf32>
    %mul3A_401 = arith.mulf %slice3A_398, %mul3A_400 : vector<640x128xf32>
    %add3A_402 = arith.addf %add3A_397, %mul3A_401 : vector<640x128xf32>
    %slice3A_403 = vector.extract_strided_slice %get3A_58 {offsets = [0, 896], sizes = [640, 128], strides = [1, 1]} : vector<640x1152xf32> to vector<640x128xf32>
    %slice3A_404 = vector.extract_strided_slice %dot_general3A_55 {offsets = [0, 69], sizes = [640, 1], strides = [1, 1]} : vector<640x81xf32> to vector<640x1xf32>
    %mul3A_405 = vector.broadcast %slice3A_404 : vector<640x1xf32> to vector<640x128xf32>
    %mul3A_406 = arith.mulf %slice3A_403, %mul3A_405 : vector<640x128xf32>
    %add3A_407 = arith.addf %add3A_402, %mul3A_406 : vector<640x128xf32>
    %slice3A_408 = vector.extract_strided_slice %get3A_58 {offsets = [0, 1024], sizes = [640, 128], strides = [1, 1]} : vector<640x1152xf32> to vector<640x128xf32>
    %slice3A_409 = vector.extract_strided_slice %dot_general3A_55 {offsets = [0, 78], sizes = [640, 1], strides = [1, 1]} : vector<640x81xf32> to vector<640x1xf32>
    %mul3A_410 = vector.broadcast %slice3A_409 : vector<640x1xf32> to vector<640x128xf32>
    %mul3A_411 = arith.mulf %slice3A_408, %mul3A_410 : vector<640x128xf32>
    %add3A_412 = arith.addf %add3A_407, %mul3A_411 : vector<640x128xf32>
    %slice3A_413 = vector.extract_strided_slice %add3A_47 {offsets = [0, 256], sizes = [640, 128], strides = [1, 1]} : vector<640x384xf32> to vector<640x128xf32>
    %mul3A_414 = arith.mulf %add3A_412, %slice3A_413 : vector<640x128xf32>
    %mul3A_415 = arith.constant 6.250000e-02 : f32
    %mul3A_416 = vector.broadcast %mul3A_415 : f32 to vector<640x128xf32>
    %mul3A_417 = arith.mulf %mul3A_414, %mul3A_416 : vector<640x128xf32>
    %swap3A_418 = arith.constant 0 : index
    %swap3A_419 = arith.constant 768 : index
    %swap3A_420 = vector.load %arg11[%swap3A_418, %swap3A_419] : memref<640x1152xf32, #tpu.memory_space<vmem>>, vector<640x128xf32>
    tpu.vector_store %arg11[%swap3A_418, %swap3A_419], %mul3A_417 {strides = array<i32>} : memref<640x1152xf32, #tpu.memory_space<vmem>>, vector<640x128xf32>,
    %slice3A_421 = vector.extract_strided_slice %get3A_58 {offsets = [0, 0], sizes = [640, 128], strides = [1, 1]} : vector<640x1152xf32> to vector<640x128xf32>
    %slice3A_422 = vector.extract_strided_slice %dot_general3A_55 {offsets = [0, 7], sizes = [640, 1], strides = [1, 1]} : vector<640x81xf32> to vector<640x1xf32>
    %mul3A_423 = vector.broadcast %slice3A_422 : vector<640x1xf32> to vector<640x128xf32>
    %mul3A_424 = arith.mulf %slice3A_421, %mul3A_423 : vector<640x128xf32>
    %slice3A_425 = vector.extract_strided_slice %get3A_58 {offsets = [0, 128], sizes = [640, 128], strides = [1, 1]} : vector<640x1152xf32> to vector<640x128xf32>
    %slice3A_426 = vector.extract_strided_slice %dot_general3A_55 {offsets = [0, 16], sizes = [640, 1], strides = [1, 1]} : vector<640x81xf32> to vector<640x1xf32>
    %mul3A_427 = vector.broadcast %slice3A_426 : vector<640x1xf32> to vector<640x128xf32>
    %mul3A_428 = arith.mulf %slice3A_425, %mul3A_427 : vector<640x128xf32>
    %add3A_429 = arith.addf %mul3A_424, %mul3A_428 : vector<640x128xf32>
    %slice3A_430 = vector.extract_strided_slice %get3A_58 {offsets = [0, 256], sizes = [640, 128], strides = [1, 1]} : vector<640x1152xf32> to vector<640x128xf32>
    %slice3A_431 = vector.extract_strided_slice %dot_general3A_55 {offsets = [0, 25], sizes = [640, 1], strides = [1, 1]} : vector<640x81xf32> to vector<640x1xf32>
    %mul3A_432 = vector.broadcast %slice3A_431 : vector<640x1xf32> to vector<640x128xf32>
    %mul3A_433 = arith.mulf %slice3A_430, %mul3A_432 : vector<640x128xf32>
    %add3A_434 = arith.addf %add3A_429, %mul3A_433 : vector<640x128xf32>
    %slice3A_435 = vector.extract_strided_slice %get3A_58 {offsets = [0, 384], sizes = [640, 128], strides = [1, 1]} : vector<640x1152xf32> to vector<640x128xf32>
    %slice3A_436 = vector.extract_strided_slice %dot_general3A_55 {offsets = [0, 34], sizes = [640, 1], strides = [1, 1]} : vector<640x81xf32> to vector<640x1xf32>
    %mul3A_437 = vector.broadcast %slice3A_436 : vector<640x1xf32> to vector<640x128xf32>
    %mul3A_438 = arith.mulf %slice3A_435, %mul3A_437 : vector<640x128xf32>
    %add3A_439 = arith.addf %add3A_434, %mul3A_438 : vector<640x128xf32>
    %slice3A_440 = vector.extract_strided_slice %get3A_58 {offsets = [0, 512], sizes = [640, 128], strides = [1, 1]} : vector<640x1152xf32> to vector<640x128xf32>
    %slice3A_441 = vector.extract_strided_slice %dot_general3A_55 {offsets = [0, 43], sizes = [640, 1], strides = [1, 1]} : vector<640x81xf32> to vector<640x1xf32>
    %mul3A_442 = vector.broadcast %slice3A_441 : vector<640x1xf32> to vector<640x128xf32>
    %mul3A_443 = arith.mulf %slice3A_440, %mul3A_442 : vector<640x128xf32>
    %add3A_444 = arith.addf %add3A_439, %mul3A_443 : vector<640x128xf32>
    %slice3A_445 = vector.extract_strided_slice %get3A_58 {offsets = [0, 640], sizes = [640, 128], strides = [1, 1]} : vector<640x1152xf32> to vector<640x128xf32>
    %slice3A_446 = vector.extract_strided_slice %dot_general3A_55 {offsets = [0, 52], sizes = [640, 1], strides = [1, 1]} : vector<640x81xf32> to vector<640x1xf32>
    %mul3A_447 = vector.broadcast %slice3A_446 : vector<640x1xf32> to vector<640x128xf32>
    %mul3A_448 = arith.mulf %slice3A_445, %mul3A_447 : vector<640x128xf32>
    %add3A_449 = arith.addf %add3A_444, %mul3A_448 : vector<640x128xf32>
    %slice3A_450 = vector.extract_strided_slice %get3A_58 {offsets = [0, 768], sizes = [640, 128], strides = [1, 1]} : vector<640x1152xf32> to vector<640x128xf32>
    %slice3A_451 = vector.extract_strided_slice %dot_general3A_55 {offsets = [0, 61], sizes = [640, 1], strides = [1, 1]} : vector<640x81xf32> to vector<640x1xf32>
    %mul3A_452 = vector.broadcast %slice3A_451 : vector<640x1xf32> to vector<640x128xf32>
    %mul3A_453 = arith.mulf %slice3A_450, %mul3A_452 : vector<640x128xf32>
    %add3A_454 = arith.addf %add3A_449, %mul3A_453 : vector<640x128xf32>
    %slice3A_455 = vector.extract_strided_slice %get3A_58 {offsets = [0, 896], sizes = [640, 128], strides = [1, 1]} : vector<640x1152xf32> to vector<640x128xf32>
    %slice3A_456 = vector.extract_strided_slice %dot_general3A_55 {offsets = [0, 70], sizes = [640, 1], strides = [1, 1]} : vector<640x81xf32> to vector<640x1xf32>
    %mul3A_457 = vector.broadcast %slice3A_456 : vector<640x1xf32> to vector<640x128xf32>
    %mul3A_458 = arith.mulf %slice3A_455, %mul3A_457 : vector<640x128xf32>
    %add3A_459 = arith.addf %add3A_454, %mul3A_458 : vector<640x128xf32>
    %slice3A_460 = vector.extract_strided_slice %get3A_58 {offsets = [0, 1024], sizes = [640, 128], strides = [1, 1]} : vector<640x1152xf32> to vector<640x128xf32>
    %slice3A_461 = vector.extract_strided_slice %dot_general3A_55 {offsets = [0, 79], sizes = [640, 1], strides = [1, 1]} : vector<640x81xf32> to vector<640x1xf32>
    %mul3A_462 = vector.broadcast %slice3A_461 : vector<640x1xf32> to vector<640x128xf32>
    %mul3A_463 = arith.mulf %slice3A_460, %mul3A_462 : vector<640x128xf32>
    %add3A_464 = arith.addf %add3A_459, %mul3A_463 : vector<640x128xf32>
    %slice3A_465 = vector.extract_strided_slice %add3A_47 {offsets = [0, 256], sizes = [640, 128], strides = [1, 1]} : vector<640x384xf32> to vector<640x128xf32>
    %mul3A_466 = arith.mulf %add3A_464, %slice3A_465 : vector<640x128xf32>
    %mul3A_467 = arith.constant 6.250000e-02 : f32
    %mul3A_468 = vector.broadcast %mul3A_467 : f32 to vector<640x128xf32>
    %mul3A_469 = arith.mulf %mul3A_466, %mul3A_468 : vector<640x128xf32>
    %swap3A_470 = arith.constant 0 : index
    %swap3A_471 = arith.constant 896 : index
    %swap3A_472 = vector.load %arg11[%swap3A_470, %swap3A_471] : memref<640x1152xf32, #tpu.memory_space<vmem>>, vector<640x128xf32>
    tpu.vector_store %arg11[%swap3A_470, %swap3A_471], %mul3A_469 {strides = array<i32>} : memref<640x1152xf32, #tpu.memory_space<vmem>>, vector<640x128xf32>,
    %slice3A_473 = vector.extract_strided_slice %get3A_58 {offsets = [0, 0], sizes = [640, 128], strides = [1, 1]} : vector<640x1152xf32> to vector<640x128xf32>
    %slice3A_474 = vector.extract_strided_slice %dot_general3A_55 {offsets = [0, 8], sizes = [640, 1], strides = [1, 1]} : vector<640x81xf32> to vector<640x1xf32>
    %mul3A_475 = vector.broadcast %slice3A_474 : vector<640x1xf32> to vector<640x128xf32>
    %mul3A_476 = arith.mulf %slice3A_473, %mul3A_475 : vector<640x128xf32>
    %slice3A_477 = vector.extract_strided_slice %get3A_58 {offsets = [0, 128], sizes = [640, 128], strides = [1, 1]} : vector<640x1152xf32> to vector<640x128xf32>
    %slice3A_478 = vector.extract_strided_slice %dot_general3A_55 {offsets = [0, 17], sizes = [640, 1], strides = [1, 1]} : vector<640x81xf32> to vector<640x1xf32>
    %mul3A_479 = vector.broadcast %slice3A_478 : vector<640x1xf32> to vector<640x128xf32>
    %mul3A_480 = arith.mulf %slice3A_477, %mul3A_479 : vector<640x128xf32>
    %add3A_481 = arith.addf %mul3A_476, %mul3A_480 : vector<640x128xf32>
    %slice3A_482 = vector.extract_strided_slice %get3A_58 {offsets = [0, 256], sizes = [640, 128], strides = [1, 1]} : vector<640x1152xf32> to vector<640x128xf32>
    %slice3A_483 = vector.extract_strided_slice %dot_general3A_55 {offsets = [0, 26], sizes = [640, 1], strides = [1, 1]} : vector<640x81xf32> to vector<640x1xf32>
    %mul3A_484 = vector.broadcast %slice3A_483 : vector<640x1xf32> to vector<640x128xf32>
    %mul3A_485 = arith.mulf %slice3A_482, %mul3A_484 : vector<640x128xf32>
    %add3A_486 = arith.addf %add3A_481, %mul3A_485 : vector<640x128xf32>
    %slice3A_487 = vector.extract_strided_slice %get3A_58 {offsets = [0, 384], sizes = [640, 128], strides = [1, 1]} : vector<640x1152xf32> to vector<640x128xf32>
    %slice3A_488 = vector.extract_strided_slice %dot_general3A_55 {offsets = [0, 35], sizes = [640, 1], strides = [1, 1]} : vector<640x81xf32> to vector<640x1xf32>
    %mul3A_489 = vector.broadcast %slice3A_488 : vector<640x1xf32> to vector<640x128xf32>
    %mul3A_490 = arith.mulf %slice3A_487, %mul3A_489 : vector<640x128xf32>
    %add3A_491 = arith.addf %add3A_486, %mul3A_490 : vector<640x128xf32>
    %slice3A_492 = vector.extract_strided_slice %get3A_58 {offsets = [0, 512], sizes = [640, 128], strides = [1, 1]} : vector<640x1152xf32> to vector<640x128xf32>
    %slice3A_493 = vector.extract_strided_slice %dot_general3A_55 {offsets = [0, 44], sizes = [640, 1], strides = [1, 1]} : vector<640x81xf32> to vector<640x1xf32>
    %mul3A_494 = vector.broadcast %slice3A_493 : vector<640x1xf32> to vector<640x128xf32>
    %mul3A_495 = arith.mulf %slice3A_492, %mul3A_494 : vector<640x128xf32>
    %add3A_496 = arith.addf %add3A_491, %mul3A_495 : vector<640x128xf32>
    %slice3A_497 = vector.extract_strided_slice %get3A_58 {offsets = [0, 640], sizes = [640, 128], strides = [1, 1]} : vector<640x1152xf32> to vector<640x128xf32>
    %slice3A_498 = vector.extract_strided_slice %dot_general3A_55 {offsets = [0, 53], sizes = [640, 1], strides = [1, 1]} : vector<640x81xf32> to vector<640x1xf32>
    %mul3A_499 = vector.broadcast %slice3A_498 : vector<640x1xf32> to vector<640x128xf32>
    %mul3A_500 = arith.mulf %slice3A_497, %mul3A_499 : vector<640x128xf32>
    %add3A_501 = arith.addf %add3A_496, %mul3A_500 : vector<640x128xf32>
    %slice3A_502 = vector.extract_strided_slice %get3A_58 {offsets = [0, 768], sizes = [640, 128], strides = [1, 1]} : vector<640x1152xf32> to vector<640x128xf32>
    %slice3A_503 = vector.extract_strided_slice %dot_general3A_55 {offsets = [0, 62], sizes = [640, 1], strides = [1, 1]} : vector<640x81xf32> to vector<640x1xf32>
    %mul3A_504 = vector.broadcast %slice3A_503 : vector<640x1xf32> to vector<640x128xf32>
    %mul3A_505 = arith.mulf %slice3A_502, %mul3A_504 : vector<640x128xf32>
    %add3A_506 = arith.addf %add3A_501, %mul3A_505 : vector<640x128xf32>
    %slice3A_507 = vector.extract_strided_slice %get3A_58 {offsets = [0, 896], sizes = [640, 128], strides = [1, 1]} : vector<640x1152xf32> to vector<640x128xf32>
    %slice3A_508 = vector.extract_strided_slice %dot_general3A_55 {offsets = [0, 71], sizes = [640, 1], strides = [1, 1]} : vector<640x81xf32> to vector<640x1xf32>
    %mul3A_509 = vector.broadcast %slice3A_508 : vector<640x1xf32> to vector<640x128xf32>
    %mul3A_510 = arith.mulf %slice3A_507, %mul3A_509 : vector<640x128xf32>
    %add3A_511 = arith.addf %add3A_506, %mul3A_510 : vector<640x128xf32>
    %slice3A_512 = vector.extract_strided_slice %get3A_58 {offsets = [0, 1024], sizes = [640, 128], strides = [1, 1]} : vector<640x1152xf32> to vector<640x128xf32>
    %slice3A_513 = vector.extract_strided_slice %dot_general3A_55 {offsets = [0, 80], sizes = [640, 1], strides = [1, 1]} : vector<640x81xf32> to vector<640x1xf32>
    %mul3A_514 = vector.broadcast %slice3A_513 : vector<640x1xf32> to vector<640x128xf32>
    %mul3A_515 = arith.mulf %slice3A_512, %mul3A_514 : vector<640x128xf32>
    %add3A_516 = arith.addf %add3A_511, %mul3A_515 : vector<640x128xf32>
    %slice3A_517 = vector.extract_strided_slice %add3A_47 {offsets = [0, 256], sizes = [640, 128], strides = [1, 1]} : vector<640x384xf32> to vector<640x128xf32>
    %mul3A_518 = arith.mulf %add3A_516, %slice3A_517 : vector<640x128xf32>
    %mul3A_519 = arith.constant 6.250000e-02 : f32
    %mul3A_520 = vector.broadcast %mul3A_519 : f32 to vector<640x128xf32>
    %mul3A_521 = arith.mulf %mul3A_518, %mul3A_520 : vector<640x128xf32>
    %swap3A_522 = arith.constant 0 : index
    %swap3A_523 = arith.constant 1024 : index
    %swap3A_524 = vector.load %arg11[%swap3A_522, %swap3A_523] : memref<640x1152xf32, #tpu.memory_space<vmem>>, vector<640x128xf32>
    tpu.vector_store %arg11[%swap3A_522, %swap3A_523], %mul3A_521 {strides = array<i32>} : memref<640x1152xf32, #tpu.memory_space<vmem>>, vector<640x128xf32>,
    return
  }
  func.func @transform_0(%arg0: i32) -> (i32, i32) {
    %c0_i32 = arith.constant 0 : i32
    %c0_i32_0 = arith.constant 0 : i32
    return %arg0, %c0_i32 : i32, i32
  }
  func.func @transform_1(%arg0: i32) -> (i32, i32) {
    %c0_i32 = arith.constant 0 : i32
    %c0_i32_0 = arith.constant 0 : i32
    return %arg0, %c0_i32 : i32, i32
  }
  func.func @transform_2(%arg0: i32) -> (i32, i32) {
    %c0_i32 = arith.constant 0 : i32
    %c0_i32_0 = arith.constant 0 : i32
    return %arg0, %c0_i32 : i32, i32
  }
  func.func @transform_3(%arg0: i32) -> (i32, i32) {
    %c0_i32 = arith.constant 0 : i32
    %c0_i32_0 = arith.constant 0 : i32
    %c0_i32_1 = arith.constant 0 : i32
    return %c0_i32, %c0_i32_0 : i32, i32
  }
  func.func @transform_4(%arg0: i32) -> (i32, i32) {
    %c0_i32 = arith.constant 0 : i32
    %c0_i32_0 = arith.constant 0 : i32
    %c0_i32_1 = arith.constant 0 : i32
    return %c0_i32, %c0_i32_0 : i32, i32
  }
  func.func @transform_5(%arg0: i32) -> (i32, i32) {
    %c0_i32 = arith.constant 0 : i32
    %c0_i32_0 = arith.constant 0 : i32
    %c0_i32_1 = arith.constant 0 : i32
    return %c0_i32, %c0_i32_0 : i32, i32
  }
  func.func @transform_6(%arg0: i32) -> (i32, i32) {
    %c0_i32 = arith.constant 0 : i32
    %c0_i32_0 = arith.constant 0 : i32
    %c0_i32_1 = arith.constant 0 : i32
    return %c0_i32, %c0_i32_0 : i32, i32
  }
  func.func @transform_7(%arg0: i32) -> (i32, i32) {
    %c0_i32 = arith.constant 0 : i32
    %c0_i32_0 = arith.constant 0 : i32
    %c0_i32_1 = arith.constant 0 : i32
    return %c0_i32, %c0_i32_0 : i32, i32
  }
  func.func @transform_8(%arg0: i32) -> (i32, i32) {
    %c0_i32 = arith.constant 0 : i32
    %c0_i32_0 = arith.constant 0 : i32
    %c0_i32_1 = arith.constant 0 : i32
    return %c0_i32, %c0_i32_0 : i32, i32
  }
  func.func @transform_9(%arg0: i32) -> (i32, i32) {
    %c0_i32 = arith.constant 0 : i32
    %c0_i32_0 = arith.constant 0 : i32
    %c0_i32_1 = arith.constant 0 : i32
    return %c0_i32, %c0_i32_0 : i32, i32
  }
  func.func @transform_10(%arg0: i32) -> (i32, i32) {
    %c0_i32 = arith.constant 0 : i32
    %c0_i32_0 = arith.constant 0 : i32
    return %arg0, %c0_i32 : i32, i32
  }
}

module attributes {stable_mosaic.version = 14 : i64} {
  func.func @_tcs_body(%arg0: i32, %arg1: memref<665xi32, #tpu.memory_space<smem>>, %arg2: memref<665xi32, #tpu.memory_space<smem>>, %arg3: memref<665xi32, #tpu.memory_space<smem>>, %arg4: memref<665xi32, #tpu.memory_space<smem>>, %arg5: memref<256x1152xf32, #tpu.memory_space<vmem>>, %arg6: memref<1x1x256xf32, #tpu.memory_space<vmem>>, %arg7: memref<256x1152xf32, #tpu.memory_space<vmem>>) attributes {dimension_semantics = [#tpu.dimension_semantics<arbitrary>], iteration_bounds = array<i64: 665>, scalar_prefetch = 4 : i64, scratch_operands = 0 : i64, tpu.core_type = #tpu.core_type<tc>, window_params = [{transform_indices = @transform_0, window_bounds = array<i64: 256, 1152>}, {transform_indices = @transform_1, window_bounds = array<i64: 1, 1, 256>}, {transform_indices = @transform_2, window_bounds = array<i64: 256, 1152>}]} {
    %get3A = arith.index_cast %arg0 : i32 to index
    %get3A_0 = memref.load %arg3[%get3A] : memref<665xi32, #tpu.memory_space<smem>>
    %eq3A = arith.constant 1 : i32
    %eq3A_1 = arith.cmpi eq, %get3A_0, %eq3A : i32
    %convert_element_type3A = arith.extui %eq3A_1 : i1 to i32
    %cond3A = arith.constant 0 : i32
    %cond3A_2 = arith.cmpi ne, %convert_element_type3A, %cond3A : i32
    scf.if %cond3A_2 {
      %broadcast_in_dim3A = arith.constant 0.000000e+00 : f32
      %broadcast_in_dim3A_10 = vector.broadcast %broadcast_in_dim3A : f32 to vector<256x1152xf32>
      %swap3A = arith.constant 0 : index
      %swap3A_11 = arith.constant 0 : index
      %swap3A_12 = vector.load %arg7[%swap3A, %swap3A_11] : memref<256x1152xf32, #tpu.memory_space<vmem>>, vector<256x1152xf32>
      tpu.vector_store %arg7[%swap3A, %swap3A_11], %broadcast_in_dim3A_10 {strides = array<i32>} : memref<256x1152xf32, #tpu.memory_space<vmem>>, vector<256x1152xf32>,
    } else {
    }
    %get3A_3 = arith.index_cast %arg0 : i32 to index
    %get3A_4 = memref.load %arg4[%get3A_3] : memref<665xi32, #tpu.memory_space<smem>>
    %eq3A_5 = arith.constant 1 : i32
    %eq3A_6 = arith.cmpi eq, %get3A_4, %eq3A_5 : i32
    %convert_element_type3A_7 = arith.extui %eq3A_6 : i1 to i32
    %cond3A_8 = arith.constant 0 : i32
    %cond3A_9 = arith.cmpi ne, %convert_element_type3A_7, %cond3A_8 : i32
    scf.if %cond3A_9 {
      %get3A_10 = arith.index_cast %arg0 : i32 to index
      %get3A_11 = memref.load %arg2[%get3A_10] : memref<665xi32, #tpu.memory_space<smem>>
      %mul3A = arith.constant 256 : i32
      %mul3A_12 = arith.muli %get3A_11, %mul3A : i32
      %get3A_13 = arith.constant 0 : index
      %get3A_14 = arith.constant 0 : index
      %get3A_15 = arith.constant 0 : index
      %get3A_16 = vector.load %arg6[%get3A_13, %get3A_14, %get3A_15] : memref<1x1x256xf32, #tpu.memory_space<vmem>>, vector<1x1x256xf32>
      %get3A_17 = vector.shape_cast %get3A_16 : vector<1x1x256xf32> to vector<256xf32>
      %convert_element_type3A_18 = arith.fptosi %get3A_17 : vector<256xf32> to vector<256xi32>
      %sub3A = vector.broadcast %mul3A_12 : i32 to vector<256xi32>
      %sub3A_19 = arith.subi %convert_element_type3A_18, %sub3A : vector<256xi32>
      %iota3A = tpu.iota {dimensions = array<i32: 0>} : vector<256x256xi32>
      %broadcast_in_dim3A = vector.shape_cast %sub3A_19 : vector<256xi32> to vector<1x256xi32>
      %eq3A_20 = vector.broadcast %broadcast_in_dim3A : vector<1x256xi32> to vector<256x256xi32>
      %eq3A_21 = arith.cmpi eq, %iota3A, %eq3A_20 : vector<256x256xi32>
      %convert_element_type3A_22 = arith.extui %eq3A_21 : vector<256x256xi1> to vector<256x256xi32>
      %convert_element_type3A_23 = arith.sitofp %convert_element_type3A_22 : vector<256x256xi32> to vector<256x256xf32>
      %get3A_24 = arith.constant 0 : index
      %get3A_25 = arith.constant 0 : index
      %get3A_26 = vector.load %arg7[%get3A_24, %get3A_25] : memref<256x1152xf32, #tpu.memory_space<vmem>>, vector<256x1152xf32>
      %get3A_27 = arith.constant 0 : index
      %get3A_28 = arith.constant 0 : index
      %get3A_29 = vector.load %arg5[%get3A_27, %get3A_28] : memref<256x1152xf32, #tpu.memory_space<vmem>>, vector<256x1152xf32>
      %dot_general3A = arith.constant dense<0.000000e+00> : vector<256x1152xf32>
      %dot_general3A_30 = tpu.matmul %convert_element_type3A_23, %get3A_29, %dot_general3A {dimension_numbers = #tpu.dot_dimension_numbers<[1], [0], [0], [1], [0, 0, 1, 1], [], []>, transpose_lhs_hint = false} : vector<256x256xf32>, vector<256x1152xf32>, vector<256x1152xf32> -> vector<256x1152xf32>
      %add3A = arith.addf %get3A_26, %dot_general3A_30 : vector<256x1152xf32>
      %swap3A = arith.constant 0 : index
      %swap3A_31 = arith.constant 0 : index
      %swap3A_32 = vector.load %arg7[%swap3A, %swap3A_31] : memref<256x1152xf32, #tpu.memory_space<vmem>>, vector<256x1152xf32>
      tpu.vector_store %arg7[%swap3A, %swap3A_31], %add3A {strides = array<i32>} : memref<256x1152xf32, #tpu.memory_space<vmem>>, vector<256x1152xf32>,
    } else {
    }
    return
  }
  func.func @transform_0(%arg0: i32, %arg1: memref<665xi32, #tpu.memory_space<smem>>, %arg2: memref<665xi32, #tpu.memory_space<smem>>, %arg3: memref<665xi32, #tpu.memory_space<smem>>, %arg4: memref<665xi32, #tpu.memory_space<smem>>) -> (i32, i32) {
    %get3A = arith.index_cast %arg0 : i32 to index
    %get3A_0 = memref.load %arg1[%get3A] : memref<665xi32, #tpu.memory_space<smem>>
    %c0_i32 = arith.constant 0 : i32
    %c0_i32_1 = arith.constant 0 : i32
    return %get3A_0, %c0_i32 : i32, i32
  }
  func.func @transform_1(%arg0: i32, %arg1: memref<665xi32, #tpu.memory_space<smem>>, %arg2: memref<665xi32, #tpu.memory_space<smem>>, %arg3: memref<665xi32, #tpu.memory_space<smem>>, %arg4: memref<665xi32, #tpu.memory_space<smem>>) -> (i32, i32, i32) {
    %get3A = arith.index_cast %arg0 : i32 to index
    %get3A_0 = memref.load %arg1[%get3A] : memref<665xi32, #tpu.memory_space<smem>>
    %c0_i32 = arith.constant 0 : i32
    %c0_i32_1 = arith.constant 0 : i32
    %c0_i32_2 = arith.constant 0 : i32
    return %get3A_0, %c0_i32, %c0_i32_1 : i32, i32, i32
  }
  func.func @transform_2(%arg0: i32, %arg1: memref<665xi32, #tpu.memory_space<smem>>, %arg2: memref<665xi32, #tpu.memory_space<smem>>, %arg3: memref<665xi32, #tpu.memory_space<smem>>, %arg4: memref<665xi32, #tpu.memory_space<smem>>) -> (i32, i32) {
    %get3A = arith.index_cast %arg0 : i32 to index
    %get3A_0 = memref.load %arg2[%get3A] : memref<665xi32, #tpu.memory_space<smem>>
    %c0_i32 = arith.constant 0 : i32
    %c0_i32_1 = arith.constant 0 : i32
    return %get3A_0, %c0_i32 : i32, i32
  }
}

module attributes {stable_mosaic.version = 14 : i64} {
  func.func @_nodeB_body(%arg0: i32, %arg1: memref<1000x1152xf32, #tpu.memory_space<vmem>>, %arg2: memref<1000x1152xf32, #tpu.memory_space<vmem>>, %arg3: memref<3x128x128xf32, #tpu.memory_space<vmem>>, %arg4: memref<3x128xf32, #tpu.memory_space<vmem>>, %arg5: memref<3x128x128xf32, #tpu.memory_space<vmem>>, %arg6: memref<1000x1152xf32, #tpu.memory_space<vmem>>) attributes {dimension_semantics = [#tpu.dimension_semantics<arbitrary>], iteration_bounds = array<i64: 10>, scalar_prefetch = 0 : i64, scratch_operands = 0 : i64, tpu.core_type = #tpu.core_type<tc>, window_params = [{transform_indices = @transform_0, window_bounds = array<i64: 1000, 1152>}, {transform_indices = @transform_1, window_bounds = array<i64: 1000, 1152>}, {pipeline_mode = #tpu.pipeline_mode<synchronous>, transform_indices = @transform_2, window_bounds = array<i64: 3, 128, 128>}, {pipeline_mode = #tpu.pipeline_mode<synchronous>, transform_indices = @transform_3, window_bounds = array<i64: 3, 128>}, {pipeline_mode = #tpu.pipeline_mode<synchronous>, transform_indices = @transform_4, window_bounds = array<i64: 3, 128, 128>}, {transform_indices = @transform_5, window_bounds = array<i64: 1000, 1152>}]} {
    %get3A = arith.constant 0 : index
    %get3A_0 = arith.constant 0 : index
    %get3A_1 = vector.load %arg1[%get3A, %get3A_0] : memref<1000x1152xf32, #tpu.memory_space<vmem>>, vector<1000x1152xf32>
    %get3A_2 = arith.constant 0 : index
    %get3A_3 = arith.constant 0 : index
    %get3A_4 = arith.constant 0 : index
    %get3A_5 = vector.load %arg3[%get3A_2, %get3A_3, %get3A_4] : memref<3x128x128xf32, #tpu.memory_space<vmem>>, vector<3x128x128xf32>
    %slice3A = vector.extract_strided_slice %get3A_1 {offsets = [0, 0], sizes = [1000, 128], strides = [1, 1]} : vector<1000x1152xf32> to vector<1000x128xf32>
    %slice3A_6 = vector.extract_strided_slice %get3A_5 {offsets = [0, 0, 0], sizes = [1, 128, 128], strides = [1, 1, 1]} : vector<3x128x128xf32> to vector<1x128x128xf32>
    %squeeze3A = vector.shape_cast %slice3A_6 : vector<1x128x128xf32> to vector<128x128xf32>
    %dot_general3A = arith.constant dense<0.000000e+00> : vector<1000x128xf32>
    %dot_general3A_7 = tpu.matmul %slice3A, %squeeze3A, %dot_general3A {dimension_numbers = #tpu.dot_dimension_numbers<[1], [0], [0], [1], [0, 0, 1, 1], [], []>, transpose_lhs_hint = false} : vector<1000x128xf32>, vector<128x128xf32>, vector<1000x128xf32> -> vector<1000x128xf32>
    %slice3A_8 = vector.extract_strided_slice %get3A_1 {offsets = [0, 128], sizes = [1000, 128], strides = [1, 1]} : vector<1000x1152xf32> to vector<1000x128xf32>
    %slice3A_9 = vector.extract_strided_slice %get3A_5 {offsets = [1, 0, 0], sizes = [1, 128, 128], strides = [1, 1, 1]} : vector<3x128x128xf32> to vector<1x128x128xf32>
    %squeeze3A_10 = vector.shape_cast %slice3A_9 : vector<1x128x128xf32> to vector<128x128xf32>
    %dot_general3A_11 = arith.constant dense<0.000000e+00> : vector<1000x128xf32>
    %dot_general3A_12 = tpu.matmul %slice3A_8, %squeeze3A_10, %dot_general3A_11 {dimension_numbers = #tpu.dot_dimension_numbers<[1], [0], [0], [1], [0, 0, 1, 1], [], []>, transpose_lhs_hint = false} : vector<1000x128xf32>, vector<128x128xf32>, vector<1000x128xf32> -> vector<1000x128xf32>
    %slice3A_13 = vector.extract_strided_slice %get3A_1 {offsets = [0, 256], sizes = [1000, 128], strides = [1, 1]} : vector<1000x1152xf32> to vector<1000x128xf32>
    %slice3A_14 = vector.extract_strided_slice %get3A_5 {offsets = [1, 0, 0], sizes = [1, 128, 128], strides = [1, 1, 1]} : vector<3x128x128xf32> to vector<1x128x128xf32>
    %squeeze3A_15 = vector.shape_cast %slice3A_14 : vector<1x128x128xf32> to vector<128x128xf32>
    %dot_general3A_16 = arith.constant dense<0.000000e+00> : vector<1000x128xf32>
    %dot_general3A_17 = tpu.matmul %slice3A_13, %squeeze3A_15, %dot_general3A_16 {dimension_numbers = #tpu.dot_dimension_numbers<[1], [0], [0], [1], [0, 0, 1, 1], [], []>, transpose_lhs_hint = false} : vector<1000x128xf32>, vector<128x128xf32>, vector<1000x128xf32> -> vector<1000x128xf32>
    %slice3A_18 = vector.extract_strided_slice %get3A_1 {offsets = [0, 384], sizes = [1000, 128], strides = [1, 1]} : vector<1000x1152xf32> to vector<1000x128xf32>
    %slice3A_19 = vector.extract_strided_slice %get3A_5 {offsets = [1, 0, 0], sizes = [1, 128, 128], strides = [1, 1, 1]} : vector<3x128x128xf32> to vector<1x128x128xf32>
    %squeeze3A_20 = vector.shape_cast %slice3A_19 : vector<1x128x128xf32> to vector<128x128xf32>
    %dot_general3A_21 = arith.constant dense<0.000000e+00> : vector<1000x128xf32>
    %dot_general3A_22 = tpu.matmul %slice3A_18, %squeeze3A_20, %dot_general3A_21 {dimension_numbers = #tpu.dot_dimension_numbers<[1], [0], [0], [1], [0, 0, 1, 1], [], []>, transpose_lhs_hint = false} : vector<1000x128xf32>, vector<128x128xf32>, vector<1000x128xf32> -> vector<1000x128xf32>
    %slice3A_23 = vector.extract_strided_slice %get3A_1 {offsets = [0, 512], sizes = [1000, 128], strides = [1, 1]} : vector<1000x1152xf32> to vector<1000x128xf32>
    %slice3A_24 = vector.extract_strided_slice %get3A_5 {offsets = [2, 0, 0], sizes = [1, 128, 128], strides = [1, 1, 1]} : vector<3x128x128xf32> to vector<1x128x128xf32>
    %squeeze3A_25 = vector.shape_cast %slice3A_24 : vector<1x128x128xf32> to vector<128x128xf32>
    %dot_general3A_26 = arith.constant dense<0.000000e+00> : vector<1000x128xf32>
    %dot_general3A_27 = tpu.matmul %slice3A_23, %squeeze3A_25, %dot_general3A_26 {dimension_numbers = #tpu.dot_dimension_numbers<[1], [0], [0], [1], [0, 0, 1, 1], [], []>, transpose_lhs_hint = false} : vector<1000x128xf32>, vector<128x128xf32>, vector<1000x128xf32> -> vector<1000x128xf32>
    %slice3A_28 = vector.extract_strided_slice %get3A_1 {offsets = [0, 640], sizes = [1000, 128], strides = [1, 1]} : vector<1000x1152xf32> to vector<1000x128xf32>
    %slice3A_29 = vector.extract_strided_slice %get3A_5 {offsets = [2, 0, 0], sizes = [1, 128, 128], strides = [1, 1, 1]} : vector<3x128x128xf32> to vector<1x128x128xf32>
    %squeeze3A_30 = vector.shape_cast %slice3A_29 : vector<1x128x128xf32> to vector<128x128xf32>
    %dot_general3A_31 = arith.constant dense<0.000000e+00> : vector<1000x128xf32>
    %dot_general3A_32 = tpu.matmul %slice3A_28, %squeeze3A_30, %dot_general3A_31 {dimension_numbers = #tpu.dot_dimension_numbers<[1], [0], [0], [1], [0, 0, 1, 1], [], []>, transpose_lhs_hint = false} : vector<1000x128xf32>, vector<128x128xf32>, vector<1000x128xf32> -> vector<1000x128xf32>
    %slice3A_33 = vector.extract_strided_slice %get3A_1 {offsets = [0, 768], sizes = [1000, 128], strides = [1, 1]} : vector<1000x1152xf32> to vector<1000x128xf32>
    %slice3A_34 = vector.extract_strided_slice %get3A_5 {offsets = [2, 0, 0], sizes = [1, 128, 128], strides = [1, 1, 1]} : vector<3x128x128xf32> to vector<1x128x128xf32>
    %squeeze3A_35 = vector.shape_cast %slice3A_34 : vector<1x128x128xf32> to vector<128x128xf32>
    %dot_general3A_36 = arith.constant dense<0.000000e+00> : vector<1000x128xf32>
    %dot_general3A_37 = tpu.matmul %slice3A_33, %squeeze3A_35, %dot_general3A_36 {dimension_numbers = #tpu.dot_dimension_numbers<[1], [0], [0], [1], [0, 0, 1, 1], [], []>, transpose_lhs_hint = false} : vector<1000x128xf32>, vector<128x128xf32>, vector<1000x128xf32> -> vector<1000x128xf32>
    %slice3A_38 = vector.extract_strided_slice %get3A_1 {offsets = [0, 896], sizes = [1000, 128], strides = [1, 1]} : vector<1000x1152xf32> to vector<1000x128xf32>
    %slice3A_39 = vector.extract_strided_slice %get3A_5 {offsets = [2, 0, 0], sizes = [1, 128, 128], strides = [1, 1, 1]} : vector<3x128x128xf32> to vector<1x128x128xf32>
    %squeeze3A_40 = vector.shape_cast %slice3A_39 : vector<1x128x128xf32> to vector<128x128xf32>
    %dot_general3A_41 = arith.constant dense<0.000000e+00> : vector<1000x128xf32>
    %dot_general3A_42 = tpu.matmul %slice3A_38, %squeeze3A_40, %dot_general3A_41 {dimension_numbers = #tpu.dot_dimension_numbers<[1], [0], [0], [1], [0, 0, 1, 1], [], []>, transpose_lhs_hint = false} : vector<1000x128xf32>, vector<128x128xf32>, vector<1000x128xf32> -> vector<1000x128xf32>
    %slice3A_43 = vector.extract_strided_slice %get3A_1 {offsets = [0, 1024], sizes = [1000, 128], strides = [1, 1]} : vector<1000x1152xf32> to vector<1000x128xf32>
    %slice3A_44 = vector.extract_strided_slice %get3A_5 {offsets = [2, 0, 0], sizes = [1, 128, 128], strides = [1, 1, 1]} : vector<3x128x128xf32> to vector<1x128x128xf32>
    %squeeze3A_45 = vector.shape_cast %slice3A_44 : vector<1x128x128xf32> to vector<128x128xf32>
    %dot_general3A_46 = arith.constant dense<0.000000e+00> : vector<1000x128xf32>
    %dot_general3A_47 = tpu.matmul %slice3A_43, %squeeze3A_45, %dot_general3A_46 {dimension_numbers = #tpu.dot_dimension_numbers<[1], [0], [0], [1], [0, 0, 1, 1], [], []>, transpose_lhs_hint = false} : vector<1000x128xf32>, vector<128x128xf32>, vector<1000x128xf32> -> vector<1000x128xf32>
    %concatenate3A = tpu.concatenate %dot_general3A_7, %dot_general3A_12, %dot_general3A_17, %dot_general3A_22, %dot_general3A_27, %dot_general3A_32, %dot_general3A_37, %dot_general3A_42, %dot_general3A_47 in 1 : vector<1000x128xf32>, vector<1000x128xf32>, vector<1000x128xf32>, vector<1000x128xf32>, vector<1000x128xf32>, vector<1000x128xf32>, vector<1000x128xf32>, vector<1000x128xf32>, vector<1000x128xf32> -> vector<1000x1152xf32>
    %mul3A = arith.constant 0.0883883461 : f32
    %mul3A_48 = vector.broadcast %mul3A : f32 to vector<1000x1152xf32>
    %mul3A_49 = arith.mulf %concatenate3A, %mul3A_48 : vector<1000x1152xf32>
    %slice3A_50 = vector.extract_strided_slice %mul3A_49 {offsets = [0, 0], sizes = [1000, 128], strides = [1, 1]} : vector<1000x1152xf32> to vector<1000x128xf32>
    %get3A_51 = arith.constant 0 : index
    %get3A_52 = arith.constant 0 : index
    %get3A_53 = vector.load %arg4[%get3A_51, %get3A_52] : memref<3x128xf32, #tpu.memory_space<vmem>>, vector<3x128xf32>
    %slice3A_54 = vector.extract_strided_slice %get3A_53 {offsets = [0, 0], sizes = [1, 128], strides = [1, 1]} : vector<3x128xf32> to vector<1x128xf32>
    %slice3A_55 = vector.extract_strided_slice %get3A_53 {offsets = [1, 0], sizes = [1, 128], strides = [1, 1]} : vector<3x128xf32> to vector<1x128xf32>
    %mul3A_56 = vector.broadcast %slice3A_55 : vector<1x128xf32> to vector<1000x128xf32>
    %mul3A_57 = arith.mulf %mul3A_56, %slice3A_50 : vector<1000x128xf32>
    %add3A = vector.broadcast %slice3A_54 : vector<1x128xf32> to vector<1000x128xf32>
    %add3A_58 = arith.addf %add3A, %mul3A_57 : vector<1000x128xf32>
    %slice3A_59 = vector.extract_strided_slice %get3A_53 {offsets = [2, 0], sizes = [1, 128], strides = [1, 1]} : vector<3x128xf32> to vector<1x128xf32>
    %mul3A_60 = arith.mulf %slice3A_50, %slice3A_50 : vector<1000x128xf32>
    %mul3A_61 = vector.broadcast %slice3A_59 : vector<1x128xf32> to vector<1000x128xf32>
    %mul3A_62 = arith.mulf %mul3A_61, %mul3A_60 : vector<1000x128xf32>
    %add3A_63 = arith.addf %add3A_58, %mul3A_62 : vector<1000x128xf32>
    %slice3A_64 = vector.extract_strided_slice %mul3A_49 {offsets = [0, 0], sizes = [1000, 128], strides = [1, 1]} : vector<1000x1152xf32> to vector<1000x128xf32>
    %mul3A_65 = arith.mulf %slice3A_64, %add3A_63 : vector<1000x128xf32>
    %slice3A_66 = vector.extract_strided_slice %mul3A_49 {offsets = [0, 128], sizes = [1000, 128], strides = [1, 1]} : vector<1000x1152xf32> to vector<1000x128xf32>
    %mul3A_67 = arith.mulf %slice3A_66, %add3A_63 : vector<1000x128xf32>
    %slice3A_68 = vector.extract_strided_slice %mul3A_49 {offsets = [0, 256], sizes = [1000, 128], strides = [1, 1]} : vector<1000x1152xf32> to vector<1000x128xf32>
    %mul3A_69 = arith.mulf %slice3A_68, %add3A_63 : vector<1000x128xf32>
    %slice3A_70 = vector.extract_strided_slice %mul3A_49 {offsets = [0, 384], sizes = [1000, 128], strides = [1, 1]} : vector<1000x1152xf32> to vector<1000x128xf32>
    %mul3A_71 = arith.mulf %slice3A_70, %add3A_63 : vector<1000x128xf32>
    %slice3A_72 = vector.extract_strided_slice %mul3A_49 {offsets = [0, 512], sizes = [1000, 128], strides = [1, 1]} : vector<1000x1152xf32> to vector<1000x128xf32>
    %mul3A_73 = arith.mulf %slice3A_72, %add3A_63 : vector<1000x128xf32>
    %slice3A_74 = vector.extract_strided_slice %mul3A_49 {offsets = [0, 640], sizes = [1000, 128], strides = [1, 1]} : vector<1000x1152xf32> to vector<1000x128xf32>
    %mul3A_75 = arith.mulf %slice3A_74, %add3A_63 : vector<1000x128xf32>
    %slice3A_76 = vector.extract_strided_slice %mul3A_49 {offsets = [0, 768], sizes = [1000, 128], strides = [1, 1]} : vector<1000x1152xf32> to vector<1000x128xf32>
    %mul3A_77 = arith.mulf %slice3A_76, %add3A_63 : vector<1000x128xf32>
    %slice3A_78 = vector.extract_strided_slice %mul3A_49 {offsets = [0, 896], sizes = [1000, 128], strides = [1, 1]} : vector<1000x1152xf32> to vector<1000x128xf32>
    %mul3A_79 = arith.mulf %slice3A_78, %add3A_63 : vector<1000x128xf32>
    %slice3A_80 = vector.extract_strided_slice %mul3A_49 {offsets = [0, 1024], sizes = [1000, 128], strides = [1, 1]} : vector<1000x1152xf32> to vector<1000x128xf32>
    %mul3A_81 = arith.mulf %slice3A_80, %add3A_63 : vector<1000x128xf32>
    %concatenate3A_82 = tpu.concatenate %mul3A_65, %mul3A_67, %mul3A_69, %mul3A_71, %mul3A_73, %mul3A_75, %mul3A_77, %mul3A_79, %mul3A_81 in 1 : vector<1000x128xf32>, vector<1000x128xf32>, vector<1000x128xf32>, vector<1000x128xf32>, vector<1000x128xf32>, vector<1000x128xf32>, vector<1000x128xf32>, vector<1000x128xf32>, vector<1000x128xf32> -> vector<1000x1152xf32>
    %get3A_83 = arith.constant 0 : index
    %get3A_84 = arith.constant 0 : index
    %get3A_85 = arith.constant 0 : index
    %get3A_86 = vector.load %arg5[%get3A_83, %get3A_84, %get3A_85] : memref<3x128x128xf32, #tpu.memory_space<vmem>>, vector<3x128x128xf32>
    %slice3A_87 = vector.extract_strided_slice %concatenate3A_82 {offsets = [0, 0], sizes = [1000, 128], strides = [1, 1]} : vector<1000x1152xf32> to vector<1000x128xf32>
    %slice3A_88 = vector.extract_strided_slice %get3A_86 {offsets = [0, 0, 0], sizes = [1, 128, 128], strides = [1, 1, 1]} : vector<3x128x128xf32> to vector<1x128x128xf32>
    %squeeze3A_89 = vector.shape_cast %slice3A_88 : vector<1x128x128xf32> to vector<128x128xf32>
    %dot_general3A_90 = arith.constant dense<0.000000e+00> : vector<1000x128xf32>
    %dot_general3A_91 = tpu.matmul %slice3A_87, %squeeze3A_89, %dot_general3A_90 {dimension_numbers = #tpu.dot_dimension_numbers<[1], [0], [0], [1], [0, 0, 1, 1], [], []>, transpose_lhs_hint = false} : vector<1000x128xf32>, vector<128x128xf32>, vector<1000x128xf32> -> vector<1000x128xf32>
    %slice3A_92 = vector.extract_strided_slice %concatenate3A_82 {offsets = [0, 128], sizes = [1000, 128], strides = [1, 1]} : vector<1000x1152xf32> to vector<1000x128xf32>
    %slice3A_93 = vector.extract_strided_slice %get3A_86 {offsets = [1, 0, 0], sizes = [1, 128, 128], strides = [1, 1, 1]} : vector<3x128x128xf32> to vector<1x128x128xf32>
    %squeeze3A_94 = vector.shape_cast %slice3A_93 : vector<1x128x128xf32> to vector<128x128xf32>
    %dot_general3A_95 = arith.constant dense<0.000000e+00> : vector<1000x128xf32>
    %dot_general3A_96 = tpu.matmul %slice3A_92, %squeeze3A_94, %dot_general3A_95 {dimension_numbers = #tpu.dot_dimension_numbers<[1], [0], [0], [1], [0, 0, 1, 1], [], []>, transpose_lhs_hint = false} : vector<1000x128xf32>, vector<128x128xf32>, vector<1000x128xf32> -> vector<1000x128xf32>
    %slice3A_97 = vector.extract_strided_slice %concatenate3A_82 {offsets = [0, 256], sizes = [1000, 128], strides = [1, 1]} : vector<1000x1152xf32> to vector<1000x128xf32>
    %slice3A_98 = vector.extract_strided_slice %get3A_86 {offsets = [1, 0, 0], sizes = [1, 128, 128], strides = [1, 1, 1]} : vector<3x128x128xf32> to vector<1x128x128xf32>
    %squeeze3A_99 = vector.shape_cast %slice3A_98 : vector<1x128x128xf32> to vector<128x128xf32>
    %dot_general3A_100 = arith.constant dense<0.000000e+00> : vector<1000x128xf32>
    %dot_general3A_101 = tpu.matmul %slice3A_97, %squeeze3A_99, %dot_general3A_100 {dimension_numbers = #tpu.dot_dimension_numbers<[1], [0], [0], [1], [0, 0, 1, 1], [], []>, transpose_lhs_hint = false} : vector<1000x128xf32>, vector<128x128xf32>, vector<1000x128xf32> -> vector<1000x128xf32>
    %slice3A_102 = vector.extract_strided_slice %concatenate3A_82 {offsets = [0, 384], sizes = [1000, 128], strides = [1, 1]} : vector<1000x1152xf32> to vector<1000x128xf32>
    %slice3A_103 = vector.extract_strided_slice %get3A_86 {offsets = [1, 0, 0], sizes = [1, 128, 128], strides = [1, 1, 1]} : vector<3x128x128xf32> to vector<1x128x128xf32>
    %squeeze3A_104 = vector.shape_cast %slice3A_103 : vector<1x128x128xf32> to vector<128x128xf32>
    %dot_general3A_105 = arith.constant dense<0.000000e+00> : vector<1000x128xf32>
    %dot_general3A_106 = tpu.matmul %slice3A_102, %squeeze3A_104, %dot_general3A_105 {dimension_numbers = #tpu.dot_dimension_numbers<[1], [0], [0], [1], [0, 0, 1, 1], [], []>, transpose_lhs_hint = false} : vector<1000x128xf32>, vector<128x128xf32>, vector<1000x128xf32> -> vector<1000x128xf32>
    %slice3A_107 = vector.extract_strided_slice %concatenate3A_82 {offsets = [0, 512], sizes = [1000, 128], strides = [1, 1]} : vector<1000x1152xf32> to vector<1000x128xf32>
    %slice3A_108 = vector.extract_strided_slice %get3A_86 {offsets = [2, 0, 0], sizes = [1, 128, 128], strides = [1, 1, 1]} : vector<3x128x128xf32> to vector<1x128x128xf32>
    %squeeze3A_109 = vector.shape_cast %slice3A_108 : vector<1x128x128xf32> to vector<128x128xf32>
    %dot_general3A_110 = arith.constant dense<0.000000e+00> : vector<1000x128xf32>
    %dot_general3A_111 = tpu.matmul %slice3A_107, %squeeze3A_109, %dot_general3A_110 {dimension_numbers = #tpu.dot_dimension_numbers<[1], [0], [0], [1], [0, 0, 1, 1], [], []>, transpose_lhs_hint = false} : vector<1000x128xf32>, vector<128x128xf32>, vector<1000x128xf32> -> vector<1000x128xf32>
    %slice3A_112 = vector.extract_strided_slice %concatenate3A_82 {offsets = [0, 640], sizes = [1000, 128], strides = [1, 1]} : vector<1000x1152xf32> to vector<1000x128xf32>
    %slice3A_113 = vector.extract_strided_slice %get3A_86 {offsets = [2, 0, 0], sizes = [1, 128, 128], strides = [1, 1, 1]} : vector<3x128x128xf32> to vector<1x128x128xf32>
    %squeeze3A_114 = vector.shape_cast %slice3A_113 : vector<1x128x128xf32> to vector<128x128xf32>
    %dot_general3A_115 = arith.constant dense<0.000000e+00> : vector<1000x128xf32>
    %dot_general3A_116 = tpu.matmul %slice3A_112, %squeeze3A_114, %dot_general3A_115 {dimension_numbers = #tpu.dot_dimension_numbers<[1], [0], [0], [1], [0, 0, 1, 1], [], []>, transpose_lhs_hint = false} : vector<1000x128xf32>, vector<128x128xf32>, vector<1000x128xf32> -> vector<1000x128xf32>
    %slice3A_117 = vector.extract_strided_slice %concatenate3A_82 {offsets = [0, 768], sizes = [1000, 128], strides = [1, 1]} : vector<1000x1152xf32> to vector<1000x128xf32>
    %slice3A_118 = vector.extract_strided_slice %get3A_86 {offsets = [2, 0, 0], sizes = [1, 128, 128], strides = [1, 1, 1]} : vector<3x128x128xf32> to vector<1x128x128xf32>
    %squeeze3A_119 = vector.shape_cast %slice3A_118 : vector<1x128x128xf32> to vector<128x128xf32>
    %dot_general3A_120 = arith.constant dense<0.000000e+00> : vector<1000x128xf32>
    %dot_general3A_121 = tpu.matmul %slice3A_117, %squeeze3A_119, %dot_general3A_120 {dimension_numbers = #tpu.dot_dimension_numbers<[1], [0], [0], [1], [0, 0, 1, 1], [], []>, transpose_lhs_hint = false} : vector<1000x128xf32>, vector<128x128xf32>, vector<1000x128xf32> -> vector<1000x128xf32>
    %slice3A_122 = vector.extract_strided_slice %concatenate3A_82 {offsets = [0, 896], sizes = [1000, 128], strides = [1, 1]} : vector<1000x1152xf32> to vector<1000x128xf32>
    %slice3A_123 = vector.extract_strided_slice %get3A_86 {offsets = [2, 0, 0], sizes = [1, 128, 128], strides = [1, 1, 1]} : vector<3x128x128xf32> to vector<1x128x128xf32>
    %squeeze3A_124 = vector.shape_cast %slice3A_123 : vector<1x128x128xf32> to vector<128x128xf32>
    %dot_general3A_125 = arith.constant dense<0.000000e+00> : vector<1000x128xf32>
    %dot_general3A_126 = tpu.matmul %slice3A_122, %squeeze3A_124, %dot_general3A_125 {dimension_numbers = #tpu.dot_dimension_numbers<[1], [0], [0], [1], [0, 0, 1, 1], [], []>, transpose_lhs_hint = false} : vector<1000x128xf32>, vector<128x128xf32>, vector<1000x128xf32> -> vector<1000x128xf32>
    %slice3A_127 = vector.extract_strided_slice %concatenate3A_82 {offsets = [0, 1024], sizes = [1000, 128], strides = [1, 1]} : vector<1000x1152xf32> to vector<1000x128xf32>
    %slice3A_128 = vector.extract_strided_slice %get3A_86 {offsets = [2, 0, 0], sizes = [1, 128, 128], strides = [1, 1, 1]} : vector<3x128x128xf32> to vector<1x128x128xf32>
    %squeeze3A_129 = vector.shape_cast %slice3A_128 : vector<1x128x128xf32> to vector<128x128xf32>
    %dot_general3A_130 = arith.constant dense<0.000000e+00> : vector<1000x128xf32>
    %dot_general3A_131 = tpu.matmul %slice3A_127, %squeeze3A_129, %dot_general3A_130 {dimension_numbers = #tpu.dot_dimension_numbers<[1], [0], [0], [1], [0, 0, 1, 1], [], []>, transpose_lhs_hint = false} : vector<1000x128xf32>, vector<128x128xf32>, vector<1000x128xf32> -> vector<1000x128xf32>
    %concatenate3A_132 = tpu.concatenate %dot_general3A_91, %dot_general3A_96, %dot_general3A_101, %dot_general3A_106, %dot_general3A_111, %dot_general3A_116, %dot_general3A_121, %dot_general3A_126, %dot_general3A_131 in 1 : vector<1000x128xf32>, vector<1000x128xf32>, vector<1000x128xf32>, vector<1000x128xf32>, vector<1000x128xf32>, vector<1000x128xf32>, vector<1000x128xf32>, vector<1000x128xf32>, vector<1000x128xf32> -> vector<1000x1152xf32>
    %mul3A_133 = arith.constant 0.0883883461 : f32
    %mul3A_134 = vector.broadcast %mul3A_133 : f32 to vector<1000x1152xf32>
    %mul3A_135 = arith.mulf %concatenate3A_132, %mul3A_134 : vector<1000x1152xf32>
    %get3A_136 = arith.constant 0 : index
    %get3A_137 = arith.constant 0 : index
    %get3A_138 = vector.load %arg2[%get3A_136, %get3A_137] : memref<1000x1152xf32, #tpu.memory_space<vmem>>, vector<1000x1152xf32>
    %add3A_139 = arith.addf %mul3A_135, %get3A_138 : vector<1000x1152xf32>
    %swap3A = arith.constant 0 : index
    %swap3A_140 = arith.constant 0 : index
    %swap3A_141 = vector.load %arg6[%swap3A, %swap3A_140] : memref<1000x1152xf32, #tpu.memory_space<vmem>>, vector<1000x1152xf32>
    tpu.vector_store %arg6[%swap3A, %swap3A_140], %add3A_139 {strides = array<i32>} : memref<1000x1152xf32, #tpu.memory_space<vmem>>, vector<1000x1152xf32>,
    return
  }
  func.func @transform_0(%arg0: i32) -> (i32, i32) {
    %c0_i32 = arith.constant 0 : i32
    %c0_i32_0 = arith.constant 0 : i32
    return %arg0, %c0_i32 : i32, i32
  }
  func.func @transform_1(%arg0: i32) -> (i32, i32) {
    %c0_i32 = arith.constant 0 : i32
    %c0_i32_0 = arith.constant 0 : i32
    return %arg0, %c0_i32 : i32, i32
  }
  func.func @transform_2(%arg0: i32) -> (i32, i32, i32) {
    %c0_i32 = arith.constant 0 : i32
    %c0_i32_0 = arith.constant 0 : i32
    %c0_i32_1 = arith.constant 0 : i32
    %c0_i32_2 = arith.constant 0 : i32
    return %c0_i32, %c0_i32_0, %c0_i32_1 : i32, i32, i32
  }
  func.func @transform_3(%arg0: i32) -> (i32, i32) {
    %c0_i32 = arith.constant 0 : i32
    %c0_i32_0 = arith.constant 0 : i32
    %c0_i32_1 = arith.constant 0 : i32
    return %c0_i32, %c0_i32_0 : i32, i32
  }
  func.func @transform_4(%arg0: i32) -> (i32, i32, i32) {
    %c0_i32 = arith.constant 0 : i32
    %c0_i32_0 = arith.constant 0 : i32
    %c0_i32_1 = arith.constant 0 : i32
    %c0_i32_2 = arith.constant 0 : i32
    return %c0_i32, %c0_i32_0, %c0_i32_1 : i32, i32, i32
  }
  func.func @transform_5(%arg0: i32) -> (i32, i32) {
    %c0_i32 = arith.constant 0 : i32
    %c0_i32_0 = arith.constant 0 : i32
    return %arg0, %c0_i32 : i32, i32
  }
}

</mosaic_0001>

<sc_bundles>
// kernel: gather_offload_async_start.1
scs
__scs_entry_jumppad:
0x0: {  	(pc) =	sbr.rel $0x88, $3  }
0x1: {  	(tag) =	ssettag $0x0;
	lr =	simm.s32 $0x1  }
0x2: {  	[smem:$0x3F91] =	sst lr;
	_ =	strace $0xD0000000  }
0x3: {  	_ = 	snop  }
0x4: {  	_ = 	snop  }
0x5: {  	_ = 	snop  }
0x6: {  	_ = 	snop  }
0x7: {  	_ = 	snop  }
__scs_overlays_trampoline_lowered:
0x8: {  	[smem:$0x3FA0] =	sst s0  }
0x9: {  	[smem:$0x3FA1] =	sst s1  }
0xa: {  	[smem:$0x3FA2] =	sst s2  }
0xb: {  	[smem:$0x3FA3] =	sst s3  }
0xc: {  	[smem:$0x3FA4] =	sst s4  }
0xd: {  	[smem:$0x3FA5] =	sst s5  }
0xe: {  	[smem:$0x3FA6] =	sst s6  }
0xf: {  	[smem:$0x3FA7] =	sst s7  }
0x10: {  	[smem:$0x3FA8] =	sst s8  }
0x11: {  	[smem:$0x3FA9] =	sst s9;
	s0 =	simm.s32 @!p0 $0x0  }
0x12: {  	s1 =	sld [smem:$0x3F8F];
	s0 =	simm.s32 @p0 $0x1  }
0x13: {  	[smem:$0x3FAA] =	sst s0;
	s0 =	simm.s32 @!p1 $0x0  }
0x14: {  	s2 =	sld [smem:$0x3F8E];
	s0 =	simm.s32 @p1 $0x1  }
0x15: {  	[smem:$0x3FAB] =	sst s0;
	s0 =	simm.s32 @!p2 $0x0  }
0x16: {  	s3 =	sld [smem:$0x3FDB];
	s0 =	simm.s32 @p2 $0x1  }
0x17: {  	s4 =	simm.s32 $0x1BF5;
	[smem:$0x3FAD] =	sst s0  }
0x18: {  	s0 =	sld [smem:$0x3F90];
	_ =	swait.ge [sflag:s4], $0x0  }
0x19: {  	s7 =	sld [smem:$0x3F91]  }
0x1a: {  	s8 =	sadd.s32 $0xFFFFE003, lr  }
0x1b: {  	s9 =	sadd.s32 $0xFFFFFEF7, lr;
	s5 =	simm.s32 $0xFFFFFFFF;
	p2 =	slt.u32 s8, $0xFFFFF086  }
0x1c: {  	p1 =	slt.u32 s9, $0xF7A;
	s5 =	simm.s32 @!p2 $0x0  }
0x1d: {  	s5 =	simm.s32 @p1 $0x1;
	p0 =	seq.s32 s7, s2  }
0x1e: {  	s7 =	smul.u32 @!p0 $0xF7A, s2;
	p2 =	seq.s32 @!p0 s5, $0x0  }
0x1f: {  	s9 =	smul.u32 $0xF7A, s1;
	s8 =	simm.s32 @!p0 $0x1BF5;
	p2 =	por !p2, p0  }
0x20: {  	[sflag:s8] =	ssyncset.s32 @!p0 $0xFFFFF086;
	s6 =	sadd.s32 @!p0 s3, s7;
	s7 =	simm.s32 @!p0 $0x108  }
0x21: {  	s3 =	sadd.s32 s3, s9;
	s6 =	sadd.s32 @!p0 $0x88, s6;
	s7 =	simm.s32 @p2 $0x1082  }
0x22: {  	[simem:s7], [sflag:s8] =	dma.local @!p0 [hbm:s6], $0xF7A  }
0x23: {  	s9 =	sor.u32 $0xD0000000, s2;
	s6 =	simm.s32 $0x108;
	_ =	swait.ge @!p0 [sflag:s8], $0x0  }
0x24: {  	s3 =	sadd.s32 $0x88, s3;
	s6 =	simm.s32 @!p1 $0x1082;
	[sflag:s4] =	ssyncset.s32 $0xFFFFF086  }
0x25: {  	[simem:s6], [sflag:s4] =	dma.local [hbm:s3], $0xF7A  }
0x26: {  	[smem:$0x3F91] =	sst s1;
	(tag) =	ssettag s2;
	_ =	strace s9  }
0x27: {  	s1 =	sld [smem:$0x3FA1]  }
0x28: {  	s2 =	sld [smem:$0x3FA2]  }
0x29: {  	s4 =	sld [smem:$0x3FA4]  }
0x2a: {  	p0 =	seq.s32 s5, $0x0;
	s5 =	sld [smem:$0x3FA5]  }
0x2b: {  	s6 =	sld [smem:$0x3FA6]  }
0x2c: {  	s7 =	sld [smem:$0x3FA7]  }
0x2d: {  	s3 =	simm.s32 $0x108;
	s8 =	sld [smem:$0x3FA8]  }
0x2e: {  	s3 =	simm.s32 @!p0 $0x1082;
	s9 =	sld [smem:$0x3FA9]  }
0x2f: {  	lr =	sadd.s32 s0, s3;
	s0 =	sld [smem:$0x3FA0]  }
0x30: {  	s3 =	sld [smem:$0x3FA3]  }
0x31: {  	[smem:$0x3FAC] =	sst s10  }
0x32: {  	s10 =	sld [smem:$0x3FAA];
	_ =	sdelay $0x3  }
0x33: {  	p0 =	seq.s32 s10, $0x1;
	s10 =	sld [smem:$0x3FAC];
	_ =	sdelay $0x3  }
0x34: {  	[smem:$0x3FAC] =	sst s10  }
0x35: {  	s10 =	sld [smem:$0x3FAB];
	_ =	sdelay $0x3  }
0x36: {  	p1 =	seq.s32 s10, $0x1;
	s10 =	sld [smem:$0x3FAC];
	_ =	sdelay $0x3  }
0x37: {  	[smem:$0x3FAC] =	sst s10  }
0x38: {  	s10 =	sld [smem:$0x3FAD]  }
0x39: {  	_ = 	snop;
	(pc) =	sbr.ind lr, $3  }
0x3a: {  	_ = 	snop  }
0x3b: {  	_ = 	snop  }
0x3c: {  	p2 =	seq.s32 s10, $0x1;
	s10 =	sld [smem:$0x3FAC]  }
0x3d: {  	_ =	shalt  }
0x3e: {  	_ =	shalt  }
0x3f: {  	_ =	shalt  }
0x40: {  	_ =	shalt  }
0x41: {  	_ =	shalt  }
0x42: {  	_ =	shalt  }
0x43: {  	_ =	shalt  }
0x44: {  	_ =	shalt  }
0x45: {  	_ =	shalt  }
0x46: {  	_ =	shalt  }
0x47: {  	_ =	shalt  }
0x48: {  	_ =	shalt  }
0x49: {  	_ =	shalt  }
0x4a: {  	_ =	shalt  }
0x4b: {  	_ =	shalt  }
0x4c: {  	_ =	shalt  }
0x4d: {  	_ =	shalt  }
0x4e: {  	_ =	shalt  }
0x4f: {  	_ =	shalt  }
0x50: {  	_ =	shalt  }
0x51: {  	_ =	shalt  }
0x52: {  	_ =	shalt  }
0x53: {  	_ =	shalt  }
0x54: {  	_ =	shalt  }
0x55: {  	_ =	shalt  }
0x56: {  	_ =	shalt  }
0x57: {  	_ =	shalt  }
0x58: {  	_ =	shalt  }
0x59: {  	_ =	shalt  }
0x5a: {  	_ =	shalt  }
0x5b: {  	_ =	shalt  }
0x5c: {  	_ =	shalt  }
0x5d: {  	_ =	shalt  }
0x5e: {  	_ =	shalt  }
0x5f: {  	_ =	shalt  }
0x60: {  	_ =	shalt  }
0x61: {  	_ =	shalt  }
0x62: {  	_ =	shalt  }
0x63: {  	_ =	shalt  }
0x64: {  	_ =	shalt  }
0x65: {  	_ =	shalt  }
0x66: {  	_ =	shalt  }
0x67: {  	_ =	shalt  }
0x68: {  	_ =	shalt  }
0x69: {  	_ =	shalt  }
0x6a: {  	_ =	shalt  }
0x6b: {  	_ =	shalt  }
0x6c: {  	_ =	shalt  }
0x6d: {  	_ =	shalt  }
0x6e: {  	_ =	shalt  }
0x6f: {  	_ =	shalt  }
0x70: {  	_ =	shalt  }
0x71: {  	_ =	shalt  }
0x72: {  	_ =	shalt  }
0x73: {  	_ =	shalt  }
0x74: {  	_ =	shalt  }
0x75: {  	_ =	shalt  }
0x76: {  	_ =	shalt  }
0x77: {  	_ =	shalt  }
0x78: {  	_ =	shalt  }
0x79: {  	_ =	shalt  }
0x7a: {  	_ =	shalt  }
0x7b: {  	_ =	shalt  }
0x7c: {  	_ =	shalt  }
0x7d: {  	_ =	shalt  }
0x7e: {  	_ =	shalt  }
0x7f: {  	_ =	shalt  }
0x80: {  	_ =	shalt  }
0x81: {  	_ =	shalt  }
0x82: {  	_ =	shalt  }
0x83: {  	_ =	shalt  }
0x84: {  	_ =	shalt  }
0x85: {  	_ =	shalt  }
0x86: {  	_ =	shalt  }
0x87: {  	_ =	shalt  }
.Lfunc_end0:
.L_simem_size_0:
called_computation.3_lowered:
.L_overlay_start_0:
0x88: {  	s2 =	sld [smem:$0x3FD9]  }
0x89: {  	s3 =	sld [smem:$0x3FFE];
	_ =	sdelay $0x1  }
0x8a: {  	s1 =	srdreg.scid  }
0x8b: {  	s0 =	sand.u32 $0x1, s1  }
0x8c: {  	s16 =	sshll.u32 s0, $0xA;
	s2 =	sadd.s32 s3, s2  }
0x8d: {  	s2 =	sadd.s32 s2, s16  }
0x8e: {  	[smem:$0x3FB8] =	sst s2  }
0x8f: {  	_ = 	snop  }
0x90: {  	(tm) =	ssettm $0x1  }
0x91: {  	s17 =	sld [smem:$0x3FFB];
	_ =	sdelay $0x3  }
0x92: {  	_ =	strace s17  }
0x93: {  	s2 =	sld [smem:$0x3FFC];
	_ =	sdelay $0x3  }
0x94: {  	_ =	strace s2  }
0x95: {  	s2 =	sld [smem:$0x3FFD];
	_ =	sdelay $0x3  }
0x96: {  	_ =	strace s2  }
0x97: {  	_ =	strace $0x8FFFFFFF  }
0x98: {  	s18 =	sld [smem:$0x3FDB];
	_ =	sdelay $0x1  }
0x99: {  	s19 =	simm.s32 $_scs_section_size  }
0x9a: {  	s4 =	simm.s32 $_size__tile_overlayer_lowered;
	s5 =	simm.s32 $_tile_overlayer_lowered  }
0x9b: {  	s22 =	simm.s32 $0x1BFF;
	s21 =	sshll.u32 s5, $0x1;
	s2 =	sadd.s32 s19, s18  }
0x9c: {  	s6 =	simm.s32 $0x0;
	s20 =	sshll.u32 s4, $0x1;
	s4 =	sadd.s32 s21, s2  }
0x9d: {  	[timem:s6], [sflag:s22] =	dma.local [hbm:s4], s20  }
0x9e: {  	_ =	swait.ge [sflag:s22], s20  }
0x9f: {  	s3 =	ssub.s32 $0x0, s20;
	[sflag:s22] =	ssyncset.done $0x0  }
0xa0: {  	[sflag:s22] =	ssyncadd.s32 s3;
	_ =	sdelay $0x1  }
0xa1: {  	s23 =	simm.s32 $0x1B8B  }
0xa2: {  	_ =	swait.ge [sflag:s23], $0x1  }
0xa3: {  	[sflag:s23] =	ssyncset.done $0x0  }
0xa4: {  	s25 =	simm.s32 $0x1B8E;
	s24 =	sld [smem:$0x3FFE];
	[sflag:s23] =	ssyncadd.s32 $0xFFFFFFFF  }
0xa5: {  	s26 =	simm.s32 $execute0_lowered;
	[smem:$0x3FD2] =	sst s25  }
0xa6: {  	s4 =	sshll.u32 s26, $0x1;
	_ =	strace $0x80000046;
	[dreg:$0x1] =	wrdreg $0xFFFFFFFF  }
0xa7: {  	s28 =	simm.s32 $_size_execute0_lowered;
	s2 =	sadd.s32 s2, s4;
	[dreg:$0x0] =	wrdreg $0x0  }
0xa8: {  	s4 =	sshll.u32 s28, $0x1;
	[dreg:$0x2] =	wrdreg s2  }
0xa9: {  	[dreg:$0x3] =	wrdreg s4  }
0xaa: {  	[dreg:$0x4] =	wrdreg $0xC0  }
0xab: {  	_ =	task [dreg:s6], $0x5FFFF  }
0xac: {  	[dreg:$0x1] =	wrdreg $0xFFFFFFFF  }
0xad: {  	[dreg:$0x0] =	wrdreg $0x60  }
0xae: {  	[dreg:$0x2] =	wrdreg s24  }
0xaf: {  	[dreg:$0x3] =	wrdreg $0xC  }
0xb0: {  	_ =	task.clear_ibuf [dreg:s6], $0x4FFFF;
	_ =	strace $0x90000046  }
0xb1: {  	s29 =	simm.s32 $0xC;
	_ =	strace $0x80000048  }
0xb2: {  	_ =	swait.ge [sflag:s29], $0x1  }
0xb3: {  	[sflag:s29] =	ssyncadd.s32 $0xFFFFFFFF  }
0xb4: {  	_ =	strace $0x90000048  }
0xb5: {  	_ =	sfence  }
0xb6: {  	s30 =	sld [smem:$0x0];
	_ =	sdelay $0x2  }
0xb7: {  	s31 =	sshll.u32 s1, $0xD;
	s1 =	sshrl.u32 s1, $0x2  }
0xb8: {  	s3 =	sand.u32 $0x4000, s31;
	s1 =	sadd.s32 s1, s30  }
0xb9: {  	s0 =	sor.u32 s3, s0;
	s1 =	sshll.u32 s1, $0x11  }
0xba: {  	s0 =	sor.u32 s1, s0  }
0xbb: {  	s0 =	sadd.s32 $0x8F2B, s0  }
0xbc: {  	[sflag:s0] =	ssyncadd.remote.s32 $0x1  }
0xbd: {  	_ =	sfence.sel $0xFFFF  }
0xbe: {  	[dreg:$0x0] =	wrdreg $0xFFFFFFFF;
	(pc) =	sbr.abs _section_cstart, $3  }
0xbf: {  	[dreg:$0x1] =	wrdreg $0xFFFFFFFF  }
0xc0: {  	_ =	task.clear_ibuf [dreg:s6], $0x2FFFF;
	_ =	strace $0x9FFFFFFF  }
0xc1: {  	(tm) =	ssettm $0x7FFFFFFF  }
tec
execute0_lowered:
.L_overlay_start_1:
0x0: {  	(tag) =	ssettag $0x1  }
0x1: {  	s8 =	rddreg [dreg:$0x0]  }
0x2: {  	s0 =	rddreg [dreg:$0x1];
	_ =	strace $0x80000047;
	s1 =	stileid.u32  }
0x3: {  	s3 =	srdreg.scid;
	s4 =	simm.s32 $0x1;
	s7 =	simm.s32 $0x1  }
0x4: {  	s9 =	simm.s32 $0x1;
	s10 =	simm.s32 $0x3;
	s13 =	simm.s32 $0x0  }
0x5: {  	s12 =	simm.s32 $0x0;
	s5 =	sand.u32 $0x1, s3;
	s6 =	sshll.u32 s1, $0x1  }
0x6: {  	s2 =	sadd.s32 $0x8E00, s8;
	s3 =	sadd.s32 $0x12E00, s8;
	s5 =	sor.u32 s6, s5  }
.Ltmp0:
0x7: {  	[sflag:s4] =	ssyncpa.u1 $0x0;
	p0 =	slt.u32 s5, $0x9;
	(pc) =	sbr.rel .LBB2_1-.Ltmp0, $4  }
0x8: {  	s6 =	simm.s32 $0x2;
	s7 =	simm.s32 @!p0 $0x0;
	p0 =	sne.s32 s5, $0x8  }
0x9: {  	[sflag:s6] =	ssyncpa.u1 $0x0;
	s5 =	smul.u32 $0xFA0, s5;
	s9 =	simm.s32 @!p0 $0x0  }
0xa: {  	s8 =	sadd.s32 $0x288E00, s8;
	[sflag:s10] =	ssyncpa.u1 $0x0;
	s7 =	sadd.s32 s9, s7  }
0xb: {  	vm0 =	vmmov $0xffff;
	s10 =	simm.s32 $0x0;
	s11 =	smov.u32 s5;
	s9 =	sadd.s32 $0x1, s7  }
.LBB2_4:
0xc: {  	v2 =	vnsel vm1, $0x0, v2  }
0xd: {  	vm1 =	vgt.s32 v0, $0x0;
	v2 =	vmin.u32 v2, $0x270FF  }
0xe: {  	v0 =	vnsel vm1, $0x0, v0  }
0xf: {  	v0 =	vmin.u32 v0, $0x270FF  }
0x10: {  	[tilespmem:s18], [sflag:$0x1] =	stream.indirect_vreg.gather [hbm4b:s2+s10], $0x1, v1, vm0, $0x4038;
	[tilespmem:$0x3E80] =	vst v63  }
0x11: {  	(ifvalue) =	ssetifvalue $0x7FFFFFFF  }
0x12: {  	[tilespmem:s15], [sflag:$0x1] =	stream.indirect_vreg.gather [hbm4b:s2+s10], $0x1, v2, vm0, $0x4038;
	[tilespmem:$0x3E80] =	vst v63  }
0x13: {  	s29 =	sadd.s32 $0x10, s15;
	(ifvalue) =	ssetifvalue $0x7FFFFFFF  }
0x14: {  	[tilespmem:s29], [sflag:$0x1] =	stream.indirect_vreg.gather [hbm4b:s2+s10], $0x1, v0, vm0, $0x4038;
	[tilespmem:$0x3E80] =	vst v63  }
0x15: {  	_ =	swait.ge [sflag:s4], $0xFA0  }
0x16: {  	s30 =	sshrl.u32 s13, $0x3;
	[sflag:s4] =	ssyncset.done $0x0  }
0x17: {  	s31 =	sand.u32 $0x7, s13;
	s15 =	sadd.s32 s8, s30;
	[sflag:s4] =	ssyncadd.s32 $0xFFFFF060  }
0x18: {  	[hbm4b:s15+s31] =	stream.linear.scatter [tilespmem:s14], [sflag:$0x3], $0xFA0, $0x38;
	[tilespmem:$0x3E80] =	vst v63  }
.LBB2_5:
0x19: {  	s15 =	sadd.s32 $0x1F400, s11  }
0x1a: {  	p1 =	sgt.s32 s15, $0x270FF  }
0x1b: {  	s15 =	smov.u32 @p1 s5;
	p1 =	sne.s32 s12, s9  }
.Ltmp1:
0x1c: {  	p0 =	slt.u32 s12, $0x2;
	(pc) =	sbr.rel @!p1 .LBB2_6-.Ltmp1, $4  }
0x1d: {  	s14 =	simm.s32 @!p0 $0x3  }
0x1e: {  	_ =	swait.ge @!p0 [sflag:s14], $0xFA0  }
0x1f: {  	s16 =	sadd.s32 $0x1, s12;
	s13 =	smov.u32 s11;
	[sflag:s14] =	ssyncset.done @!p0 $0x0  }
0x20: {  	s12 =	smov.u32 s16;
	s11 =	smov.u32 s15;
	[sflag:s14] =	ssyncadd.s32 @!p0 $0xFFFFF060  }
.LBB2_1:
0x21: {  	p0 =	sge.u32 s12, s7  }
0x22: {  	s14 =	sxor.u32 @!p0 $0x1, s12  }
0x23: {  	s14 =	smul.u32 @!p0 $0x3E80, s14  }
0x24: {  	s31 =	sadd.s32 $0xFFFFFFFF, s12;
	s15 =	sshrl.u32 @!p0 s11, $0x3  }
0x25: {  	s16 =	sand.u32 @!p0 $0x7, s11;
	s15 =	sadd.s32 @!p0 s3, s15;
	s14 =	sshra.s32 @!p0 s14, $0x2  }
0x26: {  	[tilespmem:s14], [sflag:$0x2] =	stream.linear.gather @!p0 [hbm4b:s15+s16], $0xFA0, $0x38;
	[tilespmem:$0x3E80] =	vst v63  }
0x27: {  	p0 =	sge.u32 s31, s7  }
.Ltmp2:
0x28: {  	_ = 	snop;
	(pc) =	sbr.rel @p0 .LBB2_5-.Ltmp2, $1  }
0x29: {  	_ =	sdelay $0x3  }
0x2a: {  	s14 =	sand.u32 $0x1, s12  }
0x2b: {  	_ =	swait.ge [sflag:s6], $0xFA0;
	p0 =	seq.s32 s14, $0x1;
	s14 =	simm.s32 $0xFA0  }
0x2c: {  	[sflag:s6] =	ssyncset.done $0x0;
	s14 =	simm.s32 @!p0 $0x0  }
0x2d: {  	[sflag:s6] =	ssyncadd.s32 $0xFFFFF060;
	(ifvalue) =	ssetifvalue $0x7FFFFFFF;
	v0 =	vld.msk [tilespmem:s14+$0x0 ss:$0x1], $0xffff;
	_ =	sdelay $0x4  }
0x2e: {  	s15 =	sadd.s32 $0x10, s14;
	vm1 =	vgt.s32 v0, $0x0  }
0x2f: {  	v2 =	vld.msk [tilespmem:s15+$0x0 ss:$0x1], $0xffff;
	v1 =	vnsel vm1, $0x0, v0  }
0x30: {  	v1 =	vmin.u32 v1, $0x270FF;
	_ =	sdelay $0x2  }
0x31: {  	s17 =	simm.s32 $0x20;
	s14 =	sadd.s32 $0x1F40, s14;
	s16 =	sadd.s32 $0x10, s15  }
0x32: {  	s15 =	sadd.s32 $0x10, s14;
	s18 =	smov.u32 s14;
	v0 =	vld.msk [tilespmem:s16+$0x0 ss:$0x1], $0xffff;
	vm1 =	vgt.s32 v2, $0x0;
	(ifvalue) =	ssetifvalue $0x7FFFFFFF  }
.LBB2_3:
0x33: {  	[tilespmem:s18], [sflag:$0x1] =	stream.indirect_vreg.gather [hbm4b:s2+s10], $0x1, v1, vm0, $0x4038;
	[tilespmem:$0x3E80] =	vst v63  }
0x34: {  	s17 =	sadd.s32 $0x10, s17  }
0x35: {  	v2 =	vnsel vm1, $0x0, v2;
	p0 =	slt.u32 s17, $0xF90  }
.Ltmp3:
0x36: {  	s18 =	smov.u32 s15;
	v1 =	vmin.u32 v2, $0x270FF;
	(pc) =	sbr.rel @p0 .LBB2_3-.Ltmp3, $3  }
0x37: {  	_ =	sdelay $0x1  }
0x38: {  	s16 =	sadd.s32 $0x10, s16  }
0x39: {  	vm1 =	vgt.s32 v0, $0x0;
	s15 =	sadd.s32 $0x10, s15;
	v2 =	vmov v0;
	(ifvalue) =	ssetifvalue $0x7FFFFFFF;
	v0 =	vld.msk [tilespmem:s16+$0x0 ss:$0x1], $0xffff  }
.Ltmp4:
0x3a: {  	_ = 	snop;
	(pc) =	sbr.rel .LBB2_4-.Ltmp4, $1  }
0x3b: {  	_ =	sdelay $0x3  }
.LBB2_6:
0x3c: {  	_ =	sfence.sel $0x180000  }
0x3d: {  	s2 =	simm.s32 $0x2;
	[bflag:$0x0] =	sbarrier.arrive $0xFFFF  }
0x3e: {  	s30 =	simm.s32 $0x3;
	[sflag:s2] =	ssyncpa.u1 $0x1  }
0x3f: {  	s31 =	simm.s32 $0x1;
	[sflag:s30] =	ssyncpa.u1 $0x1  }
0x40: {  	[sflag:s31] =	ssyncpa.u1 $0x1  }
0x41: {  	p0 =	sne.s32 s1, $0x0;
	_ =	strace $0x90000047  }
0x42: {  	s0 =	sadd.s32 @!p0 $0x100000, s0;
	[bflag:$0x2] =	sbarrier.arrive $0xFFFF  }
0x43: {  	[sflag:s0] =	ssyncadd.tile.s32 @!p0 $0x1;
	_ =	shalt  }
.Lfunc_end2:
_tile_overlayer_lowered:
.L_overlay_start_2:
0x44: {  	(tag) =	ssettag $0x2  }
0x45: {  	s0 =	rddreg [dreg:$0x0];
	s2 =	stileid.u32  }
0x46: {  	s1 =	rddreg [dreg:$0x1];
	p0 =	sne.s32 s2, $0x0  }
0x47: {  	s3 =	rddreg [dreg:$0x2];
	[bflag:$0x3] =	sbarrier.arrive $0xFFFF;
	s2 =	simm.s32 @!p0 $0x1C01  }
0x48: {  	[timem:s3], [sflag:s2] =	dma.local @!p0 [hbm:s0], s1  }
0x49: {  	s0 =	simm.s32 @!p0 $0x1  }
0x4a: {  	_ =	swait.ge @!p0 [sflag:s0], s1  }
0x4b: {  	s1 =	ssub.s32 @!p0 $0x0, s1;
	[sflag:s0] =	ssyncset.done @!p0 $0x0  }
0x4c: {  	[sflag:s0] =	ssyncadd.s32 @!p0 s1  }
0x4d: {  	[bflag:$0x3] =	sbarrier.arrive $0xFFFF  }
0x4e: {  	_ =	shalt  }

// kernel: gather_offload_async_start.2
scs
__scs_entry_jumppad:
0x0: {  	(pc) =	sbr.rel $0x88, $3  }
0x1: {  	(tag) =	ssettag $0x0;
	lr =	simm.s32 $0x1  }
0x2: {  	[smem:$0x3F91] =	sst lr;
	_ =	strace $0xD0000000  }
0x3: {  	_ = 	snop  }
0x4: {  	_ = 	snop  }
0x5: {  	_ = 	snop  }
0x6: {  	_ = 	snop  }
0x7: {  	_ = 	snop  }
__scs_overlays_trampoline_lowered:
0x8: {  	[smem:$0x3FA0] =	sst s0  }
0x9: {  	[smem:$0x3FA1] =	sst s1  }
0xa: {  	[smem:$0x3FA2] =	sst s2  }
0xb: {  	[smem:$0x3FA3] =	sst s3  }
0xc: {  	[smem:$0x3FA4] =	sst s4  }
0xd: {  	[smem:$0x3FA5] =	sst s5  }
0xe: {  	[smem:$0x3FA6] =	sst s6  }
0xf: {  	[smem:$0x3FA7] =	sst s7  }
0x10: {  	[smem:$0x3FA8] =	sst s8  }
0x11: {  	[smem:$0x3FA9] =	sst s9;
	s0 =	simm.s32 @!p0 $0x0  }
0x12: {  	s1 =	sld [smem:$0x3F8F];
	s0 =	simm.s32 @p0 $0x1  }
0x13: {  	[smem:$0x3FAA] =	sst s0;
	s0 =	simm.s32 @!p1 $0x0  }
0x14: {  	s2 =	sld [smem:$0x3F8E];
	s0 =	simm.s32 @p1 $0x1  }
0x15: {  	[smem:$0x3FAB] =	sst s0;
	s0 =	simm.s32 @!p2 $0x0  }
0x16: {  	s3 =	sld [smem:$0x3FDB];
	s0 =	simm.s32 @p2 $0x1  }
0x17: {  	s4 =	simm.s32 $0x1BF5;
	[smem:$0x3FAD] =	sst s0  }
0x18: {  	s0 =	sld [smem:$0x3F90];
	_ =	swait.ge [sflag:s4], $0x0  }
0x19: {  	s7 =	sld [smem:$0x3F91]  }
0x1a: {  	s8 =	sadd.s32 $0xFFFFE003, lr  }
0x1b: {  	s9 =	sadd.s32 $0xFFFFFEF7, lr;
	s5 =	simm.s32 $0xFFFFFFFF;
	p2 =	slt.u32 s8, $0xFFFFF086  }
0x1c: {  	p1 =	slt.u32 s9, $0xF7A;
	s5 =	simm.s32 @!p2 $0x0  }
0x1d: {  	s5 =	simm.s32 @p1 $0x1;
	p0 =	seq.s32 s7, s2  }
0x1e: {  	s7 =	smul.u32 @!p0 $0xF7A, s2;
	p2 =	seq.s32 @!p0 s5, $0x0  }
0x1f: {  	s9 =	smul.u32 $0xF7A, s1;
	s8 =	simm.s32 @!p0 $0x1BF5;
	p2 =	por !p2, p0  }
0x20: {  	[sflag:s8] =	ssyncset.s32 @!p0 $0xFFFFF086;
	s6 =	sadd.s32 @!p0 s3, s7;
	s7 =	simm.s32 @!p0 $0x108  }
0x21: {  	s3 =	sadd.s32 s3, s9;
	s6 =	sadd.s32 @!p0 $0x88, s6;
	s7 =	simm.s32 @p2 $0x1082  }
0x22: {  	[simem:s7], [sflag:s8] =	dma.local @!p0 [hbm:s6], $0xF7A  }
0x23: {  	s9 =	sor.u32 $0xD0000000, s2;
	s6 =	simm.s32 $0x108;
	_ =	swait.ge @!p0 [sflag:s8], $0x0  }
0x24: {  	s3 =	sadd.s32 $0x88, s3;
	s6 =	simm.s32 @!p1 $0x1082;
	[sflag:s4] =	ssyncset.s32 $0xFFFFF086  }
0x25: {  	[simem:s6], [sflag:s4] =	dma.local [hbm:s3], $0xF7A  }
0x26: {  	[smem:$0x3F91] =	sst s1;
	(tag) =	ssettag s2;
	_ =	strace s9  }
0x27: {  	s1 =	sld [smem:$0x3FA1]  }
0x28: {  	s2 =	sld [smem:$0x3FA2]  }
0x29: {  	s4 =	sld [smem:$0x3FA4]  }
0x2a: {  	p0 =	seq.s32 s5, $0x0;
	s5 =	sld [smem:$0x3FA5]  }
0x2b: {  	s6 =	sld [smem:$0x3FA6]  }
0x2c: {  	s7 =	sld [smem:$0x3FA7]  }
0x2d: {  	s3 =	simm.s32 $0x108;
	s8 =	sld [smem:$0x3FA8]  }
0x2e: {  	s3 =	simm.s32 @!p0 $0x1082;
	s9 =	sld [smem:$0x3FA9]  }
0x2f: {  	lr =	sadd.s32 s0, s3;
	s0 =	sld [smem:$0x3FA0]  }
0x30: {  	s3 =	sld [smem:$0x3FA3]  }
0x31: {  	[smem:$0x3FAC] =	sst s10  }
0x32: {  	s10 =	sld [smem:$0x3FAA];
	_ =	sdelay $0x3  }
0x33: {  	p0 =	seq.s32 s10, $0x1;
	s10 =	sld [smem:$0x3FAC];
	_ =	sdelay $0x3  }
0x34: {  	[smem:$0x3FAC] =	sst s10  }
0x35: {  	s10 =	sld [smem:$0x3FAB];
	_ =	sdelay $0x3  }
0x36: {  	p1 =	seq.s32 s10, $0x1;
	s10 =	sld [smem:$0x3FAC];
	_ =	sdelay $0x3  }
0x37: {  	[smem:$0x3FAC] =	sst s10  }
0x38: {  	s10 =	sld [smem:$0x3FAD]  }
0x39: {  	_ = 	snop;
	(pc) =	sbr.ind lr, $3  }
0x3a: {  	_ = 	snop  }
0x3b: {  	_ = 	snop  }
0x3c: {  	p2 =	seq.s32 s10, $0x1;
	s10 =	sld [smem:$0x3FAC]  }
0x3d: {  	_ =	shalt  }
0x3e: {  	_ =	shalt  }
0x3f: {  	_ =	shalt  }
0x40: {  	_ =	shalt  }
0x41: {  	_ =	shalt  }
0x42: {  	_ =	shalt  }
0x43: {  	_ =	shalt  }
0x44: {  	_ =	shalt  }
0x45: {  	_ =	shalt  }
0x46: {  	_ =	shalt  }
0x47: {  	_ =	shalt  }
0x48: {  	_ =	shalt  }
0x49: {  	_ =	shalt  }
0x4a: {  	_ =	shalt  }
0x4b: {  	_ =	shalt  }
0x4c: {  	_ =	shalt  }
0x4d: {  	_ =	shalt  }
0x4e: {  	_ =	shalt  }
0x4f: {  	_ =	shalt  }
0x50: {  	_ =	shalt  }
0x51: {  	_ =	shalt  }
0x52: {  	_ =	shalt  }
0x53: {  	_ =	shalt  }
0x54: {  	_ =	shalt  }
0x55: {  	_ =	shalt  }
0x56: {  	_ =	shalt  }
0x57: {  	_ =	shalt  }
0x58: {  	_ =	shalt  }
0x59: {  	_ =	shalt  }
0x5a: {  	_ =	shalt  }
0x5b: {  	_ =	shalt  }
0x5c: {  	_ =	shalt  }
0x5d: {  	_ =	shalt  }
0x5e: {  	_ =	shalt  }
0x5f: {  	_ =	shalt  }
0x60: {  	_ =	shalt  }
0x61: {  	_ =	shalt  }
0x62: {  	_ =	shalt  }
0x63: {  	_ =	shalt  }
0x64: {  	_ =	shalt  }
0x65: {  	_ =	shalt  }
0x66: {  	_ =	shalt  }
0x67: {  	_ =	shalt  }
0x68: {  	_ =	shalt  }
0x69: {  	_ =	shalt  }
0x6a: {  	_ =	shalt  }
0x6b: {  	_ =	shalt  }
0x6c: {  	_ =	shalt  }
0x6d: {  	_ =	shalt  }
0x6e: {  	_ =	shalt  }
0x6f: {  	_ =	shalt  }
0x70: {  	_ =	shalt  }
0x71: {  	_ =	shalt  }
0x72: {  	_ =	shalt  }
0x73: {  	_ =	shalt  }
0x74: {  	_ =	shalt  }
0x75: {  	_ =	shalt  }
0x76: {  	_ =	shalt  }
0x77: {  	_ =	shalt  }
0x78: {  	_ =	shalt  }
0x79: {  	_ =	shalt  }
0x7a: {  	_ =	shalt  }
0x7b: {  	_ =	shalt  }
0x7c: {  	_ =	shalt  }
0x7d: {  	_ =	shalt  }
0x7e: {  	_ =	shalt  }
0x7f: {  	_ =	shalt  }
0x80: {  	_ =	shalt  }
0x81: {  	_ =	shalt  }
0x82: {  	_ =	shalt  }
0x83: {  	_ =	shalt  }
0x84: {  	_ =	shalt  }
0x85: {  	_ =	shalt  }
0x86: {  	_ =	shalt  }
0x87: {  	_ =	shalt  }
.Lfunc_end0:
.L_simem_size_0:
called_computation.4_lowered:
.L_overlay_start_0:
0x88: {  	s2 =	sld [smem:$0x3FD9]  }
0x89: {  	s3 =	sld [smem:$0x3FFE];
	_ =	sdelay $0x1  }
0x8a: {  	s1 =	srdreg.scid  }
0x8b: {  	s0 =	sand.u32 $0x1, s1  }
0x8c: {  	s17 =	sshll.u32 s0, $0xA;
	s2 =	sadd.s32 s3, s2  }
0x8d: {  	s2 =	sadd.s32 s2, s17  }
0x8e: {  	[smem:$0x3FB8] =	sst s2  }
0x8f: {  	_ = 	snop  }
0x90: {  	s18 =	sld [smem:$0x3FC8];
	(tm) =	ssettm $0x1  }
0x91: {  	s19 =	sld [smem:$0x3FFB];
	_ =	sdelay $0x3  }
0x92: {  	_ =	strace s19  }
0x93: {  	s2 =	sld [smem:$0x3FFC];
	_ =	sdelay $0x3  }
0x94: {  	_ =	strace s2  }
0x95: {  	s2 =	sld [smem:$0x3FFD];
	_ =	sdelay $0x3  }
0x96: {  	_ =	strace s2  }
0x97: {  	_ =	strace $0x8FFFFFFF  }
0x98: {  	s20 =	sld [smem:$0x3FDB];
	_ =	sdelay $0x1  }
0x99: {  	s4 =	simm.s32 $_scs_section_size  }
0x9a: {  	s5 =	simm.s32 $_size__tile_overlayer_lowered;
	s6 =	simm.s32 $_tile_overlayer_lowered  }
0x9b: {  	s7 =	simm.s32 $0x1BFF;
	s21 =	sshll.u32 s6, $0x1;
	s4 =	sadd.s32 s4, s20  }
0x9c: {  	s22 =	simm.s32 $0x0;
	s5 =	sshll.u32 s5, $0x1;
	s6 =	sadd.s32 s21, s4  }
0x9d: {  	[timem:s22], [sflag:s7] =	dma.local [hbm:s6], s5  }
0x9e: {  	_ =	swait.ge [sflag:s7], s5  }
0x9f: {  	s5 =	ssub.s32 $0x0, s5;
	[sflag:s7] =	ssyncset.done $0x0  }
0xa0: {  	[sflag:s7] =	ssyncadd.s32 s5;
	_ =	sdelay $0x1  }
0xa1: {  	s23 =	simm.s32 $0x1B8B  }
0xa2: {  	_ =	swait.ge [sflag:s23], $0x1  }
0xa3: {  	[sflag:s23] =	ssyncset.done $0x0  }
0xa4: {  	[sflag:s23] =	ssyncadd.s32 $0xFFFFFFFF  }
0xa5: {  	s5 =	sld [smem:$0x0]  }
0xa6: {  	s6 =	sand.u32 $0xFFFFFFFE, s1  }
0xa7: {  	p0 =	sne.s32 s1, s6  }
0xa8: {  	s6 =	sshll.u32 @p0 s6, $0xE  }
0xa9: {  	s6 =	sadd.s32 @p0 $0x11B8D, s6;
	s7 =	sshll.u32 @p0 s5, $0x11  }
0xaa: {  	s6 =	sor.u32 @p0 s7, s6  }
0xab: {  	[sflag:s6] =	ssyncadd.remote.s32 @p0 $0x1;
	_ =	sdelay $0x1  }
0xac: {  	s6 =	simm.s32 @p0 $0x1B8D  }
0xad: {  	_ =	swait.eq @p0 [sflag:s6], $0x1  }
0xae: {  	[sflag:s6] =	ssyncadd.s32 @p0 $0xFFFFFFFF  }
0xaf: {  	s7 =	sshll.u32 @!p0 s1, $0xE  }
0xb0: {  	s7 =	sor.u32 @!p0 $0x4000, s7;
	s6 =	simm.s32 @!p0 $0x1B8D  }
0xb1: {  	s5 =	sshll.u32 @!p0 s5, $0x11;
	s7 =	sadd.s32 @!p0 $0x11B8D, s7;
	_ =	swait.eq @!p0 [sflag:s6], $0x1  }
0xb2: {  	s5 =	sor.u32 @!p0 s5, s7;
	[sflag:s6] =	ssyncadd.s32 @!p0 $0xFFFFFFFF  }
0xb3: {  	s25 =	simm.s32 $0x1B8E;
	s24 =	sld [smem:$0x3FFE];
	[sflag:s5] =	ssyncadd.remote.s32 @!p0 $0x1  }
0xb4: {  	s26 =	simm.s32 $execute0_lowered;
	[smem:$0x3FD2] =	sst s25  }
0xb5: {  	s6 =	sshll.u32 s26, $0x1;
	_ =	strace $0x8000004C;
	[dreg:$0x1] =	wrdreg $0xFFFFFFFF  }
0xb6: {  	s28 =	simm.s32 $_size_execute0_lowered;
	s4 =	sadd.s32 s4, s6;
	[dreg:$0x0] =	wrdreg $0x0  }
0xb7: {  	s6 =	sshll.u32 s28, $0x1;
	[dreg:$0x2] =	wrdreg s4  }
0xb8: {  	[dreg:$0x3] =	wrdreg s6  }
0xb9: {  	[dreg:$0x4] =	wrdreg $0xC0  }
0xba: {  	_ =	task [dreg:s22], $0x5FFFF  }
0xbb: {  	[dreg:$0x1] =	wrdreg $0xFFFFFFFF  }
0xbc: {  	[dreg:$0x0] =	wrdreg $0x60  }
0xbd: {  	[dreg:$0x2] =	wrdreg s18  }
0xbe: {  	[dreg:$0x3] =	wrdreg s24  }
0xbf: {  	[dreg:$0x4] =	wrdreg $0xA  }
0xc0: {  	_ =	task.clear_ibuf [dreg:s22], $0x5FFFF;
	_ =	strace $0x9000004C  }
0xc1: {  	s29 =	simm.s32 $0xA;
	_ =	strace $0x8000004E  }
0xc2: {  	_ =	swait.ge [sflag:s29], $0x1  }
0xc3: {  	[sflag:s29] =	ssyncadd.s32 $0xFFFFFFFF  }
0xc4: {  	_ =	strace $0x9000004E  }
0xc5: {  	_ =	sfence  }
0xc6: {  	s30 =	sld [smem:$0x0];
	_ =	sdelay $0x2  }
0xc7: {  	s31 =	sshll.u32 s1, $0xD;
	s1 =	sshrl.u32 s1, $0x2  }
0xc8: {  	s4 =	sand.u32 $0x4000, s31;
	s1 =	sadd.s32 s1, s30  }
0xc9: {  	s0 =	sor.u32 s4, s0;
	s1 =	sshll.u32 s1, $0x11  }
0xca: {  	s0 =	sor.u32 s1, s0  }
0xcb: {  	s0 =	sadd.s32 $0x8F2B, s0  }
0xcc: {  	[sflag:s0] =	ssyncadd.remote.s32 $0x1  }
0xcd: {  	_ =	sfence.sel $0xFFFF  }
0xce: {  	[dreg:$0x0] =	wrdreg $0xFFFFFFFF;
	(pc) =	sbr.abs _section_cstart, $3  }
0xcf: {  	[dreg:$0x1] =	wrdreg $0xFFFFFFFF  }
0xd0: {  	_ =	task.clear_ibuf [dreg:s22], $0x2FFFF;
	_ =	strace $0x9FFFFFFF  }
0xd1: {  	(tm) =	ssettm $0x7FFFFFFF  }
tec
execute0_lowered:
.L_overlay_start_1:
0x0: {  	(tag) =	ssettag $0x1  }
0x1: {  	s2 =	rddreg [dreg:$0x0]  }
0x2: {  	s8 =	rddreg [dreg:$0x1]  }
0x3: {  	s0 =	rddreg [dreg:$0x2];
	s1 =	stileid.u32  }
0x4: {  	s3 =	srdreg.scid;
	_ =	strace $0x8000004D;
	s4 =	simm.s32 $0x1  }
0x5: {  	s7 =	simm.s32 $0x1;
	s9 =	simm.s32 $0x1;
	s10 =	simm.s32 $0x3  }
0x6: {  	s13 =	simm.s32 $0x0;
	s5 =	sand.u32 $0x1, s3;
	s6 =	sshll.u32 s1, $0x1  }
0x7: {  	s12 =	simm.s32 $0x0;
	s3 =	sadd.s32 $0x12E00, s8;
	s5 =	sor.u32 s6, s5  }
.Ltmp0:
0x8: {  	[sflag:s4] =	ssyncpa.u1 $0x0;
	p0 =	slt.u32 s5, $0x9;
	(pc) =	sbr.rel .LBB2_1-.Ltmp0, $4  }
0x9: {  	s6 =	simm.s32 $0x2;
	s7 =	simm.s32 @!p0 $0x0;
	p0 =	sne.s32 s5, $0x8  }
0xa: {  	[sflag:s6] =	ssyncpa.u1 $0x0;
	s5 =	smul.u32 $0xFA0, s5;
	s9 =	simm.s32 @!p0 $0x0  }
0xb: {  	s8 =	sadd.s32 $0x292E00, s8;
	[sflag:s10] =	ssyncpa.u1 $0x0;
	s7 =	sadd.s32 s9, s7  }
0xc: {  	vm0 =	vmmov $0xffff;
	s10 =	simm.s32 $0x0;
	s11 =	smov.u32 s5;
	s9 =	sadd.s32 $0x1, s7  }
.LBB2_4:
0xd: {  	v2 =	vnsel vm1, $0x0, v2  }
0xe: {  	vm1 =	vgt.s32 v0, $0x0;
	v2 =	vmin.u32 v2, $0x270FF  }
0xf: {  	v0 =	vnsel vm1, $0x0, v0  }
0x10: {  	v0 =	vmin.u32 v0, $0x270FF  }
0x11: {  	[tilespmem:s18], [sflag:$0x1] =	stream.indirect_vreg.gather [hbm4b:s2+s10], $0x1, v1, vm0, $0x4038;
	[tilespmem:$0x3E80] =	vst v63  }
0x12: {  	(ifvalue) =	ssetifvalue $0x7FFFFFFF  }
0x13: {  	[tilespmem:s15], [sflag:$0x1] =	stream.indirect_vreg.gather [hbm4b:s2+s10], $0x1, v2, vm0, $0x4038;
	[tilespmem:$0x3E80] =	vst v63  }
0x14: {  	s29 =	sadd.s32 $0x10, s15;
	(ifvalue) =	ssetifvalue $0x7FFFFFFF  }
0x15: {  	[tilespmem:s29], [sflag:$0x1] =	stream.indirect_vreg.gather [hbm4b:s2+s10], $0x1, v0, vm0, $0x4038;
	[tilespmem:$0x3E80] =	vst v63  }
0x16: {  	_ =	swait.ge [sflag:s4], $0xFA0  }
0x17: {  	s30 =	sshrl.u32 s13, $0x3;
	[sflag:s4] =	ssyncset.done $0x0  }
0x18: {  	s31 =	sand.u32 $0x7, s13;
	s15 =	sadd.s32 s8, s30;
	[sflag:s4] =	ssyncadd.s32 $0xFFFFF060  }
0x19: {  	[hbm4b:s15+s31] =	stream.linear.scatter [tilespmem:s14], [sflag:$0x3], $0xFA0, $0x38;
	[tilespmem:$0x3E80] =	vst v63  }
.LBB2_5:
0x1a: {  	s15 =	sadd.s32 $0x1F400, s11  }
0x1b: {  	p1 =	sgt.s32 s15, $0x270FF  }
0x1c: {  	s15 =	smov.u32 @p1 s5;
	p1 =	sne.s32 s12, s9  }
.Ltmp1:
0x1d: {  	p0 =	slt.u32 s12, $0x2;
	(pc) =	sbr.rel @!p1 .LBB2_6-.Ltmp1, $4  }
0x1e: {  	s14 =	simm.s32 @!p0 $0x3  }
0x1f: {  	_ =	swait.ge @!p0 [sflag:s14], $0xFA0  }
0x20: {  	s16 =	sadd.s32 $0x1, s12;
	s13 =	smov.u32 s11;
	[sflag:s14] =	ssyncset.done @!p0 $0x0  }
0x21: {  	s12 =	smov.u32 s16;
	s11 =	smov.u32 s15;
	[sflag:s14] =	ssyncadd.s32 @!p0 $0xFFFFF060  }
.LBB2_1:
0x22: {  	p0 =	sge.u32 s12, s7  }
0x23: {  	s14 =	sxor.u32 @!p0 $0x1, s12  }
0x24: {  	s14 =	smul.u32 @!p0 $0x3E80, s14  }
0x25: {  	s31 =	sadd.s32 $0xFFFFFFFF, s12;
	s15 =	sshrl.u32 @!p0 s11, $0x3  }
0x26: {  	s16 =	sand.u32 @!p0 $0x7, s11;
	s15 =	sadd.s32 @!p0 s3, s15;
	s14 =	sshra.s32 @!p0 s14, $0x2  }
0x27: {  	[tilespmem:s14], [sflag:$0x2] =	stream.linear.gather @!p0 [hbm4b:s15+s16], $0xFA0, $0x38;
	[tilespmem:$0x3E80] =	vst v63  }
0x28: {  	p0 =	sge.u32 s31, s7  }
.Ltmp2:
0x29: {  	_ = 	snop;
	(pc) =	sbr.rel @p0 .LBB2_5-.Ltmp2, $1  }
0x2a: {  	_ =	sdelay $0x3  }
0x2b: {  	s14 =	sand.u32 $0x1, s12  }
0x2c: {  	_ =	swait.ge [sflag:s6], $0xFA0;
	p0 =	seq.s32 s14, $0x1;
	s14 =	simm.s32 $0xFA0  }
0x2d: {  	[sflag:s6] =	ssyncset.done $0x0;
	s14 =	simm.s32 @!p0 $0x0  }
0x2e: {  	[sflag:s6] =	ssyncadd.s32 $0xFFFFF060;
	(ifvalue) =	ssetifvalue $0x7FFFFFFF;
	v0 =	vld.msk [tilespmem:s14+$0x0 ss:$0x1], $0xffff;
	_ =	sdelay $0x4  }
0x2f: {  	s15 =	sadd.s32 $0x10, s14;
	vm1 =	vgt.s32 v0, $0x0  }
0x30: {  	v2 =	vld.msk [tilespmem:s15+$0x0 ss:$0x1], $0xffff;
	v1 =	vnsel vm1, $0x0, v0  }
0x31: {  	v1 =	vmin.u32 v1, $0x270FF;
	_ =	sdelay $0x2  }
0x32: {  	s17 =	simm.s32 $0x20;
	s14 =	sadd.s32 $0x1F40, s14;
	s16 =	sadd.s32 $0x10, s15  }
0x33: {  	s15 =	sadd.s32 $0x10, s14;
	s18 =	smov.u32 s14;
	v0 =	vld.msk [tilespmem:s16+$0x0 ss:$0x1], $0xffff;
	vm1 =	vgt.s32 v2, $0x0;
	(ifvalue) =	ssetifvalue $0x7FFFFFFF  }
.LBB2_3:
0x34: {  	[tilespmem:s18], [sflag:$0x1] =	stream.indirect_vreg.gather [hbm4b:s2+s10], $0x1, v1, vm0, $0x4038;
	[tilespmem:$0x3E80] =	vst v63  }
0x35: {  	s17 =	sadd.s32 $0x10, s17  }
0x36: {  	v2 =	vnsel vm1, $0x0, v2;
	p0 =	slt.u32 s17, $0xF90  }
.Ltmp3:
0x37: {  	s18 =	smov.u32 s15;
	v1 =	vmin.u32 v2, $0x270FF;
	(pc) =	sbr.rel @p0 .LBB2_3-.Ltmp3, $3  }
0x38: {  	_ =	sdelay $0x1  }
0x39: {  	s16 =	sadd.s32 $0x10, s16  }
0x3a: {  	vm1 =	vgt.s32 v0, $0x0;
	s15 =	sadd.s32 $0x10, s15;
	v2 =	vmov v0;
	(ifvalue) =	ssetifvalue $0x7FFFFFFF;
	v0 =	vld.msk [tilespmem:s16+$0x0 ss:$0x1], $0xffff  }
.Ltmp4:
0x3b: {  	_ = 	snop;
	(pc) =	sbr.rel .LBB2_4-.Ltmp4, $1  }
0x3c: {  	_ =	sdelay $0x3  }
.LBB2_6:
0x3d: {  	_ =	sfence.sel $0x180000  }
0x3e: {  	s2 =	simm.s32 $0x2;
	[bflag:$0x0] =	sbarrier.arrive $0xFFFF  }
0x3f: {  	s30 =	simm.s32 $0x3;
	[sflag:s2] =	ssyncpa.u1 $0x1  }
0x40: {  	s31 =	simm.s32 $0x1;
	[sflag:s30] =	ssyncpa.u1 $0x1  }
0x41: {  	[sflag:s31] =	ssyncpa.u1 $0x1  }
0x42: {  	p0 =	sne.s32 s1, $0x0;
	_ =	strace $0x9000004D  }
0x43: {  	s0 =	sadd.s32 @!p0 $0x100000, s0;
	[bflag:$0x2] =	sbarrier.arrive $0xFFFF  }
0x44: {  	[sflag:s0] =	ssyncadd.tile.s32 @!p0 $0x1;
	_ =	shalt  }
.Lfunc_end2:
_tile_overlayer_lowered:
.L_overlay_start_2:
0x45: {  	(tag) =	ssettag $0x2  }
0x46: {  	s0 =	rddreg [dreg:$0x0];
	s2 =	stileid.u32  }
0x47: {  	s1 =	rddreg [dreg:$0x1];
	p0 =	sne.s32 s2, $0x0  }
0x48: {  	s3 =	rddreg [dreg:$0x2];
	[bflag:$0x3] =	sbarrier.arrive $0xFFFF;
	s2 =	simm.s32 @!p0 $0x1C01  }
0x49: {  	[timem:s3], [sflag:s2] =	dma.local @!p0 [hbm:s0], s1  }
0x4a: {  	s0 =	simm.s32 @!p0 $0x1  }
0x4b: {  	_ =	swait.ge @!p0 [sflag:s0], s1  }
0x4c: {  	s1 =	ssub.s32 @!p0 $0x0, s1;
	[sflag:s0] =	ssyncset.done @!p0 $0x0  }
0x4d: {  	[sflag:s0] =	ssyncadd.s32 @!p0 s1  }
0x4e: {  	[bflag:$0x3] =	sbarrier.arrive $0xFFFF  }
0x4f: {  	_ =	shalt  }

// kernel: gather_offload_async_start.3
scs
__scs_entry_jumppad:
0x0: {  	(pc) =	sbr.rel $0x88, $3  }
0x1: {  	(tag) =	ssettag $0x0;
	lr =	simm.s32 $0x1  }
0x2: {  	[smem:$0x3F91] =	sst lr;
	_ =	strace $0xD0000000  }
0x3: {  	_ = 	snop  }
0x4: {  	_ = 	snop  }
0x5: {  	_ = 	snop  }
0x6: {  	_ = 	snop  }
0x7: {  	_ = 	snop  }
__scs_overlays_trampoline_lowered:
0x8: {  	[smem:$0x3FA0] =	sst s0  }
0x9: {  	[smem:$0x3FA1] =	sst s1  }
0xa: {  	[smem:$0x3FA2] =	sst s2  }
0xb: {  	[smem:$0x3FA3] =	sst s3  }
0xc: {  	[smem:$0x3FA4] =	sst s4  }
0xd: {  	[smem:$0x3FA5] =	sst s5  }
0xe: {  	[smem:$0x3FA6] =	sst s6  }
0xf: {  	[smem:$0x3FA7] =	sst s7  }
0x10: {  	[smem:$0x3FA8] =	sst s8  }
0x11: {  	[smem:$0x3FA9] =	sst s9;
	s0 =	simm.s32 @!p0 $0x0  }
0x12: {  	s1 =	sld [smem:$0x3F8F];
	s0 =	simm.s32 @p0 $0x1  }
0x13: {  	[smem:$0x3FAA] =	sst s0;
	s0 =	simm.s32 @!p1 $0x0  }
0x14: {  	s2 =	sld [smem:$0x3F8E];
	s0 =	simm.s32 @p1 $0x1  }
0x15: {  	[smem:$0x3FAB] =	sst s0;
	s0 =	simm.s32 @!p2 $0x0  }
0x16: {  	s3 =	sld [smem:$0x3FDB];
	s0 =	simm.s32 @p2 $0x1  }
0x17: {  	s4 =	simm.s32 $0x1BF5;
	[smem:$0x3FAD] =	sst s0  }
0x18: {  	s0 =	sld [smem:$0x3F90];
	_ =	swait.ge [sflag:s4], $0x0  }
0x19: {  	s7 =	sld [smem:$0x3F91]  }
0x1a: {  	s8 =	sadd.s32 $0xFFFFE003, lr  }
0x1b: {  	s9 =	sadd.s32 $0xFFFFFEF7, lr;
	s5 =	simm.s32 $0xFFFFFFFF;
	p2 =	slt.u32 s8, $0xFFFFF086  }
0x1c: {  	p1 =	slt.u32 s9, $0xF7A;
	s5 =	simm.s32 @!p2 $0x0  }
0x1d: {  	s5 =	simm.s32 @p1 $0x1;
	p0 =	seq.s32 s7, s2  }
0x1e: {  	s7 =	smul.u32 @!p0 $0xF7A, s2;
	p2 =	seq.s32 @!p0 s5, $0x0  }
0x1f: {  	s9 =	smul.u32 $0xF7A, s1;
	s8 =	simm.s32 @!p0 $0x1BF5;
	p2 =	por !p2, p0  }
0x20: {  	[sflag:s8] =	ssyncset.s32 @!p0 $0xFFFFF086;
	s6 =	sadd.s32 @!p0 s3, s7;
	s7 =	simm.s32 @!p0 $0x108  }
0x21: {  	s3 =	sadd.s32 s3, s9;
	s6 =	sadd.s32 @!p0 $0x88, s6;
	s7 =	simm.s32 @p2 $0x1082  }
0x22: {  	[simem:s7], [sflag:s8] =	dma.local @!p0 [hbm:s6], $0xF7A  }
0x23: {  	s9 =	sor.u32 $0xD0000000, s2;
	s6 =	simm.s32 $0x108;
	_ =	swait.ge @!p0 [sflag:s8], $0x0  }
0x24: {  	s3 =	sadd.s32 $0x88, s3;
	s6 =	simm.s32 @!p1 $0x1082;
	[sflag:s4] =	ssyncset.s32 $0xFFFFF086  }
0x25: {  	[simem:s6], [sflag:s4] =	dma.local [hbm:s3], $0xF7A  }
0x26: {  	[smem:$0x3F91] =	sst s1;
	(tag) =	ssettag s2;
	_ =	strace s9  }
0x27: {  	s1 =	sld [smem:$0x3FA1]  }
0x28: {  	s2 =	sld [smem:$0x3FA2]  }
0x29: {  	s4 =	sld [smem:$0x3FA4]  }
0x2a: {  	p0 =	seq.s32 s5, $0x0;
	s5 =	sld [smem:$0x3FA5]  }
0x2b: {  	s6 =	sld [smem:$0x3FA6]  }
0x2c: {  	s7 =	sld [smem:$0x3FA7]  }
0x2d: {  	s3 =	simm.s32 $0x108;
	s8 =	sld [smem:$0x3FA8]  }
0x2e: {  	s3 =	simm.s32 @!p0 $0x1082;
	s9 =	sld [smem:$0x3FA9]  }
0x2f: {  	lr =	sadd.s32 s0, s3;
	s0 =	sld [smem:$0x3FA0]  }
0x30: {  	s3 =	sld [smem:$0x3FA3]  }
0x31: {  	[smem:$0x3FAC] =	sst s10  }
0x32: {  	s10 =	sld [smem:$0x3FAA];
	_ =	sdelay $0x3  }
0x33: {  	p0 =	seq.s32 s10, $0x1;
	s10 =	sld [smem:$0x3FAC];
	_ =	sdelay $0x3  }
0x34: {  	[smem:$0x3FAC] =	sst s10  }
0x35: {  	s10 =	sld [smem:$0x3FAB];
	_ =	sdelay $0x3  }
0x36: {  	p1 =	seq.s32 s10, $0x1;
	s10 =	sld [smem:$0x3FAC];
	_ =	sdelay $0x3  }
0x37: {  	[smem:$0x3FAC] =	sst s10  }
0x38: {  	s10 =	sld [smem:$0x3FAD]  }
0x39: {  	_ = 	snop;
	(pc) =	sbr.ind lr, $3  }
0x3a: {  	_ = 	snop  }
0x3b: {  	_ = 	snop  }
0x3c: {  	p2 =	seq.s32 s10, $0x1;
	s10 =	sld [smem:$0x3FAC]  }
0x3d: {  	_ =	shalt  }
0x3e: {  	_ =	shalt  }
0x3f: {  	_ =	shalt  }
0x40: {  	_ =	shalt  }
0x41: {  	_ =	shalt  }
0x42: {  	_ =	shalt  }
0x43: {  	_ =	shalt  }
0x44: {  	_ =	shalt  }
0x45: {  	_ =	shalt  }
0x46: {  	_ =	shalt  }
0x47: {  	_ =	shalt  }
0x48: {  	_ =	shalt  }
0x49: {  	_ =	shalt  }
0x4a: {  	_ =	shalt  }
0x4b: {  	_ =	shalt  }
0x4c: {  	_ =	shalt  }
0x4d: {  	_ =	shalt  }
0x4e: {  	_ =	shalt  }
0x4f: {  	_ =	shalt  }
0x50: {  	_ =	shalt  }
0x51: {  	_ =	shalt  }
0x52: {  	_ =	shalt  }
0x53: {  	_ =	shalt  }
0x54: {  	_ =	shalt  }
0x55: {  	_ =	shalt  }
0x56: {  	_ =	shalt  }
0x57: {  	_ =	shalt  }
0x58: {  	_ =	shalt  }
0x59: {  	_ =	shalt  }
0x5a: {  	_ =	shalt  }
0x5b: {  	_ =	shalt  }
0x5c: {  	_ =	shalt  }
0x5d: {  	_ =	shalt  }
0x5e: {  	_ =	shalt  }
0x5f: {  	_ =	shalt  }
0x60: {  	_ =	shalt  }
0x61: {  	_ =	shalt  }
0x62: {  	_ =	shalt  }
0x63: {  	_ =	shalt  }
0x64: {  	_ =	shalt  }
0x65: {  	_ =	shalt  }
0x66: {  	_ =	shalt  }
0x67: {  	_ =	shalt  }
0x68: {  	_ =	shalt  }
0x69: {  	_ =	shalt  }
0x6a: {  	_ =	shalt  }
0x6b: {  	_ =	shalt  }
0x6c: {  	_ =	shalt  }
0x6d: {  	_ =	shalt  }
0x6e: {  	_ =	shalt  }
0x6f: {  	_ =	shalt  }
0x70: {  	_ =	shalt  }
0x71: {  	_ =	shalt  }
0x72: {  	_ =	shalt  }
0x73: {  	_ =	shalt  }
0x74: {  	_ =	shalt  }
0x75: {  	_ =	shalt  }
0x76: {  	_ =	shalt  }
0x77: {  	_ =	shalt  }
0x78: {  	_ =	shalt  }
0x79: {  	_ =	shalt  }
0x7a: {  	_ =	shalt  }
0x7b: {  	_ =	shalt  }
0x7c: {  	_ =	shalt  }
0x7d: {  	_ =	shalt  }
0x7e: {  	_ =	shalt  }
0x7f: {  	_ =	shalt  }
0x80: {  	_ =	shalt  }
0x81: {  	_ =	shalt  }
0x82: {  	_ =	shalt  }
0x83: {  	_ =	shalt  }
0x84: {  	_ =	shalt  }
0x85: {  	_ =	shalt  }
0x86: {  	_ =	shalt  }
0x87: {  	_ =	shalt  }
.Lfunc_end0:
.L_simem_size_0:
called_computation.5_lowered:
.L_overlay_start_0:
0x88: {  	s2 =	sld [smem:$0x3FD9]  }
0x89: {  	s3 =	sld [smem:$0x3FFE];
	_ =	sdelay $0x1  }
0x8a: {  	s1 =	srdreg.scid  }
0x8b: {  	s0 =	sand.u32 $0x1, s1  }
0x8c: {  	s17 =	sshll.u32 s0, $0xA;
	s2 =	sadd.s32 s3, s2  }
0x8d: {  	s2 =	sadd.s32 s2, s17  }
0x8e: {  	[smem:$0x3FB8] =	sst s2  }
0x8f: {  	_ = 	snop  }
0x90: {  	(tm) =	ssettm $0x1  }
0x91: {  	s18 =	sld [smem:$0x3FFB];
	_ =	sdelay $0x3  }
0x92: {  	_ =	strace s18  }
0x93: {  	s2 =	sld [smem:$0x3FFC];
	_ =	sdelay $0x3  }
0x94: {  	_ =	strace s2  }
0x95: {  	s2 =	sld [smem:$0x3FFD];
	_ =	sdelay $0x3  }
0x96: {  	_ =	strace s2  }
0x97: {  	_ =	strace $0x8FFFFFFF  }
0x98: {  	s19 =	sld [smem:$0x3FDB];
	_ =	sdelay $0x1  }
0x99: {  	s20 =	simm.s32 $_scs_section_size  }
0x9a: {  	s4 =	simm.s32 $_size__tile_overlayer_lowered;
	s5 =	simm.s32 $_tile_overlayer_lowered  }
0x9b: {  	s6 =	simm.s32 $0x1BFF;
	s21 =	sshll.u32 s5, $0x1;
	s3 =	sadd.s32 s20, s19  }
0x9c: {  	s22 =	simm.s32 $0x0;
	s4 =	sshll.u32 s4, $0x1;
	s5 =	sadd.s32 s21, s3  }
0x9d: {  	[timem:s22], [sflag:s6] =	dma.local [hbm:s5], s4  }
0x9e: {  	_ =	swait.ge [sflag:s6], s4  }
0x9f: {  	s4 =	ssub.s32 $0x0, s4;
	[sflag:s6] =	ssyncset.done $0x0  }
0xa0: {  	[sflag:s6] =	ssyncadd.s32 s4;
	_ =	sdelay $0x1  }
0xa1: {  	s23 =	simm.s32 $0x1B8B  }
0xa2: {  	_ =	swait.ge [sflag:s23], $0x1  }
0xa3: {  	[sflag:s23] =	ssyncset.done $0x0  }
0xa4: {  	[sflag:s23] =	ssyncadd.s32 $0xFFFFFFFF  }
0xa5: {  	s4 =	sld [smem:$0x0]  }
0xa6: {  	s5 =	sand.u32 $0xFFFFFFFE, s1  }
0xa7: {  	p0 =	sne.s32 s1, s5  }
0xa8: {  	s5 =	sshll.u32 @p0 s5, $0xE  }
0xa9: {  	s5 =	sadd.s32 @p0 $0x11B8D, s5;
	s6 =	sshll.u32 @p0 s4, $0x11  }
0xaa: {  	s5 =	sor.u32 @p0 s6, s5  }
0xab: {  	[sflag:s5] =	ssyncadd.remote.s32 @p0 $0x1;
	_ =	sdelay $0x1  }
0xac: {  	s5 =	simm.s32 @p0 $0x1B8D  }
0xad: {  	_ =	swait.eq @p0 [sflag:s5], $0x1  }
0xae: {  	[sflag:s5] =	ssyncadd.s32 @p0 $0xFFFFFFFF  }
0xaf: {  	s6 =	sshll.u32 @!p0 s1, $0xE  }
0xb0: {  	s6 =	sor.u32 @!p0 $0x4000, s6;
	s5 =	simm.s32 @!p0 $0x1B8D  }
0xb1: {  	s4 =	sshll.u32 @!p0 s4, $0x11;
	s6 =	sadd.s32 @!p0 $0x11B8D, s6;
	_ =	swait.eq @!p0 [sflag:s5], $0x1  }
0xb2: {  	s4 =	sor.u32 @!p0 s4, s6;
	[sflag:s5] =	ssyncadd.s32 @!p0 $0xFFFFFFFF  }
0xb3: {  	s25 =	simm.s32 $0x1B8E;
	s24 =	sld [smem:$0x3FFE];
	[sflag:s4] =	ssyncadd.remote.s32 @!p0 $0x1  }
0xb4: {  	s26 =	simm.s32 $execute0_lowered;
	[smem:$0x3FD2] =	sst s25  }
0xb5: {  	s5 =	sshll.u32 s26, $0x1;
	_ =	strace $0x8000004F;
	[dreg:$0x1] =	wrdreg $0xFFFFFFFF  }
0xb6: {  	s28 =	simm.s32 $_size_execute0_lowered;
	s3 =	sadd.s32 s3, s5;
	[dreg:$0x0] =	wrdreg $0x0  }
0xb7: {  	s5 =	sshll.u32 s28, $0x1;
	[dreg:$0x2] =	wrdreg s3  }
0xb8: {  	[dreg:$0x3] =	wrdreg s5  }
0xb9: {  	[dreg:$0x4] =	wrdreg $0xC0  }
0xba: {  	_ =	task [dreg:s22], $0x5FFFF  }
0xbb: {  	[dreg:$0x1] =	wrdreg $0xFFFFFFFF  }
0xbc: {  	[dreg:$0x0] =	wrdreg $0x60  }
0xbd: {  	[dreg:$0x2] =	wrdreg s24  }
0xbe: {  	[dreg:$0x3] =	wrdreg $0xB  }
0xbf: {  	_ =	task.clear_ibuf [dreg:s22], $0x4FFFF;
	_ =	strace $0x9000004F  }
0xc0: {  	s29 =	simm.s32 $0xB;
	_ =	strace $0x80000051  }
0xc1: {  	_ =	swait.ge [sflag:s29], $0x1  }
0xc2: {  	[sflag:s29] =	ssyncadd.s32 $0xFFFFFFFF  }
0xc3: {  	_ =	strace $0x90000051  }
0xc4: {  	_ =	sfence  }
0xc5: {  	s30 =	sld [smem:$0x0];
	_ =	sdelay $0x2  }
0xc6: {  	s31 =	sshll.u32 s1, $0xD;
	s1 =	sshrl.u32 s1, $0x2  }
0xc7: {  	s4 =	sand.u32 $0x4000, s31;
	s1 =	sadd.s32 s1, s30  }
0xc8: {  	s0 =	sor.u32 s4, s0;
	s1 =	sshll.u32 s1, $0x11  }
0xc9: {  	s0 =	sor.u32 s1, s0  }
0xca: {  	s0 =	sadd.s32 $0x8F2B, s0  }
0xcb: {  	[sflag:s0] =	ssyncadd.remote.s32 $0x1  }
0xcc: {  	_ =	sfence.sel $0xFFFF  }
0xcd: {  	[dreg:$0x0] =	wrdreg $0xFFFFFFFF;
	(pc) =	sbr.abs _section_cstart, $3  }
0xce: {  	[dreg:$0x1] =	wrdreg $0xFFFFFFFF  }
0xcf: {  	_ =	task.clear_ibuf [dreg:s22], $0x2FFFF;
	_ =	strace $0x9FFFFFFF  }
0xd0: {  	(tm) =	ssettm $0x7FFFFFFF  }
0xd1: {  	_ =	shalt  }
tec
execute0_lowered:
.L_overlay_start_1:
0x0: {  	(tag) =	ssettag $0x1  }
0x1: {  	s0 =	srdreg.scid  }
0x2: {  	s1 =	sshll.u32 s0, $0x4  }
0x3: {  	s0 =	stileid.u32;
	s1 =	sand.u32 $0x10, s1  }
0x4: {  	s1 =	sor.u32 s0, s1  }
0x5: {  	s2 =	smul.u32 $0xF, s1  }
0x6: {  	s3 =	smin.u32 s1, $0x14  }
0x7: {  	s2 =	sadd.s32 s3, s2  }
0x8: {  	p0 =	slt.u32 s1, $0x14;
	s1 =	simm.s32 $0x1400;
	s2 =	smul.u32 $0x140, s2  }
0x9: {  	s1 =	simm.s32 @!p0 $0x12C0  }
0xa: {  	s1 =	sadd.s32 s1, s2  }
0xb: {  	s3 =	smin.u32 s1, $0x27100  }
0xc: {  	s7 =	ssub.s32 s3, s2  }
0xd: {  	p0 =	sgt.s32 s7, $0x0  }
0xe: {  	s7 =	simm.s32 @!p0 $0x0  }
0xf: {  	s31 =	smulhi.u32 $0x66666667, s7  }
0x10: {  	s9 =	rddreg [dreg:$0x0];
	s6 =	simm.s32 $0x1;
	s11 =	simm.s32 $0x3  }
0x11: {  	s13 =	simm.s32 $0x0;
	s12 =	simm.s32 $0x0;
	s8 =	sshrl.u32 s31, $0x7  }
0x12: {  	s4 =	sadd.s32 $0x17E00, s9;
	s5 =	sadd.s32 $0x12E00, s9;
	s10 =	smul.u32 $0x140, s8  }
.Ltmp0:
0x13: {  	s9 =	sadd.s32 $0x297E00, s9;
	s1 =	rddreg [dreg:$0x1];
	(pc) =	sbr.rel .LBB2_1-.Ltmp0, $4  }
0x14: {  	_ =	strace $0x80000050;
	p0 =	sne.s32 s7, s10;
	s10 =	simm.s32 $0x1  }
0x15: {  	[sflag:s6] =	ssyncpa.u1 $0x0;
	s7 =	simm.s32 $0x2;
	s10 =	simm.s32 @!p0 $0x0  }
0x16: {  	[sflag:s7] =	ssyncpa.u1 $0x0;
	p0 =	por $0x0, $0x0;
	s8 =	sadd.s32 s10, s8  }
0x17: {  	vm0 =	vmmov $0xff;
	vm1 =	vcmask $0x3F20;
	[sflag:s11] =	ssyncpa.u1 $0x0;
	s11 =	smov.u32 s2;
	s10 =	sadd.s32 $0x1, s8  }
.LBB2_6:
0x18: {  	[hbm:s17] =	stream.linear.scatter [tilespmem:s14], [sflag:$0x3], $0x400, $0x38;
	[tilespmem:$0x14280] =	vst v63  }
.LBB2_7:
0x19: {  	s13 =	sadd.s32 $0x140, s11  }
0x1a: {  	s15 =	smov.u32 s2;
	p2 =	slt.s32 s13, s3  }
0x1b: {  	s15 =	smov.u32 @p2 s13;
	p2 =	sne.s32 s12, s10  }
.Ltmp1:
0x1c: {  	p1 =	slt.u32 s12, $0x2;
	(pc) =	sbr.rel @!p2 .LBB2_8-.Ltmp1, $4  }
0x1d: {  	s14 =	simm.s32 @!p1 $0x3  }
0x1e: {  	s16 =	sadd.s32 $0x1, s12;
	_ =	swait.ge @!p1 [sflag:s14], $0xA000  }
0x1f: {  	p0 =	por !p0, !p0;
	s13 =	smov.u32 s11;
	[sflag:s14] =	ssyncset.done @!p1 $0x0  }
0x20: {  	s12 =	smov.u32 s16;
	s11 =	smov.u32 s15;
	[sflag:s14] =	ssyncadd.s32 @!p1 $0xFFFF6000  }
.LBB2_1:
0x21: {  	p1 =	sge.u32 s12, s8  }
0x22: {  	s14 =	sxor.u32 @!p1 $0xFFFFFFFF, s12  }
0x23: {  	s14 =	sand.u32 @!p1 $0x1, s14  }
0x24: {  	s14 =	smul.u32 @!p1 $0x500, s14  }
0x25: {  	s31 =	sadd.s32 $0xFFFFFFFF, s12;
	s15 =	sshrl.u32 @!p1 s11, $0x3  }
0x26: {  	s16 =	sand.u32 @!p1 $0x7, s11;
	s15 =	sadd.s32 @!p1 s5, s15;
	s14 =	sshrl.u32 @!p1 s14, $0x2  }
0x27: {  	[tilespmem:s14], [sflag:$0x2] =	stream.linear.gather @!p1 [hbm4b:s15+s16], $0x140, $0x38;
	[tilespmem:$0x14280] =	vst v63  }
0x28: {  	p1 =	sge.u32 s31, s8  }
.Ltmp2:
0x29: {  	_ = 	snop;
	(pc) =	sbr.rel @p1 .LBB2_7-.Ltmp2, $1  }
0x2a: {  	_ =	sdelay $0x3  }
0x2b: {  	s14 =	simm.s32 $0x1  }
0x2c: {  	s14 =	simm.s32 @!p0 $0x0  }
0x2d: {  	s15 =	smul.u32 $0x500, s14  }
0x2e: {  	_ =	swait.ge [sflag:s7], $0x140  }
0x2f: {  	[sflag:s7] =	ssyncset.done $0x0;
	s16 =	sshrl.u32 s15, $0x2  }
0x30: {  	[sflag:s7] =	ssyncadd.s32 $0xFFFFFEC0;
	s15 =	sadd.s32 $0x0, s16  }
0x31: {  	v0 =	vld.msk [tilespmem:s15+$0x0 ss:$0x1], $0xffff;
	_ =	sdelay $0x4  }
0x32: {  	vm2 =	vgt.s32 v0, $0x0  }
0x33: {  	v0 =	vnsel vm2, $0x0, v0  }
0x34: {  	v0 =	vmin.u32 v0, $0x270FF  }
0x35: {  	v0 =	vshll.u32 v0, $0x4  }
0x36: {  	s14 =	smul.u32 $0x28000, s14;
	_ =	sdelay $0x1  }
0x37: {  	s14 =	sshrl.u32 s14, $0x2  }
0x38: {  	s14 =	sor.u32 $0x280, s14  }
0x39: {  	[tilespmem:s14], [sflag:$0x1] =	stream.indirect_vreg.gather [hbm:s4], $0x80, v0, vm0, $0x38;
	[tilespmem:$0x14280] =	vst v63  }
0x3a: {  	s17 =	sadd.s32 $0x10, s16;
	s15 =	sadd.s32 $0x400, s14  }
0x3b: {  	[tilespmem:s15], [sflag:$0x1] =	stream.indirect_vreg.gather [hbm:s4], $0x80, v0, vm1, $0x38;
	[tilespmem:$0x14280] =	vst v63  }
0x3c: {  	s18 =	simm.s32 $0x80;
	v0 =	vld.msk [tilespmem:s17+$0x0 ss:$0x1], $0xffff;
	s17 =	smov.u32 s14  }
.LBB2_3:
0x3d: {  	p1 =	sne.s32 s18, $0x4C0;
	_ =	sdelay $0x4  }
0x3e: {  	vm2 =	vgt.s32 v0, $0x0  }
0x3f: {  	v0 =	vnsel vm2, $0x0, v0  }
0x40: {  	v0 =	vmin.u32 v0, $0x270FF  }
0x41: {  	v0 =	vshll.u32 v0, $0x4;
	_ =	sdelay $0x3  }
.Ltmp3:
0x42: {  	s19 =	sshra.s32 s18, $0x2;
	s17 =	sadd.s32 $0x800, s17;
	(pc) =	sbr.rel @p1 .LBB2_3-.Ltmp3, $4  }
0x43: {  	[tilespmem:s17], [sflag:$0x1] =	stream.indirect_vreg.gather [hbm:s4], $0x80, v0, vm0, $0x38;
	[tilespmem:$0x14280] =	vst v63  }
0x44: {  	s19 =	sadd.s32 s19, s16;
	s20 =	sadd.s32 $0x400, s17  }
0x45: {  	[tilespmem:s20], [sflag:$0x1] =	stream.indirect_vreg.gather [hbm:s4], $0x80, v0, vm1, $0x38;
	[tilespmem:$0x14280] =	vst v63  }
0x46: {  	s18 =	sadd.s32 $0x40, s18;
	v0 =	vld.msk [tilespmem:s19+$0x0 ss:$0x1], $0xffff  }
0x47: {  	_ =	sdelay $0x3  }
0x48: {  	vm2 =	vgt.s32 v0, $0x0  }
0x49: {  	v0 =	vnsel vm2, $0x0, v0  }
0x4a: {  	v0 =	vmin.u32 v0, $0x270FF  }
0x4b: {  	v0 =	vshll.u32 v0, $0x4;
	_ =	sdelay $0x3  }
0x4c: {  	s16 =	sadd.s32 $0x800, s17  }
0x4d: {  	[tilespmem:s16], [sflag:$0x1] =	stream.indirect_vreg.gather [hbm:s4], $0x80, v0, vm0, $0x38;
	[tilespmem:$0x14280] =	vst v63  }
0x4e: {  	s16 =	sadd.s32 $0x400, s16  }
0x4f: {  	[tilespmem:s16], [sflag:$0x1] =	stream.indirect_vreg.gather [hbm:s4], $0x80, v0, vm1, $0x38;
	[tilespmem:$0x14280] =	vst v63  }
0x50: {  	s13 =	sshll.u32 s13, $0x4;
	_ =	swait.ge [sflag:s6], $0xA000  }
0x51: {  	s13 =	sadd.s32 s13, s9;
	[sflag:s6] =	ssyncset.done $0x0  }
0x52: {  	s17 =	sadd.s32 $0x0, s13;
	s16 =	simm.s32 $0x80;
	[sflag:s6] =	ssyncadd.s32 $0xFFFF6000  }
.LBB2_5:
0x53: {  	[hbm:s17] =	stream.linear.scatter [tilespmem:s14], [sflag:$0x3], $0x400, $0x38;
	[tilespmem:$0x14280] =	vst v63  }
0x54: {  	s17 =	smov.u32 s16;
	s14 =	smov.u32 s15;
	p1 =	sne.s32 s16, $0x1380  }
.Ltmp4:
0x55: {  	s16 =	sadd.s32 $0x80, s16;
	(pc) =	sbr.rel @p1 .LBB2_5-.Ltmp4, $2  }
0x56: {  	_ =	sdelay $0x2  }
0x57: {  	s15 =	sadd.s32 $0x400, s15;
	s17 =	sadd.s32 s17, s13  }
.Ltmp5:
0x58: {  	_ = 	snop;
	(pc) =	sbr.rel .LBB2_6-.Ltmp5, $1  }
0x59: {  	_ =	sdelay $0x3  }
.LBB2_8:
0x5a: {  	_ =	sfence.sel $0x180000  }
0x5b: {  	s2 =	simm.s32 $0x2;
	[bflag:$0x0] =	sbarrier.arrive $0xFFFF  }
0x5c: {  	s30 =	simm.s32 $0x3;
	[sflag:s2] =	ssyncpa.u1 $0x1  }
0x5d: {  	s31 =	simm.s32 $0x1;
	[sflag:s30] =	ssyncpa.u1 $0x1  }
0x5e: {  	[sflag:s31] =	ssyncpa.u1 $0x1  }
0x5f: {  	p0 =	sne.s32 s0, $0x0;
	_ =	strace $0x90000050  }
0x60: {  	s0 =	sadd.s32 @!p0 $0x100000, s1;
	[bflag:$0x2] =	sbarrier.arrive $0xFFFF  }
0x61: {  	[sflag:s0] =	ssyncadd.tile.s32 @!p0 $0x1;
	_ =	shalt  }
.Lfunc_end2:
_tile_overlayer_lowered:
.L_overlay_start_2:
0x62: {  	(tag) =	ssettag $0x2  }
0x63: {  	s0 =	rddreg [dreg:$0x0];
	s2 =	stileid.u32  }
0x64: {  	s1 =	rddreg [dreg:$0x1];
	p0 =	sne.s32 s2, $0x0  }
0x65: {  	s3 =	rddreg [dreg:$0x2];
	[bflag:$0x3] =	sbarrier.arrive $0xFFFF;
	s2 =	simm.s32 @!p0 $0x1C01  }
0x66: {  	[timem:s3], [sflag:s2] =	dma.local @!p0 [hbm:s0], s1  }
0x67: {  	s0 =	simm.s32 @!p0 $0x1  }
0x68: {  	_ =	swait.ge @!p0 [sflag:s0], s1  }
0x69: {  	s1 =	ssub.s32 @!p0 $0x0, s1;
	[sflag:s0] =	ssyncset.done @!p0 $0x0  }
0x6a: {  	[sflag:s0] =	ssyncadd.s32 @!p0 s1  }
0x6b: {  	[bflag:$0x3] =	sbarrier.arrive $0xFFFF  }
0x6c: {  	_ =	shalt  }

// kernel: gather_offload_async_start
scs
__scs_entry_jumppad:
0x0: {  	(pc) =	sbr.rel $0x88, $3  }
0x1: {  	(tag) =	ssettag $0x0;
	lr =	simm.s32 $0x1  }
0x2: {  	[smem:$0x3F91] =	sst lr;
	_ =	strace $0xD0000000  }
0x3: {  	_ = 	snop  }
0x4: {  	_ = 	snop  }
0x5: {  	_ = 	snop  }
0x6: {  	_ = 	snop  }
0x7: {  	_ = 	snop  }
__scs_overlays_trampoline_lowered:
0x8: {  	[smem:$0x3FA0] =	sst s0  }
0x9: {  	[smem:$0x3FA1] =	sst s1  }
0xa: {  	[smem:$0x3FA2] =	sst s2  }
0xb: {  	[smem:$0x3FA3] =	sst s3  }
0xc: {  	[smem:$0x3FA4] =	sst s4  }
0xd: {  	[smem:$0x3FA5] =	sst s5  }
0xe: {  	[smem:$0x3FA6] =	sst s6  }
0xf: {  	[smem:$0x3FA7] =	sst s7  }
0x10: {  	[smem:$0x3FA8] =	sst s8  }
0x11: {  	[smem:$0x3FA9] =	sst s9;
	s0 =	simm.s32 @!p0 $0x0  }
0x12: {  	s1 =	sld [smem:$0x3F8F];
	s0 =	simm.s32 @p0 $0x1  }
0x13: {  	[smem:$0x3FAA] =	sst s0;
	s0 =	simm.s32 @!p1 $0x0  }
0x14: {  	s2 =	sld [smem:$0x3F8E];
	s0 =	simm.s32 @p1 $0x1  }
0x15: {  	[smem:$0x3FAB] =	sst s0;
	s0 =	simm.s32 @!p2 $0x0  }
0x16: {  	s3 =	sld [smem:$0x3FDB];
	s0 =	simm.s32 @p2 $0x1  }
0x17: {  	s4 =	simm.s32 $0x1BF5;
	[smem:$0x3FAD] =	sst s0  }
0x18: {  	s0 =	sld [smem:$0x3F90];
	_ =	swait.ge [sflag:s4], $0x0  }
0x19: {  	s7 =	sld [smem:$0x3F91]  }
0x1a: {  	s8 =	sadd.s32 $0xFFFFE003, lr  }
0x1b: {  	s9 =	sadd.s32 $0xFFFFFEF7, lr;
	s5 =	simm.s32 $0xFFFFFFFF;
	p2 =	slt.u32 s8, $0xFFFFF086  }
0x1c: {  	p1 =	slt.u32 s9, $0xF7A;
	s5 =	simm.s32 @!p2 $0x0  }
0x1d: {  	s5 =	simm.s32 @p1 $0x1;
	p0 =	seq.s32 s7, s2  }
0x1e: {  	s7 =	smul.u32 @!p0 $0xF7A, s2;
	p2 =	seq.s32 @!p0 s5, $0x0  }
0x1f: {  	s9 =	smul.u32 $0xF7A, s1;
	s8 =	simm.s32 @!p0 $0x1BF5;
	p2 =	por !p2, p0  }
0x20: {  	[sflag:s8] =	ssyncset.s32 @!p0 $0xFFFFF086;
	s6 =	sadd.s32 @!p0 s3, s7;
	s7 =	simm.s32 @!p0 $0x108  }
0x21: {  	s3 =	sadd.s32 s3, s9;
	s6 =	sadd.s32 @!p0 $0x88, s6;
	s7 =	simm.s32 @p2 $0x1082  }
0x22: {  	[simem:s7], [sflag:s8] =	dma.local @!p0 [hbm:s6], $0xF7A  }
0x23: {  	s9 =	sor.u32 $0xD0000000, s2;
	s6 =	simm.s32 $0x108;
	_ =	swait.ge @!p0 [sflag:s8], $0x0  }
0x24: {  	s3 =	sadd.s32 $0x88, s3;
	s6 =	simm.s32 @!p1 $0x1082;
	[sflag:s4] =	ssyncset.s32 $0xFFFFF086  }
0x25: {  	[simem:s6], [sflag:s4] =	dma.local [hbm:s3], $0xF7A  }
0x26: {  	[smem:$0x3F91] =	sst s1;
	(tag) =	ssettag s2;
	_ =	strace s9  }
0x27: {  	s1 =	sld [smem:$0x3FA1]  }
0x28: {  	s2 =	sld [smem:$0x3FA2]  }
0x29: {  	s4 =	sld [smem:$0x3FA4]  }
0x2a: {  	p0 =	seq.s32 s5, $0x0;
	s5 =	sld [smem:$0x3FA5]  }
0x2b: {  	s6 =	sld [smem:$0x3FA6]  }
0x2c: {  	s7 =	sld [smem:$0x3FA7]  }
0x2d: {  	s3 =	simm.s32 $0x108;
	s8 =	sld [smem:$0x3FA8]  }
0x2e: {  	s3 =	simm.s32 @!p0 $0x1082;
	s9 =	sld [smem:$0x3FA9]  }
0x2f: {  	lr =	sadd.s32 s0, s3;
	s0 =	sld [smem:$0x3FA0]  }
0x30: {  	s3 =	sld [smem:$0x3FA3]  }
0x31: {  	[smem:$0x3FAC] =	sst s10  }
0x32: {  	s10 =	sld [smem:$0x3FAA];
	_ =	sdelay $0x3  }
0x33: {  	p0 =	seq.s32 s10, $0x1;
	s10 =	sld [smem:$0x3FAC];
	_ =	sdelay $0x3  }
0x34: {  	[smem:$0x3FAC] =	sst s10  }
0x35: {  	s10 =	sld [smem:$0x3FAB];
	_ =	sdelay $0x3  }
0x36: {  	p1 =	seq.s32 s10, $0x1;
	s10 =	sld [smem:$0x3FAC];
	_ =	sdelay $0x3  }
0x37: {  	[smem:$0x3FAC] =	sst s10  }
0x38: {  	s10 =	sld [smem:$0x3FAD]  }
0x39: {  	_ = 	snop;
	(pc) =	sbr.ind lr, $3  }
0x3a: {  	_ = 	snop  }
0x3b: {  	_ = 	snop  }
0x3c: {  	p2 =	seq.s32 s10, $0x1;
	s10 =	sld [smem:$0x3FAC]  }
0x3d: {  	_ =	shalt  }
0x3e: {  	_ =	shalt  }
0x3f: {  	_ =	shalt  }
0x40: {  	_ =	shalt  }
0x41: {  	_ =	shalt  }
0x42: {  	_ =	shalt  }
0x43: {  	_ =	shalt  }
0x44: {  	_ =	shalt  }
0x45: {  	_ =	shalt  }
0x46: {  	_ =	shalt  }
0x47: {  	_ =	shalt  }
0x48: {  	_ =	shalt  }
0x49: {  	_ =	shalt  }
0x4a: {  	_ =	shalt  }
0x4b: {  	_ =	shalt  }
0x4c: {  	_ =	shalt  }
0x4d: {  	_ =	shalt  }
0x4e: {  	_ =	shalt  }
0x4f: {  	_ =	shalt  }
0x50: {  	_ =	shalt  }
0x51: {  	_ =	shalt  }
0x52: {  	_ =	shalt  }
0x53: {  	_ =	shalt  }
0x54: {  	_ =	shalt  }
0x55: {  	_ =	shalt  }
0x56: {  	_ =	shalt  }
0x57: {  	_ =	shalt  }
0x58: {  	_ =	shalt  }
0x59: {  	_ =	shalt  }
0x5a: {  	_ =	shalt  }
0x5b: {  	_ =	shalt  }
0x5c: {  	_ =	shalt  }
0x5d: {  	_ =	shalt  }
0x5e: {  	_ =	shalt  }
0x5f: {  	_ =	shalt  }
0x60: {  	_ =	shalt  }
0x61: {  	_ =	shalt  }
0x62: {  	_ =	shalt  }
0x63: {  	_ =	shalt  }
0x64: {  	_ =	shalt  }
0x65: {  	_ =	shalt  }
0x66: {  	_ =	shalt  }
0x67: {  	_ =	shalt  }
0x68: {  	_ =	shalt  }
0x69: {  	_ =	shalt  }
0x6a: {  	_ =	shalt  }
0x6b: {  	_ =	shalt  }
0x6c: {  	_ =	shalt  }
0x6d: {  	_ =	shalt  }
0x6e: {  	_ =	shalt  }
0x6f: {  	_ =	shalt  }
0x70: {  	_ =	shalt  }
0x71: {  	_ =	shalt  }
0x72: {  	_ =	shalt  }
0x73: {  	_ =	shalt  }
0x74: {  	_ =	shalt  }
0x75: {  	_ =	shalt  }
0x76: {  	_ =	shalt  }
0x77: {  	_ =	shalt  }
0x78: {  	_ =	shalt  }
0x79: {  	_ =	shalt  }
0x7a: {  	_ =	shalt  }
0x7b: {  	_ =	shalt  }
0x7c: {  	_ =	shalt  }
0x7d: {  	_ =	shalt  }
0x7e: {  	_ =	shalt  }
0x7f: {  	_ =	shalt  }
0x80: {  	_ =	shalt  }
0x81: {  	_ =	shalt  }
0x82: {  	_ =	shalt  }
0x83: {  	_ =	shalt  }
0x84: {  	_ =	shalt  }
0x85: {  	_ =	shalt  }
0x86: {  	_ =	shalt  }
0x87: {  	_ =	shalt  }
.Lfunc_end0:
.L_simem_size_0:
called_computation.2_lowered:
.L_overlay_start_0:
0x88: {  	s2 =	sld [smem:$0x3FD9]  }
0x89: {  	s3 =	sld [smem:$0x3FFE];
	_ =	sdelay $0x1  }
0x8a: {  	s1 =	srdreg.scid  }
0x8b: {  	s0 =	sand.u32 $0x1, s1  }
0x8c: {  	s17 =	sshll.u32 s0, $0xA;
	s2 =	sadd.s32 s3, s2  }
0x8d: {  	s2 =	sadd.s32 s2, s17  }
0x8e: {  	[smem:$0x3FB8] =	sst s2  }
0x8f: {  	_ = 	snop  }
0x90: {  	(tm) =	ssettm $0x1  }
0x91: {  	s18 =	sld [smem:$0x3FFB];
	_ =	sdelay $0x3  }
0x92: {  	_ =	strace s18  }
0x93: {  	s2 =	sld [smem:$0x3FFC];
	_ =	sdelay $0x3  }
0x94: {  	_ =	strace s2  }
0x95: {  	s2 =	sld [smem:$0x3FFD];
	_ =	sdelay $0x3  }
0x96: {  	_ =	strace s2  }
0x97: {  	_ =	strace $0x8FFFFFFF  }
0x98: {  	s19 =	sld [smem:$0x3FDB];
	_ =	sdelay $0x1  }
0x99: {  	s20 =	simm.s32 $_scs_section_size  }
0x9a: {  	s4 =	simm.s32 $_size__tile_overlayer_lowered;
	s5 =	simm.s32 $_tile_overlayer_lowered  }
0x9b: {  	s6 =	simm.s32 $0x1BFF;
	s21 =	sshll.u32 s5, $0x1;
	s3 =	sadd.s32 s20, s19  }
0x9c: {  	s22 =	simm.s32 $0x0;
	s4 =	sshll.u32 s4, $0x1;
	s5 =	sadd.s32 s21, s3  }
0x9d: {  	[timem:s22], [sflag:s6] =	dma.local [hbm:s5], s4  }
0x9e: {  	_ =	swait.ge [sflag:s6], s4  }
0x9f: {  	s4 =	ssub.s32 $0x0, s4;
	[sflag:s6] =	ssyncset.done $0x0  }
0xa0: {  	[sflag:s6] =	ssyncadd.s32 s4;
	_ =	sdelay $0x1  }
0xa1: {  	s23 =	simm.s32 $0x1B8B  }
0xa2: {  	_ =	swait.ge [sflag:s23], $0x1  }
0xa3: {  	[sflag:s23] =	ssyncset.done $0x0  }
0xa4: {  	[sflag:s23] =	ssyncadd.s32 $0xFFFFFFFF  }
0xa5: {  	s4 =	sld [smem:$0x0]  }
0xa6: {  	s5 =	sand.u32 $0xFFFFFFFE, s1  }
0xa7: {  	p0 =	sne.s32 s1, s5  }
0xa8: {  	s5 =	sshll.u32 @p0 s5, $0xE  }
0xa9: {  	s5 =	sadd.s32 @p0 $0x11B8D, s5;
	s6 =	sshll.u32 @p0 s4, $0x11  }
0xaa: {  	s5 =	sor.u32 @p0 s6, s5  }
0xab: {  	[sflag:s5] =	ssyncadd.remote.s32 @p0 $0x1;
	_ =	sdelay $0x1  }
0xac: {  	s5 =	simm.s32 @p0 $0x1B8D  }
0xad: {  	_ =	swait.eq @p0 [sflag:s5], $0x1  }
0xae: {  	[sflag:s5] =	ssyncadd.s32 @p0 $0xFFFFFFFF  }
0xaf: {  	s6 =	sshll.u32 @!p0 s1, $0xE  }
0xb0: {  	s6 =	sor.u32 @!p0 $0x4000, s6;
	s5 =	simm.s32 @!p0 $0x1B8D  }
0xb1: {  	s4 =	sshll.u32 @!p0 s4, $0x11;
	s6 =	sadd.s32 @!p0 $0x11B8D, s6;
	_ =	swait.eq @!p0 [sflag:s5], $0x1  }
0xb2: {  	s4 =	sor.u32 @!p0 s4, s6;
	[sflag:s5] =	ssyncadd.s32 @!p0 $0xFFFFFFFF  }
0xb3: {  	s25 =	simm.s32 $0x1B8E;
	s24 =	sld [smem:$0x3FFE];
	[sflag:s4] =	ssyncadd.remote.s32 @!p0 $0x1  }
0xb4: {  	s26 =	simm.s32 $execute0_lowered;
	[smem:$0x3FD2] =	sst s25  }
0xb5: {  	s5 =	sshll.u32 s26, $0x1;
	_ =	strace $0x80000049;
	[dreg:$0x1] =	wrdreg $0xFFFFFFFF  }
0xb6: {  	s28 =	simm.s32 $_size_execute0_lowered;
	s3 =	sadd.s32 s3, s5;
	[dreg:$0x0] =	wrdreg $0x0  }
0xb7: {  	s5 =	sshll.u32 s28, $0x1;
	[dreg:$0x2] =	wrdreg s3  }
0xb8: {  	[dreg:$0x3] =	wrdreg s5  }
0xb9: {  	[dreg:$0x4] =	wrdreg $0xC0  }
0xba: {  	_ =	task [dreg:s22], $0x5FFFF  }
0xbb: {  	[dreg:$0x1] =	wrdreg $0xFFFFFFFF  }
0xbc: {  	[dreg:$0x0] =	wrdreg $0x60  }
0xbd: {  	[dreg:$0x2] =	wrdreg s24  }
0xbe: {  	[dreg:$0x3] =	wrdreg $0x9  }
0xbf: {  	_ =	task.clear_ibuf [dreg:s22], $0x4FFFF;
	_ =	strace $0x90000049  }
0xc0: {  	s29 =	simm.s32 $0x9;
	_ =	strace $0x8000004B  }
0xc1: {  	_ =	swait.ge [sflag:s29], $0x1  }
0xc2: {  	[sflag:s29] =	ssyncadd.s32 $0xFFFFFFFF  }
0xc3: {  	_ =	strace $0x9000004B  }
0xc4: {  	_ =	sfence  }
0xc5: {  	s30 =	sld [smem:$0x0];
	_ =	sdelay $0x2  }
0xc6: {  	s31 =	sshll.u32 s1, $0xD;
	s1 =	sshrl.u32 s1, $0x2  }
0xc7: {  	s4 =	sand.u32 $0x4000, s31;
	s1 =	sadd.s32 s1, s30  }
0xc8: {  	s0 =	sor.u32 s4, s0;
	s1 =	sshll.u32 s1, $0x11  }
0xc9: {  	s0 =	sor.u32 s1, s0  }
0xca: {  	s0 =	sadd.s32 $0x8F2B, s0  }
0xcb: {  	[sflag:s0] =	ssyncadd.remote.s32 $0x1  }
0xcc: {  	_ =	sfence.sel $0xFFFF  }
0xcd: {  	[dreg:$0x0] =	wrdreg $0xFFFFFFFF;
	(pc) =	sbr.abs _section_cstart, $3  }
0xce: {  	[dreg:$0x1] =	wrdreg $0xFFFFFFFF  }
0xcf: {  	_ =	task.clear_ibuf [dreg:s22], $0x2FFFF;
	_ =	strace $0x9FFFFFFF  }
0xd0: {  	(tm) =	ssettm $0x7FFFFFFF  }
0xd1: {  	_ =	shalt  }
tec
execute0_lowered:
.L_overlay_start_1:
0x0: {  	(tag) =	ssettag $0x1  }
0x1: {  	s8 =	rddreg [dreg:$0x0]  }
0x2: {  	s0 =	rddreg [dreg:$0x1];
	_ =	strace $0x8000004A;
	s1 =	stileid.u32  }
0x3: {  	s3 =	srdreg.scid;
	s4 =	simm.s32 $0x1;
	s7 =	simm.s32 $0x1  }
0x4: {  	s9 =	simm.s32 $0x1;
	s10 =	simm.s32 $0x3;
	s13 =	simm.s32 $0x0  }
0x5: {  	s12 =	simm.s32 $0x0;
	s5 =	sand.u32 $0x1, s3;
	s6 =	sshll.u32 s1, $0x1  }
0x6: {  	s2 =	sadd.s32 $0xDE00, s8;
	s3 =	sadd.s32 $0x12E00, s8;
	s5 =	sor.u32 s6, s5  }
.Ltmp0:
0x7: {  	[sflag:s4] =	ssyncpa.u1 $0x0;
	p0 =	slt.u32 s5, $0x9;
	(pc) =	sbr.rel .LBB2_1-.Ltmp0, $4  }
0x8: {  	s6 =	simm.s32 $0x2;
	s7 =	simm.s32 @!p0 $0x0;
	p0 =	sne.s32 s5, $0x8  }
0x9: {  	[sflag:s6] =	ssyncpa.u1 $0x0;
	s5 =	smul.u32 $0xFA0, s5;
	s9 =	simm.s32 @!p0 $0x0  }
0xa: {  	s8 =	sadd.s32 $0x28DE00, s8;
	[sflag:s10] =	ssyncpa.u1 $0x0;
	s7 =	sadd.s32 s9, s7  }
0xb: {  	vm0 =	vmmov $0xffff;
	s10 =	simm.s32 $0x0;
	s11 =	smov.u32 s5;
	s9 =	sadd.s32 $0x1, s7  }
.LBB2_4:
0xc: {  	v2 =	vnsel vm1, $0x0, v2  }
0xd: {  	vm1 =	vgt.s32 v0, $0x0;
	v2 =	vmin.u32 v2, $0x270FF  }
0xe: {  	v0 =	vnsel vm1, $0x0, v0  }
0xf: {  	v0 =	vmin.u32 v0, $0x270FF  }
0x10: {  	[tilespmem:s18], [sflag:$0x1] =	stream.indirect_vreg.gather [hbm4b:s2+s10], $0x1, v1, vm0, $0x4038;
	[tilespmem:$0x3E80] =	vst v63  }
0x11: {  	(ifvalue) =	ssetifvalue $0x7FFFFFFF  }
0x12: {  	[tilespmem:s15], [sflag:$0x1] =	stream.indirect_vreg.gather [hbm4b:s2+s10], $0x1, v2, vm0, $0x4038;
	[tilespmem:$0x3E80] =	vst v63  }
0x13: {  	s29 =	sadd.s32 $0x10, s15;
	(ifvalue) =	ssetifvalue $0x7FFFFFFF  }
0x14: {  	[tilespmem:s29], [sflag:$0x1] =	stream.indirect_vreg.gather [hbm4b:s2+s10], $0x1, v0, vm0, $0x4038;
	[tilespmem:$0x3E80] =	vst v63  }
0x15: {  	_ =	swait.ge [sflag:s4], $0xFA0  }
0x16: {  	s30 =	sshrl.u32 s13, $0x3;
	[sflag:s4] =	ssyncset.done $0x0  }
0x17: {  	s31 =	sand.u32 $0x7, s13;
	s15 =	sadd.s32 s8, s30;
	[sflag:s4] =	ssyncadd.s32 $0xFFFFF060  }
0x18: {  	[hbm4b:s15+s31] =	stream.linear.scatter [tilespmem:s14], [sflag:$0x3], $0xFA0, $0x38;
	[tilespmem:$0x3E80] =	vst v63  }
.LBB2_5:
0x19: {  	s15 =	sadd.s32 $0x1F400, s11  }
0x1a: {  	p1 =	sgt.s32 s15, $0x270FF  }
0x1b: {  	s15 =	smov.u32 @p1 s5;
	p1 =	sne.s32 s12, s9  }
.Ltmp1:
0x1c: {  	p0 =	slt.u32 s12, $0x2;
	(pc) =	sbr.rel @!p1 .LBB2_6-.Ltmp1, $4  }
0x1d: {  	s14 =	simm.s32 @!p0 $0x3  }
0x1e: {  	_ =	swait.ge @!p0 [sflag:s14], $0xFA0  }
0x1f: {  	s16 =	sadd.s32 $0x1, s12;
	s13 =	smov.u32 s11;
	[sflag:s14] =	ssyncset.done @!p0 $0x0  }
0x20: {  	s12 =	smov.u32 s16;
	s11 =	smov.u32 s15;
	[sflag:s14] =	ssyncadd.s32 @!p0 $0xFFFFF060  }
.LBB2_1:
0x21: {  	p0 =	sge.u32 s12, s7  }
0x22: {  	s14 =	sxor.u32 @!p0 $0x1, s12  }
0x23: {  	s14 =	smul.u32 @!p0 $0x3E80, s14  }
0x24: {  	s31 =	sadd.s32 $0xFFFFFFFF, s12;
	s15 =	sshrl.u32 @!p0 s11, $0x3  }
0x25: {  	s16 =	sand.u32 @!p0 $0x7, s11;
	s15 =	sadd.s32 @!p0 s3, s15;
	s14 =	sshra.s32 @!p0 s14, $0x2  }
0x26: {  	[tilespmem:s14], [sflag:$0x2] =	stream.linear.gather @!p0 [hbm4b:s15+s16], $0xFA0, $0x38;
	[tilespmem:$0x3E80] =	vst v63  }
0x27: {  	p0 =	sge.u32 s31, s7  }
.Ltmp2:
0x28: {  	_ = 	snop;
	(pc) =	sbr.rel @p0 .LBB2_5-.Ltmp2, $1  }
0x29: {  	_ =	sdelay $0x3  }
0x2a: {  	s14 =	sand.u32 $0x1, s12  }
0x2b: {  	_ =	swait.ge [sflag:s6], $0xFA0;
	p0 =	seq.s32 s14, $0x1;
	s14 =	simm.s32 $0xFA0  }
0x2c: {  	[sflag:s6] =	ssyncset.done $0x0;
	s14 =	simm.s32 @!p0 $0x0  }
0x2d: {  	[sflag:s6] =	ssyncadd.s32 $0xFFFFF060;
	(ifvalue) =	ssetifvalue $0x7FFFFFFF;
	v0 =	vld.msk [tilespmem:s14+$0x0 ss:$0x1], $0xffff;
	_ =	sdelay $0x4  }
0x2e: {  	s15 =	sadd.s32 $0x10, s14;
	vm1 =	vgt.s32 v0, $0x0  }
0x2f: {  	v2 =	vld.msk [tilespmem:s15+$0x0 ss:$0x1], $0xffff;
	v1 =	vnsel vm1, $0x0, v0  }
0x30: {  	v1 =	vmin.u32 v1, $0x270FF;
	_ =	sdelay $0x2  }
0x31: {  	s17 =	simm.s32 $0x20;
	s14 =	sadd.s32 $0x1F40, s14;
	s16 =	sadd.s32 $0x10, s15  }
0x32: {  	s15 =	sadd.s32 $0x10, s14;
	s18 =	smov.u32 s14;
	v0 =	vld.msk [tilespmem:s16+$0x0 ss:$0x1], $0xffff;
	vm1 =	vgt.s32 v2, $0x0;
	(ifvalue) =	ssetifvalue $0x7FFFFFFF  }
.LBB2_3:
0x33: {  	[tilespmem:s18], [sflag:$0x1] =	stream.indirect_vreg.gather [hbm4b:s2+s10], $0x1, v1, vm0, $0x4038;
	[tilespmem:$0x3E80] =	vst v63  }
0x34: {  	s17 =	sadd.s32 $0x10, s17  }
0x35: {  	v2 =	vnsel vm1, $0x0, v2;
	p0 =	slt.u32 s17, $0xF90  }
.Ltmp3:
0x36: {  	s18 =	smov.u32 s15;
	v1 =	vmin.u32 v2, $0x270FF;
	(pc) =	sbr.rel @p0 .LBB2_3-.Ltmp3, $3  }
0x37: {  	_ =	sdelay $0x1  }
0x38: {  	s16 =	sadd.s32 $0x10, s16  }
0x39: {  	vm1 =	vgt.s32 v0, $0x0;
	s15 =	sadd.s32 $0x10, s15;
	v2 =	vmov v0;
	(ifvalue) =	ssetifvalue $0x7FFFFFFF;
	v0 =	vld.msk [tilespmem:s16+$0x0 ss:$0x1], $0xffff  }
.Ltmp4:
0x3a: {  	_ = 	snop;
	(pc) =	sbr.rel .LBB2_4-.Ltmp4, $1  }
0x3b: {  	_ =	sdelay $0x3  }
.LBB2_6:
0x3c: {  	_ =	sfence.sel $0x180000  }
0x3d: {  	s2 =	simm.s32 $0x2;
	[bflag:$0x0] =	sbarrier.arrive $0xFFFF  }
0x3e: {  	s30 =	simm.s32 $0x3;
	[sflag:s2] =	ssyncpa.u1 $0x1  }
0x3f: {  	s31 =	simm.s32 $0x1;
	[sflag:s30] =	ssyncpa.u1 $0x1  }
0x40: {  	[sflag:s31] =	ssyncpa.u1 $0x1  }
0x41: {  	p0 =	sne.s32 s1, $0x0;
	_ =	strace $0x9000004A  }
0x42: {  	s0 =	sadd.s32 @!p0 $0x100000, s0;
	[bflag:$0x2] =	sbarrier.arrive $0xFFFF  }
0x43: {  	[sflag:s0] =	ssyncadd.tile.s32 @!p0 $0x1;
	_ =	shalt  }
.Lfunc_end2:
_tile_overlayer_lowered:
.L_overlay_start_2:
0x44: {  	(tag) =	ssettag $0x2  }
0x45: {  	s0 =	rddreg [dreg:$0x0];
	s2 =	stileid.u32  }
0x46: {  	s1 =	rddreg [dreg:$0x1];
	p0 =	sne.s32 s2, $0x0  }
0x47: {  	s3 =	rddreg [dreg:$0x2];
	[bflag:$0x3] =	sbarrier.arrive $0xFFFF;
	s2 =	simm.s32 @!p0 $0x1C01  }
0x48: {  	[timem:s3], [sflag:s2] =	dma.local @!p0 [hbm:s0], s1  }
0x49: {  	s0 =	simm.s32 @!p0 $0x1  }
0x4a: {  	_ =	swait.ge @!p0 [sflag:s0], s1  }
0x4b: {  	s1 =	ssub.s32 @!p0 $0x0, s1;
	[sflag:s0] =	ssyncset.done @!p0 $0x0  }
0x4c: {  	[sflag:s0] =	ssyncadd.s32 @!p0 s1  }
0x4d: {  	[bflag:$0x3] =	sbarrier.arrive $0xFFFF  }
0x4e: {  	_ =	shalt  }

// kernel: kernel.12.cloned.1.call-start
scs
__scs_entry_jumppad:
0x0: {  	(pc) =	sbr.rel $0x88, $3  }
0x1: {  	(tag) =	ssettag $0x0;
	lr =	simm.s32 $0x1  }
0x2: {  	[smem:$0x3F91] =	sst lr;
	_ =	strace $0xD0000000  }
0x3: {  	_ = 	snop  }
0x4: {  	_ = 	snop  }
0x5: {  	_ = 	snop  }
0x6: {  	_ = 	snop  }
0x7: {  	_ = 	snop  }
__scs_overlays_trampoline_lowered:
0x8: {  	[smem:$0x3FA0] =	sst s0  }
0x9: {  	[smem:$0x3FA1] =	sst s1  }
0xa: {  	[smem:$0x3FA2] =	sst s2  }
0xb: {  	[smem:$0x3FA3] =	sst s3  }
0xc: {  	[smem:$0x3FA4] =	sst s4  }
0xd: {  	[smem:$0x3FA5] =	sst s5  }
0xe: {  	[smem:$0x3FA6] =	sst s6  }
0xf: {  	[smem:$0x3FA7] =	sst s7  }
0x10: {  	[smem:$0x3FA8] =	sst s8  }
0x11: {  	[smem:$0x3FA9] =	sst s9;
	s0 =	simm.s32 @!p0 $0x0  }
0x12: {  	s1 =	sld [smem:$0x3F8F];
	s0 =	simm.s32 @p0 $0x1  }
0x13: {  	[smem:$0x3FAA] =	sst s0;
	s0 =	simm.s32 @!p1 $0x0  }
0x14: {  	s2 =	sld [smem:$0x3F8E];
	s0 =	simm.s32 @p1 $0x1  }
0x15: {  	[smem:$0x3FAB] =	sst s0;
	s0 =	simm.s32 @!p2 $0x0  }
0x16: {  	s3 =	sld [smem:$0x3FDB];
	s0 =	simm.s32 @p2 $0x1  }
0x17: {  	s4 =	simm.s32 $0x1BF5;
	[smem:$0x3FAD] =	sst s0  }
0x18: {  	s0 =	sld [smem:$0x3F90];
	_ =	swait.ge [sflag:s4], $0x0  }
0x19: {  	s7 =	sld [smem:$0x3F91]  }
0x1a: {  	s8 =	sadd.s32 $0xFFFFE003, lr  }
0x1b: {  	s9 =	sadd.s32 $0xFFFFFEF7, lr;
	s5 =	simm.s32 $0xFFFFFFFF;
	p2 =	slt.u32 s8, $0xFFFFF086  }
0x1c: {  	p1 =	slt.u32 s9, $0xF7A;
	s5 =	simm.s32 @!p2 $0x0  }
0x1d: {  	s5 =	simm.s32 @p1 $0x1;
	p0 =	seq.s32 s7, s2  }
0x1e: {  	s7 =	smul.u32 @!p0 $0xF7A, s2;
	p2 =	seq.s32 @!p0 s5, $0x0  }
0x1f: {  	s9 =	smul.u32 $0xF7A, s1;
	s8 =	simm.s32 @!p0 $0x1BF5;
	p2 =	por !p2, p0  }
0x20: {  	[sflag:s8] =	ssyncset.s32 @!p0 $0xFFFFF086;
	s6 =	sadd.s32 @!p0 s3, s7;
	s7 =	simm.s32 @!p0 $0x108  }
0x21: {  	s3 =	sadd.s32 s3, s9;
	s6 =	sadd.s32 @!p0 $0x88, s6;
	s7 =	simm.s32 @p2 $0x1082  }
0x22: {  	[simem:s7], [sflag:s8] =	dma.local @!p0 [hbm:s6], $0xF7A  }
0x23: {  	s9 =	sor.u32 $0xD0000000, s2;
	s6 =	simm.s32 $0x108;
	_ =	swait.ge @!p0 [sflag:s8], $0x0  }
0x24: {  	s3 =	sadd.s32 $0x88, s3;
	s6 =	simm.s32 @!p1 $0x1082;
	[sflag:s4] =	ssyncset.s32 $0xFFFFF086  }
0x25: {  	[simem:s6], [sflag:s4] =	dma.local [hbm:s3], $0xF7A  }
0x26: {  	[smem:$0x3F91] =	sst s1;
	(tag) =	ssettag s2;
	_ =	strace s9  }
0x27: {  	s1 =	sld [smem:$0x3FA1]  }
0x28: {  	s2 =	sld [smem:$0x3FA2]  }
0x29: {  	s4 =	sld [smem:$0x3FA4]  }
0x2a: {  	p0 =	seq.s32 s5, $0x0;
	s5 =	sld [smem:$0x3FA5]  }
0x2b: {  	s6 =	sld [smem:$0x3FA6]  }
0x2c: {  	s7 =	sld [smem:$0x3FA7]  }
0x2d: {  	s3 =	simm.s32 $0x108;
	s8 =	sld [smem:$0x3FA8]  }
0x2e: {  	s3 =	simm.s32 @!p0 $0x1082;
	s9 =	sld [smem:$0x3FA9]  }
0x2f: {  	lr =	sadd.s32 s0, s3;
	s0 =	sld [smem:$0x3FA0]  }
0x30: {  	s3 =	sld [smem:$0x3FA3]  }
0x31: {  	[smem:$0x3FAC] =	sst s10  }
0x32: {  	s10 =	sld [smem:$0x3FAA];
	_ =	sdelay $0x3  }
0x33: {  	p0 =	seq.s32 s10, $0x1;
	s10 =	sld [smem:$0x3FAC];
	_ =	sdelay $0x3  }
0x34: {  	[smem:$0x3FAC] =	sst s10  }
0x35: {  	s10 =	sld [smem:$0x3FAB];
	_ =	sdelay $0x3  }
0x36: {  	p1 =	seq.s32 s10, $0x1;
	s10 =	sld [smem:$0x3FAC];
	_ =	sdelay $0x3  }
0x37: {  	[smem:$0x3FAC] =	sst s10  }
0x38: {  	s10 =	sld [smem:$0x3FAD]  }
0x39: {  	_ = 	snop;
	(pc) =	sbr.ind lr, $3  }
0x3a: {  	_ = 	snop  }
0x3b: {  	_ = 	snop  }
0x3c: {  	p2 =	seq.s32 s10, $0x1;
	s10 =	sld [smem:$0x3FAC]  }
0x3d: {  	_ =	shalt  }
0x3e: {  	_ =	shalt  }
0x3f: {  	_ =	shalt  }
0x40: {  	_ =	shalt  }
0x41: {  	_ =	shalt  }
0x42: {  	_ =	shalt  }
0x43: {  	_ =	shalt  }
0x44: {  	_ =	shalt  }
0x45: {  	_ =	shalt  }
0x46: {  	_ =	shalt  }
0x47: {  	_ =	shalt  }
0x48: {  	_ =	shalt  }
0x49: {  	_ =	shalt  }
0x4a: {  	_ =	shalt  }
0x4b: {  	_ =	shalt  }
0x4c: {  	_ =	shalt  }
0x4d: {  	_ =	shalt  }
0x4e: {  	_ =	shalt  }
0x4f: {  	_ =	shalt  }
0x50: {  	_ =	shalt  }
0x51: {  	_ =	shalt  }
0x52: {  	_ =	shalt  }
0x53: {  	_ =	shalt  }
0x54: {  	_ =	shalt  }
0x55: {  	_ =	shalt  }
0x56: {  	_ =	shalt  }
0x57: {  	_ =	shalt  }
0x58: {  	_ =	shalt  }
0x59: {  	_ =	shalt  }
0x5a: {  	_ =	shalt  }
0x5b: {  	_ =	shalt  }
0x5c: {  	_ =	shalt  }
0x5d: {  	_ =	shalt  }
0x5e: {  	_ =	shalt  }
0x5f: {  	_ =	shalt  }
0x60: {  	_ =	shalt  }
0x61: {  	_ =	shalt  }
0x62: {  	_ =	shalt  }
0x63: {  	_ =	shalt  }
0x64: {  	_ =	shalt  }
0x65: {  	_ =	shalt  }
0x66: {  	_ =	shalt  }
0x67: {  	_ =	shalt  }
0x68: {  	_ =	shalt  }
0x69: {  	_ =	shalt  }
0x6a: {  	_ =	shalt  }
0x6b: {  	_ =	shalt  }
0x6c: {  	_ =	shalt  }
0x6d: {  	_ =	shalt  }
0x6e: {  	_ =	shalt  }
0x6f: {  	_ =	shalt  }
0x70: {  	_ =	shalt  }
0x71: {  	_ =	shalt  }
0x72: {  	_ =	shalt  }
0x73: {  	_ =	shalt  }
0x74: {  	_ =	shalt  }
0x75: {  	_ =	shalt  }
0x76: {  	_ =	shalt  }
0x77: {  	_ =	shalt  }
0x78: {  	_ =	shalt  }
0x79: {  	_ =	shalt  }
0x7a: {  	_ =	shalt  }
0x7b: {  	_ =	shalt  }
0x7c: {  	_ =	shalt  }
0x7d: {  	_ =	shalt  }
0x7e: {  	_ =	shalt  }
0x7f: {  	_ =	shalt  }
0x80: {  	_ =	shalt  }
0x81: {  	_ =	shalt  }
0x82: {  	_ =	shalt  }
0x83: {  	_ =	shalt  }
0x84: {  	_ =	shalt  }
0x85: {  	_ =	shalt  }
0x86: {  	_ =	shalt  }
0x87: {  	_ =	shalt  }
.Lfunc_end0:
.L_simem_size_0:
called_computation.6_lowered:
.L_overlay_start_0:
0x88: {  	s2 =	sld [smem:$0x3FD9]  }
0x89: {  	s3 =	sld [smem:$0x3FFE];
	_ =	sdelay $0x1  }
0x8a: {  	s1 =	srdreg.scid  }
0x8b: {  	s0 =	sand.u32 $0x1, s1  }
0x8c: {  	s17 =	sshll.u32 s0, $0xA;
	s2 =	sadd.s32 s3, s2  }
0x8d: {  	s2 =	sadd.s32 s2, s17  }
0x8e: {  	[smem:$0x3FB8] =	sst s2  }
0x8f: {  	_ = 	snop  }
0x90: {  	(tm) =	ssettm $0x1  }
0x91: {  	s18 =	sld [smem:$0x3FFB];
	_ =	sdelay $0x3  }
0x92: {  	_ =	strace s18  }
0x93: {  	s2 =	sld [smem:$0x3FFC];
	_ =	sdelay $0x3  }
0x94: {  	_ =	strace s2  }
0x95: {  	s2 =	sld [smem:$0x3FFD];
	_ =	sdelay $0x3  }
0x96: {  	_ =	strace s2  }
0x97: {  	_ =	strace $0x8FFFFFFF  }
0x98: {  	s19 =	sld [smem:$0x3FDB];
	_ =	sdelay $0x1  }
0x99: {  	s20 =	simm.s32 $_scs_section_size  }
0x9a: {  	s4 =	simm.s32 $_size__tile_overlayer_lowered;
	s5 =	simm.s32 $_tile_overlayer_lowered  }
0x9b: {  	s6 =	simm.s32 $0x1BFF;
	s21 =	sshll.u32 s5, $0x1;
	s3 =	sadd.s32 s20, s19  }
0x9c: {  	s22 =	simm.s32 $0x0;
	s4 =	sshll.u32 s4, $0x1;
	s5 =	sadd.s32 s21, s3  }
0x9d: {  	[timem:s22], [sflag:s6] =	dma.local [hbm:s5], s4  }
0x9e: {  	_ =	swait.ge [sflag:s6], s4  }
0x9f: {  	s4 =	ssub.s32 $0x0, s4;
	[sflag:s6] =	ssyncset.done $0x0  }
0xa0: {  	[sflag:s6] =	ssyncadd.s32 s4;
	_ =	sdelay $0x1  }
0xa1: {  	s23 =	simm.s32 $0x1B8B  }
0xa2: {  	_ =	swait.ge [sflag:s23], $0x1  }
0xa3: {  	[sflag:s23] =	ssyncset.done $0x0  }
0xa4: {  	[sflag:s23] =	ssyncadd.s32 $0xFFFFFFFF  }
0xa5: {  	s4 =	sld [smem:$0x0]  }
0xa6: {  	s5 =	sand.u32 $0xFFFFFFFE, s1  }
0xa7: {  	p0 =	sne.s32 s1, s5  }
0xa8: {  	s5 =	sshll.u32 @p0 s5, $0xE  }
0xa9: {  	s5 =	sadd.s32 @p0 $0x11B8D, s5;
	s6 =	sshll.u32 @p0 s4, $0x11  }
0xaa: {  	s5 =	sor.u32 @p0 s6, s5  }
0xab: {  	[sflag:s5] =	ssyncadd.remote.s32 @p0 $0x1;
	_ =	sdelay $0x1  }
0xac: {  	s5 =	simm.s32 @p0 $0x1B8D  }
0xad: {  	_ =	swait.eq @p0 [sflag:s5], $0x1  }
0xae: {  	[sflag:s5] =	ssyncadd.s32 @p0 $0xFFFFFFFF  }
0xaf: {  	s6 =	sshll.u32 @!p0 s1, $0xE  }
0xb0: {  	s6 =	sor.u32 @!p0 $0x4000, s6;
	s5 =	simm.s32 @!p0 $0x1B8D  }
0xb1: {  	s4 =	sshll.u32 @!p0 s4, $0x11;
	s6 =	sadd.s32 @!p0 $0x11B8D, s6;
	_ =	swait.eq @!p0 [sflag:s5], $0x1  }
0xb2: {  	s4 =	sor.u32 @!p0 s4, s6;
	[sflag:s5] =	ssyncadd.s32 @!p0 $0xFFFFFFFF  }
0xb3: {  	s25 =	simm.s32 $0x1B8E;
	s24 =	sld [smem:$0x3FFE];
	[sflag:s4] =	ssyncadd.remote.s32 @!p0 $0x1  }
0xb4: {  	s26 =	simm.s32 $execute0_lowered;
	[smem:$0x3FD2] =	sst s25  }
0xb5: {  	s5 =	sshll.u32 s26, $0x1;
	_ =	strace $0x80000052;
	[dreg:$0x1] =	wrdreg $0xFFFFFFFF  }
0xb6: {  	s28 =	simm.s32 $_size_execute0_lowered;
	s3 =	sadd.s32 s3, s5;
	[dreg:$0x0] =	wrdreg $0x0  }
0xb7: {  	s5 =	sshll.u32 s28, $0x1;
	[dreg:$0x2] =	wrdreg s3  }
0xb8: {  	[dreg:$0x3] =	wrdreg s5  }
0xb9: {  	[dreg:$0x4] =	wrdreg $0xC0  }
0xba: {  	_ =	task [dreg:s22], $0x5FFFF  }
0xbb: {  	[dreg:$0x1] =	wrdreg $0xFFFFFFFF  }
0xbc: {  	[dreg:$0x0] =	wrdreg $0x60  }
0xbd: {  	[dreg:$0x2] =	wrdreg s24  }
0xbe: {  	[dreg:$0x3] =	wrdreg $0xC  }
0xbf: {  	_ =	task.clear_ibuf [dreg:s22], $0x4FFFF;
	_ =	strace $0x90000052  }
0xc0: {  	s29 =	simm.s32 $0xC;
	_ =	strace $0x80000054  }
0xc1: {  	_ =	swait.ge [sflag:s29], $0x1  }
0xc2: {  	[sflag:s29] =	ssyncadd.s32 $0xFFFFFFFF  }
0xc3: {  	_ =	strace $0x90000054  }
0xc4: {  	_ =	sfence  }
0xc5: {  	s30 =	sld [smem:$0x0];
	_ =	sdelay $0x2  }
0xc6: {  	s31 =	sshll.u32 s1, $0xD;
	s1 =	sshrl.u32 s1, $0x2  }
0xc7: {  	s4 =	sand.u32 $0x4000, s31;
	s1 =	sadd.s32 s1, s30  }
0xc8: {  	s0 =	sor.u32 s4, s0;
	s1 =	sshll.u32 s1, $0x11  }
0xc9: {  	s0 =	sor.u32 s1, s0  }
0xca: {  	s0 =	sadd.s32 $0x8F2B, s0  }
0xcb: {  	[sflag:s0] =	ssyncadd.remote.s32 $0x1  }
0xcc: {  	_ =	sfence.sel $0xFFFF  }
0xcd: {  	[dreg:$0x0] =	wrdreg $0xFFFFFFFF;
	(pc) =	sbr.abs _section_cstart, $3  }
0xce: {  	[dreg:$0x1] =	wrdreg $0xFFFFFFFF  }
0xcf: {  	_ =	task.clear_ibuf [dreg:s22], $0x2FFFF;
	_ =	strace $0x9FFFFFFF  }
0xd0: {  	(tm) =	ssettm $0x7FFFFFFF  }
0xd1: {  	_ =	shalt  }
tec
execute0_lowered:
.L_overlay_start_1:
0x0: {  	(tag) =	ssettag $0x1  }
0x1: {  	s0 =	srdreg.scid  }
0x2: {  	s5 =	stileid.u32;
	s4 =	rddreg [dreg:$0x0];
	s2 =	simm.s32 $0x0  }
0x3: {  	s10 =	simm.s32 $0xD000;
	s11 =	simm.s32 $0xD800;
	[smem:$0x7FF] =	sst s2  }
0x4: {  	s13 =	simm.s32 $0xE000;
	_ =	strace $0x80000053;
	[dreg:$0x4] =	wrdreg s10  }
0x5: {  	s14 =	simm.s32 $0xE800;
	s15 =	simm.s32 $0xEC00;
	[dreg:$0x5] =	wrdreg s11  }
0x6: {  	s16 =	simm.s32 $0xF400;
	s17 =	simm.s32 $0xFC00;
	[dreg:$0x6] =	wrdreg s13  }
0x7: {  	s18 =	simm.s32 $0x10400;
	s20 =	simm.s32 $0x10C00;
	[dreg:$0x7] =	wrdreg s14  }
0x8: {  	s21 =	simm.s32 $0x11000;
	s22 =	simm.s32 $0x11800;
	[dreg:$0x8] =	wrdreg s15  }
0x9: {  	s23 =	simm.s32 $0x12000;
	s24 =	simm.s32 $0x12800;
	[dreg:$0x9] =	wrdreg s16  }
0xa: {  	s25 =	simm.s32 $0x13000;
	s28 =	simm.s32 $0x5C00;
	[dreg:$0xa] =	wrdreg s17  }
0xb: {  	s29 =	simm.s32 $0x6400;
	s30 =	simm.s32 $0x9800;
	[dreg:$0xb] =	wrdreg s18  }
0xc: {  	s31 =	simm.s32 $0xA000;
	s0 =	sand.u32 $0x1, s0;
	[dreg:$0xc] =	wrdreg s20  }
0xd: {  	s1 =	smul.u32 $0x2710, s5;
	s5 =	sshll.u32 s5, $0x1;
	[dreg:$0xd] =	wrdreg s21  }
0xe: {  	s9 =	sadd.s32 $0x66A000, s4;
	s3 =	smul.u32 $0x1388, s0;
	[dreg:$0xe] =	wrdreg s22  }
0xf: {  	s5 =	sor.u32 s0, s5;
	s0 =	ssub.s32 $0x2, s0;
	[dreg:$0xf] =	wrdreg s23  }
0x10: {  	s11 =	simm.s32 $0x3;
	s20 =	simm.s32 $0x1C00;
	[dreg:$0x10] =	wrdreg s24  }
0x11: {  	s18 =	simm.s32 $0x2400;
	[dreg:$0x11] =	wrdreg s25;
	s21 =	simm.s32 $0x3400  }
0x12: {  	s22 =	simm.s32 $0x3800;
	s23 =	simm.s32 $0x4000;
	s13 =	simm.s32 $0x15800  }
0x13: {  	s24 =	simm.s32 $0x4800;
	s14 =	simm.s32 $0x16000;
	[dreg:$0x17] =	wrdreg s13  }
0x14: {  	s25 =	simm.s32 $0x5000;
	s15 =	simm.s32 $0x16800;
	[dreg:$0x18] =	wrdreg s14  }
0x15: {  	s16 =	simm.s32 $0x17000;
	s17 =	simm.s32 $0x17800;
	[dreg:$0x19] =	wrdreg s15  }
0x16: {  	s26 =	smul.u32 $0x1388, s5;
	s7 =	sshrl.u32 s0, $0x1;
	[dreg:$0x1a] =	wrdreg s16  }
0x17: {  	[dreg:$0x1b] =	wrdreg s17;
	s13 =	simm.s32 $0x9000;
	s14 =	simm.s32 $0x1  }
0x18: {  	s15 =	simm.s32 $0xC800;
	s16 =	simm.s32 $0x2;
	s17 =	simm.s32 $0x0  }
0x19: {  	s1 =	sadd.s32 s3, s1;
	s3 =	sadd.s32 $0x50A600, s4;
	s0 =	ssub.s32 s0, s7  }
0x1a: {  	s7 =	sadd.s32 $0x50A900, s4;
	[dreg:$0x1f] =	wrdreg s17;
	s6 =	sshrl.u32 s1, $0x3  }
0x1b: {  	s1 =	sadd.s32 $0x28, s1;
	s8 =	sshrl.u32 s26, $0x3;
	s0 =	smax.u32 s0, $0x1  }
0x1c: {  	s26 =	simm.s32 $0x13400;
	s5 =	smul.u32 $0x480, s6;
	s1 =	sshrl.u32 s1, $0x3  }
0x1d: {  	s6 =	sadd.s32 s8, s4;
	s10 =	smul.u32 $0x480, s8;
	[dreg:$0x1e] =	wrdreg s0  }
0x1e: {  	s8 =	sadd.s32 $0x50AA00, s4;
	[dreg:$0x12] =	wrdreg s26;
	s26 =	simm.s32 $0x5800  }
0x1f: {  	s0 =	simm.s32 $0x7400;
	s1 =	smul.u32 $0x480, s1;
	s12 =	sadd.s32 $0x288E00, s6  }
0x20: {  	s6 =	sadd.s32 $0x50A800, s4;
	s5 =	sadd.s32 s5, s9;
	[dreg:$0x1c] =	wrdreg s12  }
0x21: {  	s19 =	sadd.s32 s9, s10;
	s10 =	simm.s32 $0x15400;
	[dreg:$0x2] =	wrdreg s5  }
0x22: {  	s12 =	simm.s32 $0x1400;
	s1 =	sadd.s32 s1, s9;
	[dreg:$0x16] =	wrdreg s10  }
0x23: {  	s5 =	sadd.s32 $0x50A700, s4;
	s4 =	sadd.s32 $0xAE600, s19;
	[dreg:$0x3] =	wrdreg s1  }
0x24: {  	s19 =	simm.s32 $0x2C00;
	s9 =	simm.s32 $0x14C00;
	[dreg:$0x1d] =	wrdreg s4  }
0x25: {  	v2 =	vlaneseq.u32;
	s10 =	simm.s32 $0x8800;
	s1 =	simm.s32 $0x13C00;
	[dreg:$0x15] =	wrdreg s9  }
0x26: {  	vm0 =	vmmov $0xffff;
	vm1 =	vmmov $0xff;
	v1 =	vshrl.u32 v2, $0x3;
	s4 =	simm.s32 $0x14400;
	s9 =	simm.s32 $0x8000;
	[dreg:$0x13] =	wrdreg s1  }
0x27: {  	v0 =	vand.u32 $0x7, v2;
	v2 =	vor.u32 $0x8, v2;
	v1 =	vmul.u32 $0x8, v1;
	[dreg:$0x14] =	wrdreg s4;
	s1 =	simm.s32 $0x6C00;
	s4 =	simm.s32 $0x7C00  }
.LBB2_1:
0x28: {  	s17 =	rddreg [dreg:$0x1c]  }
0x29: {  	[tilespmem:s2], [sflag:$0x3] =	stream.linear.gather [hbm4b:s17+s2], $0x1388, $0x38;
	[tilespmem:$0x17C00] =	vst v63  }
0x2a: {  	_ =	swait.ge [sflag:s11], $0x1388  }
0x2b: {  	[sflag:s11] =	ssyncset.done $0x0  }
0x2c: {  	[sflag:s11] =	ssyncadd.s32 $0xFFFFEC78  }
0x2d: {  	v3 =	vld [tilespmem:$0x0];
	_ =	sdelay $0x4  }
0x2e: {  	v4 =	vshrl.u32 v3, $0x3  }
0x2f: {  	v4 =	vmul.u32 $0x48, v4  }
0x30: {  	v3 =	vand.u32 $0x7, v3  }
0x31: {  	v3 =	vor.u32 v3, v4  }
0x32: {  	v4 =	vperm.xlane v3, v0;
	_ =	sdelay $0x1  }
0x33: {  	v4 =	vadd.s32 v1, v4;
	_ =	sdelay $0x4  }
0x34: {  	[tilespmem:s12], [sflag:$0x1] =	stream.indirect_vreg.gather [hbm4b:s3+s2], $0x80, v4, vm0, $0xb8;
	[tilespmem:$0x17C00] =	vst v63  }
0x35: {  	_ = 	snop  }
0x36: {  	[tilespmem:s20], [sflag:$0x1] =	stream.indirect_vreg.gather [hbm4b:s5+s2], $0x80, v4, vm0, $0xb8;
	[tilespmem:$0x17C00] =	vst v63  }
0x37: {  	v3 =	vperm.xlane v3, v2  }
0x38: {  	[tilespmem:s18], [sflag:$0x1] =	stream.indirect_vreg.gather [hbm4b:s6+s2], $0x80, v4, vm0, $0xb8;
	[tilespmem:$0x17C00] =	vst v63  }
0x39: {  	v3 =	vadd.s32 v1, v3  }
0x3a: {  	[tilespmem:s19], [sflag:$0x1] =	stream.indirect_vreg.gather [hbm4b:s7+s2], $0x80, v4, vm0, $0xb8;
	[tilespmem:$0x17C00] =	vst v63  }
0x3b: {  	_ = 	snop  }
0x3c: {  	[tilespmem:s21], [sflag:$0x1] =	stream.indirect_vreg.gather [hbm4b:s8+s2], $0x80, v4, vm1, $0xb8;
	[tilespmem:$0x17C00] =	vst v63  }
0x3d: {  	_ = 	snop  }
0x3e: {  	[tilespmem:s22], [sflag:$0x1] =	stream.indirect_vreg.gather [hbm4b:s3+s2], $0x80, v3, vm0, $0xb8;
	[tilespmem:$0x17C00] =	vst v63  }
0x3f: {  	_ = 	snop  }
0x40: {  	[tilespmem:s23], [sflag:$0x1] =	stream.indirect_vreg.gather [hbm4b:s5+s2], $0x80, v3, vm0, $0xb8;
	[tilespmem:$0x17C00] =	vst v63  }
0x41: {  	_ = 	snop  }
0x42: {  	[tilespmem:s24], [sflag:$0x1] =	stream.indirect_vreg.gather [hbm4b:s6+s2], $0x80, v3, vm0, $0xb8;
	[tilespmem:$0x17C00] =	vst v63  }
0x43: {  	_ = 	snop  }
0x44: {  	[tilespmem:s25], [sflag:$0x1] =	stream.indirect_vreg.gather [hbm4b:s7+s2], $0x80, v3, vm0, $0xb8;
	[tilespmem:$0x17C00] =	vst v63  }
0x45: {  	_ = 	snop  }
0x46: {  	[tilespmem:s26], [sflag:$0x1] =	stream.indirect_vreg.gather [hbm4b:s8+s2], $0x80, v3, vm1, $0xb8;
	[tilespmem:$0x17C00] =	vst v63  }
0x47: {  	v3 =	vld [tilespmem:$0x10];
	_ =	sdelay $0x4  }
0x48: {  	v62 =	vshrl.u32 v3, $0x3  }
0x49: {  	v4 =	vmul.u32 $0x48, v62  }
0x4a: {  	v3 =	vand.u32 $0x7, v3  }
0x4b: {  	v3 =	vor.u32 v3, v4  }
0x4c: {  	v4 =	vperm.xlane v3, v0;
	_ =	sdelay $0x1  }
0x4d: {  	v4 =	vadd.s32 v1, v4;
	_ =	sdelay $0x4  }
0x4e: {  	[tilespmem:s28], [sflag:$0x1] =	stream.indirect_vreg.gather [hbm4b:s3+s2], $0x80, v4, vm0, $0xb8;
	[tilespmem:$0x17C00] =	vst v63  }
0x4f: {  	_ = 	snop  }
0x50: {  	[tilespmem:s29], [sflag:$0x1] =	stream.indirect_vreg.gather [hbm4b:s5+s2], $0x80, v4, vm0, $0xb8;
	[tilespmem:$0x17C00] =	vst v63  }
0x51: {  	v3 =	vperm.xlane v3, v2  }
0x52: {  	[tilespmem:s1], [sflag:$0x1] =	stream.indirect_vreg.gather [hbm4b:s6+s2], $0x80, v4, vm0, $0xb8;
	[tilespmem:$0x17C00] =	vst v63  }
0x53: {  	v3 =	vadd.s32 v1, v3  }
0x54: {  	[tilespmem:s0], [sflag:$0x1] =	stream.indirect_vreg.gather [hbm4b:s7+s2], $0x80, v4, vm0, $0xb8;
	[tilespmem:$0x17C00] =	vst v63  }
0x55: {  	_ = 	snop  }
0x56: {  	[tilespmem:s4], [sflag:$0x1] =	stream.indirect_vreg.gather [hbm4b:s8+s2], $0x80, v4, vm1, $0xb8;
	[tilespmem:$0x17C00] =	vst v63  }
0x57: {  	_ = 	snop  }
0x58: {  	[tilespmem:s9], [sflag:$0x1] =	stream.indirect_vreg.gather [hbm4b:s3+s2], $0x80, v3, vm0, $0xb8;
	[tilespmem:$0x17C00] =	vst v63  }
0x59: {  	_ = 	snop  }
0x5a: {  	[tilespmem:s10], [sflag:$0x1] =	stream.indirect_vreg.gather [hbm4b:s5+s2], $0x80, v3, vm0, $0xb8;
	[tilespmem:$0x17C00] =	vst v63  }
0x5b: {  	_ = 	snop  }
0x5c: {  	[tilespmem:s13], [sflag:$0x1] =	stream.indirect_vreg.gather [hbm4b:s6+s2], $0x80, v3, vm0, $0xb8;
	[tilespmem:$0x17C00] =	vst v63  }
0x5d: {  	_ = 	snop  }
0x5e: {  	[tilespmem:s30], [sflag:$0x1] =	stream.indirect_vreg.gather [hbm4b:s7+s2], $0x80, v3, vm0, $0xb8;
	[tilespmem:$0x17C00] =	vst v63  }
0x5f: {  	_ = 	snop  }
0x60: {  	[tilespmem:s31], [sflag:$0x1] =	stream.indirect_vreg.gather [hbm4b:s8+s2], $0x80, v3, vm1, $0xb8;
	[tilespmem:$0x17C00] =	vst v63  }
0x61: {  	v3 =	vld.msk [tilespmem:$0x20], $0xff;
	_ =	sdelay $0x4  }
0x62: {  	v63 =	vshrl.u32 v3, $0x3  }
0x63: {  	v4 =	vmul.u32 $0x48, v63  }
0x64: {  	v3 =	vand.u32 $0x7, v3  }
0x65: {  	v3 =	vor.u32 v3, v4  }
0x66: {  	v3 =	vperm.xlane v3, v0;
	_ =	sdelay $0x1  }
0x67: {  	v3 =	vadd.s32 v1, v3;
	_ =	sdelay $0x1  }
0x68: {  	s17 =	simm.s32 $0x38  }
0x69: {  	s18 =	simm.s32 $0x0;
	s21 =	simm.s32 $0xB400;
	s22 =	simm.s32 $0x2C00  }
0x6a: {  	s23 =	simm.s32 $0xA000;
	s24 =	simm.s32 $0x3800;
	s26 =	simm.s32 $0xA400  }
0x6b: {  	[tilespmem:s26], [sflag:$0x1] =	stream.indirect_vreg.gather [hbm4b:s3+s2], $0x80, v3, vm0, $0xb8;
	[tilespmem:$0x17C00] =	vst v63  }
0x6c: {  	s25 =	simm.s32 $0xBC00;
	s28 =	simm.s32 $0xAC00;
	s29 =	simm.s32 $0x5800  }
0x6d: {  	[tilespmem:s28], [sflag:$0x1] =	stream.indirect_vreg.gather [hbm4b:s5+s2], $0x80, v3, vm0, $0xb8;
	[tilespmem:$0x17C00] =	vst v63  }
0x6e: {  	s1 =	simm.s32 $0x9800;
	s0 =	simm.s32 $0x7400;
	s4 =	simm.s32 $0x7C00  }
0x6f: {  	[tilespmem:s21], [sflag:$0x1] =	stream.indirect_vreg.gather [hbm4b:s6+s2], $0x80, v3, vm0, $0xb8;
	[tilespmem:$0x17C00] =	vst v63  }
0x70: {  	s9 =	simm.s32 $0x8000;
	s10 =	simm.s32 $0x8800;
	s13 =	simm.s32 $0x9000  }
0x71: {  	[tilespmem:s25], [sflag:$0x1] =	stream.indirect_vreg.gather [hbm4b:s7+s2], $0x80, v3, vm0, $0xb8;
	[tilespmem:$0x17C00] =	vst v63  }
0x72: {  	s30 =	simm.s32 $0xC400;
	s31 =	simm.s32 $0x6400;
	s26 =	simm.s32 $0x4800  }
0x73: {  	[tilespmem:s30], [sflag:$0x1] =	stream.indirect_vreg.gather [hbm4b:s8+s2], $0x80, v3, vm1, $0xb8;
	[tilespmem:$0x17C00] =	vst v63  }
.LBB2_2:
0x74: {  	_ =	swait.ge [sflag:s14], $0xB400  }
0x75: {  	[sflag:s14] =	ssyncset.done $0x0  }
0x76: {  	[sflag:s14] =	ssyncadd.s32 $0xFFFF4C00  }
0x77: {  	v3 =	vld [tilespmem:s17+$0xFFFFFFF0];
	_ =	sdelay $0x4  }
0x78: {  	v4 =	vshrl.u32 v3, $0x3  }
0x79: {  	v4 =	vmul.u32 $0x48, v4  }
0x7a: {  	v3 =	vand.u32 $0x7, v3  }
0x7b: {  	v3 =	vor.u32 v3, v4  }
0x7c: {  	v4 =	vperm.xlane v3, v0;
	_ =	sdelay $0x1  }
0x7d: {  	v4 =	vadd.s32 v1, v4;
	_ =	sdelay $0x4  }
0x7e: {  	[tilespmem:s15], [sflag:$0x2] =	stream.indirect_vreg.gather [hbm4b:s3+s2], $0x80, v4, vm0, $0xb8;
	[tilespmem:$0x17C00] =	vst v63  }
0x7f: {  	s19 =	rddreg [dreg:$0x4]  }
0x80: {  	[tilespmem:s19], [sflag:$0x2] =	stream.indirect_vreg.gather [hbm4b:s5+s2], $0x80, v4, vm0, $0xb8;
	[tilespmem:$0x17C00] =	vst v63  }
0x81: {  	s20 =	rddreg [dreg:$0x5];
	v3 =	vperm.xlane v3, v2  }
0x82: {  	[tilespmem:s20], [sflag:$0x2] =	stream.indirect_vreg.gather [hbm4b:s6+s2], $0x80, v4, vm0, $0xb8;
	[tilespmem:$0x17C00] =	vst v63  }
0x83: {  	v3 =	vadd.s32 v1, v3;
	s19 =	rddreg [dreg:$0x6]  }
0x84: {  	[tilespmem:s19], [sflag:$0x2] =	stream.indirect_vreg.gather [hbm4b:s7+s2], $0x80, v4, vm0, $0xb8;
	[tilespmem:$0x17C00] =	vst v63  }
0x85: {  	s20 =	rddreg [dreg:$0x7]  }
0x86: {  	[tilespmem:s20], [sflag:$0x2] =	stream.indirect_vreg.gather [hbm4b:s8+s2], $0x80, v4, vm1, $0xb8;
	[tilespmem:$0x17C00] =	vst v63  }
0x87: {  	s19 =	rddreg [dreg:$0x8]  }
0x88: {  	[tilespmem:s19], [sflag:$0x2] =	stream.indirect_vreg.gather [hbm4b:s3+s2], $0x80, v3, vm0, $0xb8;
	[tilespmem:$0x17C00] =	vst v63  }
0x89: {  	s20 =	rddreg [dreg:$0x9]  }
0x8a: {  	[tilespmem:s20], [sflag:$0x2] =	stream.indirect_vreg.gather [hbm4b:s5+s2], $0x80, v3, vm0, $0xb8;
	[tilespmem:$0x17C00] =	vst v63  }
0x8b: {  	s19 =	rddreg [dreg:$0xa]  }
0x8c: {  	[tilespmem:s19], [sflag:$0x2] =	stream.indirect_vreg.gather [hbm4b:s6+s2], $0x80, v3, vm0, $0xb8;
	[tilespmem:$0x17C00] =	vst v63  }
0x8d: {  	s20 =	rddreg [dreg:$0xb]  }
0x8e: {  	[tilespmem:s20], [sflag:$0x2] =	stream.indirect_vreg.gather [hbm4b:s7+s2], $0x80, v3, vm0, $0xb8;
	[tilespmem:$0x17C00] =	vst v63  }
0x8f: {  	s19 =	rddreg [dreg:$0xc]  }
0x90: {  	[tilespmem:s19], [sflag:$0x2] =	stream.indirect_vreg.gather [hbm4b:s8+s2], $0x80, v3, vm1, $0xb8;
	[tilespmem:$0x17C00] =	vst v63  }
0x91: {  	v3 =	vld [tilespmem:s17+$0x0];
	_ =	sdelay $0x4  }
0x92: {  	v59 =	vshrl.u32 v3, $0x3  }
0x93: {  	v4 =	vmul.u32 $0x48, v59  }
0x94: {  	v3 =	vand.u32 $0x7, v3  }
0x95: {  	v3 =	vor.u32 v3, v4  }
0x96: {  	v4 =	vperm.xlane v3, v0;
	_ =	sdelay $0x1  }
0x97: {  	v4 =	vadd.s32 v1, v4;
	_ =	sdelay $0x3  }
0x98: {  	s19 =	rddreg [dreg:$0xd]  }
0x99: {  	[tilespmem:s19], [sflag:$0x2] =	stream.indirect_vreg.gather [hbm4b:s3+s2], $0x80, v4, vm0, $0xb8;
	[tilespmem:$0x17C00] =	vst v63  }
0x9a: {  	s20 =	rddreg [dreg:$0xe]  }
0x9b: {  	[tilespmem:s20], [sflag:$0x2] =	stream.indirect_vreg.gather [hbm4b:s5+s2], $0x80, v4, vm0, $0xb8;
	[tilespmem:$0x17C00] =	vst v63  }
0x9c: {  	v3 =	vperm.xlane v3, v2;
	s19 =	rddreg [dreg:$0xf]  }
0x9d: {  	[tilespmem:s19], [sflag:$0x2] =	stream.indirect_vreg.gather [hbm4b:s6+s2], $0x80, v4, vm0, $0xb8;
	[tilespmem:$0x17C00] =	vst v63  }
0x9e: {  	v3 =	vadd.s32 v1, v3;
	s20 =	rddreg [dreg:$0x10]  }
0x9f: {  	[tilespmem:s20], [sflag:$0x2] =	stream.indirect_vreg.gather [hbm4b:s7+s2], $0x80, v4, vm0, $0xb8;
	[tilespmem:$0x17C00] =	vst v63  }
0xa0: {  	s19 =	rddreg [dreg:$0x11]  }
0xa1: {  	[tilespmem:s19], [sflag:$0x2] =	stream.indirect_vreg.gather [hbm4b:s8+s2], $0x80, v4, vm1, $0xb8;
	[tilespmem:$0x17C00] =	vst v63  }
0xa2: {  	s20 =	rddreg [dreg:$0x12]  }
0xa3: {  	[tilespmem:s20], [sflag:$0x2] =	stream.indirect_vreg.gather [hbm4b:s3+s2], $0x80, v3, vm0, $0xb8;
	[tilespmem:$0x17C00] =	vst v63  }
0xa4: {  	s19 =	rddreg [dreg:$0x13]  }
0xa5: {  	[tilespmem:s19], [sflag:$0x2] =	stream.indirect_vreg.gather [hbm4b:s5+s2], $0x80, v3, vm0, $0xb8;
	[tilespmem:$0x17C00] =	vst v63  }
0xa6: {  	s20 =	rddreg [dreg:$0x14]  }
0xa7: {  	[tilespmem:s20], [sflag:$0x2] =	stream.indirect_vreg.gather [hbm4b:s6+s2], $0x80, v3, vm0, $0xb8;
	[tilespmem:$0x17C00] =	vst v63  }
0xa8: {  	s19 =	rddreg [dreg:$0x15]  }
0xa9: {  	[tilespmem:s19], [sflag:$0x2] =	stream.indirect_vreg.gather [hbm4b:s7+s2], $0x80, v3, vm0, $0xb8;
	[tilespmem:$0x17C00] =	vst v63  }
0xaa: {  	s20 =	rddreg [dreg:$0x16]  }
0xab: {  	[tilespmem:s20], [sflag:$0x2] =	stream.indirect_vreg.gather [hbm4b:s8+s2], $0x80, v3, vm1, $0xb8;
	[tilespmem:$0x17C00] =	vst v63  }
0xac: {  	v3 =	vld.msk [tilespmem:s17+$0x10], $0xff;
	_ =	sdelay $0x4  }
0xad: {  	v60 =	vshrl.u32 v3, $0x3  }
0xae: {  	v4 =	vmul.u32 $0x48, v60  }
0xaf: {  	v3 =	vand.u32 $0x7, v3  }
0xb0: {  	v3 =	vor.u32 v3, v4  }
0xb1: {  	v3 =	vperm.xlane v3, v0;
	_ =	sdelay $0x1  }
0xb2: {  	v3 =	vadd.s32 v1, v3;
	_ =	sdelay $0x2  }
0xb3: {  	s19 =	rddreg [dreg:$0x17]  }
0xb4: {  	s20 =	rddreg [dreg:$0x18]  }
0xb5: {  	[tilespmem:s19], [sflag:$0x2] =	stream.indirect_vreg.gather [hbm4b:s3+s2], $0x80, v3, vm0, $0xb8;
	[tilespmem:$0x17C00] =	vst v63  }
0xb6: {  	s19 =	rddreg [dreg:$0x19]  }
0xb7: {  	[tilespmem:s20], [sflag:$0x2] =	stream.indirect_vreg.gather [hbm4b:s5+s2], $0x80, v3, vm0, $0xb8;
	[tilespmem:$0x17C00] =	vst v63  }
0xb8: {  	s20 =	rddreg [dreg:$0x1a]  }
0xb9: {  	[tilespmem:s19], [sflag:$0x2] =	stream.indirect_vreg.gather [hbm4b:s6+s2], $0x80, v3, vm0, $0xb8;
	[tilespmem:$0x17C00] =	vst v63  }
0xba: {  	s19 =	rddreg [dreg:$0x1b]  }
0xbb: {  	[tilespmem:s20], [sflag:$0x2] =	stream.indirect_vreg.gather [hbm4b:s7+s2], $0x80, v3, vm0, $0xb8;
	[tilespmem:$0x17C00] =	vst v63  }
0xbc: {  	s20 =	rddreg [dreg:$0x2]  }
0xbd: {  	[tilespmem:s19], [sflag:$0x2] =	stream.indirect_vreg.gather [hbm4b:s8+s2], $0x80, v3, vm1, $0xb8;
	[tilespmem:$0x17C00] =	vst v63  }
0xbe: {  	s19 =	sadd.s32 s18, s20  }
0xbf: {  	[hbm4b:s19+s2] =	stream.linear.scatter [tilespmem:s12], [sflag:$0x3], $0xB400, $0x38;
	[tilespmem:$0x17C00] =	vst v63  }
0xc0: {  	_ =	swait.ge [sflag:s11], $0xB400  }
0xc1: {  	[sflag:s11] =	ssyncset.done $0x0  }
0xc2: {  	[sflag:s11] =	ssyncadd.s32 $0xFFFF4C00  }
0xc3: {  	_ =	swait.ge [sflag:s16], $0xB400  }
0xc4: {  	[sflag:s16] =	ssyncset.done $0x0  }
0xc5: {  	[sflag:s16] =	ssyncadd.s32 $0xFFFF4C00  }
0xc6: {  	v3 =	vld [tilespmem:s17+$0x18];
	_ =	sdelay $0x4  }
0xc7: {  	v61 =	vshrl.u32 v3, $0x3  }
0xc8: {  	v4 =	vmul.u32 $0x48, v61  }
0xc9: {  	v3 =	vand.u32 $0x7, v3  }
0xca: {  	v3 =	vor.u32 v3, v4  }
0xcb: {  	v4 =	vperm.xlane v3, v0;
	_ =	sdelay $0x1  }
0xcc: {  	v4 =	vadd.s32 v1, v4;
	_ =	sdelay $0x4  }
0xcd: {  	[tilespmem:s12], [sflag:$0x1] =	stream.indirect_vreg.gather [hbm4b:s3+s2], $0x80, v4, vm0, $0xb8;
	[tilespmem:$0x17C00] =	vst v63  }
0xce: {  	s20 =	simm.s32 $0x1C00  }
0xcf: {  	[tilespmem:s20], [sflag:$0x1] =	stream.indirect_vreg.gather [hbm4b:s5+s2], $0x80, v4, vm0, $0xb8;
	[tilespmem:$0x17C00] =	vst v63  }
0xd0: {  	s19 =	simm.s32 $0x2400;
	v3 =	vperm.xlane v3, v2  }
0xd1: {  	[tilespmem:s19], [sflag:$0x1] =	stream.indirect_vreg.gather [hbm4b:s6+s2], $0x80, v4, vm0, $0xb8;
	[tilespmem:$0x17C00] =	vst v63  }
0xd2: {  	v3 =	vadd.s32 v1, v3  }
0xd3: {  	[tilespmem:s22], [sflag:$0x1] =	stream.indirect_vreg.gather [hbm4b:s7+s2], $0x80, v4, vm0, $0xb8;
	[tilespmem:$0x17C00] =	vst v63  }
0xd4: {  	s19 =	simm.s32 $0x3400  }
0xd5: {  	[tilespmem:s19], [sflag:$0x1] =	stream.indirect_vreg.gather [hbm4b:s8+s2], $0x80, v4, vm1, $0xb8;
	[tilespmem:$0x17C00] =	vst v63  }
0xd6: {  	_ = 	snop  }
0xd7: {  	[tilespmem:s24], [sflag:$0x1] =	stream.indirect_vreg.gather [hbm4b:s3+s2], $0x80, v3, vm0, $0xb8;
	[tilespmem:$0x17C00] =	vst v63  }
0xd8: {  	s19 =	simm.s32 $0x4000  }
0xd9: {  	[tilespmem:s19], [sflag:$0x1] =	stream.indirect_vreg.gather [hbm4b:s5+s2], $0x80, v3, vm0, $0xb8;
	[tilespmem:$0x17C00] =	vst v63  }
0xda: {  	_ = 	snop  }
0xdb: {  	[tilespmem:s26], [sflag:$0x1] =	stream.indirect_vreg.gather [hbm4b:s6+s2], $0x80, v3, vm0, $0xb8;
	[tilespmem:$0x17C00] =	vst v63  }
0xdc: {  	s19 =	simm.s32 $0x5000  }
0xdd: {  	[tilespmem:s19], [sflag:$0x1] =	stream.indirect_vreg.gather [hbm4b:s7+s2], $0x80, v3, vm0, $0xb8;
	[tilespmem:$0x17C00] =	vst v63  }
0xde: {  	_ = 	snop  }
0xdf: {  	[tilespmem:s29], [sflag:$0x1] =	stream.indirect_vreg.gather [hbm4b:s8+s2], $0x80, v3, vm1, $0xb8;
	[tilespmem:$0x17C00] =	vst v63  }
0xe0: {  	v3 =	vld [tilespmem:s17+$0x28];
	_ =	sdelay $0x4  }
0xe1: {  	v62 =	vshrl.u32 v3, $0x3  }
0xe2: {  	v4 =	vmul.u32 $0x48, v62  }
0xe3: {  	v3 =	vand.u32 $0x7, v3  }
0xe4: {  	v3 =	vor.u32 v3, v4  }
0xe5: {  	v4 =	vperm.xlane v3, v0;
	_ =	sdelay $0x1  }
0xe6: {  	v4 =	vadd.s32 v1, v4;
	_ =	sdelay $0x3  }
0xe7: {  	s19 =	simm.s32 $0x5C00  }
0xe8: {  	[tilespmem:s19], [sflag:$0x1] =	stream.indirect_vreg.gather [hbm4b:s3+s2], $0x80, v4, vm0, $0xb8;
	[tilespmem:$0x17C00] =	vst v63  }
0xe9: {  	_ = 	snop  }
0xea: {  	[tilespmem:s31], [sflag:$0x1] =	stream.indirect_vreg.gather [hbm4b:s5+s2], $0x80, v4, vm0, $0xb8;
	[tilespmem:$0x17C00] =	vst v63  }
0xeb: {  	v3 =	vperm.xlane v3, v2;
	s19 =	simm.s32 $0x6C00  }
0xec: {  	[tilespmem:s19], [sflag:$0x1] =	stream.indirect_vreg.gather [hbm4b:s6+s2], $0x80, v4, vm0, $0xb8;
	[tilespmem:$0x17C00] =	vst v63  }
0xed: {  	v3 =	vadd.s32 v1, v3  }
0xee: {  	[tilespmem:s0], [sflag:$0x1] =	stream.indirect_vreg.gather [hbm4b:s7+s2], $0x80, v4, vm0, $0xb8;
	[tilespmem:$0x17C00] =	vst v63  }
0xef: {  	_ = 	snop  }
0xf0: {  	[tilespmem:s4], [sflag:$0x1] =	stream.indirect_vreg.gather [hbm4b:s8+s2], $0x80, v4, vm1, $0xb8;
	[tilespmem:$0x17C00] =	vst v63  }
0xf1: {  	_ = 	snop  }
0xf2: {  	[tilespmem:s9], [sflag:$0x1] =	stream.indirect_vreg.gather [hbm4b:s3+s2], $0x80, v3, vm0, $0xb8;
	[tilespmem:$0x17C00] =	vst v63  }
0xf3: {  	_ = 	snop  }
0xf4: {  	[tilespmem:s10], [sflag:$0x1] =	stream.indirect_vreg.gather [hbm4b:s5+s2], $0x80, v3, vm0, $0xb8;
	[tilespmem:$0x17C00] =	vst v63  }
0xf5: {  	_ = 	snop  }
0xf6: {  	[tilespmem:s13], [sflag:$0x1] =	stream.indirect_vreg.gather [hbm4b:s6+s2], $0x80, v3, vm0, $0xb8;
	[tilespmem:$0x17C00] =	vst v63  }
0xf7: {  	_ = 	snop  }
0xf8: {  	[tilespmem:s1], [sflag:$0x1] =	stream.indirect_vreg.gather [hbm4b:s7+s2], $0x80, v3, vm0, $0xb8;
	[tilespmem:$0x17C00] =	vst v63  }
0xf9: {  	_ = 	snop  }
0xfa: {  	[tilespmem:s23], [sflag:$0x1] =	stream.indirect_vreg.gather [hbm4b:s8+s2], $0x80, v3, vm1, $0xb8;
	[tilespmem:$0x17C00] =	vst v63  }
0xfb: {  	v3 =	vld.msk [tilespmem:s17+$0x38], $0xff;
	_ =	sdelay $0x4  }
0xfc: {  	v63 =	vshrl.u32 v3, $0x3  }
0xfd: {  	v4 =	vmul.u32 $0x48, v63  }
0xfe: {  	v3 =	vand.u32 $0x7, v3  }
0xff: {  	v3 =	vor.u32 v3, v4  }
0x100: {  	v3 =	vperm.xlane v3, v0;
	_ =	sdelay $0x1  }
0x101: {  	v3 =	vadd.s32 v1, v3;
	_ =	sdelay $0x3  }
0x102: {  	s19 =	simm.s32 $0xA400  }
0x103: {  	[tilespmem:s19], [sflag:$0x1] =	stream.indirect_vreg.gather [hbm4b:s3+s2], $0x80, v3, vm0, $0xb8;
	[tilespmem:$0x17C00] =	vst v63  }
0x104: {  	_ = 	snop  }
0x105: {  	[tilespmem:s28], [sflag:$0x1] =	stream.indirect_vreg.gather [hbm4b:s5+s2], $0x80, v3, vm0, $0xb8;
	[tilespmem:$0x17C00] =	vst v63  }
0x106: {  	_ = 	snop  }
0x107: {  	[tilespmem:s21], [sflag:$0x1] =	stream.indirect_vreg.gather [hbm4b:s6+s2], $0x80, v3, vm0, $0xb8;
	[tilespmem:$0x17C00] =	vst v63  }
0x108: {  	_ = 	snop  }
0x109: {  	[tilespmem:s25], [sflag:$0x1] =	stream.indirect_vreg.gather [hbm4b:s7+s2], $0x80, v3, vm0, $0xb8;
	[tilespmem:$0x17C00] =	vst v63  }
0x10a: {  	p0 =	sne.s32 s18, $0xAB900;
	s19 =	rddreg [dreg:$0x3]  }
0x10b: {  	[tilespmem:s30], [sflag:$0x1] =	stream.indirect_vreg.gather [hbm4b:s8+s2], $0x80, v3, vm1, $0xb8;
	[tilespmem:$0x17C00] =	vst v63  }
.Ltmp0:
0x10c: {  	s19 =	sadd.s32 s18, s19;
	(pc) =	sbr.rel @p0 .LBB2_2-.Ltmp0, $4  }
0x10d: {  	[hbm4b:s19+s2] =	stream.linear.scatter [tilespmem:s15], [sflag:$0x3], $0xB400, $0x38;
	[tilespmem:$0x17C00] =	vst v63  }
0x10e: {  	_ =	swait.ge [sflag:s11], $0xB400  }
0x10f: {  	[sflag:s11] =	ssyncset.done $0x0  }
0x110: {  	s17 =	sadd.s32 $0x50, s17;
	s18 =	sadd.s32 $0x2D00, s18;
	[sflag:s11] =	ssyncadd.s32 $0xFFFF4C00  }
0x111: {  	_ =	swait.ge [sflag:s14], $0xB400  }
0x112: {  	[sflag:s14] =	ssyncset.done $0x0  }
0x113: {  	s17 =	rddreg [dreg:$0x1d];
	[sflag:s14] =	ssyncadd.s32 $0xFFFF4C00  }
0x114: {  	[hbm4b:s17+s2] =	stream.linear.scatter [tilespmem:s12], [sflag:$0x3], $0xB400, $0x38;
	[tilespmem:$0x17C00] =	vst v63  }
0x115: {  	s18 =	simm.s32 $0x2400;
	s19 =	simm.s32 $0x2C00;
	_ =	swait.ge [sflag:s11], $0xB400  }
0x116: {  	s21 =	simm.s32 $0x3400;
	s22 =	simm.s32 $0x3800;
	s0 =	rddreg [dreg:$0x1f]  }
0x117: {  	s23 =	simm.s32 $0x4000;
	s26 =	rddreg [dreg:$0x1e];
	s0 =	sadd.s32 $0x1, s0  }
0x118: {  	s24 =	simm.s32 $0x4800;
	s25 =	simm.s32 $0x5000;
	p0 =	sne.s32 s0, s26  }
.Ltmp1:
0x119: {  	s28 =	simm.s32 $0x5C00;
	s29 =	simm.s32 $0x6400;
	(pc) =	sbr.rel @p0 .LBB2_1-.Ltmp1, $4  }
0x11a: {  	s1 =	simm.s32 $0x6C00;
	s4 =	simm.s32 $0x7C00;
	s9 =	simm.s32 $0x8000  }
0x11b: {  	s10 =	simm.s32 $0x8800;
	s13 =	simm.s32 $0x9000;
	[sflag:s11] =	ssyncset.done $0x0  }
0x11c: {  	s30 =	simm.s32 $0x9800;
	s31 =	simm.s32 $0xA000;
	[sflag:s11] =	ssyncadd.s32 $0xFFFF4C00  }
0x11d: {  	[dreg:$0x1f] =	wrdreg s0;
	s26 =	simm.s32 $0x5800;
	s0 =	simm.s32 $0x7400  }
0x11e: {  	_ =	sfence.sel $0x180000  }
0x11f: {  	[bflag:$0x0] =	sbarrier.arrive $0xFFFF  }
0x120: {  	_ =	strace $0x90000053  }
0x121: {  	s0 =	stileid.u32;
	[bflag:$0x2] =	sbarrier.arrive $0xFFFF  }
0x122: {  	p0 =	sne.s32 s0, $0x0;
	s0 =	rddreg [dreg:$0x1]  }
0x123: {  	s0 =	sadd.s32 @!p0 $0x100000, s0  }
0x124: {  	[sflag:s0] =	ssyncadd.tile.s32 @!p0 $0x1;
	_ =	shalt  }
.Lfunc_end2:
_tile_overlayer_lowered:
.L_overlay_start_2:
0x125: {  	(tag) =	ssettag $0x2  }
0x126: {  	s0 =	rddreg [dreg:$0x0];
	s2 =	stileid.u32  }
0x127: {  	s1 =	rddreg [dreg:$0x1];
	p0 =	sne.s32 s2, $0x0  }
0x128: {  	s3 =	rddreg [dreg:$0x2];
	[bflag:$0x3] =	sbarrier.arrive $0xFFFF;
	s2 =	simm.s32 @!p0 $0x1C03  }
0x129: {  	[timem:s3], [sflag:s2] =	dma.local @!p0 [hbm:s0], s1  }
0x12a: {  	s0 =	simm.s32 @!p0 $0x3  }
0x12b: {  	_ =	swait.ge @!p0 [sflag:s0], s1  }
0x12c: {  	s1 =	ssub.s32 @!p0 $0x0, s1;
	[sflag:s0] =	ssyncset.done @!p0 $0x0  }
0x12d: {  	[sflag:s0] =	ssyncadd.s32 @!p0 s1  }
0x12e: {  	[bflag:$0x3] =	sbarrier.arrive $0xFFFF  }
0x12f: {  	_ =	shalt  }

// kernel: kernel.15.cloned.1.call-start
scs
__scs_entry_jumppad:
0x0: {  	(pc) =	sbr.rel $0x88, $3  }
0x1: {  	(tag) =	ssettag $0x0;
	lr =	simm.s32 $0x1  }
0x2: {  	[smem:$0x3F91] =	sst lr;
	_ =	strace $0xD0000000  }
0x3: {  	_ = 	snop  }
0x4: {  	_ = 	snop  }
0x5: {  	_ = 	snop  }
0x6: {  	_ = 	snop  }
0x7: {  	_ = 	snop  }
__scs_overlays_trampoline_lowered:
0x8: {  	[smem:$0x3FA0] =	sst s0  }
0x9: {  	[smem:$0x3FA1] =	sst s1  }
0xa: {  	[smem:$0x3FA2] =	sst s2  }
0xb: {  	[smem:$0x3FA3] =	sst s3  }
0xc: {  	[smem:$0x3FA4] =	sst s4  }
0xd: {  	[smem:$0x3FA5] =	sst s5  }
0xe: {  	[smem:$0x3FA6] =	sst s6  }
0xf: {  	[smem:$0x3FA7] =	sst s7  }
0x10: {  	[smem:$0x3FA8] =	sst s8  }
0x11: {  	[smem:$0x3FA9] =	sst s9;
	s0 =	simm.s32 @!p0 $0x0  }
0x12: {  	s1 =	sld [smem:$0x3F8F];
	s0 =	simm.s32 @p0 $0x1  }
0x13: {  	[smem:$0x3FAA] =	sst s0;
	s0 =	simm.s32 @!p1 $0x0  }
0x14: {  	s2 =	sld [smem:$0x3F8E];
	s0 =	simm.s32 @p1 $0x1  }
0x15: {  	[smem:$0x3FAB] =	sst s0;
	s0 =	simm.s32 @!p2 $0x0  }
0x16: {  	s3 =	sld [smem:$0x3FDB];
	s0 =	simm.s32 @p2 $0x1  }
0x17: {  	s4 =	simm.s32 $0x1BF5;
	[smem:$0x3FAD] =	sst s0  }
0x18: {  	s0 =	sld [smem:$0x3F90];
	_ =	swait.ge [sflag:s4], $0x0  }
0x19: {  	s7 =	sld [smem:$0x3F91]  }
0x1a: {  	s8 =	sadd.s32 $0xFFFFE003, lr  }
0x1b: {  	s9 =	sadd.s32 $0xFFFFFEF7, lr;
	s5 =	simm.s32 $0xFFFFFFFF;
	p2 =	slt.u32 s8, $0xFFFFF086  }
0x1c: {  	p1 =	slt.u32 s9, $0xF7A;
	s5 =	simm.s32 @!p2 $0x0  }
0x1d: {  	s5 =	simm.s32 @p1 $0x1;
	p0 =	seq.s32 s7, s2  }
0x1e: {  	s7 =	smul.u32 @!p0 $0xF7A, s2;
	p2 =	seq.s32 @!p0 s5, $0x0  }
0x1f: {  	s9 =	smul.u32 $0xF7A, s1;
	s8 =	simm.s32 @!p0 $0x1BF5;
	p2 =	por !p2, p0  }
0x20: {  	[sflag:s8] =	ssyncset.s32 @!p0 $0xFFFFF086;
	s6 =	sadd.s32 @!p0 s3, s7;
	s7 =	simm.s32 @!p0 $0x108  }
0x21: {  	s3 =	sadd.s32 s3, s9;
	s6 =	sadd.s32 @!p0 $0x88, s6;
	s7 =	simm.s32 @p2 $0x1082  }
0x22: {  	[simem:s7], [sflag:s8] =	dma.local @!p0 [hbm:s6], $0xF7A  }
0x23: {  	s9 =	sor.u32 $0xD0000000, s2;
	s6 =	simm.s32 $0x108;
	_ =	swait.ge @!p0 [sflag:s8], $0x0  }
0x24: {  	s3 =	sadd.s32 $0x88, s3;
	s6 =	simm.s32 @!p1 $0x1082;
	[sflag:s4] =	ssyncset.s32 $0xFFFFF086  }
0x25: {  	[simem:s6], [sflag:s4] =	dma.local [hbm:s3], $0xF7A  }
0x26: {  	[smem:$0x3F91] =	sst s1;
	(tag) =	ssettag s2;
	_ =	strace s9  }
0x27: {  	s1 =	sld [smem:$0x3FA1]  }
0x28: {  	s2 =	sld [smem:$0x3FA2]  }
0x29: {  	s4 =	sld [smem:$0x3FA4]  }
0x2a: {  	p0 =	seq.s32 s5, $0x0;
	s5 =	sld [smem:$0x3FA5]  }
0x2b: {  	s6 =	sld [smem:$0x3FA6]  }
0x2c: {  	s7 =	sld [smem:$0x3FA7]  }
0x2d: {  	s3 =	simm.s32 $0x108;
	s8 =	sld [smem:$0x3FA8]  }
0x2e: {  	s3 =	simm.s32 @!p0 $0x1082;
	s9 =	sld [smem:$0x3FA9]  }
0x2f: {  	lr =	sadd.s32 s0, s3;
	s0 =	sld [smem:$0x3FA0]  }
0x30: {  	s3 =	sld [smem:$0x3FA3]  }
0x31: {  	[smem:$0x3FAC] =	sst s10  }
0x32: {  	s10 =	sld [smem:$0x3FAA];
	_ =	sdelay $0x3  }
0x33: {  	p0 =	seq.s32 s10, $0x1;
	s10 =	sld [smem:$0x3FAC];
	_ =	sdelay $0x3  }
0x34: {  	[smem:$0x3FAC] =	sst s10  }
0x35: {  	s10 =	sld [smem:$0x3FAB];
	_ =	sdelay $0x3  }
0x36: {  	p1 =	seq.s32 s10, $0x1;
	s10 =	sld [smem:$0x3FAC];
	_ =	sdelay $0x3  }
0x37: {  	[smem:$0x3FAC] =	sst s10  }
0x38: {  	s10 =	sld [smem:$0x3FAD]  }
0x39: {  	_ = 	snop;
	(pc) =	sbr.ind lr, $3  }
0x3a: {  	_ = 	snop  }
0x3b: {  	_ = 	snop  }
0x3c: {  	p2 =	seq.s32 s10, $0x1;
	s10 =	sld [smem:$0x3FAC]  }
0x3d: {  	_ =	shalt  }
0x3e: {  	_ =	shalt  }
0x3f: {  	_ =	shalt  }
0x40: {  	_ =	shalt  }
0x41: {  	_ =	shalt  }
0x42: {  	_ =	shalt  }
0x43: {  	_ =	shalt  }
0x44: {  	_ =	shalt  }
0x45: {  	_ =	shalt  }
0x46: {  	_ =	shalt  }
0x47: {  	_ =	shalt  }
0x48: {  	_ =	shalt  }
0x49: {  	_ =	shalt  }
0x4a: {  	_ =	shalt  }
0x4b: {  	_ =	shalt  }
0x4c: {  	_ =	shalt  }
0x4d: {  	_ =	shalt  }
0x4e: {  	_ =	shalt  }
0x4f: {  	_ =	shalt  }
0x50: {  	_ =	shalt  }
0x51: {  	_ =	shalt  }
0x52: {  	_ =	shalt  }
0x53: {  	_ =	shalt  }
0x54: {  	_ =	shalt  }
0x55: {  	_ =	shalt  }
0x56: {  	_ =	shalt  }
0x57: {  	_ =	shalt  }
0x58: {  	_ =	shalt  }
0x59: {  	_ =	shalt  }
0x5a: {  	_ =	shalt  }
0x5b: {  	_ =	shalt  }
0x5c: {  	_ =	shalt  }
0x5d: {  	_ =	shalt  }
0x5e: {  	_ =	shalt  }
0x5f: {  	_ =	shalt  }
0x60: {  	_ =	shalt  }
0x61: {  	_ =	shalt  }
0x62: {  	_ =	shalt  }
0x63: {  	_ =	shalt  }
0x64: {  	_ =	shalt  }
0x65: {  	_ =	shalt  }
0x66: {  	_ =	shalt  }
0x67: {  	_ =	shalt  }
0x68: {  	_ =	shalt  }
0x69: {  	_ =	shalt  }
0x6a: {  	_ =	shalt  }
0x6b: {  	_ =	shalt  }
0x6c: {  	_ =	shalt  }
0x6d: {  	_ =	shalt  }
0x6e: {  	_ =	shalt  }
0x6f: {  	_ =	shalt  }
0x70: {  	_ =	shalt  }
0x71: {  	_ =	shalt  }
0x72: {  	_ =	shalt  }
0x73: {  	_ =	shalt  }
0x74: {  	_ =	shalt  }
0x75: {  	_ =	shalt  }
0x76: {  	_ =	shalt  }
0x77: {  	_ =	shalt  }
0x78: {  	_ =	shalt  }
0x79: {  	_ =	shalt  }
0x7a: {  	_ =	shalt  }
0x7b: {  	_ =	shalt  }
0x7c: {  	_ =	shalt  }
0x7d: {  	_ =	shalt  }
0x7e: {  	_ =	shalt  }
0x7f: {  	_ =	shalt  }
0x80: {  	_ =	shalt  }
0x81: {  	_ =	shalt  }
0x82: {  	_ =	shalt  }
0x83: {  	_ =	shalt  }
0x84: {  	_ =	shalt  }
0x85: {  	_ =	shalt  }
0x86: {  	_ =	shalt  }
0x87: {  	_ =	shalt  }
.Lfunc_end0:
.L_simem_size_0:
called_computation.7_lowered:
.L_overlay_start_0:
0x88: {  	s2 =	sld [smem:$0x3FD9]  }
0x89: {  	s3 =	sld [smem:$0x3FFE];
	_ =	sdelay $0x1  }
0x8a: {  	s1 =	srdreg.scid  }
0x8b: {  	s0 =	sand.u32 $0x1, s1  }
0x8c: {  	s17 =	sshll.u32 s0, $0xA;
	s2 =	sadd.s32 s3, s2  }
0x8d: {  	s2 =	sadd.s32 s2, s17  }
0x8e: {  	[smem:$0x3FB8] =	sst s2  }
0x8f: {  	_ = 	snop  }
0x90: {  	s2 =	sld [smem:$0x3FD0];
	(tm) =	ssettm $0x1  }
0x91: {  	s18 =	sld [smem:$0x3FFB];
	_ =	sdelay $0x3  }
0x92: {  	_ =	strace s18  }
0x93: {  	s3 =	sld [smem:$0x3FFC];
	_ =	sdelay $0x3  }
0x94: {  	_ =	strace s3  }
0x95: {  	s3 =	sld [smem:$0x3FFD];
	_ =	sdelay $0x3  }
0x96: {  	_ =	strace s3  }
0x97: {  	_ =	strace $0x8FFFFFFF  }
0x98: {  	s19 =	sld [smem:$0x3FDB];
	_ =	sdelay $0x1  }
0x99: {  	s4 =	simm.s32 $_scs_section_size  }
0x9a: {  	s5 =	simm.s32 $_size__tile_overlayer_lowered;
	s6 =	simm.s32 $_tile_overlayer_lowered  }
0x9b: {  	s22 =	simm.s32 $0x1BFF;
	s21 =	sshll.u32 s6, $0x1;
	s3 =	sadd.s32 s4, s19  }
0x9c: {  	s7 =	simm.s32 $0x0;
	s20 =	sshll.u32 s5, $0x1;
	s5 =	sadd.s32 s21, s3  }
0x9d: {  	[timem:s7], [sflag:s22] =	dma.local [hbm:s5], s20  }
0x9e: {  	_ =	swait.ge [sflag:s22], s20  }
0x9f: {  	s4 =	ssub.s32 $0x0, s20;
	[sflag:s22] =	ssyncset.done $0x0  }
0xa0: {  	[sflag:s22] =	ssyncadd.s32 s4;
	_ =	sdelay $0x1  }
0xa1: {  	s23 =	simm.s32 $0x1B8B  }
0xa2: {  	_ =	swait.ge [sflag:s23], $0x1  }
0xa3: {  	[sflag:s23] =	ssyncset.done $0x0  }
0xa4: {  	s25 =	simm.s32 $0x1B8E;
	s24 =	sld [smem:$0x3FFE];
	[sflag:s23] =	ssyncadd.s32 $0xFFFFFFFF  }
0xa5: {  	s26 =	simm.s32 $execute0_lowered;
	[smem:$0x3FD2] =	sst s25  }
0xa6: {  	s5 =	sshll.u32 s26, $0x1;
	_ =	strace $0x80000055;
	[dreg:$0x1] =	wrdreg $0xFFFFFFFF  }
0xa7: {  	s28 =	simm.s32 $_size_execute0_lowered;
	s3 =	sadd.s32 s3, s5;
	[dreg:$0x0] =	wrdreg $0x0  }
0xa8: {  	s5 =	sshll.u32 s28, $0x1;
	[dreg:$0x2] =	wrdreg s3  }
0xa9: {  	[dreg:$0x3] =	wrdreg s5  }
0xaa: {  	[dreg:$0x4] =	wrdreg $0xC0  }
0xab: {  	_ =	task [dreg:s7], $0x5FFFF  }
0xac: {  	[dreg:$0x1] =	wrdreg $0xFFFFFFFF  }
0xad: {  	[dreg:$0x0] =	wrdreg $0x60  }
0xae: {  	[dreg:$0x2] =	wrdreg s2  }
0xaf: {  	[dreg:$0x3] =	wrdreg s24  }
0xb0: {  	[dreg:$0x4] =	wrdreg $0x9  }
0xb1: {  	_ =	task.clear_ibuf [dreg:s7], $0x5FFFF;
	_ =	strace $0x90000055  }
0xb2: {  	s29 =	simm.s32 $0x9;
	_ =	strace $0x80000057  }
0xb3: {  	_ =	swait.ge [sflag:s29], $0x1  }
0xb4: {  	[sflag:s29] =	ssyncadd.s32 $0xFFFFFFFF  }
0xb5: {  	_ =	strace $0x90000057  }
0xb6: {  	_ =	sfence  }
0xb7: {  	s30 =	sld [smem:$0x0];
	_ =	sdelay $0x2  }
0xb8: {  	s31 =	sshll.u32 s1, $0xD;
	s1 =	sshrl.u32 s1, $0x2  }
0xb9: {  	s3 =	sand.u32 $0x4000, s31;
	s1 =	sadd.s32 s1, s30  }
0xba: {  	s0 =	sor.u32 s3, s0;
	s1 =	sshll.u32 s1, $0x11  }
0xbb: {  	s0 =	sor.u32 s1, s0  }
0xbc: {  	s0 =	sadd.s32 $0x8F2B, s0  }
0xbd: {  	[sflag:s0] =	ssyncadd.remote.s32 $0x1  }
0xbe: {  	_ =	sfence.sel $0xFFFF  }
0xbf: {  	[dreg:$0x0] =	wrdreg $0xFFFFFFFF;
	(pc) =	sbr.abs _section_cstart, $3  }
0xc0: {  	[dreg:$0x1] =	wrdreg $0xFFFFFFFF  }
0xc1: {  	_ =	task.clear_ibuf [dreg:s7], $0x2FFFF;
	_ =	strace $0x9FFFFFFF  }
0xc2: {  	(tm) =	ssettm $0x7FFFFFFF  }
0xc3: {  	_ =	shalt  }
tec
execute0_lowered:
.L_overlay_start_1:
0x0: {  	(tag) =	ssettag $0x1  }
0x1: {  	s0 =	srdreg.scid;
	s2 =	rddreg [dreg:$0x0]  }
0x2: {  	s3 =	stileid.u32;
	s4 =	rddreg [dreg:$0x1]  }
0x3: {  	s1 =	smul.u32 $0x2710, s3;
	s6 =	sshll.u32 s3, $0x1;
	s3 =	simm.s32 $0x0  }
0x4: {  	s11 =	simm.s32 $0xD000;
	s12 =	simm.s32 $0xD800;
	[smem:$0x7FF] =	sst s3  }
0x5: {  	s13 =	simm.s32 $0xE000;
	_ =	strace $0x80000056;
	[dreg:$0x5] =	wrdreg s11  }
0x6: {  	s14 =	simm.s32 $0xE800;
	s15 =	simm.s32 $0xEC00;
	[dreg:$0x6] =	wrdreg s12  }
0x7: {  	s16 =	simm.s32 $0xF400;
	s18 =	simm.s32 $0xFC00;
	[dreg:$0x7] =	wrdreg s13  }
0x8: {  	s19 =	simm.s32 $0x10400;
	s20 =	simm.s32 $0x10C00;
	[dreg:$0x8] =	wrdreg s14  }
0x9: {  	s21 =	simm.s32 $0x11000;
	s22 =	simm.s32 $0x11800;
	[dreg:$0x9] =	wrdreg s15  }
0xa: {  	s23 =	simm.s32 $0x12000;
	s24 =	simm.s32 $0x12800;
	[dreg:$0xa] =	wrdreg s16  }
0xb: {  	s28 =	simm.s32 $0x5C00;
	s29 =	simm.s32 $0x6400;
	[dreg:$0xb] =	wrdreg s18  }
0xc: {  	s30 =	simm.s32 $0x9800;
	s31 =	simm.s32 $0xA000;
	[dreg:$0xc] =	wrdreg s19  }
0xd: {  	s0 =	sand.u32 $0x1, s0;
	s9 =	sadd.s32 $0x3F2800, s4;
	[dreg:$0xd] =	wrdreg s20  }
0xe: {  	s5 =	smul.u32 $0x1388, s0;
	s6 =	sor.u32 s0, s6;
	[dreg:$0xe] =	wrdreg s21  }
0xf: {  	s0 =	ssub.s32 $0x2, s0;
	s25 =	smul.u32 $0x1388, s6;
	[dreg:$0xf] =	wrdreg s22  }
0x10: {  	s10 =	sshrl.u32 s0, $0x1;
	s11 =	simm.s32 $0x3;
	[dreg:$0x10] =	wrdreg s23  }
0x11: {  	s12 =	simm.s32 $0x1400;
	s20 =	simm.s32 $0x1C00;
	[dreg:$0x11] =	wrdreg s24  }
0x12: {  	s18 =	simm.s32 $0x2400;
	s19 =	simm.s32 $0x2C00;
	s21 =	simm.s32 $0x3400  }
0x13: {  	s22 =	simm.s32 $0x3800;
	s23 =	simm.s32 $0x4000;
	s13 =	simm.s32 $0x15800  }
0x14: {  	s24 =	simm.s32 $0x4800;
	s14 =	simm.s32 $0x16000;
	[dreg:$0x18] =	wrdreg s13  }
0x15: {  	s15 =	simm.s32 $0x16800;
	s16 =	simm.s32 $0x17000;
	[dreg:$0x19] =	wrdreg s14  }
0x16: {  	s1 =	sadd.s32 s5, s1;
	s0 =	ssub.s32 s0, s10;
	[dreg:$0x1a] =	wrdreg s15  }
0x17: {  	s5 =	sadd.s32 $0x100, s2;
	s10 =	simm.s32 $0x15400;
	[dreg:$0x1b] =	wrdreg s16  }
0x18: {  	s13 =	simm.s32 $0x9000;
	s14 =	simm.s32 $0x1;
	s15 =	simm.s32 $0xC800  }
0x19: {  	s16 =	simm.s32 $0x2;
	s26 =	sshrl.u32 s1, $0x3;
	s1 =	sadd.s32 $0x28, s1  }
0x1a: {  	s8 =	sshrl.u32 s25, $0x3;
	s0 =	smax.u32 s0, $0x1;
	s25 =	simm.s32 $0x13000  }
0x1b: {  	[dreg:$0x17] =	wrdreg s10;
	s10 =	simm.s32 $0x8800;
	s6 =	smul.u32 $0x480, s26  }
0x1c: {  	s1 =	sshrl.u32 s1, $0x3;
	s4 =	sadd.s32 s8, s4;
	[dreg:$0x1f] =	wrdreg s0  }
0x1d: {  	s17 =	smul.u32 $0x480, s8;
	[dreg:$0x12] =	wrdreg s25;
	s26 =	simm.s32 $0x13400  }
0x1e: {  	s8 =	sadd.s32 $0x400, s2;
	s4 =	sadd.s32 $0x288E00, s4;
	[dreg:$0x13] =	wrdreg s26  }
0x1f: {  	s1 =	smul.u32 $0x480, s1;
	s7 =	sadd.s32 s6, s9;
	[dreg:$0x1d] =	wrdreg s4  }
0x20: {  	s4 =	sadd.s32 s9, s17;
	s17 =	simm.s32 $0x17800;
	[dreg:$0x3] =	wrdreg s7  }
0x21: {  	s25 =	simm.s32 $0x5000;
	s1 =	sadd.s32 s1, s9;
	[dreg:$0x1c] =	wrdreg s17  }
0x22: {  	s0 =	simm.s32 $0x7400;
	s4 =	sadd.s32 $0xAE600, s4;
	[dreg:$0x4] =	wrdreg s1  }
0x23: {  	s26 =	simm.s32 $0x5800;
	s9 =	simm.s32 $0x14C00;
	[dreg:$0x1e] =	wrdreg s4  }
0x24: {  	s6 =	sadd.s32 $0x200, s2;
	s17 =	simm.s32 $0x0;
	[dreg:$0x16] =	wrdreg s9  }
0x25: {  	v2 =	vlaneseq.u32;
	s7 =	sadd.s32 $0x300, s2;
	s1 =	simm.s32 $0x13C00;
	[smem:$0x7FD] =	sst s17  }
0x26: {  	vm0 =	vmmov $0xffff;
	vm1 =	vmmov $0xff;
	v1 =	vshrl.u32 v2, $0x3;
	s4 =	simm.s32 $0x14400;
	s9 =	simm.s32 $0x8000;
	[dreg:$0x14] =	wrdreg s1  }
0x27: {  	v0 =	vand.u32 $0x7, v2;
	v2 =	vor.u32 $0x8, v2;
	v1 =	vmul.u32 $0x8, v1;
	[dreg:$0x15] =	wrdreg s4;
	s1 =	simm.s32 $0x6C00;
	s4 =	simm.s32 $0x7C00  }
.LBB2_1:
0x28: {  	s17 =	rddreg [dreg:$0x1d]  }
0x29: {  	[tilespmem:s3], [sflag:$0x3] =	stream.linear.gather [hbm4b:s17+s3], $0x1388, $0x38;
	[tilespmem:$0x17C00] =	vst v63  }
0x2a: {  	_ =	swait.ge [sflag:s11], $0x1388  }
0x2b: {  	[sflag:s11] =	ssyncset.done $0x0  }
0x2c: {  	[sflag:s11] =	ssyncadd.s32 $0xFFFFEC78  }
0x2d: {  	v3 =	vld [tilespmem:$0x0];
	_ =	sdelay $0x4  }
0x2e: {  	v4 =	vshrl.u32 v3, $0x3  }
0x2f: {  	v4 =	vmul.u32 $0x48, v4  }
0x30: {  	v3 =	vand.u32 $0x7, v3  }
0x31: {  	v3 =	vor.u32 v3, v4  }
0x32: {  	v4 =	vperm.xlane v3, v0;
	_ =	sdelay $0x1  }
0x33: {  	v4 =	vadd.s32 v1, v4;
	_ =	sdelay $0x4  }
0x34: {  	[tilespmem:s12], [sflag:$0x1] =	stream.indirect_vreg.gather [hbm4b:s2+s3], $0x80, v4, vm0, $0xb8;
	[tilespmem:$0x17C00] =	vst v63  }
0x35: {  	_ = 	snop  }
0x36: {  	[tilespmem:s20], [sflag:$0x1] =	stream.indirect_vreg.gather [hbm4b:s5+s3], $0x80, v4, vm0, $0xb8;
	[tilespmem:$0x17C00] =	vst v63  }
0x37: {  	v3 =	vperm.xlane v3, v2  }
0x38: {  	[tilespmem:s18], [sflag:$0x1] =	stream.indirect_vreg.gather [hbm4b:s6+s3], $0x80, v4, vm0, $0xb8;
	[tilespmem:$0x17C00] =	vst v63  }
0x39: {  	v3 =	vadd.s32 v1, v3  }
0x3a: {  	[tilespmem:s19], [sflag:$0x1] =	stream.indirect_vreg.gather [hbm4b:s7+s3], $0x80, v4, vm0, $0xb8;
	[tilespmem:$0x17C00] =	vst v63  }
0x3b: {  	_ = 	snop  }
0x3c: {  	[tilespmem:s21], [sflag:$0x1] =	stream.indirect_vreg.gather [hbm4b:s8+s3], $0x80, v4, vm1, $0xb8;
	[tilespmem:$0x17C00] =	vst v63  }
0x3d: {  	_ = 	snop  }
0x3e: {  	[tilespmem:s22], [sflag:$0x1] =	stream.indirect_vreg.gather [hbm4b:s2+s3], $0x80, v3, vm0, $0xb8;
	[tilespmem:$0x17C00] =	vst v63  }
0x3f: {  	_ = 	snop  }
0x40: {  	[tilespmem:s23], [sflag:$0x1] =	stream.indirect_vreg.gather [hbm4b:s5+s3], $0x80, v3, vm0, $0xb8;
	[tilespmem:$0x17C00] =	vst v63  }
0x41: {  	_ = 	snop  }
0x42: {  	[tilespmem:s24], [sflag:$0x1] =	stream.indirect_vreg.gather [hbm4b:s6+s3], $0x80, v3, vm0, $0xb8;
	[tilespmem:$0x17C00] =	vst v63  }
0x43: {  	_ = 	snop  }
0x44: {  	[tilespmem:s25], [sflag:$0x1] =	stream.indirect_vreg.gather [hbm4b:s7+s3], $0x80, v3, vm0, $0xb8;
	[tilespmem:$0x17C00] =	vst v63  }
0x45: {  	_ = 	snop  }
0x46: {  	[tilespmem:s26], [sflag:$0x1] =	stream.indirect_vreg.gather [hbm4b:s8+s3], $0x80, v3, vm1, $0xb8;
	[tilespmem:$0x17C00] =	vst v63  }
0x47: {  	v3 =	vld [tilespmem:$0x10];
	_ =	sdelay $0x4  }
0x48: {  	v62 =	vshrl.u32 v3, $0x3  }
0x49: {  	v4 =	vmul.u32 $0x48, v62  }
0x4a: {  	v3 =	vand.u32 $0x7, v3  }
0x4b: {  	v3 =	vor.u32 v3, v4  }
0x4c: {  	v4 =	vperm.xlane v3, v0;
	_ =	sdelay $0x1  }
0x4d: {  	v4 =	vadd.s32 v1, v4;
	_ =	sdelay $0x4  }
0x4e: {  	[tilespmem:s28], [sflag:$0x1] =	stream.indirect_vreg.gather [hbm4b:s2+s3], $0x80, v4, vm0, $0xb8;
	[tilespmem:$0x17C00] =	vst v63  }
0x4f: {  	_ = 	snop  }
0x50: {  	[tilespmem:s29], [sflag:$0x1] =	stream.indirect_vreg.gather [hbm4b:s5+s3], $0x80, v4, vm0, $0xb8;
	[tilespmem:$0x17C00] =	vst v63  }
0x51: {  	v3 =	vperm.xlane v3, v2  }
0x52: {  	[tilespmem:s1], [sflag:$0x1] =	stream.indirect_vreg.gather [hbm4b:s6+s3], $0x80, v4, vm0, $0xb8;
	[tilespmem:$0x17C00] =	vst v63  }
0x53: {  	v3 =	vadd.s32 v1, v3  }
0x54: {  	[tilespmem:s0], [sflag:$0x1] =	stream.indirect_vreg.gather [hbm4b:s7+s3], $0x80, v4, vm0, $0xb8;
	[tilespmem:$0x17C00] =	vst v63  }
0x55: {  	_ = 	snop  }
0x56: {  	[tilespmem:s4], [sflag:$0x1] =	stream.indirect_vreg.gather [hbm4b:s8+s3], $0x80, v4, vm1, $0xb8;
	[tilespmem:$0x17C00] =	vst v63  }
0x57: {  	_ = 	snop  }
0x58: {  	[tilespmem:s9], [sflag:$0x1] =	stream.indirect_vreg.gather [hbm4b:s2+s3], $0x80, v3, vm0, $0xb8;
	[tilespmem:$0x17C00] =	vst v63  }
0x59: {  	_ = 	snop  }
0x5a: {  	[tilespmem:s10], [sflag:$0x1] =	stream.indirect_vreg.gather [hbm4b:s5+s3], $0x80, v3, vm0, $0xb8;
	[tilespmem:$0x17C00] =	vst v63  }
0x5b: {  	_ = 	snop  }
0x5c: {  	[tilespmem:s13], [sflag:$0x1] =	stream.indirect_vreg.gather [hbm4b:s6+s3], $0x80, v3, vm0, $0xb8;
	[tilespmem:$0x17C00] =	vst v63  }
0x5d: {  	_ = 	snop  }
0x5e: {  	[tilespmem:s30], [sflag:$0x1] =	stream.indirect_vreg.gather [hbm4b:s7+s3], $0x80, v3, vm0, $0xb8;
	[tilespmem:$0x17C00] =	vst v63  }
0x5f: {  	_ = 	snop  }
0x60: {  	[tilespmem:s31], [sflag:$0x1] =	stream.indirect_vreg.gather [hbm4b:s8+s3], $0x80, v3, vm1, $0xb8;
	[tilespmem:$0x17C00] =	vst v63  }
0x61: {  	v3 =	vld.msk [tilespmem:$0x20], $0xff;
	_ =	sdelay $0x4  }
0x62: {  	v63 =	vshrl.u32 v3, $0x3  }
0x63: {  	v4 =	vmul.u32 $0x48, v63  }
0x64: {  	v3 =	vand.u32 $0x7, v3  }
0x65: {  	v3 =	vor.u32 v3, v4  }
0x66: {  	v3 =	vperm.xlane v3, v0;
	_ =	sdelay $0x1  }
0x67: {  	v3 =	vadd.s32 v1, v3;
	_ =	sdelay $0x1  }
0x68: {  	s17 =	simm.s32 $0x38  }
0x69: {  	s18 =	simm.s32 $0x0;
	s21 =	simm.s32 $0xB400;
	s22 =	simm.s32 $0x2C00  }
0x6a: {  	s23 =	simm.s32 $0xA000;
	s24 =	simm.s32 $0x3800;
	s26 =	simm.s32 $0xA400  }
0x6b: {  	[tilespmem:s26], [sflag:$0x1] =	stream.indirect_vreg.gather [hbm4b:s2+s3], $0x80, v3, vm0, $0xb8;
	[tilespmem:$0x17C00] =	vst v63  }
0x6c: {  	s25 =	simm.s32 $0xBC00;
	s28 =	simm.s32 $0xAC00;
	s29 =	simm.s32 $0x5800  }
0x6d: {  	[tilespmem:s28], [sflag:$0x1] =	stream.indirect_vreg.gather [hbm4b:s5+s3], $0x80, v3, vm0, $0xb8;
	[tilespmem:$0x17C00] =	vst v63  }
0x6e: {  	s1 =	simm.s32 $0x9800;
	s0 =	simm.s32 $0x7400;
	s4 =	simm.s32 $0x7C00  }
0x6f: {  	[tilespmem:s21], [sflag:$0x1] =	stream.indirect_vreg.gather [hbm4b:s6+s3], $0x80, v3, vm0, $0xb8;
	[tilespmem:$0x17C00] =	vst v63  }
0x70: {  	s9 =	simm.s32 $0x8000;
	s10 =	simm.s32 $0x8800;
	s13 =	simm.s32 $0x9000  }
0x71: {  	[tilespmem:s25], [sflag:$0x1] =	stream.indirect_vreg.gather [hbm4b:s7+s3], $0x80, v3, vm0, $0xb8;
	[tilespmem:$0x17C00] =	vst v63  }
0x72: {  	s30 =	simm.s32 $0xC400;
	s31 =	simm.s32 $0x6400;
	s26 =	simm.s32 $0x4800  }
0x73: {  	[tilespmem:s30], [sflag:$0x1] =	stream.indirect_vreg.gather [hbm4b:s8+s3], $0x80, v3, vm1, $0xb8;
	[tilespmem:$0x17C00] =	vst v63  }
.LBB2_2:
0x74: {  	_ =	swait.ge [sflag:s14], $0xB400  }
0x75: {  	[sflag:s14] =	ssyncset.done $0x0  }
0x76: {  	[sflag:s14] =	ssyncadd.s32 $0xFFFF4C00  }
0x77: {  	v3 =	vld [tilespmem:s17+$0xFFFFFFF0];
	_ =	sdelay $0x4  }
0x78: {  	v4 =	vshrl.u32 v3, $0x3  }
0x79: {  	v4 =	vmul.u32 $0x48, v4  }
0x7a: {  	v3 =	vand.u32 $0x7, v3  }
0x7b: {  	v3 =	vor.u32 v3, v4  }
0x7c: {  	v4 =	vperm.xlane v3, v0;
	_ =	sdelay $0x1  }
0x7d: {  	v4 =	vadd.s32 v1, v4;
	_ =	sdelay $0x4  }
0x7e: {  	[tilespmem:s15], [sflag:$0x2] =	stream.indirect_vreg.gather [hbm4b:s2+s3], $0x80, v4, vm0, $0xb8;
	[tilespmem:$0x17C00] =	vst v63  }
0x7f: {  	s19 =	rddreg [dreg:$0x5]  }
0x80: {  	[tilespmem:s19], [sflag:$0x2] =	stream.indirect_vreg.gather [hbm4b:s5+s3], $0x80, v4, vm0, $0xb8;
	[tilespmem:$0x17C00] =	vst v63  }
0x81: {  	s20 =	rddreg [dreg:$0x6];
	v3 =	vperm.xlane v3, v2  }
0x82: {  	[tilespmem:s20], [sflag:$0x2] =	stream.indirect_vreg.gather [hbm4b:s6+s3], $0x80, v4, vm0, $0xb8;
	[tilespmem:$0x17C00] =	vst v63  }
0x83: {  	v3 =	vadd.s32 v1, v3;
	s19 =	rddreg [dreg:$0x7]  }
0x84: {  	[tilespmem:s19], [sflag:$0x2] =	stream.indirect_vreg.gather [hbm4b:s7+s3], $0x80, v4, vm0, $0xb8;
	[tilespmem:$0x17C00] =	vst v63  }
0x85: {  	s20 =	rddreg [dreg:$0x8]  }
0x86: {  	[tilespmem:s20], [sflag:$0x2] =	stream.indirect_vreg.gather [hbm4b:s8+s3], $0x80, v4, vm1, $0xb8;
	[tilespmem:$0x17C00] =	vst v63  }
0x87: {  	s19 =	rddreg [dreg:$0x9]  }
0x88: {  	[tilespmem:s19], [sflag:$0x2] =	stream.indirect_vreg.gather [hbm4b:s2+s3], $0x80, v3, vm0, $0xb8;
	[tilespmem:$0x17C00] =	vst v63  }
0x89: {  	s20 =	rddreg [dreg:$0xa]  }
0x8a: {  	[tilespmem:s20], [sflag:$0x2] =	stream.indirect_vreg.gather [hbm4b:s5+s3], $0x80, v3, vm0, $0xb8;
	[tilespmem:$0x17C00] =	vst v63  }
0x8b: {  	s19 =	rddreg [dreg:$0xb]  }
0x8c: {  	[tilespmem:s19], [sflag:$0x2] =	stream.indirect_vreg.gather [hbm4b:s6+s3], $0x80, v3, vm0, $0xb8;
	[tilespmem:$0x17C00] =	vst v63  }
0x8d: {  	s20 =	rddreg [dreg:$0xc]  }
0x8e: {  	[tilespmem:s20], [sflag:$0x2] =	stream.indirect_vreg.gather [hbm4b:s7+s3], $0x80, v3, vm0, $0xb8;
	[tilespmem:$0x17C00] =	vst v63  }
0x8f: {  	s19 =	rddreg [dreg:$0xd]  }
0x90: {  	[tilespmem:s19], [sflag:$0x2] =	stream.indirect_vreg.gather [hbm4b:s8+s3], $0x80, v3, vm1, $0xb8;
	[tilespmem:$0x17C00] =	vst v63  }
0x91: {  	v3 =	vld [tilespmem:s17+$0x0];
	_ =	sdelay $0x4  }
0x92: {  	v59 =	vshrl.u32 v3, $0x3  }
0x93: {  	v4 =	vmul.u32 $0x48, v59  }
0x94: {  	v3 =	vand.u32 $0x7, v3  }
0x95: {  	v3 =	vor.u32 v3, v4  }
0x96: {  	v4 =	vperm.xlane v3, v0;
	_ =	sdelay $0x1  }
0x97: {  	v4 =	vadd.s32 v1, v4;
	_ =	sdelay $0x3  }
0x98: {  	s19 =	rddreg [dreg:$0xe]  }
0x99: {  	[tilespmem:s19], [sflag:$0x2] =	stream.indirect_vreg.gather [hbm4b:s2+s3], $0x80, v4, vm0, $0xb8;
	[tilespmem:$0x17C00] =	vst v63  }
0x9a: {  	s20 =	rddreg [dreg:$0xf]  }
0x9b: {  	[tilespmem:s20], [sflag:$0x2] =	stream.indirect_vreg.gather [hbm4b:s5+s3], $0x80, v4, vm0, $0xb8;
	[tilespmem:$0x17C00] =	vst v63  }
0x9c: {  	v3 =	vperm.xlane v3, v2;
	s19 =	rddreg [dreg:$0x10]  }
0x9d: {  	[tilespmem:s19], [sflag:$0x2] =	stream.indirect_vreg.gather [hbm4b:s6+s3], $0x80, v4, vm0, $0xb8;
	[tilespmem:$0x17C00] =	vst v63  }
0x9e: {  	v3 =	vadd.s32 v1, v3;
	s20 =	rddreg [dreg:$0x11]  }
0x9f: {  	[tilespmem:s20], [sflag:$0x2] =	stream.indirect_vreg.gather [hbm4b:s7+s3], $0x80, v4, vm0, $0xb8;
	[tilespmem:$0x17C00] =	vst v63  }
0xa0: {  	s19 =	rddreg [dreg:$0x12]  }
0xa1: {  	[tilespmem:s19], [sflag:$0x2] =	stream.indirect_vreg.gather [hbm4b:s8+s3], $0x80, v4, vm1, $0xb8;
	[tilespmem:$0x17C00] =	vst v63  }
0xa2: {  	s20 =	rddreg [dreg:$0x13]  }
0xa3: {  	[tilespmem:s20], [sflag:$0x2] =	stream.indirect_vreg.gather [hbm4b:s2+s3], $0x80, v3, vm0, $0xb8;
	[tilespmem:$0x17C00] =	vst v63  }
0xa4: {  	s19 =	rddreg [dreg:$0x14]  }
0xa5: {  	[tilespmem:s19], [sflag:$0x2] =	stream.indirect_vreg.gather [hbm4b:s5+s3], $0x80, v3, vm0, $0xb8;
	[tilespmem:$0x17C00] =	vst v63  }
0xa6: {  	s20 =	rddreg [dreg:$0x15]  }
0xa7: {  	[tilespmem:s20], [sflag:$0x2] =	stream.indirect_vreg.gather [hbm4b:s6+s3], $0x80, v3, vm0, $0xb8;
	[tilespmem:$0x17C00] =	vst v63  }
0xa8: {  	s19 =	rddreg [dreg:$0x16]  }
0xa9: {  	[tilespmem:s19], [sflag:$0x2] =	stream.indirect_vreg.gather [hbm4b:s7+s3], $0x80, v3, vm0, $0xb8;
	[tilespmem:$0x17C00] =	vst v63  }
0xaa: {  	s20 =	rddreg [dreg:$0x17]  }
0xab: {  	[tilespmem:s20], [sflag:$0x2] =	stream.indirect_vreg.gather [hbm4b:s8+s3], $0x80, v3, vm1, $0xb8;
	[tilespmem:$0x17C00] =	vst v63  }
0xac: {  	v3 =	vld.msk [tilespmem:s17+$0x10], $0xff;
	_ =	sdelay $0x4  }
0xad: {  	v60 =	vshrl.u32 v3, $0x3  }
0xae: {  	v4 =	vmul.u32 $0x48, v60  }
0xaf: {  	v3 =	vand.u32 $0x7, v3  }
0xb0: {  	v3 =	vor.u32 v3, v4  }
0xb1: {  	v3 =	vperm.xlane v3, v0;
	_ =	sdelay $0x1  }
0xb2: {  	v3 =	vadd.s32 v1, v3;
	_ =	sdelay $0x2  }
0xb3: {  	s19 =	rddreg [dreg:$0x18]  }
0xb4: {  	s20 =	rddreg [dreg:$0x19]  }
0xb5: {  	[tilespmem:s19], [sflag:$0x2] =	stream.indirect_vreg.gather [hbm4b:s2+s3], $0x80, v3, vm0, $0xb8;
	[tilespmem:$0x17C00] =	vst v63  }
0xb6: {  	s19 =	rddreg [dreg:$0x1a]  }
0xb7: {  	[tilespmem:s20], [sflag:$0x2] =	stream.indirect_vreg.gather [hbm4b:s5+s3], $0x80, v3, vm0, $0xb8;
	[tilespmem:$0x17C00] =	vst v63  }
0xb8: {  	s20 =	rddreg [dreg:$0x1b]  }
0xb9: {  	[tilespmem:s19], [sflag:$0x2] =	stream.indirect_vreg.gather [hbm4b:s6+s3], $0x80, v3, vm0, $0xb8;
	[tilespmem:$0x17C00] =	vst v63  }
0xba: {  	s19 =	rddreg [dreg:$0x1c]  }
0xbb: {  	[tilespmem:s20], [sflag:$0x2] =	stream.indirect_vreg.gather [hbm4b:s7+s3], $0x80, v3, vm0, $0xb8;
	[tilespmem:$0x17C00] =	vst v63  }
0xbc: {  	s20 =	rddreg [dreg:$0x3]  }
0xbd: {  	[tilespmem:s19], [sflag:$0x2] =	stream.indirect_vreg.gather [hbm4b:s8+s3], $0x80, v3, vm1, $0xb8;
	[tilespmem:$0x17C00] =	vst v63  }
0xbe: {  	s19 =	sadd.s32 s18, s20  }
0xbf: {  	[hbm4b:s19+s3] =	stream.linear.scatter [tilespmem:s12], [sflag:$0x3], $0xB400, $0x38;
	[tilespmem:$0x17C00] =	vst v63  }
0xc0: {  	_ =	swait.ge [sflag:s11], $0xB400  }
0xc1: {  	[sflag:s11] =	ssyncset.done $0x0  }
0xc2: {  	[sflag:s11] =	ssyncadd.s32 $0xFFFF4C00  }
0xc3: {  	_ =	swait.ge [sflag:s16], $0xB400  }
0xc4: {  	[sflag:s16] =	ssyncset.done $0x0  }
0xc5: {  	[sflag:s16] =	ssyncadd.s32 $0xFFFF4C00  }
0xc6: {  	v3 =	vld [tilespmem:s17+$0x18];
	_ =	sdelay $0x4  }
0xc7: {  	v61 =	vshrl.u32 v3, $0x3  }
0xc8: {  	v4 =	vmul.u32 $0x48, v61  }
0xc9: {  	v3 =	vand.u32 $0x7, v3  }
0xca: {  	v3 =	vor.u32 v3, v4  }
0xcb: {  	v4 =	vperm.xlane v3, v0;
	_ =	sdelay $0x1  }
0xcc: {  	v4 =	vadd.s32 v1, v4;
	_ =	sdelay $0x4  }
0xcd: {  	[tilespmem:s12], [sflag:$0x1] =	stream.indirect_vreg.gather [hbm4b:s2+s3], $0x80, v4, vm0, $0xb8;
	[tilespmem:$0x17C00] =	vst v63  }
0xce: {  	s20 =	simm.s32 $0x1C00  }
0xcf: {  	[tilespmem:s20], [sflag:$0x1] =	stream.indirect_vreg.gather [hbm4b:s5+s3], $0x80, v4, vm0, $0xb8;
	[tilespmem:$0x17C00] =	vst v63  }
0xd0: {  	s19 =	simm.s32 $0x2400;
	v3 =	vperm.xlane v3, v2  }
0xd1: {  	[tilespmem:s19], [sflag:$0x1] =	stream.indirect_vreg.gather [hbm4b:s6+s3], $0x80, v4, vm0, $0xb8;
	[tilespmem:$0x17C00] =	vst v63  }
0xd2: {  	v3 =	vadd.s32 v1, v3  }
0xd3: {  	[tilespmem:s22], [sflag:$0x1] =	stream.indirect_vreg.gather [hbm4b:s7+s3], $0x80, v4, vm0, $0xb8;
	[tilespmem:$0x17C00] =	vst v63  }
0xd4: {  	s19 =	simm.s32 $0x3400  }
0xd5: {  	[tilespmem:s19], [sflag:$0x1] =	stream.indirect_vreg.gather [hbm4b:s8+s3], $0x80, v4, vm1, $0xb8;
	[tilespmem:$0x17C00] =	vst v63  }
0xd6: {  	_ = 	snop  }
0xd7: {  	[tilespmem:s24], [sflag:$0x1] =	stream.indirect_vreg.gather [hbm4b:s2+s3], $0x80, v3, vm0, $0xb8;
	[tilespmem:$0x17C00] =	vst v63  }
0xd8: {  	s19 =	simm.s32 $0x4000  }
0xd9: {  	[tilespmem:s19], [sflag:$0x1] =	stream.indirect_vreg.gather [hbm4b:s5+s3], $0x80, v3, vm0, $0xb8;
	[tilespmem:$0x17C00] =	vst v63  }
0xda: {  	_ = 	snop  }
0xdb: {  	[tilespmem:s26], [sflag:$0x1] =	stream.indirect_vreg.gather [hbm4b:s6+s3], $0x80, v3, vm0, $0xb8;
	[tilespmem:$0x17C00] =	vst v63  }
0xdc: {  	s19 =	simm.s32 $0x5000  }
0xdd: {  	[tilespmem:s19], [sflag:$0x1] =	stream.indirect_vreg.gather [hbm4b:s7+s3], $0x80, v3, vm0, $0xb8;
	[tilespmem:$0x17C00] =	vst v63  }
0xde: {  	_ = 	snop  }
0xdf: {  	[tilespmem:s29], [sflag:$0x1] =	stream.indirect_vreg.gather [hbm4b:s8+s3], $0x80, v3, vm1, $0xb8;
	[tilespmem:$0x17C00] =	vst v63  }
0xe0: {  	v3 =	vld [tilespmem:s17+$0x28];
	_ =	sdelay $0x4  }
0xe1: {  	v62 =	vshrl.u32 v3, $0x3  }
0xe2: {  	v4 =	vmul.u32 $0x48, v62  }
0xe3: {  	v3 =	vand.u32 $0x7, v3  }
0xe4: {  	v3 =	vor.u32 v3, v4  }
0xe5: {  	v4 =	vperm.xlane v3, v0;
	_ =	sdelay $0x1  }
0xe6: {  	v4 =	vadd.s32 v1, v4;
	_ =	sdelay $0x3  }
0xe7: {  	s19 =	simm.s32 $0x5C00  }
0xe8: {  	[tilespmem:s19], [sflag:$0x1] =	stream.indirect_vreg.gather [hbm4b:s2+s3], $0x80, v4, vm0, $0xb8;
	[tilespmem:$0x17C00] =	vst v63  }
0xe9: {  	_ = 	snop  }
0xea: {  	[tilespmem:s31], [sflag:$0x1] =	stream.indirect_vreg.gather [hbm4b:s5+s3], $0x80, v4, vm0, $0xb8;
	[tilespmem:$0x17C00] =	vst v63  }
0xeb: {  	v3 =	vperm.xlane v3, v2;
	s19 =	simm.s32 $0x6C00  }
0xec: {  	[tilespmem:s19], [sflag:$0x1] =	stream.indirect_vreg.gather [hbm4b:s6+s3], $0x80, v4, vm0, $0xb8;
	[tilespmem:$0x17C00] =	vst v63  }
0xed: {  	v3 =	vadd.s32 v1, v3  }
0xee: {  	[tilespmem:s0], [sflag:$0x1] =	stream.indirect_vreg.gather [hbm4b:s7+s3], $0x80, v4, vm0, $0xb8;
	[tilespmem:$0x17C00] =	vst v63  }
0xef: {  	_ = 	snop  }
0xf0: {  	[tilespmem:s4], [sflag:$0x1] =	stream.indirect_vreg.gather [hbm4b:s8+s3], $0x80, v4, vm1, $0xb8;
	[tilespmem:$0x17C00] =	vst v63  }
0xf1: {  	_ = 	snop  }
0xf2: {  	[tilespmem:s9], [sflag:$0x1] =	stream.indirect_vreg.gather [hbm4b:s2+s3], $0x80, v3, vm0, $0xb8;
	[tilespmem:$0x17C00] =	vst v63  }
0xf3: {  	_ = 	snop  }
0xf4: {  	[tilespmem:s10], [sflag:$0x1] =	stream.indirect_vreg.gather [hbm4b:s5+s3], $0x80, v3, vm0, $0xb8;
	[tilespmem:$0x17C00] =	vst v63  }
0xf5: {  	_ = 	snop  }
0xf6: {  	[tilespmem:s13], [sflag:$0x1] =	stream.indirect_vreg.gather [hbm4b:s6+s3], $0x80, v3, vm0, $0xb8;
	[tilespmem:$0x17C00] =	vst v63  }
0xf7: {  	_ = 	snop  }
0xf8: {  	[tilespmem:s1], [sflag:$0x1] =	stream.indirect_vreg.gather [hbm4b:s7+s3], $0x80, v3, vm0, $0xb8;
	[tilespmem:$0x17C00] =	vst v63  }
0xf9: {  	_ = 	snop  }
0xfa: {  	[tilespmem:s23], [sflag:$0x1] =	stream.indirect_vreg.gather [hbm4b:s8+s3], $0x80, v3, vm1, $0xb8;
	[tilespmem:$0x17C00] =	vst v63  }
0xfb: {  	v3 =	vld.msk [tilespmem:s17+$0x38], $0xff;
	_ =	sdelay $0x4  }
0xfc: {  	v63 =	vshrl.u32 v3, $0x3  }
0xfd: {  	v4 =	vmul.u32 $0x48, v63  }
0xfe: {  	v3 =	vand.u32 $0x7, v3  }
0xff: {  	v3 =	vor.u32 v3, v4  }
0x100: {  	v3 =	vperm.xlane v3, v0;
	_ =	sdelay $0x1  }
0x101: {  	v3 =	vadd.s32 v1, v3;
	_ =	sdelay $0x3  }
0x102: {  	s19 =	simm.s32 $0xA400  }
0x103: {  	[tilespmem:s19], [sflag:$0x1] =	stream.indirect_vreg.gather [hbm4b:s2+s3], $0x80, v3, vm0, $0xb8;
	[tilespmem:$0x17C00] =	vst v63  }
0x104: {  	_ = 	snop  }
0x105: {  	[tilespmem:s28], [sflag:$0x1] =	stream.indirect_vreg.gather [hbm4b:s5+s3], $0x80, v3, vm0, $0xb8;
	[tilespmem:$0x17C00] =	vst v63  }
0x106: {  	_ = 	snop  }
0x107: {  	[tilespmem:s21], [sflag:$0x1] =	stream.indirect_vreg.gather [hbm4b:s6+s3], $0x80, v3, vm0, $0xb8;
	[tilespmem:$0x17C00] =	vst v63  }
0x108: {  	_ = 	snop  }
0x109: {  	[tilespmem:s25], [sflag:$0x1] =	stream.indirect_vreg.gather [hbm4b:s7+s3], $0x80, v3, vm0, $0xb8;
	[tilespmem:$0x17C00] =	vst v63  }
0x10a: {  	p0 =	sne.s32 s18, $0xAB900;
	s19 =	rddreg [dreg:$0x4]  }
0x10b: {  	[tilespmem:s30], [sflag:$0x1] =	stream.indirect_vreg.gather [hbm4b:s8+s3], $0x80, v3, vm1, $0xb8;
	[tilespmem:$0x17C00] =	vst v63  }
.Ltmp0:
0x10c: {  	s19 =	sadd.s32 s18, s19;
	(pc) =	sbr.rel @p0 .LBB2_2-.Ltmp0, $4  }
0x10d: {  	[hbm4b:s19+s3] =	stream.linear.scatter [tilespmem:s15], [sflag:$0x3], $0xB400, $0x38;
	[tilespmem:$0x17C00] =	vst v63  }
0x10e: {  	_ =	swait.ge [sflag:s11], $0xB400  }
0x10f: {  	[sflag:s11] =	ssyncset.done $0x0  }
0x110: {  	s17 =	sadd.s32 $0x50, s17;
	s18 =	sadd.s32 $0x2D00, s18;
	[sflag:s11] =	ssyncadd.s32 $0xFFFF4C00  }
0x111: {  	_ =	swait.ge [sflag:s14], $0xB400  }
0x112: {  	[sflag:s14] =	ssyncset.done $0x0  }
0x113: {  	s17 =	rddreg [dreg:$0x1e];
	[sflag:s14] =	ssyncadd.s32 $0xFFFF4C00  }
0x114: {  	[hbm4b:s17+s3] =	stream.linear.scatter [tilespmem:s12], [sflag:$0x3], $0xB400, $0x38;
	[tilespmem:$0x17C00] =	vst v63  }
0x115: {  	_ =	swait.ge [sflag:s11], $0xB400  }
0x116: {  	s0 =	sld [smem:$0x7FD]  }
0x117: {  	s18 =	simm.s32 $0x2400  }
0x118: {  	s19 =	simm.s32 $0x2C00;
	s21 =	simm.s32 $0x3400;
	s22 =	simm.s32 $0x3800  }
0x119: {  	s23 =	simm.s32 $0x4000;
	s26 =	rddreg [dreg:$0x1f];
	s0 =	sadd.s32 $0x1, s0  }
0x11a: {  	s24 =	simm.s32 $0x4800;
	s25 =	simm.s32 $0x5000;
	p0 =	sne.s32 s0, s26  }
.Ltmp1:
0x11b: {  	s28 =	simm.s32 $0x5C00;
	s29 =	simm.s32 $0x6400;
	(pc) =	sbr.rel @p0 .LBB2_1-.Ltmp1, $4  }
0x11c: {  	s1 =	simm.s32 $0x6C00;
	s4 =	simm.s32 $0x7C00;
	s9 =	simm.s32 $0x8000  }
0x11d: {  	s10 =	simm.s32 $0x8800;
	s13 =	simm.s32 $0x9000;
	[sflag:s11] =	ssyncset.done $0x0  }
0x11e: {  	s30 =	simm.s32 $0x9800;
	s31 =	simm.s32 $0xA000;
	[sflag:s11] =	ssyncadd.s32 $0xFFFF4C00  }
0x11f: {  	[smem:$0x7FD] =	sst s0;
	s26 =	simm.s32 $0x5800;
	s0 =	simm.s32 $0x7400  }
0x120: {  	_ =	sfence.sel $0x180000  }
0x121: {  	[bflag:$0x0] =	sbarrier.arrive $0xFFFF  }
0x122: {  	_ =	strace $0x90000056  }
0x123: {  	s0 =	stileid.u32;
	[bflag:$0x2] =	sbarrier.arrive $0xFFFF  }
0x124: {  	p0 =	sne.s32 s0, $0x0;
	s0 =	rddreg [dreg:$0x2]  }
0x125: {  	s0 =	sadd.s32 @!p0 $0x100000, s0  }
0x126: {  	[sflag:s0] =	ssyncadd.tile.s32 @!p0 $0x1;
	_ =	shalt  }
.Lfunc_end2:
_tile_overlayer_lowered:
.L_overlay_start_2:
0x127: {  	(tag) =	ssettag $0x2  }
0x128: {  	s0 =	rddreg [dreg:$0x0];
	s2 =	stileid.u32  }
0x129: {  	s1 =	rddreg [dreg:$0x1];
	p0 =	sne.s32 s2, $0x0  }
0x12a: {  	s3 =	rddreg [dreg:$0x2];
	[bflag:$0x3] =	sbarrier.arrive $0xFFFF;
	s2 =	simm.s32 @!p0 $0x1C03  }
0x12b: {  	[timem:s3], [sflag:s2] =	dma.local @!p0 [hbm:s0], s1  }
0x12c: {  	s0 =	simm.s32 @!p0 $0x3  }
0x12d: {  	_ =	swait.ge @!p0 [sflag:s0], s1  }
0x12e: {  	s1 =	ssub.s32 @!p0 $0x0, s1;
	[sflag:s0] =	ssyncset.done @!p0 $0x0  }
0x12f: {  	[sflag:s0] =	ssyncadd.s32 @!p0 s1  }
0x130: {  	[bflag:$0x3] =	sbarrier.arrive $0xFFFF  }
0x131: {  	_ =	shalt  }

// kernel: sparse-core-data-format-call.1.cloned.1.call-start
scs
called_computation.1_lowered:
.L_overlay_start_0:
0x0: {  	s1 =	sld [smem:$0x3FD9]  }
0x1: {  	s2 =	sld [smem:$0x3FFE];
	_ =	sdelay $0x1  }
0x2: {  	s3 =	srdreg.scid  }
0x3: {  	s0 =	sand.u32 $0x1, s3  }
0x4: {  	s17 =	sshll.u32 s0, $0xA;
	s1 =	sadd.s32 s2, s1  }
0x5: {  	s1 =	sadd.s32 s1, s17  }
0x6: {  	[smem:$0x3FB8] =	sst s1  }
0x7: {  	_ = 	snop  }
0x8: {  	(tm) =	ssettm $0x1  }
0x9: {  	s18 =	sld [smem:$0x3FFB];
	_ =	sdelay $0x3  }
0xa: {  	_ =	strace s18  }
0xb: {  	s1 =	sld [smem:$0x3FFC];
	_ =	sdelay $0x3  }
0xc: {  	_ =	strace s1  }
0xd: {  	s1 =	sld [smem:$0x3FFD];
	_ =	sdelay $0x3  }
0xe: {  	_ =	strace s1  }
0xf: {  	_ =	strace $0x8FFFFFFF  }
0x10: {  	s19 =	sld [smem:$0x3FDB];
	_ =	sdelay $0x1  }
0x11: {  	s20 =	simm.s32 $_scs_section_size  }
0x12: {  	s4 =	simm.s32 $_size__tile_overlayer_lowered;
	s5 =	simm.s32 $_tile_overlayer_lowered  }
0x13: {  	s23 =	simm.s32 $0x1BFF;
	s22 =	sshll.u32 s5, $0x1;
	s1 =	sadd.s32 s20, s19  }
0x14: {  	s6 =	simm.s32 $0x0;
	s21 =	sshll.u32 s4, $0x1;
	s4 =	sadd.s32 s22, s1  }
0x15: {  	[timem:s6], [sflag:s23] =	dma.local [hbm:s4], s21  }
0x16: {  	_ =	swait.ge [sflag:s23], s21  }
0x17: {  	s2 =	ssub.s32 $0x0, s21;
	[sflag:s23] =	ssyncset.done $0x0  }
0x18: {  	[sflag:s23] =	ssyncadd.s32 s2;
	_ =	sdelay $0x1  }
0x19: {  	s24 =	simm.s32 $0x1B8B  }
0x1a: {  	_ =	swait.ge [sflag:s24], $0x1  }
0x1b: {  	[sflag:s24] =	ssyncset.done $0x0  }
0x1c: {  	s26 =	simm.s32 $0x1B8E;
	s25 =	sld [smem:$0x3FFE];
	[sflag:s24] =	ssyncadd.s32 $0xFFFFFFFF  }
0x1d: {  	s27 =	simm.s32 $execute0_lowered;
	[smem:$0x3FD2] =	sst s26  }
0x1e: {  	s4 =	sshll.u32 s27, $0x1;
	_ =	strace $0x80000058;
	[dreg:$0x1] =	wrdreg $0xFFFFFFFF  }
0x1f: {  	s28 =	simm.s32 $_size_execute0_lowered;
	s1 =	sadd.s32 s1, s4;
	[dreg:$0x0] =	wrdreg $0x0  }
0x20: {  	s4 =	sshll.u32 s28, $0x1;
	[dreg:$0x2] =	wrdreg s1  }
0x21: {  	[dreg:$0x3] =	wrdreg s4  }
0x22: {  	[dreg:$0x4] =	wrdreg $0xC0  }
0x23: {  	_ =	task [dreg:s6], $0x5FFFF  }
0x24: {  	[dreg:$0x1] =	wrdreg $0xFFFFFFFF  }
0x25: {  	[dreg:$0x0] =	wrdreg $0x60  }
0x26: {  	[dreg:$0x2] =	wrdreg s25  }
0x27: {  	[dreg:$0x3] =	wrdreg $0x9  }
0x28: {  	_ =	task.clear_ibuf [dreg:s6], $0x4FFFF;
	_ =	strace $0x90000058  }
0x29: {  	s29 =	simm.s32 $0x9;
	_ =	strace $0x8000005A  }
0x2a: {  	_ =	swait.ge [sflag:s29], $0x1  }
0x2b: {  	[sflag:s29] =	ssyncadd.s32 $0xFFFFFFFF  }
0x2c: {  	_ =	strace $0x9000005A  }
0x2d: {  	_ =	sfence  }
0x2e: {  	s30 =	sld [smem:$0x0];
	_ =	sdelay $0x2  }
0x2f: {  	s31 =	sshll.u32 s3, $0xD;
	s3 =	sshrl.u32 s3, $0x2  }
0x30: {  	s2 =	sand.u32 $0x4000, s31;
	s1 =	sadd.s32 s3, s30  }
0x31: {  	s0 =	sor.u32 s2, s0;
	s1 =	sshll.u32 s1, $0x11  }
0x32: {  	s0 =	sor.u32 s1, s0  }
0x33: {  	s0 =	sadd.s32 $0x8F2B, s0  }
0x34: {  	[sflag:s0] =	ssyncadd.remote.s32 $0x1  }
0x35: {  	_ =	sfence.sel $0xFFFF  }
0x36: {  	[dreg:$0x0] =	wrdreg $0xFFFFFFFF;
	(pc) =	sbr.abs _section_cstart, $3  }
0x37: {  	[dreg:$0x1] =	wrdreg $0xFFFFFFFF  }
0x38: {  	_ =	task.clear_ibuf [dreg:s6], $0x2FFFF;
	_ =	strace $0x9FFFFFFF  }
0x39: {  	(tm) =	ssettm $0x7FFFFFFF  }
tec
execute0_lowered:
.L_overlay_start_1:
0x0: {  	(tag) =	ssettag $0x1  }
0x1: {  	s0 =	srdreg.scid;
	s5 =	rddreg [dreg:$0x0];
	s6 =	simm.s32 $0x2  }
0x2: {  	s15 =	simm.s32 $0x0;
	s8 =	simm.s32 $0x27800;
	s1 =	sshll.u32 s0, $0x4  }
0x3: {  	s9 =	simm.s32 $0x0;
	s0 =	stileid.u32;
	s1 =	sand.u32 $0x10, s1  }
0x4: {  	s14 =	simm.s32 $0x0;
	s16 =	simm.s32 $0x0;
	s1 =	sor.u32 s0, s1  }
0x5: {  	s11 =	simm.s32 $0x0;
	s12 =	simm.s32 $0x0;
	s2 =	sshll.u32 s1, $0x7  }
.Ltmp0:
0x6: {  	s13 =	simm.s32 $0x0;
	s3 =	ssub.s32 $0x2700, s2;
	(pc) =	sbr.rel .LBB1_1-.Ltmp0, $4  }
0x7: {  	s1 =	rddreg [dreg:$0x1];
	_ =	strace $0x80000059;
	s4 =	sshrl.u32 s3, $0xC  }
0x8: {  	s10 =	smov.u32 s2;
	s3 =	simm.s32 $0x1;
	s7 =	smul.u32 $0x9, s4  }
0x9: {  	s4 =	sadd.s32 $0x168600, s5;
	[sflag:s3] =	ssyncpa.u1 $0x0;
	s5 =	sadd.s32 $0x2CBE00, s5  }
0xa: {  	[sflag:s6] =	ssyncpa.u1 $0x0;
	s6 =	sadd.s32 $0x9, s7;
	s7 =	sadd.s32 $0xA, s7  }
.LBB1_5:
0xb: {  	s17 =	sadd.s32 $0x1000, s10  }
0xc: {  	s14 =	sadd.s32 $0x80, s11;
	s18 =	smov.u32 s11;
	p1 =	sgt.s32 s17, $0x270F  }
0xd: {  	s18 =	smov.u32 @p1 s14  }
0xe: {  	s14 =	simm.s32 $0x1;
	p2 =	sgt.s32 s18, $0x7F  }
0xf: {  	s14 =	simm.s32 @!p2 $0x0  }
0x10: {  	s20 =	sadd.s32 s14, s12  }
0x11: {  	s17 =	smov.u32 @p1 s2;
	p1 =	sgt.s32 s20, $0x8  }
0x12: {  	p0 =	slt.u32 s13, $0x2;
	s20 =	simm.s32 @p1 $0x0;
	p1 =	sne.s32 s13, s7  }
.Ltmp1:
0x13: {  	s19 =	simm.s32 @!p0 $0x2;
	(pc) =	sbr.rel @!p1 .LBB1_6-.Ltmp1, $4  }
0x14: {  	s15 =	smov.u32 s10;
	s16 =	smov.u32 s12;
	_ =	swait.ge @!p0 [sflag:s19], $0x4000  }
0x15: {  	s9 =	sadd.s32 $0x4000, s9;
	[sflag:s19] =	ssyncset.done @!p0 $0x0;
	s10 =	smov.u32 s17  }
0x16: {  	s18 =	simm.s32 @p2 $0x0;
	[sflag:s19] =	ssyncadd.s32 @!p0 $0xFFFFC000;
	s14 =	smov.u32 s11  }
0x17: {  	s11 =	smov.u32 s18;
	s13 =	sadd.s32 $0x1, s13;
	s12 =	smov.u32 s20  }
.LBB1_1:
0x18: {  	p0 =	sge.u32 s13, s6  }
0x19: {  	s17 =	sshrl.u32 @!p0 s11, $0x3  }
0x1a: {  	s18 =	sshll.u32 @!p0 s10, $0x3;
	s17 =	smul.u32 @!p0 $0x13C00, s17  }
0x1b: {  	s19 =	sshll.u32 @!p0 s11, $0x7;
	s18 =	sand.u32 @!p0 $0xFFFFFC00, s18  }
0x1c: {  	s17 =	sadd.s32 @!p0 s17, s18;
	s18 =	sand.u32 @!p0 $0x380, s19  }
0x1d: {  	s19 =	sand.u32 @!p0 $0x7F, s10;
	s17 =	sor.u32 @!p0 s18, s17  }
0x1e: {  	s18 =	sor.u32 @!p0 s19, s17  }
0x1f: {  	s19 =	smulhi.u32 @!p0 $0xCF6474A9, s18  }
0x20: {  	s17 =	smulhi.u32 @!p0 $0xCF6474A9, s17  }
0x21: {  	s19 =	sshrl.u32 @!p0 s19, $0xD  }
0x22: {  	s17 =	sshrl.u32 @!p0 s17, $0xD;
	s19 =	smul.u32 @!p0 $0x2780, s19  }
0x23: {  	s20 =	sxor.u32 @!p0 $0xFFFFFFFF, s13;
	s21 =	smul.u32 @!p0 $0x27800, s12;
	s17 =	sand.u32 @!p0 $0x7F, s17  }
0x24: {  	s20 =	sshll.u32 @!p0 s20, $0xE;
	s17 =	smul.u32 @!p0 $0x4F0, s17;
	s18 =	ssub.s32 @!p0 s18, s19  }
0x25: {  	s19 =	sand.u32 @!p0 $0x4000, s20;
	s20 =	sadd.s32 @!p0 s4, s21;
	s21 =	sand.u32 @!p0 $0x7, s18  }
0x26: {  	s18 =	sshrl.u32 @!p0 s18, $0x3;
	s17 =	sadd.s32 @!p0 s17, s20;
	s20 =	sshll.u32 @!p0 s21, $0x12  }
0x27: {  	s17 =	sadd.s32 @!p0 s18, s17;
	s18 =	sor.u32 @!p0 $0x400, s20;
	s20 =	simm.s32 @!p0 $0x13C00  }
0x28: {  	[tilespmem:s19], [sflag:$0x1] =	stream.strided.gather @!p0 [hbm4b:s17+s18], $0x4000, s20, s18, $0x38;
	[tilespmem:$0x10000] =	vst v63  }
0x29: {  	p0 =	seq.s32 s13, $0x0  }
0x2a: {  	p1 =	sge.u32 @!p0 s13, s7  }
0x2b: {  	p0 =	por p0, p1  }
.Ltmp2:
0x2c: {  	_ = 	snop;
	(pc) =	sbr.rel @p0 .LBB1_5-.Ltmp2, $1  }
0x2d: {  	_ =	sdelay $0x3  }
0x2e: {  	s17 =	sand.u32 $0x4000, s9  }
0x2f: {  	s18 =	sor.u32 $0x40, s17  }
0x30: {  	v1 =	vmov s18;
	_ =	sdelay $0x1  }
0x31: {  	_ =	swait.ge [sflag:s3], $0x4000  }
0x32: {  	[sflag:s3] =	ssyncset.done $0x0  }
0x33: {  	s19 =	simm.s32 $0x0;
	[sflag:s3] =	ssyncadd.s32 $0xFFFFC000  }
0x34: {  	s17 =	sor.u32 $0x8070, s17;
	v6 =	vld.idx.msk [tilespmem:v1+s19+$0x30 ss:$0x1], $0xffff  }
0x35: {  	v0 =	vmov s17;
	v8 =	vld.idx.msk [tilespmem:v1+s19+$0xFFFFFFC0 ss:$0x1], $0xffff  }
0x36: {  	v7 =	vld.idx.msk [tilespmem:v1+s19+$0xFFFFFFD0 ss:$0x1], $0xffff  }
0x37: {  	v5 =	vld.idx.msk [tilespmem:v1+s19+$0xFFFFFFE0 ss:$0x1], $0xffff  }
0x38: {  	v4 =	vld.idx.msk [tilespmem:v1+s19+$0xFFFFFFF0 ss:$0x1], $0xffff  }
0x39: {  	s31 =	sshll.u32 s13, $0xE;
	v2 =	vld.idx.msk [tilespmem:v1+s19+$0x0 ss:$0x1], $0xffff  }
0x3a: {  	s17 =	sand.u32 $0x4000, s31;
	v3 =	vld.idx.msk [tilespmem:v1+s19+$0x10 ss:$0x1], $0xffff;
	[tilespmem:v0+s19+$0x0 ss:$0x1] =	vst.idx.msk $0xffff, v6  }
0x3b: {  	s20 =	simm.s32 $0x400;
	s18 =	simm.s32 $0x80;
	s17 =	sor.u32 $0x8000, s17;
	[tilespmem:v0+s19+$0xFFFFFF90 ss:$0x1] =	vst.idx.msk $0xffff, v8;
	v6 =	vld.idx.msk [tilespmem:v1+s19+$0x20 ss:$0x1], $0xffff  }
.LBB1_3:
0x3c: {  	p0 =	sne.s32 s20, $0xFE00;
	v8 =	vld.idx.msk [tilespmem:v1+s18+$0x30 ss:$0x1], $0xffff;
	[tilespmem:v0+s19+$0xFFFFFFA0 ss:$0x1] =	vst.idx.msk $0xffff, v7  }
0x3d: {  	v9 =	vld.idx.msk [tilespmem:v1+s18+$0xFFFFFFC0 ss:$0x1], $0xffff;
	[tilespmem:v0+s19+$0xFFFFFFB0 ss:$0x1] =	vst.idx.msk $0xffff, v5  }
0x3e: {  	v7 =	vld.idx.msk [tilespmem:v1+s18+$0xFFFFFFD0 ss:$0x1], $0xffff;
	[tilespmem:v0+s19+$0xFFFFFFC0 ss:$0x1] =	vst.idx.msk $0xffff, v4  }
.Ltmp3:
0x3f: {  	v5 =	vld.idx.msk [tilespmem:v1+s18+$0xFFFFFFE0 ss:$0x1], $0xffff;
	[tilespmem:v0+s19+$0xFFFFFFD0 ss:$0x1] =	vst.idx.msk $0xffff, v2;
	(pc) =	sbr.rel @p0 .LBB1_3-.Ltmp3, $4  }
0x40: {  	v4 =	vld.idx.msk [tilespmem:v1+s18+$0xFFFFFFF0 ss:$0x1], $0xffff;
	[tilespmem:v0+s19+$0xFFFFFFE0 ss:$0x1] =	vst.idx.msk $0xffff, v3  }
0x41: {  	v2 =	vld.idx.msk [tilespmem:v1+s18+$0x0 ss:$0x1], $0xffff;
	[tilespmem:v0+s19+$0xFFFFFFF0 ss:$0x1] =	vst.idx.msk $0xffff, v6;
	s19 =	smov.u32 s18  }
0x42: {  	v3 =	vld.idx.msk [tilespmem:v1+s19+$0x10 ss:$0x1], $0xffff;
	[tilespmem:v0+s19+$0x0 ss:$0x1] =	vst.idx.msk $0xffff, v8  }
0x43: {  	s18 =	sshra.s32 s20, $0x2;
	s20 =	sadd.s32 $0x200, s20;
	[tilespmem:v0+s19+$0xFFFFFF90 ss:$0x1] =	vst.idx.msk $0xffff, v9;
	v6 =	vld.idx.msk [tilespmem:v1+s19+$0x20 ss:$0x1], $0xffff  }
0x44: {  	_ =	sdelay $0x2  }
0x45: {  	s20 =	sshrl.u32 s16, $0x3  }
0x46: {  	[tilespmem:v0+s19+$0xFFFFFFA0 ss:$0x1] =	vst.idx.msk $0xffff, v7;
	s21 =	sshll.u32 s15, $0x3;
	s20 =	smul.u32 $0x13C00, s20  }
0x47: {  	v56 =	vld.idx.msk [tilespmem:v1+s18+$0x30 ss:$0x1], $0xffff;
	[tilespmem:v0+s19+$0xFFFFFFB0 ss:$0x1] =	vst.idx.msk $0xffff, v5;
	s27 =	sshll.u32 s16, $0x7;
	s21 =	sand.u32 $0xFFFFFC00, s21  }
0x48: {  	v57 =	vld.idx.msk [tilespmem:v1+s18+$0xFFFFFFC0 ss:$0x1], $0xffff;
	[tilespmem:v0+s19+$0xFFFFFFC0 ss:$0x1] =	vst.idx.msk $0xffff, v4;
	s16 =	sand.u32 $0x380, s27;
	s20 =	sadd.s32 s20, s21  }
0x49: {  	v58 =	vld.idx.msk [tilespmem:v1+s18+$0xFFFFFFD0 ss:$0x1], $0xffff;
	s28 =	sand.u32 $0x7F, s15;
	[tilespmem:v0+s19+$0xFFFFFFD0 ss:$0x1] =	vst.idx.msk $0xffff, v2;
	s16 =	sor.u32 s16, s20  }
0x4a: {  	v59 =	vld.idx.msk [tilespmem:v1+s18+$0xFFFFFFE0 ss:$0x1], $0xffff;
	[tilespmem:v0+s19+$0xFFFFFFE0 ss:$0x1] =	vst.idx.msk $0xffff, v3;
	s15 =	sor.u32 s28, s16;
	s16 =	smulhi.u32 $0xCF6474A9, s16  }
0x4b: {  	v60 =	vld.idx.msk [tilespmem:v1+s18+$0xFFFFFFF0 ss:$0x1], $0xffff;
	[tilespmem:v0+s19+$0xFFFFFFF0 ss:$0x1] =	vst.idx.msk $0xffff, v6;
	s29 =	smulhi.u32 $0xCF6474A9, s15  }
0x4c: {  	v61 =	vld.idx.msk [tilespmem:v1+s18+$0x0 ss:$0x1], $0xffff;
	[tilespmem:v0+s18+$0x0 ss:$0x1] =	vst.idx.msk $0xffff, v56  }
0x4d: {  	v62 =	vld.idx.msk [tilespmem:v1+s18+$0x10 ss:$0x1], $0xffff;
	s14 =	smul.u32 $0x4F00, s14;
	[tilespmem:v0+s18+$0xFFFFFF90 ss:$0x1] =	vst.idx.msk $0xffff, v57;
	s16 =	sshrl.u32 s16, $0xD;
	s19 =	sshrl.u32 s29, $0xD  }
0x4e: {  	v63 =	vld.idx.msk [tilespmem:v1+s18+$0x20 ss:$0x1], $0xffff;
	[tilespmem:v0+s18+$0xFFFFFFA0 ss:$0x1] =	vst.idx.msk $0xffff, v58;
	s16 =	sand.u32 $0xF, s16;
	s19 =	smul.u32 $0x2780, s19  }
0x4f: {  	[tilespmem:v0+s18+$0xFFFFFFB0 ss:$0x1] =	vst.idx.msk $0xffff, v59;
	s16 =	smul.u32 $0x4F0, s16  }
.Ltmp4:
0x50: {  	[tilespmem:v0+s18+$0xFFFFFFC0 ss:$0x1] =	vst.idx.msk $0xffff, v60;
	s15 =	ssub.s32 s15, s19;
	(pc) =	sbr.rel .LBB1_5-.Ltmp4, $4  }
0x51: {  	s14 =	sadd.s32 s5, s14;
	[tilespmem:v0+s18+$0xFFFFFFD0 ss:$0x1] =	vst.idx.msk $0xffff, v61;
	s19 =	sand.u32 $0x7, s15  }
0x52: {  	[tilespmem:v0+s18+$0xFFFFFFE0 ss:$0x1] =	vst.idx.msk $0xffff, v62;
	s14 =	sadd.s32 s16, s14;
	s15 =	sshrl.u32 s15, $0x3;
	s30 =	sshll.u32 s19, $0x12  }
0x53: {  	[tilespmem:v0+s18+$0xFFFFFFF0 ss:$0x1] =	vst.idx.msk $0xffff, v63;
	s14 =	sadd.s32 s15, s14;
	s31 =	sor.u32 $0x80, s30  }
0x54: {  	[hbm4b:s14+s31] =	stream.strided.scatter [tilespmem:s17], [sflag:$0x2], $0x4000, s8, s31, $0x38;
	[tilespmem:$0x10000] =	vst v63  }
.LBB1_6:
0x55: {  	_ =	sfence.sel $0x180000  }
0x56: {  	s2 =	simm.s32 $0x1;
	[bflag:$0x0] =	sbarrier.arrive $0xFFFF  }
0x57: {  	s31 =	simm.s32 $0x2;
	[sflag:s2] =	ssyncpa.u1 $0x1  }
0x58: {  	[sflag:s31] =	ssyncpa.u1 $0x1  }
0x59: {  	p0 =	sne.s32 s0, $0x0;
	_ =	strace $0x90000059  }
0x5a: {  	s0 =	sadd.s32 @!p0 $0x100000, s1;
	[bflag:$0x2] =	sbarrier.arrive $0xFFFF  }
0x5b: {  	[sflag:s0] =	ssyncadd.tile.s32 @!p0 $0x1;
	_ =	shalt  }
.Lfunc_end1:
_tile_overlayer_lowered:
.L_overlay_start_2:
0x5c: {  	(tag) =	ssettag $0x2  }
0x5d: {  	s0 =	rddreg [dreg:$0x0];
	s2 =	stileid.u32  }
0x5e: {  	s1 =	rddreg [dreg:$0x1];
	p0 =	sne.s32 s2, $0x0  }
0x5f: {  	s3 =	rddreg [dreg:$0x2];
	[bflag:$0x3] =	sbarrier.arrive $0xFFFF;
	s2 =	simm.s32 @!p0 $0x1C01  }
0x60: {  	[timem:s3], [sflag:s2] =	dma.local @!p0 [hbm:s0], s1  }
0x61: {  	s0 =	simm.s32 @!p0 $0x1  }
0x62: {  	_ =	swait.ge @!p0 [sflag:s0], s1  }
0x63: {  	s1 =	ssub.s32 @!p0 $0x0, s1;
	[sflag:s0] =	ssyncset.done @!p0 $0x0  }
0x64: {  	[sflag:s0] =	ssyncadd.s32 @!p0 s1  }
0x65: {  	[bflag:$0x3] =	sbarrier.arrive $0xFFFF  }
0x66: {  	_ =	shalt  }

// kernel: sparse-core-data-format-call.cloned.1.call-start
scs
called_computation_lowered:
.L_overlay_start_0:
0x0: {  	s2 =	sld [smem:$0x3FD9]  }
0x1: {  	s3 =	sld [smem:$0x3FFE];
	_ =	sdelay $0x1  }
0x2: {  	s1 =	srdreg.scid  }
0x3: {  	s0 =	sand.u32 $0x1, s1  }
0x4: {  	s18 =	sshll.u32 s0, $0xA;
	s2 =	sadd.s32 s3, s2  }
0x5: {  	s2 =	sadd.s32 s2, s18  }
0x6: {  	[smem:$0x3FB8] =	sst s2  }
0x7: {  	_ = 	snop  }
0x8: {  	s2 =	sld [smem:$0x3FD0];
	(tm) =	ssettm $0x1  }
0x9: {  	s19 =	sld [smem:$0x3FFB];
	_ =	sdelay $0x3  }
0xa: {  	_ =	strace s19  }
0xb: {  	s3 =	sld [smem:$0x3FFC];
	_ =	sdelay $0x3  }
0xc: {  	_ =	strace s3  }
0xd: {  	s3 =	sld [smem:$0x3FFD];
	_ =	sdelay $0x3  }
0xe: {  	_ =	strace s3  }
0xf: {  	_ =	strace $0x8FFFFFFF  }
0x10: {  	s20 =	sld [smem:$0x3FDB];
	_ =	sdelay $0x1  }
0x11: {  	s4 =	simm.s32 $_scs_section_size  }
0x12: {  	s5 =	simm.s32 $_size__tile_overlayer_lowered;
	s6 =	simm.s32 $_tile_overlayer_lowered  }
0x13: {  	s23 =	simm.s32 $0x1BFF;
	s22 =	sshll.u32 s6, $0x1;
	s3 =	sadd.s32 s4, s20  }
0x14: {  	s7 =	simm.s32 $0x0;
	s21 =	sshll.u32 s5, $0x1;
	s5 =	sadd.s32 s22, s3  }
0x15: {  	[timem:s7], [sflag:s23] =	dma.local [hbm:s5], s21  }
0x16: {  	_ =	swait.ge [sflag:s23], s21  }
0x17: {  	s4 =	ssub.s32 $0x0, s21;
	[sflag:s23] =	ssyncset.done $0x0  }
0x18: {  	[sflag:s23] =	ssyncadd.s32 s4;
	_ =	sdelay $0x1  }
0x19: {  	s24 =	simm.s32 $0x1B8B  }
0x1a: {  	_ =	swait.ge [sflag:s24], $0x1  }
0x1b: {  	[sflag:s24] =	ssyncset.done $0x0  }
0x1c: {  	s26 =	simm.s32 $0x1B8E;
	s25 =	sld [smem:$0x3FFE];
	[sflag:s24] =	ssyncadd.s32 $0xFFFFFFFF  }
0x1d: {  	s27 =	simm.s32 $execute0_lowered;
	[smem:$0x3FD2] =	sst s26  }
0x1e: {  	s5 =	sshll.u32 s27, $0x1;
	_ =	strace $0x8000005B;
	[dreg:$0x1] =	wrdreg $0xFFFFFFFF  }
0x1f: {  	s28 =	simm.s32 $_size_execute0_lowered;
	s3 =	sadd.s32 s3, s5;
	[dreg:$0x0] =	wrdreg $0x0  }
0x20: {  	s5 =	sshll.u32 s28, $0x1;
	[dreg:$0x2] =	wrdreg s3  }
0x21: {  	[dreg:$0x3] =	wrdreg s5  }
0x22: {  	[dreg:$0x4] =	wrdreg $0xC0  }
0x23: {  	_ =	task [dreg:s7], $0x5FFFF  }
0x24: {  	[dreg:$0x1] =	wrdreg $0xFFFFFFFF  }
0x25: {  	[dreg:$0x0] =	wrdreg $0x60  }
0x26: {  	[dreg:$0x2] =	wrdreg s25  }
0x27: {  	[dreg:$0x3] =	wrdreg s2  }
0x28: {  	[dreg:$0x4] =	wrdreg $0x9  }
0x29: {  	_ =	task.clear_ibuf [dreg:s7], $0x5FFFF;
	_ =	strace $0x9000005B  }
0x2a: {  	s29 =	simm.s32 $0x9;
	_ =	strace $0x8000005D  }
0x2b: {  	_ =	swait.ge [sflag:s29], $0x1  }
0x2c: {  	[sflag:s29] =	ssyncadd.s32 $0xFFFFFFFF  }
0x2d: {  	_ =	strace $0x9000005D  }
0x2e: {  	_ =	sfence  }
0x2f: {  	s30 =	sld [smem:$0x0];
	_ =	sdelay $0x2  }
0x30: {  	s31 =	sshll.u32 s1, $0xD;
	s1 =	sshrl.u32 s1, $0x2  }
0x31: {  	s3 =	sand.u32 $0x4000, s31;
	s1 =	sadd.s32 s1, s30  }
0x32: {  	s0 =	sor.u32 s3, s0;
	s1 =	sshll.u32 s1, $0x11  }
0x33: {  	s0 =	sor.u32 s1, s0  }
0x34: {  	s0 =	sadd.s32 $0x8F2B, s0  }
0x35: {  	[sflag:s0] =	ssyncadd.remote.s32 $0x1  }
0x36: {  	_ =	sfence.sel $0xFFFF  }
0x37: {  	[dreg:$0x0] =	wrdreg $0xFFFFFFFF;
	(pc) =	sbr.abs _section_cstart, $3  }
0x38: {  	[dreg:$0x1] =	wrdreg $0xFFFFFFFF  }
0x39: {  	_ =	task.clear_ibuf [dreg:s7], $0x2FFFF;
	_ =	strace $0x9FFFFFFF  }
0x3a: {  	(tm) =	ssettm $0x7FFFFFFF  }
0x3b: {  	_ =	shalt  }
tec
execute0_lowered:
.L_overlay_start_1:
0x0: {  	(tag) =	ssettag $0x1  }
0x1: {  	s5 =	rddreg [dreg:$0x0]  }
0x2: {  	s0 =	srdreg.scid;
	s3 =	rddreg [dreg:$0x1]  }
0x3: {  	s31 =	simm.s32 $0x2;
	s15 =	simm.s32 $0x0;
	s1 =	sshll.u32 s0, $0x4  }
0x4: {  	p0 =	por $0x0, $0x0;
	s0 =	stileid.u32;
	s1 =	sand.u32 $0x10, s1  }
0x5: {  	s8 =	simm.s32 $0x2400;
	s14 =	simm.s32 $0x0;
	s1 =	sor.u32 s0, s1  }
0x6: {  	s9 =	simm.s32 $0x0;
	s10 =	simm.s32 $0x0;
	s2 =	sshll.u32 s1, $0x7  }
.Ltmp0:
0x7: {  	s12 =	simm.s32 $0x0;
	s4 =	ssub.s32 $0x2700, s2;
	(pc) =	sbr.rel .LBB1_1-.Ltmp0, $4  }
0x8: {  	s13 =	simm.s32 $0x0;
	s1 =	rddreg [dreg:$0x2];
	s6 =	sshrl.u32 s4, $0xC  }
0x9: {  	_ =	strace $0x8000005C;
	s4 =	simm.s32 $0x1;
	s7 =	smul.u32 $0x9, s6  }
0xa: {  	s5 =	sadd.s32 $0x8C00, s5;
	s11 =	smov.u32 s2;
	[sflag:s4] =	ssyncpa.u1 $0x0  }
0xb: {  	[sflag:s31] =	ssyncpa.u1 $0x0;
	s6 =	sadd.s32 $0x9, s7;
	s7 =	sadd.s32 $0xA, s7  }
.LBB1_5:
0xc: {  	p1 =	slt.u32 s13, $0x2  }
0xd: {  	s17 =	smov.u32 s15;
	p2 =	sgt.s32 @!p1 s15, $0x2690;
	s16 =	sshra.s32 @!p1 s15, $0x1F  }
0xe: {  	p3 =	sgt.s32 @!p1 s14, $0x400;
	s18 =	sshra.s32 @!p1 s14, $0x1F;
	p2 =	por !p2, p1  }
0xf: {  	s15 =	sand.u32 @!p1 s16, s15;
	p3 =	por !p3, p1;
	s16 =	smov.u32 s14  }
0x10: {  	s14 =	sand.u32 @!p1 s18, s14;
	s17 =	simm.s32 @p2 $0x2690;
	s16 =	simm.s32 @p3 $0x400  }
0x11: {  	s15 =	ssub.s32 @!p1 s17, s15;
	s14 =	ssub.s32 @!p1 s16, s14  }
0x12: {  	s18 =	smov.u32 s12;
	s16 =	sadd.s32 @!p1 $0xFFFFD970, s15;
	s17 =	sadd.s32 @!p1 $0xFFFFFC00, s14  }
0x13: {  	s15 =	ssub.s32 @!p1 $0x2710, s15;
	p2 =	sgt.s32 @!p1 s16, $0x7F;
	p3 =	sgt.s32 @!p1 s17, $0x7F  }
0x14: {  	s14 =	ssub.s32 @!p1 $0x480, s14;
	p2 =	por !p2, p1;
	p3 =	por !p3, p1  }
0x15: {  	s16 =	sadd.s32 $0x1000, s11;
	s15 =	simm.s32 @!p2 $0x0;
	s14 =	simm.s32 @!p3 $0x0  }
0x16: {  	p2 =	sgt.s32 s16, $0x270F;
	s14 =	smul.u32 @!p1 s14, s15;
	s15 =	sadd.s32 $0x80, s12  }
0x17: {  	s18 =	smov.u32 @p2 s15  }
0x18: {  	s16 =	smov.u32 @p2 s2;
	p2 =	sgt.s32 s18, $0x47F  }
0x19: {  	s18 =	simm.s32 @p2 $0x0;
	p2 =	sne.s32 s13, s7  }
.Ltmp1:
0x1a: {  	p0 =	por !p0, !p0;
	s17 =	simm.s32 @!p1 $0x2;
	(pc) =	sbr.rel @!p2 .LBB1_6-.Ltmp1, $4  }
0x1b: {  	s15 =	smov.u32 s9;
	s9 =	smov.u32 s11;
	s14 =	sand.u32 @!p1 $0x3FFFFFFF, s14  }
0x1c: {  	s11 =	smov.u32 s16;
	_ =	swait.ge @!p1 [sflag:s17], s14;
	s19 =	ssub.s32 @!p1 $0x0, s14  }
0x1d: {  	s14 =	smov.u32 s10;
	s13 =	sadd.s32 $0x1, s13;
	[sflag:s17] =	ssyncset.done @!p1 $0x0  }
0x1e: {  	s10 =	smov.u32 s12;
	s12 =	smov.u32 s18;
	[sflag:s17] =	ssyncadd.s32 @!p1 s19  }
.LBB1_1:
0x1f: {  	p1 =	sge.u32 s13, s6  }
0x20: {  	s16 =	sshrl.u32 @!p1 s12, $0x3  }
0x21: {  	s17 =	sshll.u32 @!p1 s11, $0x3;
	s16 =	smul.u32 @!p1 $0x13C00, s16  }
0x22: {  	s18 =	sshll.u32 @!p1 s12, $0x7;
	s17 =	sand.u32 @!p1 $0xFFFFFC00, s17  }
0x23: {  	s16 =	sadd.s32 @!p1 s16, s17;
	s17 =	sand.u32 @!p1 $0x380, s18  }
0x24: {  	s18 =	sand.u32 @!p1 $0x7F, s11;
	s16 =	sor.u32 @!p1 s17, s16  }
0x25: {  	s17 =	sor.u32 @!p1 s18, s16;
	s16 =	smulhi.u32 @!p1 $0xCF6474A9, s16  }
0x26: {  	s18 =	smulhi.u32 @!p1 $0xCF6474A9, s17  }
0x27: {  	s16 =	sshrl.u32 @!p1 s16, $0xD  }
0x28: {  	s18 =	sshrl.u32 @!p1 s18, $0xD;
	s19 =	smulhi.u32 @!p1 $0x38E38F, s16  }
0x29: {  	s18 =	smul.u32 @!p1 $0x2780, s18  }
0x2a: {  	s19 =	smul.u32 @!p1 $0x480, s19  }
0x2b: {  	s20 =	sxor.u32 @!p1 $0xFFFFFFFF, s13  }
0x2c: {  	s17 =	ssub.s32 @!p1 s17, s18;
	s18 =	sshll.u32 @!p1 s20, $0xE;
	s16 =	ssub.s32 @!p1 s16, s19  }
0x2d: {  	s19 =	sshrl.u32 @!p1 s17, $0x3;
	s17 =	sand.u32 @!p1 $0x7, s17;
	s16 =	smul.u32 @!p1 $0x4F0, s16  }
0x2e: {  	s18 =	sand.u32 @!p1 $0x4000, s18;
	s19 =	sadd.s32 @!p1 s5, s19;
	s17 =	sshll.u32 @!p1 s17, $0x12  }
0x2f: {  	s17 =	sor.u32 @!p1 $0x400, s17;
	s16 =	sadd.s32 @!p1 s16, s19;
	s19 =	simm.s32 @!p1 $0x13C00  }
0x30: {  	[tilespmem:s18], [sflag:$0x1] =	stream.strided.gather @!p1 [hbm4b:s16+s17], $0x4000, s19, s17, $0x38;
	[tilespmem:$0x10100] =	vst v63  }
0x31: {  	p1 =	seq.s32 s13, $0x0  }
0x32: {  	p2 =	sge.u32 @!p1 s13, s7  }
0x33: {  	p1 =	por p1, p2  }
.Ltmp2:
0x34: {  	_ = 	snop;
	(pc) =	sbr.rel @p1 .LBB1_5-.Ltmp2, $1  }
0x35: {  	_ =	sdelay $0x3  }
0x36: {  	s16 =	simm.s32 $0x1  }
0x37: {  	_ =	swait.ge [sflag:s4], $0x4000;
	s16 =	simm.s32 @!p0 $0x0  }
0x38: {  	[sflag:s4] =	ssyncset.done $0x0;
	s17 =	sshll.u32 s16, $0xE  }
0x39: {  	[sflag:s4] =	ssyncadd.s32 $0xFFFFC000;
	s17 =	sor.u32 $0x40, s17  }
0x3a: {  	s16 =	smul.u32 $0x10200, s16;
	v0 =	vld [tilespmem:s17+$0x30]  }
0x3b: {  	v1 =	vld [tilespmem:s17+$0xFFFFFFD0]  }
0x3c: {  	s16 =	sshrl.u32 s16, $0x2;
	v5 =	vld [tilespmem:s17+$0xFFFFFFE0]  }
0x3d: {  	v6 =	vld [tilespmem:s17+$0xFFFFFFF0];
	s19 =	sor.u32 $0x8000, s16  }
0x3e: {  	s31 =	sand.u32 $0x1, s13;
	v4 =	vld [tilespmem:s17+$0x0];
	s18 =	sadd.s32 $0x0, s19  }
0x3f: {  	v3 =	vld [tilespmem:s17+$0x10];
	s16 =	smul.u32 $0x10200, s31;
	[tilespmem:s18+$0x3870 ss:$0x81] =	vst.msk $0xffff, v0  }
0x40: {  	v2 =	vld [tilespmem:s17+$0x20];
	[tilespmem:s18+$0x810 ss:$0x81] =	vst.msk $0xffff, v1  }
0x41: {  	s16 =	sshrl.u32 s16, $0x2;
	v0 =	vld [tilespmem:s17+$0xFFFFFFC0];
	[tilespmem:s18+$0x1020 ss:$0x81] =	vst.msk $0xffff, v5;
	s17 =	sadd.s32 $0x80, s17  }
0x42: {  	s20 =	simm.s32 $0x4;
	s21 =	simm.s32 $0x8;
	s16 =	sor.u32 $0x8000, s16;
	[tilespmem:s18+$0x1830 ss:$0x81] =	vst.msk $0xffff, v6;
	v1 =	vld [tilespmem:s17+$0x30]  }
.LBB1_3:
0x43: {  	p1 =	sne.s32 s21, $0x1FC;
	v5 =	vld [tilespmem:s17+$0xFFFFFFD0];
	[tilespmem:s18+$0x2040 ss:$0x81] =	vst.msk $0xffff, v4  }
0x44: {  	v6 =	vld [tilespmem:s17+$0xFFFFFFE0];
	[tilespmem:s18+$0x2850 ss:$0x81] =	vst.msk $0xffff, v3  }
0x45: {  	s22 =	sshra.s32 s20, $0x2;
	s20 =	smov.u32 s21;
	v7 =	vld [tilespmem:s17+$0xFFFFFFF0];
	[tilespmem:s18+$0x3060 ss:$0x81] =	vst.msk $0xffff, v2  }
.Ltmp3:
0x46: {  	v4 =	vld [tilespmem:s17+$0x0];
	[tilespmem:s18+$0x0 ss:$0x81] =	vst.msk $0xffff, v0;
	s18 =	sadd.s32 s22, s19;
	(pc) =	sbr.rel @p1 .LBB1_3-.Ltmp3, $4  }
0x47: {  	v3 =	vld [tilespmem:s17+$0x10];
	[tilespmem:s18+$0x3870 ss:$0x81] =	vst.msk $0xffff, v1  }
0x48: {  	[tilespmem:s18+$0x810 ss:$0x81] =	vst.msk $0xffff, v5;
	v2 =	vld [tilespmem:s17+$0x20]  }
0x49: {  	v0 =	vld [tilespmem:s17+$0xFFFFFFC0];
	[tilespmem:s18+$0x1020 ss:$0x81] =	vst.msk $0xffff, v6;
	s17 =	sadd.s32 $0x80, s17  }
0x4a: {  	s21 =	sadd.s32 $0x4, s21;
	v1 =	vld [tilespmem:s17+$0x30];
	[tilespmem:s18+$0x1830 ss:$0x81] =	vst.msk $0xffff, v7  }
0x4b: {  	s21 =	sshrl.u32 s9, $0x3  }
0x4c: {  	s22 =	sshll.u32 s10, $0x3;
	s23 =	sshll.u32 s9, $0x7;
	s20 =	sshra.s32 s20, $0x2  }
0x4d: {  	s29 =	sand.u32 $0x7F, s10;
	p1 =	sgt.s32 s9, $0x2690;
	s21 =	smul.u32 $0x2400, s21  }
0x4e: {  	s24 =	sshra.s32 s9, $0x1F;
	s25 =	sshra.s32 s10, $0x1F;
	s22 =	sand.u32 $0xFFFFFC00, s22  }
0x4f: {  	s28 =	sand.u32 $0x380, s23;
	s23 =	smov.u32 s9;
	s21 =	sadd.s32 s22, s21  }
0x50: {  	s24 =	sand.u32 s24, s9;
	s25 =	sand.u32 s25, s10;
	s21 =	sor.u32 s28, s21  }
0x51: {  	s23 =	simm.s32 @!p1 $0x2690;
	s30 =	sor.u32 s29, s21;
	s21 =	smulhi.u32 $0x38E38E39, s21  }
0x52: {  	v5 =	vld [tilespmem:s17+$0xFFFFFFD0];
	[tilespmem:s18+$0x2040 ss:$0x81] =	vst.msk $0xffff, v4;
	p1 =	sgt.s32 s10, $0x400;
	s23 =	ssub.s32 s23, s24;
	s24 =	smov.u32 s10  }
0x53: {  	v58 =	vld [tilespmem:s17+$0xFFFFFFE0];
	[tilespmem:s18+$0x2850 ss:$0x81] =	vst.msk $0xffff, v3;
	s24 =	simm.s32 @!p1 $0x400;
	s31 =	smulhi.u32 $0x38E38E39, s30;
	s21 =	sshrl.u32 s21, $0x8  }
0x54: {  	v59 =	vld [tilespmem:s17+$0xFFFFFFF0];
	[tilespmem:s18+$0x3060 ss:$0x81] =	vst.msk $0xffff, v2;
	s27 =	sadd.s32 $0xFFFFD970, s23;
	s24 =	ssub.s32 s24, s25;
	s26 =	smulhi.u32 $0x1A36E3, s21  }
0x55: {  	v60 =	vld [tilespmem:s17+$0x0];
	s19 =	sadd.s32 s20, s19;
	[tilespmem:s18+$0x0 ss:$0x81] =	vst.msk $0xffff, v0;
	p1 =	sgt.s32 s27, $0x7F;
	s28 =	sadd.s32 $0xFFFFFC00, s24  }
0x56: {  	v61 =	vld [tilespmem:s17+$0x10];
	[tilespmem:s19+$0x3870 ss:$0x81] =	vst.msk $0xffff, v1;
	p2 =	sgt.s32 s28, $0x7F;
	s22 =	sshrl.u32 s31, $0x8;
	s18 =	sshrl.u32 s26, $0x2  }
0x57: {  	v62 =	vld [tilespmem:s17+$0x20];
	[tilespmem:s19+$0x810 ss:$0x81] =	vst.msk $0xffff, v5;
	s29 =	smul.u32 $0x2710, s18;
	s18 =	ssub.s32 $0x2710, s23;
	s23 =	ssub.s32 $0x480, s24  }
0x58: {  	v63 =	vld [tilespmem:s17+$0xFFFFFFC0];
	[tilespmem:s19+$0x1020 ss:$0x81] =	vst.msk $0xffff, v58;
	s22 =	smul.u32 $0x480, s22;
	s18 =	simm.s32 @p1 $0x0;
	s23 =	simm.s32 @p2 $0x0  }
0x59: {  	[tilespmem:s19+$0x1830 ss:$0x81] =	vst.msk $0xffff, v59;
	s18 =	smul.u32 s23, s18  }
.Ltmp4:
0x5a: {  	[tilespmem:s19+$0x2040 ss:$0x81] =	vst.msk $0xffff, v60;
	s20 =	ssub.s32 s30, s22;
	s17 =	ssub.s32 s21, s29;
	(pc) =	sbr.rel .LBB1_5-.Ltmp4, $4  }
0x5b: {  	[tilespmem:s19+$0x2850 ss:$0x81] =	vst.msk $0xffff, v61;
	s30 =	sshrl.u32 s20, $0x3;
	s20 =	sand.u32 $0x7, s20;
	s17 =	smul.u32 $0x90, s17  }
0x5c: {  	[tilespmem:s19+$0x3060 ss:$0x81] =	vst.msk $0xffff, v62;
	s21 =	sadd.s32 s3, s30;
	s20 =	sshll.u32 s20, $0x12  }
0x5d: {  	[tilespmem:s19+$0x0 ss:$0x81] =	vst.msk $0xffff, v63;
	s31 =	sor.u32 $0x400, s20;
	s18 =	sand.u32 $0x3FFFFFFF, s18;
	s17 =	sadd.s32 s17, s21  }
0x5e: {  	[hbm4b:s17+s31] =	stream.strided.scatter [tilespmem:s16], [sflag:$0x2], s18, s8, s31, $0x20;
	[tilespmem:$0x10100] =	vst v63  }
.LBB1_6:
0x5f: {  	_ =	sfence.sel $0x180000  }
0x60: {  	s2 =	simm.s32 $0x1;
	[bflag:$0x0] =	sbarrier.arrive $0xFFFF  }
0x61: {  	s31 =	simm.s32 $0x2;
	[sflag:s2] =	ssyncpa.u1 $0x1  }
0x62: {  	[sflag:s31] =	ssyncpa.u1 $0x1  }
0x63: {  	p0 =	sne.s32 s0, $0x0;
	_ =	strace $0x9000005C  }
0x64: {  	s0 =	sadd.s32 @!p0 $0x100000, s1;
	[bflag:$0x2] =	sbarrier.arrive $0xFFFF  }
0x65: {  	[sflag:s0] =	ssyncadd.tile.s32 @!p0 $0x1;
	_ =	shalt  }
.Lfunc_end1:
_tile_overlayer_lowered:
.L_overlay_start_2:
0x66: {  	(tag) =	ssettag $0x2  }
0x67: {  	s0 =	rddreg [dreg:$0x0];
	s2 =	stileid.u32  }
0x68: {  	s1 =	rddreg [dreg:$0x1];
	p0 =	sne.s32 s2, $0x0  }
0x69: {  	s3 =	rddreg [dreg:$0x2];
	[bflag:$0x3] =	sbarrier.arrive $0xFFFF;
	s2 =	simm.s32 @!p0 $0x1C01  }
0x6a: {  	[timem:s3], [sflag:s2] =	dma.local @!p0 [hbm:s0], s1  }
0x6b: {  	s0 =	simm.s32 @!p0 $0x1  }
0x6c: {  	_ =	swait.ge @!p0 [sflag:s0], s1  }
0x6d: {  	s1 =	ssub.s32 @!p0 $0x0, s1;
	[sflag:s0] =	ssyncset.done @!p0 $0x0  }
0x6e: {  	[sflag:s0] =	ssyncadd.s32 @!p0 s1  }
0x6f: {  	[bflag:$0x3] =	sbarrier.arrive $0xFFFF  }
0x70: {  	_ =	shalt  }

</sc_bundles>
